<compile_context>
chip_gen: v7x
topology: tpu7x:2x2x1
jax: 0.10.2.dev20260603
libtpu: 0.0.44.dev20260713+nightly
codegen_flags: <defaults>
</compile_context>

<pallas_src>
import jax
import jax.numpy as jnp
from jax import lax
from jax.experimental import pallas as pl
from jax.experimental.pallas import tpu as pltpu
from jax.experimental.pallas import tpu_sc as plsc

TOKENS = 32768
EMB_DIM = 768
NUM_EXPERTS = 64
BM = 4096

NC = 2
NS = 16
NW = NC * NS
L = 16
ROWS_PER_W = TOKENS // NW
CHUNK = 256


def _matmul_kernel(h_ref, w_ref, b_ref, g_ref):
    g = lax.dot_general(
        h_ref[...], w_ref[...],
        dimension_numbers=(((1,), (1,)), ((), ())),
        preferred_element_type=jnp.float32,
    )
    g_ref[...] = g + b_ref[...]


def _tc_logits(h, W, b2):
    grid = (TOKENS // BM,)
    return pl.pallas_call(
        _matmul_kernel,
        grid=grid,
        in_specs=[
            pl.BlockSpec((BM, EMB_DIM), lambda i: (i, 0)),
            pl.BlockSpec((NUM_EXPERTS, EMB_DIM), lambda i: (0, 0)),
            pl.BlockSpec((1, NUM_EXPERTS), lambda i: (0, 0)),
        ],
        out_specs=pl.BlockSpec((BM, NUM_EXPERTS), lambda i: (i, 0)),
        out_shape=jax.ShapeDtypeStruct((TOKENS, NUM_EXPERTS), jnp.float32),
    )(h, W, b2)


def _sc_gate_body(g_hbm, out_hbm, g_v, o_v):
    wid = lax.axis_index("s") * NC + lax.axis_index("c")
    lane64 = lax.iota(jnp.int32, L) * NUM_EXPERTS
    for c in range(ROWS_PER_W // CHUNK):
        elem0 = (wid * ROWS_PER_W + c * CHUNK) * NUM_EXPERTS
        pltpu.sync_copy(g_hbm.at[pl.ds(elem0, CHUNK * NUM_EXPERTS)], g_v)
        for grp in range(CHUNK // L):
            base = lane64 + grp * L * NUM_EXPERTS

            def pass1(j, carry):
                m1, m2 = carry
                v = plsc.load_gather(g_v, [base + j])
                gt = v > m1
                m2 = jnp.where(gt, m1, jnp.maximum(m2, v))
                m1 = jnp.maximum(m1, v)
                return m1, m2

            neg = jnp.full((L,), -jnp.inf, jnp.float32)
            m1, m2 = lax.fori_loop(0, NUM_EXPERTS, pass1, (neg, neg))
            p1 = 1.0 / (1.0 + jnp.exp(m2 - m1))
            p2 = 1.0 - p1
            zero = jnp.zeros((L,), jnp.float32)

            def pass2(j, carry):
                v = plsc.load_gather(g_v, [base + j])
                o = jnp.where(v == m1, p1, jnp.where(v == m2, p2, zero))
                plsc.store_scatter(o_v, [base + j], o)
                return carry

            lax.fori_loop(0, NUM_EXPERTS, pass2, 0)
        pltpu.sync_copy(o_v, out_hbm.at[pl.ds(elem0, CHUNK * NUM_EXPERTS)])


def _sc_gate(g_flat):
    mesh = plsc.VectorSubcoreMesh(core_axis_name="c", subcore_axis_name="s")
    return pl.kernel(
        _sc_gate_body,
        out_type=jax.ShapeDtypeStruct((TOKENS * NUM_EXPERTS,), jnp.float32),
        mesh=mesh,
        scratch_types=[
            pltpu.VMEM((CHUNK * NUM_EXPERTS,), jnp.float32),
            pltpu.VMEM((CHUNK * NUM_EXPERTS,), jnp.float32),
        ],
        compiler_params=pltpu.CompilerParams(needs_layout_passes=False),
    )(g_flat)


@jax.jit
def kernel(h, W, b):
    b2 = b.reshape(1, NUM_EXPERTS)
    g = _tc_logits(h, W, b2)
    out = _sc_gate(g.reshape(TOKENS * NUM_EXPERTS))
    return out.reshape(TOKENS, NUM_EXPERTS)

# --- scband reference (transcript-rebuilt; emitter-appended) ---
"""Pipeline reference for scband-feature-only-gate-59313498358189 (READ-ONLY COPY).

The authoritative reference and input builder live on the scoring server;
editing this copy changes nothing except your own understanding.
"""

import jax, jax.numpy as jnp
import numpy as np

TOKENS = 32768
EMB_DIM = 768
NUM_EXPERTS = 64
TOP_K = 2


def setup_inputs(seed: int = 0) -> dict:
    key = jax.random.key(seed)
    k1, k2, k3 = jax.random.split(key, 3)
    h = jax.random.normal(k1, (TOKENS, EMB_DIM), dtype=jnp.float32)
    # nn.Linear(emb_dim, num_experts): weight [num_experts, emb_dim], bias [num_experts]
    bound = 1.0 / np.sqrt(EMB_DIM)
    W = jax.random.uniform(k2, (NUM_EXPERTS, EMB_DIM), dtype=jnp.float32, minval=-bound, maxval=bound)
    b = jax.random.uniform(k3, (NUM_EXPERTS,), dtype=jnp.float32, minval=-bound, maxval=bound)
    return {"h": h, "W": W, "b": b}


def reference(h, W, b):
    g = h @ W.T + b
    w = jax.nn.softmax(g, axis=-1)
    E = w.shape[-1]
    k = TOP_K
    if k is not None and k > 0 and (k < E):
        _, idx = jax.lax.top_k(w, k)
        rows = jnp.arange(w.shape[0])[:, None]
        mask = jnp.zeros_like(w).at[rows, idx].set(1.0)
        wm = w * mask
        denom = jnp.clip(wm.sum(axis=-1, keepdims=True), 1e-09, None)
        w = wm / denom
    return w

if __name__ == "__main__":
    import jax
    _d = setup_inputs()
    print(jax.jit(kernel)(*tuple(_d.values())))

</pallas_src>

<mosaic_0001>
#map = affine_map<(d0, d1) -> (0)>
module attributes {stable_mosaic.version = 14 : i64} {
  func.func @_sc_gate_body(%arg0: i32, %arg1: i32, %arg2: memref<2097152xf32, #tpu.memory_space<hbm>>, %arg3: memref<2097152xf32, #tpu.memory_space<hbm>>, %arg4: memref<16384xf32, #tpu.memory_space<vmem>>, %arg5: memref<16384xf32, #tpu.memory_space<vmem>>) attributes {dimension_semantics = [#tpu.dimension_semantics<core_parallel>, #tpu.dimension_semantics<subcore_parallel>], iteration_bounds = array<i64: 2, 16>, scalar_prefetch = 0 : i64, scratch_operands = 2 : i64, tpu.core_type = #tpu.core_type<sc_vector_subcore>, window_params = [{transform_indices = #map}, {transform_indices = #map}]} {
    %mul3A = arith.constant 2 : i32
    %mul3A_0 = arith.muli %arg1, %mul3A : i32
    %add3A = arith.addi %mul3A_0, %arg0 : i32
    %iota3A = tpu.iota {dimensions = array<i32: 0>} : vector<16xi32>
    %mul3A_1 = arith.constant 64 : i32
    %mul3A_2 = vector.broadcast %mul3A_1 : i32 to vector<16xi32>
    %mul3A_3 = arith.muli %iota3A, %mul3A_2 : vector<16xi32>
    %mul3A_4 = arith.constant 1024 : i32
    %mul3A_5 = arith.muli %add3A, %mul3A_4 : i32
    %add3A_6 = arith.constant 0 : i32
    %add3A_7 = arith.addi %mul3A_5, %add3A_6 : i32
    %mul3A_8 = arith.constant 64 : i32
    %mul3A_9 = arith.muli %add3A_7, %mul3A_8 : i32
    "tpu.region"() ({
      %run_scoped3A = tpu.sem_alloc : memref<!tpu.dma_semaphore, #tpu.memory_space<semaphore_mem>>
      %dma_start3A = tpu.memref_slice %arg2[%mul3A_9] : memref<2097152xf32, #tpu.memory_space<hbm>> -> memref<16384xf32, #tpu.memory_space<hbm>>
      %dma_start3A_1943 = tpu.memref_slice %arg2[%mul3A_9] : memref<2097152xf32, #tpu.memory_space<hbm>> -> memref<16384xf32, #tpu.memory_space<hbm>>
      tpu.enqueue_dma source(%dma_start3A_1943 : memref<16384xf32, #tpu.memory_space<hbm>>) target(%arg4 : memref<16384xf32, #tpu.memory_space<vmem>>) target_semaphore(%run_scoped3A : memref<!tpu.dma_semaphore, #tpu.memory_space<semaphore_mem>>)
      %dma_wait3A = tpu.memref_slice %arg2[%mul3A_9] : memref<2097152xf32, #tpu.memory_space<hbm>> -> memref<16384xf32, #tpu.memory_space<hbm>>
      %dma_wait3A_1944 = tpu.memref_slice %arg2[%mul3A_9] : memref<2097152xf32, #tpu.memory_space<hbm>> -> memref<16384xf32, #tpu.memory_space<hbm>>
      tpu.wait_dma2 semaphore(%run_scoped3A : memref<!tpu.dma_semaphore, #tpu.memory_space<semaphore_mem>>) src(%dma_wait3A_1944 : memref<16384xf32, #tpu.memory_space<hbm>>) dst(%arg4 : memref<16384xf32, #tpu.memory_space<vmem>>)
      tpu.yield
    }) : () -> ()
    %add3A_10 = arith.constant 0 : i32
    %add3A_11 = vector.broadcast %add3A_10 : i32 to vector<16xi32>
    %add3A_12 = arith.addi %mul3A_3, %add3A_11 : vector<16xi32>
    %broadcast_in_dim3A = arith.constant 0xFF800000 : f32
    %broadcast_in_dim3A_13 = vector.broadcast %broadcast_in_dim3A : f32 to vector<16xf32>
    %scan3A = arith.constant 0 : i32
    %scan3A_14 = arith.constant 64 : i32
    %scan3A_15 = arith.addi %scan3A, %scan3A_14 : i32
    %scan3A_16 = arith.constant 1 : i32
    %scan3A_17:2 = scf.for %scan3A_1943 = %scan3A to %scan3A_15 step %scan3A_16 iter_args(%scan3A_1944 = %broadcast_in_dim3A_13, %scan3A_1945 = %broadcast_in_dim3A_13) -> (vector<16xf32>, vector<16xf32>)  : i32 {
      %add3A_1946 = vector.broadcast %scan3A_1943 : i32 to vector<16xi32>
      %add3A_1947 = arith.addi %add3A_12, %add3A_1946 : vector<16xi32>
      %gather3A = tpu.vector_load_idx %arg4[%add3A_1947] : memref<16384xf32, #tpu.memory_space<vmem>>[vector<16xi32>], vector<16xf32>,
      %gt3A = arith.cmpf ogt, %gather3A, %scan3A_1944 : vector<16xf32>
      %max3A = arith.maximumf %scan3A_1945, %gather3A : vector<16xf32>
      %select_n3A = arith.select %gt3A, %scan3A_1944, %max3A : vector<16xi1>, vector<16xf32>
      %max3A_1948 = arith.maximumf %scan3A_1944, %gather3A : vector<16xf32>
      scf.yield %max3A_1948, %select_n3A : vector<16xf32>, vector<16xf32>
    }
    %scan3A_18 = arith.constant 64 : i32
    %sub3A = arith.subf %scan3A_17#1, %scan3A_17#0 : vector<16xf32>
    %exp3A = math.exp %sub3A : vector<16xf32>
    %add3A_19 = arith.constant 1.000000e+00 : f32
    %add3A_20 = vector.broadcast %add3A_19 : f32 to vector<16xf32>
    %add3A_21 = arith.addf %add3A_20, %exp3A : vector<16xf32>
    %div3A = arith.constant 1.000000e+00 : f32
    %div3A_22 = vector.broadcast %div3A : f32 to vector<16xf32>
    %div3A_23 = arith.divf %div3A_22, %add3A_21 : vector<16xf32>
    %sub3A_24 = arith.constant 1.000000e+00 : f32
    %sub3A_25 = vector.broadcast %sub3A_24 : f32 to vector<16xf32>
    %sub3A_26 = arith.subf %sub3A_25, %div3A_23 : vector<16xf32>
    %broadcast_in_dim3A_27 = arith.constant 0.000000e+00 : f32
    %broadcast_in_dim3A_28 = vector.broadcast %broadcast_in_dim3A_27 : f32 to vector<16xf32>
    %scan3A_29 = arith.constant 0 : i32
    %scan3A_30 = arith.constant 0 : i32
    %scan3A_31 = arith.constant 64 : i32
    %scan3A_32 = arith.addi %scan3A_30, %scan3A_31 : i32
    %scan3A_33 = arith.constant 1 : i32
    scf.for %scan3A_1943 = %scan3A_30 to %scan3A_32 step %scan3A_33  : i32 {
      %add3A_1944 = vector.broadcast %scan3A_1943 : i32 to vector<16xi32>
      %add3A_1945 = arith.addi %add3A_12, %add3A_1944 : vector<16xi32>
      %gather3A = tpu.vector_load_idx %arg4[%add3A_1945] : memref<16384xf32, #tpu.memory_space<vmem>>[vector<16xi32>], vector<16xf32>,
      %eq3A = arith.cmpf oeq, %gather3A, %scan3A_17#0 : vector<16xf32>
      %eq3A_1946 = arith.cmpf oeq, %gather3A, %scan3A_17#1 : vector<16xf32>
      %select_n3A = arith.select %eq3A_1946, %sub3A_26, %broadcast_in_dim3A_28 : vector<16xi1>, vector<16xf32>
      %select_n3A_1947 = arith.select %eq3A, %div3A_23, %select_n3A : vector<16xi1>, vector<16xf32>
      %add3A_1948 = vector.broadcast %scan3A_1943 : i32 to vector<16xi32>
      %add3A_1949 = arith.addi %add3A_12, %add3A_1948 : vector<16xi32>
      tpu.vector_store_idx %arg5[%add3A_1949], %select_n3A_1947 : memref<16384xf32, #tpu.memory_space<vmem>>[vector<16xi32>], vector<16xf32>,
    }
    %scan3A_34 = arith.constant 64 : i32
    %add3A_35 = arith.constant 1024 : i32
    %add3A_36 = vector.broadcast %add3A_35 : i32 to vector<16xi32>
    %add3A_37 = arith.addi %mul3A_3, %add3A_36 : vector<16xi32>
    %broadcast_in_dim3A_38 = arith.constant 0xFF800000 : f32
    %broadcast_in_dim3A_39 = vector.broadcast %broadcast_in_dim3A_38 : f32 to vector<16xf32>
    %scan3A_40 = arith.constant 0 : i32
    %scan3A_41 = arith.constant 64 : i32
    %scan3A_42 = arith.addi %scan3A_40, %scan3A_41 : i32
    %scan3A_43 = arith.constant 1 : i32
    %scan3A_44:2 = scf.for %scan3A_1943 = %scan3A_40 to %scan3A_42 step %scan3A_43 iter_args(%scan3A_1944 = %broadcast_in_dim3A_39, %scan3A_1945 = %broadcast_in_dim3A_39) -> (vector<16xf32>, vector<16xf32>)  : i32 {
      %add3A_1946 = vector.broadcast %scan3A_1943 : i32 to vector<16xi32>
      %add3A_1947 = arith.addi %add3A_37, %add3A_1946 : vector<16xi32>
      %gather3A = tpu.vector_load_idx %arg4[%add3A_1947] : memref<16384xf32, #tpu.memory_space<vmem>>[vector<16xi32>], vector<16xf32>,
      %gt3A = arith.cmpf ogt, %gather3A, %scan3A_1944 : vector<16xf32>
      %max3A = arith.maximumf %scan3A_1945, %gather3A : vector<16xf32>
      %select_n3A = arith.select %gt3A, %scan3A_1944, %max3A : vector<16xi1>, vector<16xf32>
      %max3A_1948 = arith.maximumf %scan3A_1944, %gather3A : vector<16xf32>
      scf.yield %max3A_1948, %select_n3A : vector<16xf32>, vector<16xf32>
    }
    %scan3A_45 = arith.constant 64 : i32
    %sub3A_46 = arith.subf %scan3A_44#1, %scan3A_44#0 : vector<16xf32>
    %exp3A_47 = math.exp %sub3A_46 : vector<16xf32>
    %add3A_48 = arith.constant 1.000000e+00 : f32
    %add3A_49 = vector.broadcast %add3A_48 : f32 to vector<16xf32>
    %add3A_50 = arith.addf %add3A_49, %exp3A_47 : vector<16xf32>
    %div3A_51 = arith.constant 1.000000e+00 : f32
    %div3A_52 = vector.broadcast %div3A_51 : f32 to vector<16xf32>
    %div3A_53 = arith.divf %div3A_52, %add3A_50 : vector<16xf32>
    %sub3A_54 = arith.constant 1.000000e+00 : f32
    %sub3A_55 = vector.broadcast %sub3A_54 : f32 to vector<16xf32>
    %sub3A_56 = arith.subf %sub3A_55, %div3A_53 : vector<16xf32>
    %broadcast_in_dim3A_57 = arith.constant 0.000000e+00 : f32
    %broadcast_in_dim3A_58 = vector.broadcast %broadcast_in_dim3A_57 : f32 to vector<16xf32>
    %scan3A_59 = arith.constant 0 : i32
    %scan3A_60 = arith.constant 0 : i32
    %scan3A_61 = arith.constant 64 : i32
    %scan3A_62 = arith.addi %scan3A_60, %scan3A_61 : i32
    %scan3A_63 = arith.constant 1 : i32
    scf.for %scan3A_1943 = %scan3A_60 to %scan3A_62 step %scan3A_63  : i32 {
      %add3A_1944 = vector.broadcast %scan3A_1943 : i32 to vector<16xi32>
      %add3A_1945 = arith.addi %add3A_37, %add3A_1944 : vector<16xi32>
      %gather3A = tpu.vector_load_idx %arg4[%add3A_1945] : memref<16384xf32, #tpu.memory_space<vmem>>[vector<16xi32>], vector<16xf32>,
      %eq3A = arith.cmpf oeq, %gather3A, %scan3A_44#0 : vector<16xf32>
      %eq3A_1946 = arith.cmpf oeq, %gather3A, %scan3A_44#1 : vector<16xf32>
      %select_n3A = arith.select %eq3A_1946, %sub3A_56, %broadcast_in_dim3A_58 : vector<16xi1>, vector<16xf32>
      %select_n3A_1947 = arith.select %eq3A, %div3A_53, %select_n3A : vector<16xi1>, vector<16xf32>
      %add3A_1948 = vector.broadcast %scan3A_1943 : i32 to vector<16xi32>
      %add3A_1949 = arith.addi %add3A_37, %add3A_1948 : vector<16xi32>
      tpu.vector_store_idx %arg5[%add3A_1949], %select_n3A_1947 : memref<16384xf32, #tpu.memory_space<vmem>>[vector<16xi32>], vector<16xf32>,
    }
    %scan3A_64 = arith.constant 64 : i32
    %add3A_65 = arith.constant 2048 : i32
    %add3A_66 = vector.broadcast %add3A_65 : i32 to vector<16xi32>
    %add3A_67 = arith.addi %mul3A_3, %add3A_66 : vector<16xi32>
    %broadcast_in_dim3A_68 = arith.constant 0xFF800000 : f32
    %broadcast_in_dim3A_69 = vector.broadcast %broadcast_in_dim3A_68 : f32 to vector<16xf32>
    %scan3A_70 = arith.constant 0 : i32
    %scan3A_71 = arith.constant 64 : i32
    %scan3A_72 = arith.addi %scan3A_70, %scan3A_71 : i32
    %scan3A_73 = arith.constant 1 : i32
    %scan3A_74:2 = scf.for %scan3A_1943 = %scan3A_70 to %scan3A_72 step %scan3A_73 iter_args(%scan3A_1944 = %broadcast_in_dim3A_69, %scan3A_1945 = %broadcast_in_dim3A_69) -> (vector<16xf32>, vector<16xf32>)  : i32 {
      %add3A_1946 = vector.broadcast %scan3A_1943 : i32 to vector<16xi32>
      %add3A_1947 = arith.addi %add3A_67, %add3A_1946 : vector<16xi32>
      %gather3A = tpu.vector_load_idx %arg4[%add3A_1947] : memref<16384xf32, #tpu.memory_space<vmem>>[vector<16xi32>], vector<16xf32>,
      %gt3A = arith.cmpf ogt, %gather3A, %scan3A_1944 : vector<16xf32>
      %max3A = arith.maximumf %scan3A_1945, %gather3A : vector<16xf32>
      %select_n3A = arith.select %gt3A, %scan3A_1944, %max3A : vector<16xi1>, vector<16xf32>
      %max3A_1948 = arith.maximumf %scan3A_1944, %gather3A : vector<16xf32>
      scf.yield %max3A_1948, %select_n3A : vector<16xf32>, vector<16xf32>
    }
    %scan3A_75 = arith.constant 64 : i32
    %sub3A_76 = arith.subf %scan3A_74#1, %scan3A_74#0 : vector<16xf32>
    %exp3A_77 = math.exp %sub3A_76 : vector<16xf32>
    %add3A_78 = arith.constant 1.000000e+00 : f32
    %add3A_79 = vector.broadcast %add3A_78 : f32 to vector<16xf32>
    %add3A_80 = arith.addf %add3A_79, %exp3A_77 : vector<16xf32>
    %div3A_81 = arith.constant 1.000000e+00 : f32
    %div3A_82 = vector.broadcast %div3A_81 : f32 to vector<16xf32>
    %div3A_83 = arith.divf %div3A_82, %add3A_80 : vector<16xf32>
    %sub3A_84 = arith.constant 1.000000e+00 : f32
    %sub3A_85 = vector.broadcast %sub3A_84 : f32 to vector<16xf32>
    %sub3A_86 = arith.subf %sub3A_85, %div3A_83 : vector<16xf32>
    %broadcast_in_dim3A_87 = arith.constant 0.000000e+00 : f32
    %broadcast_in_dim3A_88 = vector.broadcast %broadcast_in_dim3A_87 : f32 to vector<16xf32>
    %scan3A_89 = arith.constant 0 : i32
    %scan3A_90 = arith.constant 0 : i32
    %scan3A_91 = arith.constant 64 : i32
    %scan3A_92 = arith.addi %scan3A_90, %scan3A_91 : i32
    %scan3A_93 = arith.constant 1 : i32
    scf.for %scan3A_1943 = %scan3A_90 to %scan3A_92 step %scan3A_93  : i32 {
      %add3A_1944 = vector.broadcast %scan3A_1943 : i32 to vector<16xi32>
      %add3A_1945 = arith.addi %add3A_67, %add3A_1944 : vector<16xi32>
      %gather3A = tpu.vector_load_idx %arg4[%add3A_1945] : memref<16384xf32, #tpu.memory_space<vmem>>[vector<16xi32>], vector<16xf32>,
      %eq3A = arith.cmpf oeq, %gather3A, %scan3A_74#0 : vector<16xf32>
      %eq3A_1946 = arith.cmpf oeq, %gather3A, %scan3A_74#1 : vector<16xf32>
      %select_n3A = arith.select %eq3A_1946, %sub3A_86, %broadcast_in_dim3A_88 : vector<16xi1>, vector<16xf32>
      %select_n3A_1947 = arith.select %eq3A, %div3A_83, %select_n3A : vector<16xi1>, vector<16xf32>
      %add3A_1948 = vector.broadcast %scan3A_1943 : i32 to vector<16xi32>
      %add3A_1949 = arith.addi %add3A_67, %add3A_1948 : vector<16xi32>
      tpu.vector_store_idx %arg5[%add3A_1949], %select_n3A_1947 : memref<16384xf32, #tpu.memory_space<vmem>>[vector<16xi32>], vector<16xf32>,
    }
    %scan3A_94 = arith.constant 64 : i32
    %add3A_95 = arith.constant 3072 : i32
    %add3A_96 = vector.broadcast %add3A_95 : i32 to vector<16xi32>
    %add3A_97 = arith.addi %mul3A_3, %add3A_96 : vector<16xi32>
    %broadcast_in_dim3A_98 = arith.constant 0xFF800000 : f32
    %broadcast_in_dim3A_99 = vector.broadcast %broadcast_in_dim3A_98 : f32 to vector<16xf32>
    %scan3A_100 = arith.constant 0 : i32
    %scan3A_101 = arith.constant 64 : i32
    %scan3A_102 = arith.addi %scan3A_100, %scan3A_101 : i32
    %scan3A_103 = arith.constant 1 : i32
    %scan3A_104:2 = scf.for %scan3A_1943 = %scan3A_100 to %scan3A_102 step %scan3A_103 iter_args(%scan3A_1944 = %broadcast_in_dim3A_99, %scan3A_1945 = %broadcast_in_dim3A_99) -> (vector<16xf32>, vector<16xf32>)  : i32 {
      %add3A_1946 = vector.broadcast %scan3A_1943 : i32 to vector<16xi32>
      %add3A_1947 = arith.addi %add3A_97, %add3A_1946 : vector<16xi32>
      %gather3A = tpu.vector_load_idx %arg4[%add3A_1947] : memref<16384xf32, #tpu.memory_space<vmem>>[vector<16xi32>], vector<16xf32>,
      %gt3A = arith.cmpf ogt, %gather3A, %scan3A_1944 : vector<16xf32>
      %max3A = arith.maximumf %scan3A_1945, %gather3A : vector<16xf32>
      %select_n3A = arith.select %gt3A, %scan3A_1944, %max3A : vector<16xi1>, vector<16xf32>
      %max3A_1948 = arith.maximumf %scan3A_1944, %gather3A : vector<16xf32>
      scf.yield %max3A_1948, %select_n3A : vector<16xf32>, vector<16xf32>
    }
    %scan3A_105 = arith.constant 64 : i32
    %sub3A_106 = arith.subf %scan3A_104#1, %scan3A_104#0 : vector<16xf32>
    %exp3A_107 = math.exp %sub3A_106 : vector<16xf32>
    %add3A_108 = arith.constant 1.000000e+00 : f32
    %add3A_109 = vector.broadcast %add3A_108 : f32 to vector<16xf32>
    %add3A_110 = arith.addf %add3A_109, %exp3A_107 : vector<16xf32>
    %div3A_111 = arith.constant 1.000000e+00 : f32
    %div3A_112 = vector.broadcast %div3A_111 : f32 to vector<16xf32>
    %div3A_113 = arith.divf %div3A_112, %add3A_110 : vector<16xf32>
    %sub3A_114 = arith.constant 1.000000e+00 : f32
    %sub3A_115 = vector.broadcast %sub3A_114 : f32 to vector<16xf32>
    %sub3A_116 = arith.subf %sub3A_115, %div3A_113 : vector<16xf32>
    %broadcast_in_dim3A_117 = arith.constant 0.000000e+00 : f32
    %broadcast_in_dim3A_118 = vector.broadcast %broadcast_in_dim3A_117 : f32 to vector<16xf32>
    %scan3A_119 = arith.constant 0 : i32
    %scan3A_120 = arith.constant 0 : i32
    %scan3A_121 = arith.constant 64 : i32
    %scan3A_122 = arith.addi %scan3A_120, %scan3A_121 : i32
    %scan3A_123 = arith.constant 1 : i32
    scf.for %scan3A_1943 = %scan3A_120 to %scan3A_122 step %scan3A_123  : i32 {
      %add3A_1944 = vector.broadcast %scan3A_1943 : i32 to vector<16xi32>
      %add3A_1945 = arith.addi %add3A_97, %add3A_1944 : vector<16xi32>
      %gather3A = tpu.vector_load_idx %arg4[%add3A_1945] : memref<16384xf32, #tpu.memory_space<vmem>>[vector<16xi32>], vector<16xf32>,
      %eq3A = arith.cmpf oeq, %gather3A, %scan3A_104#0 : vector<16xf32>
      %eq3A_1946 = arith.cmpf oeq, %gather3A, %scan3A_104#1 : vector<16xf32>
      %select_n3A = arith.select %eq3A_1946, %sub3A_116, %broadcast_in_dim3A_118 : vector<16xi1>, vector<16xf32>
      %select_n3A_1947 = arith.select %eq3A, %div3A_113, %select_n3A : vector<16xi1>, vector<16xf32>
      %add3A_1948 = vector.broadcast %scan3A_1943 : i32 to vector<16xi32>
      %add3A_1949 = arith.addi %add3A_97, %add3A_1948 : vector<16xi32>
      tpu.vector_store_idx %arg5[%add3A_1949], %select_n3A_1947 : memref<16384xf32, #tpu.memory_space<vmem>>[vector<16xi32>], vector<16xf32>,
    }
    %scan3A_124 = arith.constant 64 : i32
    %add3A_125 = arith.constant 4096 : i32
    %add3A_126 = vector.broadcast %add3A_125 : i32 to vector<16xi32>
    %add3A_127 = arith.addi %mul3A_3, %add3A_126 : vector<16xi32>
    %broadcast_in_dim3A_128 = arith.constant 0xFF800000 : f32
    %broadcast_in_dim3A_129 = vector.broadcast %broadcast_in_dim3A_128 : f32 to vector<16xf32>
    %scan3A_130 = arith.constant 0 : i32
    %scan3A_131 = arith.constant 64 : i32
    %scan3A_132 = arith.addi %scan3A_130, %scan3A_131 : i32
    %scan3A_133 = arith.constant 1 : i32
    %scan3A_134:2 = scf.for %scan3A_1943 = %scan3A_130 to %scan3A_132 step %scan3A_133 iter_args(%scan3A_1944 = %broadcast_in_dim3A_129, %scan3A_1945 = %broadcast_in_dim3A_129) -> (vector<16xf32>, vector<16xf32>)  : i32 {
      %add3A_1946 = vector.broadcast %scan3A_1943 : i32 to vector<16xi32>
      %add3A_1947 = arith.addi %add3A_127, %add3A_1946 : vector<16xi32>
      %gather3A = tpu.vector_load_idx %arg4[%add3A_1947] : memref<16384xf32, #tpu.memory_space<vmem>>[vector<16xi32>], vector<16xf32>,
      %gt3A = arith.cmpf ogt, %gather3A, %scan3A_1944 : vector<16xf32>
      %max3A = arith.maximumf %scan3A_1945, %gather3A : vector<16xf32>
      %select_n3A = arith.select %gt3A, %scan3A_1944, %max3A : vector<16xi1>, vector<16xf32>
      %max3A_1948 = arith.maximumf %scan3A_1944, %gather3A : vector<16xf32>
      scf.yield %max3A_1948, %select_n3A : vector<16xf32>, vector<16xf32>
    }
    %scan3A_135 = arith.constant 64 : i32
    %sub3A_136 = arith.subf %scan3A_134#1, %scan3A_134#0 : vector<16xf32>
    %exp3A_137 = math.exp %sub3A_136 : vector<16xf32>
    %add3A_138 = arith.constant 1.000000e+00 : f32
    %add3A_139 = vector.broadcast %add3A_138 : f32 to vector<16xf32>
    %add3A_140 = arith.addf %add3A_139, %exp3A_137 : vector<16xf32>
    %div3A_141 = arith.constant 1.000000e+00 : f32
    %div3A_142 = vector.broadcast %div3A_141 : f32 to vector<16xf32>
    %div3A_143 = arith.divf %div3A_142, %add3A_140 : vector<16xf32>
    %sub3A_144 = arith.constant 1.000000e+00 : f32
    %sub3A_145 = vector.broadcast %sub3A_144 : f32 to vector<16xf32>
    %sub3A_146 = arith.subf %sub3A_145, %div3A_143 : vector<16xf32>
    %broadcast_in_dim3A_147 = arith.constant 0.000000e+00 : f32
    %broadcast_in_dim3A_148 = vector.broadcast %broadcast_in_dim3A_147 : f32 to vector<16xf32>
    %scan3A_149 = arith.constant 0 : i32
    %scan3A_150 = arith.constant 0 : i32
    %scan3A_151 = arith.constant 64 : i32
    %scan3A_152 = arith.addi %scan3A_150, %scan3A_151 : i32
    %scan3A_153 = arith.constant 1 : i32
    scf.for %scan3A_1943 = %scan3A_150 to %scan3A_152 step %scan3A_153  : i32 {
      %add3A_1944 = vector.broadcast %scan3A_1943 : i32 to vector<16xi32>
      %add3A_1945 = arith.addi %add3A_127, %add3A_1944 : vector<16xi32>
      %gather3A = tpu.vector_load_idx %arg4[%add3A_1945] : memref<16384xf32, #tpu.memory_space<vmem>>[vector<16xi32>], vector<16xf32>,
      %eq3A = arith.cmpf oeq, %gather3A, %scan3A_134#0 : vector<16xf32>
      %eq3A_1946 = arith.cmpf oeq, %gather3A, %scan3A_134#1 : vector<16xf32>
      %select_n3A = arith.select %eq3A_1946, %sub3A_146, %broadcast_in_dim3A_148 : vector<16xi1>, vector<16xf32>
      %select_n3A_1947 = arith.select %eq3A, %div3A_143, %select_n3A : vector<16xi1>, vector<16xf32>
      %add3A_1948 = vector.broadcast %scan3A_1943 : i32 to vector<16xi32>
      %add3A_1949 = arith.addi %add3A_127, %add3A_1948 : vector<16xi32>
      tpu.vector_store_idx %arg5[%add3A_1949], %select_n3A_1947 : memref<16384xf32, #tpu.memory_space<vmem>>[vector<16xi32>], vector<16xf32>,
    }
    %scan3A_154 = arith.constant 64 : i32
    %add3A_155 = arith.constant 5120 : i32
    %add3A_156 = vector.broadcast %add3A_155 : i32 to vector<16xi32>
    %add3A_157 = arith.addi %mul3A_3, %add3A_156 : vector<16xi32>
    %broadcast_in_dim3A_158 = arith.constant 0xFF800000 : f32
    %broadcast_in_dim3A_159 = vector.broadcast %broadcast_in_dim3A_158 : f32 to vector<16xf32>
    %scan3A_160 = arith.constant 0 : i32
    %scan3A_161 = arith.constant 64 : i32
    %scan3A_162 = arith.addi %scan3A_160, %scan3A_161 : i32
    %scan3A_163 = arith.constant 1 : i32
    %scan3A_164:2 = scf.for %scan3A_1943 = %scan3A_160 to %scan3A_162 step %scan3A_163 iter_args(%scan3A_1944 = %broadcast_in_dim3A_159, %scan3A_1945 = %broadcast_in_dim3A_159) -> (vector<16xf32>, vector<16xf32>)  : i32 {
      %add3A_1946 = vector.broadcast %scan3A_1943 : i32 to vector<16xi32>
      %add3A_1947 = arith.addi %add3A_157, %add3A_1946 : vector<16xi32>
      %gather3A = tpu.vector_load_idx %arg4[%add3A_1947] : memref<16384xf32, #tpu.memory_space<vmem>>[vector<16xi32>], vector<16xf32>,
      %gt3A = arith.cmpf ogt, %gather3A, %scan3A_1944 : vector<16xf32>
      %max3A = arith.maximumf %scan3A_1945, %gather3A : vector<16xf32>
      %select_n3A = arith.select %gt3A, %scan3A_1944, %max3A : vector<16xi1>, vector<16xf32>
      %max3A_1948 = arith.maximumf %scan3A_1944, %gather3A : vector<16xf32>
      scf.yield %max3A_1948, %select_n3A : vector<16xf32>, vector<16xf32>
    }
    %scan3A_165 = arith.constant 64 : i32
    %sub3A_166 = arith.subf %scan3A_164#1, %scan3A_164#0 : vector<16xf32>
    %exp3A_167 = math.exp %sub3A_166 : vector<16xf32>
    %add3A_168 = arith.constant 1.000000e+00 : f32
    %add3A_169 = vector.broadcast %add3A_168 : f32 to vector<16xf32>
    %add3A_170 = arith.addf %add3A_169, %exp3A_167 : vector<16xf32>
    %div3A_171 = arith.constant 1.000000e+00 : f32
    %div3A_172 = vector.broadcast %div3A_171 : f32 to vector<16xf32>
    %div3A_173 = arith.divf %div3A_172, %add3A_170 : vector<16xf32>
    %sub3A_174 = arith.constant 1.000000e+00 : f32
    %sub3A_175 = vector.broadcast %sub3A_174 : f32 to vector<16xf32>
    %sub3A_176 = arith.subf %sub3A_175, %div3A_173 : vector<16xf32>
    %broadcast_in_dim3A_177 = arith.constant 0.000000e+00 : f32
    %broadcast_in_dim3A_178 = vector.broadcast %broadcast_in_dim3A_177 : f32 to vector<16xf32>
    %scan3A_179 = arith.constant 0 : i32
    %scan3A_180 = arith.constant 0 : i32
    %scan3A_181 = arith.constant 64 : i32
    %scan3A_182 = arith.addi %scan3A_180, %scan3A_181 : i32
    %scan3A_183 = arith.constant 1 : i32
    scf.for %scan3A_1943 = %scan3A_180 to %scan3A_182 step %scan3A_183  : i32 {
      %add3A_1944 = vector.broadcast %scan3A_1943 : i32 to vector<16xi32>
      %add3A_1945 = arith.addi %add3A_157, %add3A_1944 : vector<16xi32>
      %gather3A = tpu.vector_load_idx %arg4[%add3A_1945] : memref<16384xf32, #tpu.memory_space<vmem>>[vector<16xi32>], vector<16xf32>,
      %eq3A = arith.cmpf oeq, %gather3A, %scan3A_164#0 : vector<16xf32>
      %eq3A_1946 = arith.cmpf oeq, %gather3A, %scan3A_164#1 : vector<16xf32>
      %select_n3A = arith.select %eq3A_1946, %sub3A_176, %broadcast_in_dim3A_178 : vector<16xi1>, vector<16xf32>
      %select_n3A_1947 = arith.select %eq3A, %div3A_173, %select_n3A : vector<16xi1>, vector<16xf32>
      %add3A_1948 = vector.broadcast %scan3A_1943 : i32 to vector<16xi32>
      %add3A_1949 = arith.addi %add3A_157, %add3A_1948 : vector<16xi32>
      tpu.vector_store_idx %arg5[%add3A_1949], %select_n3A_1947 : memref<16384xf32, #tpu.memory_space<vmem>>[vector<16xi32>], vector<16xf32>,
    }
    %scan3A_184 = arith.constant 64 : i32
    %add3A_185 = arith.constant 6144 : i32
    %add3A_186 = vector.broadcast %add3A_185 : i32 to vector<16xi32>
    %add3A_187 = arith.addi %mul3A_3, %add3A_186 : vector<16xi32>
    %broadcast_in_dim3A_188 = arith.constant 0xFF800000 : f32
    %broadcast_in_dim3A_189 = vector.broadcast %broadcast_in_dim3A_188 : f32 to vector<16xf32>
    %scan3A_190 = arith.constant 0 : i32
    %scan3A_191 = arith.constant 64 : i32
    %scan3A_192 = arith.addi %scan3A_190, %scan3A_191 : i32
    %scan3A_193 = arith.constant 1 : i32
    %scan3A_194:2 = scf.for %scan3A_1943 = %scan3A_190 to %scan3A_192 step %scan3A_193 iter_args(%scan3A_1944 = %broadcast_in_dim3A_189, %scan3A_1945 = %broadcast_in_dim3A_189) -> (vector<16xf32>, vector<16xf32>)  : i32 {
      %add3A_1946 = vector.broadcast %scan3A_1943 : i32 to vector<16xi32>
      %add3A_1947 = arith.addi %add3A_187, %add3A_1946 : vector<16xi32>
      %gather3A = tpu.vector_load_idx %arg4[%add3A_1947] : memref<16384xf32, #tpu.memory_space<vmem>>[vector<16xi32>], vector<16xf32>,
      %gt3A = arith.cmpf ogt, %gather3A, %scan3A_1944 : vector<16xf32>
      %max3A = arith.maximumf %scan3A_1945, %gather3A : vector<16xf32>
      %select_n3A = arith.select %gt3A, %scan3A_1944, %max3A : vector<16xi1>, vector<16xf32>
      %max3A_1948 = arith.maximumf %scan3A_1944, %gather3A : vector<16xf32>
      scf.yield %max3A_1948, %select_n3A : vector<16xf32>, vector<16xf32>
    }
    %scan3A_195 = arith.constant 64 : i32
    %sub3A_196 = arith.subf %scan3A_194#1, %scan3A_194#0 : vector<16xf32>
    %exp3A_197 = math.exp %sub3A_196 : vector<16xf32>
    %add3A_198 = arith.constant 1.000000e+00 : f32
    %add3A_199 = vector.broadcast %add3A_198 : f32 to vector<16xf32>
    %add3A_200 = arith.addf %add3A_199, %exp3A_197 : vector<16xf32>
    %div3A_201 = arith.constant 1.000000e+00 : f32
    %div3A_202 = vector.broadcast %div3A_201 : f32 to vector<16xf32>
    %div3A_203 = arith.divf %div3A_202, %add3A_200 : vector<16xf32>
    %sub3A_204 = arith.constant 1.000000e+00 : f32
    %sub3A_205 = vector.broadcast %sub3A_204 : f32 to vector<16xf32>
    %sub3A_206 = arith.subf %sub3A_205, %div3A_203 : vector<16xf32>
    %broadcast_in_dim3A_207 = arith.constant 0.000000e+00 : f32
    %broadcast_in_dim3A_208 = vector.broadcast %broadcast_in_dim3A_207 : f32 to vector<16xf32>
    %scan3A_209 = arith.constant 0 : i32
    %scan3A_210 = arith.constant 0 : i32
    %scan3A_211 = arith.constant 64 : i32
    %scan3A_212 = arith.addi %scan3A_210, %scan3A_211 : i32
    %scan3A_213 = arith.constant 1 : i32
    scf.for %scan3A_1943 = %scan3A_210 to %scan3A_212 step %scan3A_213  : i32 {
      %add3A_1944 = vector.broadcast %scan3A_1943 : i32 to vector<16xi32>
      %add3A_1945 = arith.addi %add3A_187, %add3A_1944 : vector<16xi32>
      %gather3A = tpu.vector_load_idx %arg4[%add3A_1945] : memref<16384xf32, #tpu.memory_space<vmem>>[vector<16xi32>], vector<16xf32>,
      %eq3A = arith.cmpf oeq, %gather3A, %scan3A_194#0 : vector<16xf32>
      %eq3A_1946 = arith.cmpf oeq, %gather3A, %scan3A_194#1 : vector<16xf32>
      %select_n3A = arith.select %eq3A_1946, %sub3A_206, %broadcast_in_dim3A_208 : vector<16xi1>, vector<16xf32>
      %select_n3A_1947 = arith.select %eq3A, %div3A_203, %select_n3A : vector<16xi1>, vector<16xf32>
      %add3A_1948 = vector.broadcast %scan3A_1943 : i32 to vector<16xi32>
      %add3A_1949 = arith.addi %add3A_187, %add3A_1948 : vector<16xi32>
      tpu.vector_store_idx %arg5[%add3A_1949], %select_n3A_1947 : memref<16384xf32, #tpu.memory_space<vmem>>[vector<16xi32>], vector<16xf32>,
    }
    %scan3A_214 = arith.constant 64 : i32
    %add3A_215 = arith.constant 7168 : i32
    %add3A_216 = vector.broadcast %add3A_215 : i32 to vector<16xi32>
    %add3A_217 = arith.addi %mul3A_3, %add3A_216 : vector<16xi32>
    %broadcast_in_dim3A_218 = arith.constant 0xFF800000 : f32
    %broadcast_in_dim3A_219 = vector.broadcast %broadcast_in_dim3A_218 : f32 to vector<16xf32>
    %scan3A_220 = arith.constant 0 : i32
    %scan3A_221 = arith.constant 64 : i32
    %scan3A_222 = arith.addi %scan3A_220, %scan3A_221 : i32
    %scan3A_223 = arith.constant 1 : i32
    %scan3A_224:2 = scf.for %scan3A_1943 = %scan3A_220 to %scan3A_222 step %scan3A_223 iter_args(%scan3A_1944 = %broadcast_in_dim3A_219, %scan3A_1945 = %broadcast_in_dim3A_219) -> (vector<16xf32>, vector<16xf32>)  : i32 {
      %add3A_1946 = vector.broadcast %scan3A_1943 : i32 to vector<16xi32>
      %add3A_1947 = arith.addi %add3A_217, %add3A_1946 : vector<16xi32>
      %gather3A = tpu.vector_load_idx %arg4[%add3A_1947] : memref<16384xf32, #tpu.memory_space<vmem>>[vector<16xi32>], vector<16xf32>,
      %gt3A = arith.cmpf ogt, %gather3A, %scan3A_1944 : vector<16xf32>
      %max3A = arith.maximumf %scan3A_1945, %gather3A : vector<16xf32>
      %select_n3A = arith.select %gt3A, %scan3A_1944, %max3A : vector<16xi1>, vector<16xf32>
      %max3A_1948 = arith.maximumf %scan3A_1944, %gather3A : vector<16xf32>
      scf.yield %max3A_1948, %select_n3A : vector<16xf32>, vector<16xf32>
    }
    %scan3A_225 = arith.constant 64 : i32
    %sub3A_226 = arith.subf %scan3A_224#1, %scan3A_224#0 : vector<16xf32>
    %exp3A_227 = math.exp %sub3A_226 : vector<16xf32>
    %add3A_228 = arith.constant 1.000000e+00 : f32
    %add3A_229 = vector.broadcast %add3A_228 : f32 to vector<16xf32>
    %add3A_230 = arith.addf %add3A_229, %exp3A_227 : vector<16xf32>
    %div3A_231 = arith.constant 1.000000e+00 : f32
    %div3A_232 = vector.broadcast %div3A_231 : f32 to vector<16xf32>
    %div3A_233 = arith.divf %div3A_232, %add3A_230 : vector<16xf32>
    %sub3A_234 = arith.constant 1.000000e+00 : f32
    %sub3A_235 = vector.broadcast %sub3A_234 : f32 to vector<16xf32>
    %sub3A_236 = arith.subf %sub3A_235, %div3A_233 : vector<16xf32>
    %broadcast_in_dim3A_237 = arith.constant 0.000000e+00 : f32
    %broadcast_in_dim3A_238 = vector.broadcast %broadcast_in_dim3A_237 : f32 to vector<16xf32>
    %scan3A_239 = arith.constant 0 : i32
    %scan3A_240 = arith.constant 0 : i32
    %scan3A_241 = arith.constant 64 : i32
    %scan3A_242 = arith.addi %scan3A_240, %scan3A_241 : i32
    %scan3A_243 = arith.constant 1 : i32
    scf.for %scan3A_1943 = %scan3A_240 to %scan3A_242 step %scan3A_243  : i32 {
      %add3A_1944 = vector.broadcast %scan3A_1943 : i32 to vector<16xi32>
      %add3A_1945 = arith.addi %add3A_217, %add3A_1944 : vector<16xi32>
      %gather3A = tpu.vector_load_idx %arg4[%add3A_1945] : memref<16384xf32, #tpu.memory_space<vmem>>[vector<16xi32>], vector<16xf32>,
      %eq3A = arith.cmpf oeq, %gather3A, %scan3A_224#0 : vector<16xf32>
      %eq3A_1946 = arith.cmpf oeq, %gather3A, %scan3A_224#1 : vector<16xf32>
      %select_n3A = arith.select %eq3A_1946, %sub3A_236, %broadcast_in_dim3A_238 : vector<16xi1>, vector<16xf32>
      %select_n3A_1947 = arith.select %eq3A, %div3A_233, %select_n3A : vector<16xi1>, vector<16xf32>
      %add3A_1948 = vector.broadcast %scan3A_1943 : i32 to vector<16xi32>
      %add3A_1949 = arith.addi %add3A_217, %add3A_1948 : vector<16xi32>
      tpu.vector_store_idx %arg5[%add3A_1949], %select_n3A_1947 : memref<16384xf32, #tpu.memory_space<vmem>>[vector<16xi32>], vector<16xf32>,
    }
    %scan3A_244 = arith.constant 64 : i32
    %add3A_245 = arith.constant 8192 : i32
    %add3A_246 = vector.broadcast %add3A_245 : i32 to vector<16xi32>
    %add3A_247 = arith.addi %mul3A_3, %add3A_246 : vector<16xi32>
    %broadcast_in_dim3A_248 = arith.constant 0xFF800000 : f32
    %broadcast_in_dim3A_249 = vector.broadcast %broadcast_in_dim3A_248 : f32 to vector<16xf32>
    %scan3A_250 = arith.constant 0 : i32
    %scan3A_251 = arith.constant 64 : i32
    %scan3A_252 = arith.addi %scan3A_250, %scan3A_251 : i32
    %scan3A_253 = arith.constant 1 : i32
    %scan3A_254:2 = scf.for %scan3A_1943 = %scan3A_250 to %scan3A_252 step %scan3A_253 iter_args(%scan3A_1944 = %broadcast_in_dim3A_249, %scan3A_1945 = %broadcast_in_dim3A_249) -> (vector<16xf32>, vector<16xf32>)  : i32 {
      %add3A_1946 = vector.broadcast %scan3A_1943 : i32 to vector<16xi32>
      %add3A_1947 = arith.addi %add3A_247, %add3A_1946 : vector<16xi32>
      %gather3A = tpu.vector_load_idx %arg4[%add3A_1947] : memref<16384xf32, #tpu.memory_space<vmem>>[vector<16xi32>], vector<16xf32>,
      %gt3A = arith.cmpf ogt, %gather3A, %scan3A_1944 : vector<16xf32>
      %max3A = arith.maximumf %scan3A_1945, %gather3A : vector<16xf32>
      %select_n3A = arith.select %gt3A, %scan3A_1944, %max3A : vector<16xi1>, vector<16xf32>
      %max3A_1948 = arith.maximumf %scan3A_1944, %gather3A : vector<16xf32>
      scf.yield %max3A_1948, %select_n3A : vector<16xf32>, vector<16xf32>
    }
    %scan3A_255 = arith.constant 64 : i32
    %sub3A_256 = arith.subf %scan3A_254#1, %scan3A_254#0 : vector<16xf32>
    %exp3A_257 = math.exp %sub3A_256 : vector<16xf32>
    %add3A_258 = arith.constant 1.000000e+00 : f32
    %add3A_259 = vector.broadcast %add3A_258 : f32 to vector<16xf32>
    %add3A_260 = arith.addf %add3A_259, %exp3A_257 : vector<16xf32>
    %div3A_261 = arith.constant 1.000000e+00 : f32
    %div3A_262 = vector.broadcast %div3A_261 : f32 to vector<16xf32>
    %div3A_263 = arith.divf %div3A_262, %add3A_260 : vector<16xf32>
    %sub3A_264 = arith.constant 1.000000e+00 : f32
    %sub3A_265 = vector.broadcast %sub3A_264 : f32 to vector<16xf32>
    %sub3A_266 = arith.subf %sub3A_265, %div3A_263 : vector<16xf32>
    %broadcast_in_dim3A_267 = arith.constant 0.000000e+00 : f32
    %broadcast_in_dim3A_268 = vector.broadcast %broadcast_in_dim3A_267 : f32 to vector<16xf32>
    %scan3A_269 = arith.constant 0 : i32
    %scan3A_270 = arith.constant 0 : i32
    %scan3A_271 = arith.constant 64 : i32
    %scan3A_272 = arith.addi %scan3A_270, %scan3A_271 : i32
    %scan3A_273 = arith.constant 1 : i32
    scf.for %scan3A_1943 = %scan3A_270 to %scan3A_272 step %scan3A_273  : i32 {
      %add3A_1944 = vector.broadcast %scan3A_1943 : i32 to vector<16xi32>
      %add3A_1945 = arith.addi %add3A_247, %add3A_1944 : vector<16xi32>
      %gather3A = tpu.vector_load_idx %arg4[%add3A_1945] : memref<16384xf32, #tpu.memory_space<vmem>>[vector<16xi32>], vector<16xf32>,
      %eq3A = arith.cmpf oeq, %gather3A, %scan3A_254#0 : vector<16xf32>
      %eq3A_1946 = arith.cmpf oeq, %gather3A, %scan3A_254#1 : vector<16xf32>
      %select_n3A = arith.select %eq3A_1946, %sub3A_266, %broadcast_in_dim3A_268 : vector<16xi1>, vector<16xf32>
      %select_n3A_1947 = arith.select %eq3A, %div3A_263, %select_n3A : vector<16xi1>, vector<16xf32>
      %add3A_1948 = vector.broadcast %scan3A_1943 : i32 to vector<16xi32>
      %add3A_1949 = arith.addi %add3A_247, %add3A_1948 : vector<16xi32>
      tpu.vector_store_idx %arg5[%add3A_1949], %select_n3A_1947 : memref<16384xf32, #tpu.memory_space<vmem>>[vector<16xi32>], vector<16xf32>,
    }
    %scan3A_274 = arith.constant 64 : i32
    %add3A_275 = arith.constant 9216 : i32
    %add3A_276 = vector.broadcast %add3A_275 : i32 to vector<16xi32>
    %add3A_277 = arith.addi %mul3A_3, %add3A_276 : vector<16xi32>
    %broadcast_in_dim3A_278 = arith.constant 0xFF800000 : f32
    %broadcast_in_dim3A_279 = vector.broadcast %broadcast_in_dim3A_278 : f32 to vector<16xf32>
    %scan3A_280 = arith.constant 0 : i32
    %scan3A_281 = arith.constant 64 : i32
    %scan3A_282 = arith.addi %scan3A_280, %scan3A_281 : i32
    %scan3A_283 = arith.constant 1 : i32
    %scan3A_284:2 = scf.for %scan3A_1943 = %scan3A_280 to %scan3A_282 step %scan3A_283 iter_args(%scan3A_1944 = %broadcast_in_dim3A_279, %scan3A_1945 = %broadcast_in_dim3A_279) -> (vector<16xf32>, vector<16xf32>)  : i32 {
      %add3A_1946 = vector.broadcast %scan3A_1943 : i32 to vector<16xi32>
      %add3A_1947 = arith.addi %add3A_277, %add3A_1946 : vector<16xi32>
      %gather3A = tpu.vector_load_idx %arg4[%add3A_1947] : memref<16384xf32, #tpu.memory_space<vmem>>[vector<16xi32>], vector<16xf32>,
      %gt3A = arith.cmpf ogt, %gather3A, %scan3A_1944 : vector<16xf32>
      %max3A = arith.maximumf %scan3A_1945, %gather3A : vector<16xf32>
      %select_n3A = arith.select %gt3A, %scan3A_1944, %max3A : vector<16xi1>, vector<16xf32>
      %max3A_1948 = arith.maximumf %scan3A_1944, %gather3A : vector<16xf32>
      scf.yield %max3A_1948, %select_n3A : vector<16xf32>, vector<16xf32>
    }
    %scan3A_285 = arith.constant 64 : i32
    %sub3A_286 = arith.subf %scan3A_284#1, %scan3A_284#0 : vector<16xf32>
    %exp3A_287 = math.exp %sub3A_286 : vector<16xf32>
    %add3A_288 = arith.constant 1.000000e+00 : f32
    %add3A_289 = vector.broadcast %add3A_288 : f32 to vector<16xf32>
    %add3A_290 = arith.addf %add3A_289, %exp3A_287 : vector<16xf32>
    %div3A_291 = arith.constant 1.000000e+00 : f32
    %div3A_292 = vector.broadcast %div3A_291 : f32 to vector<16xf32>
    %div3A_293 = arith.divf %div3A_292, %add3A_290 : vector<16xf32>
    %sub3A_294 = arith.constant 1.000000e+00 : f32
    %sub3A_295 = vector.broadcast %sub3A_294 : f32 to vector<16xf32>
    %sub3A_296 = arith.subf %sub3A_295, %div3A_293 : vector<16xf32>
    %broadcast_in_dim3A_297 = arith.constant 0.000000e+00 : f32
    %broadcast_in_dim3A_298 = vector.broadcast %broadcast_in_dim3A_297 : f32 to vector<16xf32>
    %scan3A_299 = arith.constant 0 : i32
    %scan3A_300 = arith.constant 0 : i32
    %scan3A_301 = arith.constant 64 : i32
    %scan3A_302 = arith.addi %scan3A_300, %scan3A_301 : i32
    %scan3A_303 = arith.constant 1 : i32
    scf.for %scan3A_1943 = %scan3A_300 to %scan3A_302 step %scan3A_303  : i32 {
      %add3A_1944 = vector.broadcast %scan3A_1943 : i32 to vector<16xi32>
      %add3A_1945 = arith.addi %add3A_277, %add3A_1944 : vector<16xi32>
      %gather3A = tpu.vector_load_idx %arg4[%add3A_1945] : memref<16384xf32, #tpu.memory_space<vmem>>[vector<16xi32>], vector<16xf32>,
      %eq3A = arith.cmpf oeq, %gather3A, %scan3A_284#0 : vector<16xf32>
      %eq3A_1946 = arith.cmpf oeq, %gather3A, %scan3A_284#1 : vector<16xf32>
      %select_n3A = arith.select %eq3A_1946, %sub3A_296, %broadcast_in_dim3A_298 : vector<16xi1>, vector<16xf32>
      %select_n3A_1947 = arith.select %eq3A, %div3A_293, %select_n3A : vector<16xi1>, vector<16xf32>
      %add3A_1948 = vector.broadcast %scan3A_1943 : i32 to vector<16xi32>
      %add3A_1949 = arith.addi %add3A_277, %add3A_1948 : vector<16xi32>
      tpu.vector_store_idx %arg5[%add3A_1949], %select_n3A_1947 : memref<16384xf32, #tpu.memory_space<vmem>>[vector<16xi32>], vector<16xf32>,
    }
    %scan3A_304 = arith.constant 64 : i32
    %add3A_305 = arith.constant 10240 : i32
    %add3A_306 = vector.broadcast %add3A_305 : i32 to vector<16xi32>
    %add3A_307 = arith.addi %mul3A_3, %add3A_306 : vector<16xi32>
    %broadcast_in_dim3A_308 = arith.constant 0xFF800000 : f32
    %broadcast_in_dim3A_309 = vector.broadcast %broadcast_in_dim3A_308 : f32 to vector<16xf32>
    %scan3A_310 = arith.constant 0 : i32
    %scan3A_311 = arith.constant 64 : i32
    %scan3A_312 = arith.addi %scan3A_310, %scan3A_311 : i32
    %scan3A_313 = arith.constant 1 : i32
    %scan3A_314:2 = scf.for %scan3A_1943 = %scan3A_310 to %scan3A_312 step %scan3A_313 iter_args(%scan3A_1944 = %broadcast_in_dim3A_309, %scan3A_1945 = %broadcast_in_dim3A_309) -> (vector<16xf32>, vector<16xf32>)  : i32 {
      %add3A_1946 = vector.broadcast %scan3A_1943 : i32 to vector<16xi32>
      %add3A_1947 = arith.addi %add3A_307, %add3A_1946 : vector<16xi32>
      %gather3A = tpu.vector_load_idx %arg4[%add3A_1947] : memref<16384xf32, #tpu.memory_space<vmem>>[vector<16xi32>], vector<16xf32>,
      %gt3A = arith.cmpf ogt, %gather3A, %scan3A_1944 : vector<16xf32>
      %max3A = arith.maximumf %scan3A_1945, %gather3A : vector<16xf32>
      %select_n3A = arith.select %gt3A, %scan3A_1944, %max3A : vector<16xi1>, vector<16xf32>
      %max3A_1948 = arith.maximumf %scan3A_1944, %gather3A : vector<16xf32>
      scf.yield %max3A_1948, %select_n3A : vector<16xf32>, vector<16xf32>
    }
    %scan3A_315 = arith.constant 64 : i32
    %sub3A_316 = arith.subf %scan3A_314#1, %scan3A_314#0 : vector<16xf32>
    %exp3A_317 = math.exp %sub3A_316 : vector<16xf32>
    %add3A_318 = arith.constant 1.000000e+00 : f32
    %add3A_319 = vector.broadcast %add3A_318 : f32 to vector<16xf32>
    %add3A_320 = arith.addf %add3A_319, %exp3A_317 : vector<16xf32>
    %div3A_321 = arith.constant 1.000000e+00 : f32
    %div3A_322 = vector.broadcast %div3A_321 : f32 to vector<16xf32>
    %div3A_323 = arith.divf %div3A_322, %add3A_320 : vector<16xf32>
    %sub3A_324 = arith.constant 1.000000e+00 : f32
    %sub3A_325 = vector.broadcast %sub3A_324 : f32 to vector<16xf32>
    %sub3A_326 = arith.subf %sub3A_325, %div3A_323 : vector<16xf32>
    %broadcast_in_dim3A_327 = arith.constant 0.000000e+00 : f32
    %broadcast_in_dim3A_328 = vector.broadcast %broadcast_in_dim3A_327 : f32 to vector<16xf32>
    %scan3A_329 = arith.constant 0 : i32
    %scan3A_330 = arith.constant 0 : i32
    %scan3A_331 = arith.constant 64 : i32
    %scan3A_332 = arith.addi %scan3A_330, %scan3A_331 : i32
    %scan3A_333 = arith.constant 1 : i32
    scf.for %scan3A_1943 = %scan3A_330 to %scan3A_332 step %scan3A_333  : i32 {
      %add3A_1944 = vector.broadcast %scan3A_1943 : i32 to vector<16xi32>
      %add3A_1945 = arith.addi %add3A_307, %add3A_1944 : vector<16xi32>
      %gather3A = tpu.vector_load_idx %arg4[%add3A_1945] : memref<16384xf32, #tpu.memory_space<vmem>>[vector<16xi32>], vector<16xf32>,
      %eq3A = arith.cmpf oeq, %gather3A, %scan3A_314#0 : vector<16xf32>
      %eq3A_1946 = arith.cmpf oeq, %gather3A, %scan3A_314#1 : vector<16xf32>
      %select_n3A = arith.select %eq3A_1946, %sub3A_326, %broadcast_in_dim3A_328 : vector<16xi1>, vector<16xf32>
      %select_n3A_1947 = arith.select %eq3A, %div3A_323, %select_n3A : vector<16xi1>, vector<16xf32>
      %add3A_1948 = vector.broadcast %scan3A_1943 : i32 to vector<16xi32>
      %add3A_1949 = arith.addi %add3A_307, %add3A_1948 : vector<16xi32>
      tpu.vector_store_idx %arg5[%add3A_1949], %select_n3A_1947 : memref<16384xf32, #tpu.memory_space<vmem>>[vector<16xi32>], vector<16xf32>,
    }
    %scan3A_334 = arith.constant 64 : i32
    %add3A_335 = arith.constant 11264 : i32
    %add3A_336 = vector.broadcast %add3A_335 : i32 to vector<16xi32>
    %add3A_337 = arith.addi %mul3A_3, %add3A_336 : vector<16xi32>
    %broadcast_in_dim3A_338 = arith.constant 0xFF800000 : f32
    %broadcast_in_dim3A_339 = vector.broadcast %broadcast_in_dim3A_338 : f32 to vector<16xf32>
    %scan3A_340 = arith.constant 0 : i32
    %scan3A_341 = arith.constant 64 : i32
    %scan3A_342 = arith.addi %scan3A_340, %scan3A_341 : i32
    %scan3A_343 = arith.constant 1 : i32
    %scan3A_344:2 = scf.for %scan3A_1943 = %scan3A_340 to %scan3A_342 step %scan3A_343 iter_args(%scan3A_1944 = %broadcast_in_dim3A_339, %scan3A_1945 = %broadcast_in_dim3A_339) -> (vector<16xf32>, vector<16xf32>)  : i32 {
      %add3A_1946 = vector.broadcast %scan3A_1943 : i32 to vector<16xi32>
      %add3A_1947 = arith.addi %add3A_337, %add3A_1946 : vector<16xi32>
      %gather3A = tpu.vector_load_idx %arg4[%add3A_1947] : memref<16384xf32, #tpu.memory_space<vmem>>[vector<16xi32>], vector<16xf32>,
      %gt3A = arith.cmpf ogt, %gather3A, %scan3A_1944 : vector<16xf32>
      %max3A = arith.maximumf %scan3A_1945, %gather3A : vector<16xf32>
      %select_n3A = arith.select %gt3A, %scan3A_1944, %max3A : vector<16xi1>, vector<16xf32>
      %max3A_1948 = arith.maximumf %scan3A_1944, %gather3A : vector<16xf32>
      scf.yield %max3A_1948, %select_n3A : vector<16xf32>, vector<16xf32>
    }
    %scan3A_345 = arith.constant 64 : i32
    %sub3A_346 = arith.subf %scan3A_344#1, %scan3A_344#0 : vector<16xf32>
    %exp3A_347 = math.exp %sub3A_346 : vector<16xf32>
    %add3A_348 = arith.constant 1.000000e+00 : f32
    %add3A_349 = vector.broadcast %add3A_348 : f32 to vector<16xf32>
    %add3A_350 = arith.addf %add3A_349, %exp3A_347 : vector<16xf32>
    %div3A_351 = arith.constant 1.000000e+00 : f32
    %div3A_352 = vector.broadcast %div3A_351 : f32 to vector<16xf32>
    %div3A_353 = arith.divf %div3A_352, %add3A_350 : vector<16xf32>
    %sub3A_354 = arith.constant 1.000000e+00 : f32
    %sub3A_355 = vector.broadcast %sub3A_354 : f32 to vector<16xf32>
    %sub3A_356 = arith.subf %sub3A_355, %div3A_353 : vector<16xf32>
    %broadcast_in_dim3A_357 = arith.constant 0.000000e+00 : f32
    %broadcast_in_dim3A_358 = vector.broadcast %broadcast_in_dim3A_357 : f32 to vector<16xf32>
    %scan3A_359 = arith.constant 0 : i32
    %scan3A_360 = arith.constant 0 : i32
    %scan3A_361 = arith.constant 64 : i32
    %scan3A_362 = arith.addi %scan3A_360, %scan3A_361 : i32
    %scan3A_363 = arith.constant 1 : i32
    scf.for %scan3A_1943 = %scan3A_360 to %scan3A_362 step %scan3A_363  : i32 {
      %add3A_1944 = vector.broadcast %scan3A_1943 : i32 to vector<16xi32>
      %add3A_1945 = arith.addi %add3A_337, %add3A_1944 : vector<16xi32>
      %gather3A = tpu.vector_load_idx %arg4[%add3A_1945] : memref<16384xf32, #tpu.memory_space<vmem>>[vector<16xi32>], vector<16xf32>,
      %eq3A = arith.cmpf oeq, %gather3A, %scan3A_344#0 : vector<16xf32>
      %eq3A_1946 = arith.cmpf oeq, %gather3A, %scan3A_344#1 : vector<16xf32>
      %select_n3A = arith.select %eq3A_1946, %sub3A_356, %broadcast_in_dim3A_358 : vector<16xi1>, vector<16xf32>
      %select_n3A_1947 = arith.select %eq3A, %div3A_353, %select_n3A : vector<16xi1>, vector<16xf32>
      %add3A_1948 = vector.broadcast %scan3A_1943 : i32 to vector<16xi32>
      %add3A_1949 = arith.addi %add3A_337, %add3A_1948 : vector<16xi32>
      tpu.vector_store_idx %arg5[%add3A_1949], %select_n3A_1947 : memref<16384xf32, #tpu.memory_space<vmem>>[vector<16xi32>], vector<16xf32>,
    }
    %scan3A_364 = arith.constant 64 : i32
    %add3A_365 = arith.constant 12288 : i32
    %add3A_366 = vector.broadcast %add3A_365 : i32 to vector<16xi32>
    %add3A_367 = arith.addi %mul3A_3, %add3A_366 : vector<16xi32>
    %broadcast_in_dim3A_368 = arith.constant 0xFF800000 : f32
    %broadcast_in_dim3A_369 = vector.broadcast %broadcast_in_dim3A_368 : f32 to vector<16xf32>
    %scan3A_370 = arith.constant 0 : i32
    %scan3A_371 = arith.constant 64 : i32
    %scan3A_372 = arith.addi %scan3A_370, %scan3A_371 : i32
    %scan3A_373 = arith.constant 1 : i32
    %scan3A_374:2 = scf.for %scan3A_1943 = %scan3A_370 to %scan3A_372 step %scan3A_373 iter_args(%scan3A_1944 = %broadcast_in_dim3A_369, %scan3A_1945 = %broadcast_in_dim3A_369) -> (vector<16xf32>, vector<16xf32>)  : i32 {
      %add3A_1946 = vector.broadcast %scan3A_1943 : i32 to vector<16xi32>
      %add3A_1947 = arith.addi %add3A_367, %add3A_1946 : vector<16xi32>
      %gather3A = tpu.vector_load_idx %arg4[%add3A_1947] : memref<16384xf32, #tpu.memory_space<vmem>>[vector<16xi32>], vector<16xf32>,
      %gt3A = arith.cmpf ogt, %gather3A, %scan3A_1944 : vector<16xf32>
      %max3A = arith.maximumf %scan3A_1945, %gather3A : vector<16xf32>
      %select_n3A = arith.select %gt3A, %scan3A_1944, %max3A : vector<16xi1>, vector<16xf32>
      %max3A_1948 = arith.maximumf %scan3A_1944, %gather3A : vector<16xf32>
      scf.yield %max3A_1948, %select_n3A : vector<16xf32>, vector<16xf32>
    }
    %scan3A_375 = arith.constant 64 : i32
    %sub3A_376 = arith.subf %scan3A_374#1, %scan3A_374#0 : vector<16xf32>
    %exp3A_377 = math.exp %sub3A_376 : vector<16xf32>
    %add3A_378 = arith.constant 1.000000e+00 : f32
    %add3A_379 = vector.broadcast %add3A_378 : f32 to vector<16xf32>
    %add3A_380 = arith.addf %add3A_379, %exp3A_377 : vector<16xf32>
    %div3A_381 = arith.constant 1.000000e+00 : f32
    %div3A_382 = vector.broadcast %div3A_381 : f32 to vector<16xf32>
    %div3A_383 = arith.divf %div3A_382, %add3A_380 : vector<16xf32>
    %sub3A_384 = arith.constant 1.000000e+00 : f32
    %sub3A_385 = vector.broadcast %sub3A_384 : f32 to vector<16xf32>
    %sub3A_386 = arith.subf %sub3A_385, %div3A_383 : vector<16xf32>
    %broadcast_in_dim3A_387 = arith.constant 0.000000e+00 : f32
    %broadcast_in_dim3A_388 = vector.broadcast %broadcast_in_dim3A_387 : f32 to vector<16xf32>
    %scan3A_389 = arith.constant 0 : i32
    %scan3A_390 = arith.constant 0 : i32
    %scan3A_391 = arith.constant 64 : i32
    %scan3A_392 = arith.addi %scan3A_390, %scan3A_391 : i32
    %scan3A_393 = arith.constant 1 : i32
    scf.for %scan3A_1943 = %scan3A_390 to %scan3A_392 step %scan3A_393  : i32 {
      %add3A_1944 = vector.broadcast %scan3A_1943 : i32 to vector<16xi32>
      %add3A_1945 = arith.addi %add3A_367, %add3A_1944 : vector<16xi32>
      %gather3A = tpu.vector_load_idx %arg4[%add3A_1945] : memref<16384xf32, #tpu.memory_space<vmem>>[vector<16xi32>], vector<16xf32>,
      %eq3A = arith.cmpf oeq, %gather3A, %scan3A_374#0 : vector<16xf32>
      %eq3A_1946 = arith.cmpf oeq, %gather3A, %scan3A_374#1 : vector<16xf32>
      %select_n3A = arith.select %eq3A_1946, %sub3A_386, %broadcast_in_dim3A_388 : vector<16xi1>, vector<16xf32>
      %select_n3A_1947 = arith.select %eq3A, %div3A_383, %select_n3A : vector<16xi1>, vector<16xf32>
      %add3A_1948 = vector.broadcast %scan3A_1943 : i32 to vector<16xi32>
      %add3A_1949 = arith.addi %add3A_367, %add3A_1948 : vector<16xi32>
      tpu.vector_store_idx %arg5[%add3A_1949], %select_n3A_1947 : memref<16384xf32, #tpu.memory_space<vmem>>[vector<16xi32>], vector<16xf32>,
    }
    %scan3A_394 = arith.constant 64 : i32
    %add3A_395 = arith.constant 13312 : i32
    %add3A_396 = vector.broadcast %add3A_395 : i32 to vector<16xi32>
    %add3A_397 = arith.addi %mul3A_3, %add3A_396 : vector<16xi32>
    %broadcast_in_dim3A_398 = arith.constant 0xFF800000 : f32
    %broadcast_in_dim3A_399 = vector.broadcast %broadcast_in_dim3A_398 : f32 to vector<16xf32>
    %scan3A_400 = arith.constant 0 : i32
    %scan3A_401 = arith.constant 64 : i32
    %scan3A_402 = arith.addi %scan3A_400, %scan3A_401 : i32
    %scan3A_403 = arith.constant 1 : i32
    %scan3A_404:2 = scf.for %scan3A_1943 = %scan3A_400 to %scan3A_402 step %scan3A_403 iter_args(%scan3A_1944 = %broadcast_in_dim3A_399, %scan3A_1945 = %broadcast_in_dim3A_399) -> (vector<16xf32>, vector<16xf32>)  : i32 {
      %add3A_1946 = vector.broadcast %scan3A_1943 : i32 to vector<16xi32>
      %add3A_1947 = arith.addi %add3A_397, %add3A_1946 : vector<16xi32>
      %gather3A = tpu.vector_load_idx %arg4[%add3A_1947] : memref<16384xf32, #tpu.memory_space<vmem>>[vector<16xi32>], vector<16xf32>,
      %gt3A = arith.cmpf ogt, %gather3A, %scan3A_1944 : vector<16xf32>
      %max3A = arith.maximumf %scan3A_1945, %gather3A : vector<16xf32>
      %select_n3A = arith.select %gt3A, %scan3A_1944, %max3A : vector<16xi1>, vector<16xf32>
      %max3A_1948 = arith.maximumf %scan3A_1944, %gather3A : vector<16xf32>
      scf.yield %max3A_1948, %select_n3A : vector<16xf32>, vector<16xf32>
    }
    %scan3A_405 = arith.constant 64 : i32
    %sub3A_406 = arith.subf %scan3A_404#1, %scan3A_404#0 : vector<16xf32>
    %exp3A_407 = math.exp %sub3A_406 : vector<16xf32>
    %add3A_408 = arith.constant 1.000000e+00 : f32
    %add3A_409 = vector.broadcast %add3A_408 : f32 to vector<16xf32>
    %add3A_410 = arith.addf %add3A_409, %exp3A_407 : vector<16xf32>
    %div3A_411 = arith.constant 1.000000e+00 : f32
    %div3A_412 = vector.broadcast %div3A_411 : f32 to vector<16xf32>
    %div3A_413 = arith.divf %div3A_412, %add3A_410 : vector<16xf32>
    %sub3A_414 = arith.constant 1.000000e+00 : f32
    %sub3A_415 = vector.broadcast %sub3A_414 : f32 to vector<16xf32>
    %sub3A_416 = arith.subf %sub3A_415, %div3A_413 : vector<16xf32>
    %broadcast_in_dim3A_417 = arith.constant 0.000000e+00 : f32
    %broadcast_in_dim3A_418 = vector.broadcast %broadcast_in_dim3A_417 : f32 to vector<16xf32>
    %scan3A_419 = arith.constant 0 : i32
    %scan3A_420 = arith.constant 0 : i32
    %scan3A_421 = arith.constant 64 : i32
    %scan3A_422 = arith.addi %scan3A_420, %scan3A_421 : i32
    %scan3A_423 = arith.constant 1 : i32
    scf.for %scan3A_1943 = %scan3A_420 to %scan3A_422 step %scan3A_423  : i32 {
      %add3A_1944 = vector.broadcast %scan3A_1943 : i32 to vector<16xi32>
      %add3A_1945 = arith.addi %add3A_397, %add3A_1944 : vector<16xi32>
      %gather3A = tpu.vector_load_idx %arg4[%add3A_1945] : memref<16384xf32, #tpu.memory_space<vmem>>[vector<16xi32>], vector<16xf32>,
      %eq3A = arith.cmpf oeq, %gather3A, %scan3A_404#0 : vector<16xf32>
      %eq3A_1946 = arith.cmpf oeq, %gather3A, %scan3A_404#1 : vector<16xf32>
      %select_n3A = arith.select %eq3A_1946, %sub3A_416, %broadcast_in_dim3A_418 : vector<16xi1>, vector<16xf32>
      %select_n3A_1947 = arith.select %eq3A, %div3A_413, %select_n3A : vector<16xi1>, vector<16xf32>
      %add3A_1948 = vector.broadcast %scan3A_1943 : i32 to vector<16xi32>
      %add3A_1949 = arith.addi %add3A_397, %add3A_1948 : vector<16xi32>
      tpu.vector_store_idx %arg5[%add3A_1949], %select_n3A_1947 : memref<16384xf32, #tpu.memory_space<vmem>>[vector<16xi32>], vector<16xf32>,
    }
    %scan3A_424 = arith.constant 64 : i32
    %add3A_425 = arith.constant 14336 : i32
    %add3A_426 = vector.broadcast %add3A_425 : i32 to vector<16xi32>
    %add3A_427 = arith.addi %mul3A_3, %add3A_426 : vector<16xi32>
    %broadcast_in_dim3A_428 = arith.constant 0xFF800000 : f32
    %broadcast_in_dim3A_429 = vector.broadcast %broadcast_in_dim3A_428 : f32 to vector<16xf32>
    %scan3A_430 = arith.constant 0 : i32
    %scan3A_431 = arith.constant 64 : i32
    %scan3A_432 = arith.addi %scan3A_430, %scan3A_431 : i32
    %scan3A_433 = arith.constant 1 : i32
    %scan3A_434:2 = scf.for %scan3A_1943 = %scan3A_430 to %scan3A_432 step %scan3A_433 iter_args(%scan3A_1944 = %broadcast_in_dim3A_429, %scan3A_1945 = %broadcast_in_dim3A_429) -> (vector<16xf32>, vector<16xf32>)  : i32 {
      %add3A_1946 = vector.broadcast %scan3A_1943 : i32 to vector<16xi32>
      %add3A_1947 = arith.addi %add3A_427, %add3A_1946 : vector<16xi32>
      %gather3A = tpu.vector_load_idx %arg4[%add3A_1947] : memref<16384xf32, #tpu.memory_space<vmem>>[vector<16xi32>], vector<16xf32>,
      %gt3A = arith.cmpf ogt, %gather3A, %scan3A_1944 : vector<16xf32>
      %max3A = arith.maximumf %scan3A_1945, %gather3A : vector<16xf32>
      %select_n3A = arith.select %gt3A, %scan3A_1944, %max3A : vector<16xi1>, vector<16xf32>
      %max3A_1948 = arith.maximumf %scan3A_1944, %gather3A : vector<16xf32>
      scf.yield %max3A_1948, %select_n3A : vector<16xf32>, vector<16xf32>
    }
    %scan3A_435 = arith.constant 64 : i32
    %sub3A_436 = arith.subf %scan3A_434#1, %scan3A_434#0 : vector<16xf32>
    %exp3A_437 = math.exp %sub3A_436 : vector<16xf32>
    %add3A_438 = arith.constant 1.000000e+00 : f32
    %add3A_439 = vector.broadcast %add3A_438 : f32 to vector<16xf32>
    %add3A_440 = arith.addf %add3A_439, %exp3A_437 : vector<16xf32>
    %div3A_441 = arith.constant 1.000000e+00 : f32
    %div3A_442 = vector.broadcast %div3A_441 : f32 to vector<16xf32>
    %div3A_443 = arith.divf %div3A_442, %add3A_440 : vector<16xf32>
    %sub3A_444 = arith.constant 1.000000e+00 : f32
    %sub3A_445 = vector.broadcast %sub3A_444 : f32 to vector<16xf32>
    %sub3A_446 = arith.subf %sub3A_445, %div3A_443 : vector<16xf32>
    %broadcast_in_dim3A_447 = arith.constant 0.000000e+00 : f32
    %broadcast_in_dim3A_448 = vector.broadcast %broadcast_in_dim3A_447 : f32 to vector<16xf32>
    %scan3A_449 = arith.constant 0 : i32
    %scan3A_450 = arith.constant 0 : i32
    %scan3A_451 = arith.constant 64 : i32
    %scan3A_452 = arith.addi %scan3A_450, %scan3A_451 : i32
    %scan3A_453 = arith.constant 1 : i32
    scf.for %scan3A_1943 = %scan3A_450 to %scan3A_452 step %scan3A_453  : i32 {
      %add3A_1944 = vector.broadcast %scan3A_1943 : i32 to vector<16xi32>
      %add3A_1945 = arith.addi %add3A_427, %add3A_1944 : vector<16xi32>
      %gather3A = tpu.vector_load_idx %arg4[%add3A_1945] : memref<16384xf32, #tpu.memory_space<vmem>>[vector<16xi32>], vector<16xf32>,
      %eq3A = arith.cmpf oeq, %gather3A, %scan3A_434#0 : vector<16xf32>
      %eq3A_1946 = arith.cmpf oeq, %gather3A, %scan3A_434#1 : vector<16xf32>
      %select_n3A = arith.select %eq3A_1946, %sub3A_446, %broadcast_in_dim3A_448 : vector<16xi1>, vector<16xf32>
      %select_n3A_1947 = arith.select %eq3A, %div3A_443, %select_n3A : vector<16xi1>, vector<16xf32>
      %add3A_1948 = vector.broadcast %scan3A_1943 : i32 to vector<16xi32>
      %add3A_1949 = arith.addi %add3A_427, %add3A_1948 : vector<16xi32>
      tpu.vector_store_idx %arg5[%add3A_1949], %select_n3A_1947 : memref<16384xf32, #tpu.memory_space<vmem>>[vector<16xi32>], vector<16xf32>,
    }
    %scan3A_454 = arith.constant 64 : i32
    %add3A_455 = arith.constant 15360 : i32
    %add3A_456 = vector.broadcast %add3A_455 : i32 to vector<16xi32>
    %add3A_457 = arith.addi %mul3A_3, %add3A_456 : vector<16xi32>
    %broadcast_in_dim3A_458 = arith.constant 0xFF800000 : f32
    %broadcast_in_dim3A_459 = vector.broadcast %broadcast_in_dim3A_458 : f32 to vector<16xf32>
    %scan3A_460 = arith.constant 0 : i32
    %scan3A_461 = arith.constant 64 : i32
    %scan3A_462 = arith.addi %scan3A_460, %scan3A_461 : i32
    %scan3A_463 = arith.constant 1 : i32
    %scan3A_464:2 = scf.for %scan3A_1943 = %scan3A_460 to %scan3A_462 step %scan3A_463 iter_args(%scan3A_1944 = %broadcast_in_dim3A_459, %scan3A_1945 = %broadcast_in_dim3A_459) -> (vector<16xf32>, vector<16xf32>)  : i32 {
      %add3A_1946 = vector.broadcast %scan3A_1943 : i32 to vector<16xi32>
      %add3A_1947 = arith.addi %add3A_457, %add3A_1946 : vector<16xi32>
      %gather3A = tpu.vector_load_idx %arg4[%add3A_1947] : memref<16384xf32, #tpu.memory_space<vmem>>[vector<16xi32>], vector<16xf32>,
      %gt3A = arith.cmpf ogt, %gather3A, %scan3A_1944 : vector<16xf32>
      %max3A = arith.maximumf %scan3A_1945, %gather3A : vector<16xf32>
      %select_n3A = arith.select %gt3A, %scan3A_1944, %max3A : vector<16xi1>, vector<16xf32>
      %max3A_1948 = arith.maximumf %scan3A_1944, %gather3A : vector<16xf32>
      scf.yield %max3A_1948, %select_n3A : vector<16xf32>, vector<16xf32>
    }
    %scan3A_465 = arith.constant 64 : i32
    %sub3A_466 = arith.subf %scan3A_464#1, %scan3A_464#0 : vector<16xf32>
    %exp3A_467 = math.exp %sub3A_466 : vector<16xf32>
    %add3A_468 = arith.constant 1.000000e+00 : f32
    %add3A_469 = vector.broadcast %add3A_468 : f32 to vector<16xf32>
    %add3A_470 = arith.addf %add3A_469, %exp3A_467 : vector<16xf32>
    %div3A_471 = arith.constant 1.000000e+00 : f32
    %div3A_472 = vector.broadcast %div3A_471 : f32 to vector<16xf32>
    %div3A_473 = arith.divf %div3A_472, %add3A_470 : vector<16xf32>
    %sub3A_474 = arith.constant 1.000000e+00 : f32
    %sub3A_475 = vector.broadcast %sub3A_474 : f32 to vector<16xf32>
    %sub3A_476 = arith.subf %sub3A_475, %div3A_473 : vector<16xf32>
    %broadcast_in_dim3A_477 = arith.constant 0.000000e+00 : f32
    %broadcast_in_dim3A_478 = vector.broadcast %broadcast_in_dim3A_477 : f32 to vector<16xf32>
    %scan3A_479 = arith.constant 0 : i32
    %scan3A_480 = arith.constant 0 : i32
    %scan3A_481 = arith.constant 64 : i32
    %scan3A_482 = arith.addi %scan3A_480, %scan3A_481 : i32
    %scan3A_483 = arith.constant 1 : i32
    scf.for %scan3A_1943 = %scan3A_480 to %scan3A_482 step %scan3A_483  : i32 {
      %add3A_1944 = vector.broadcast %scan3A_1943 : i32 to vector<16xi32>
      %add3A_1945 = arith.addi %add3A_457, %add3A_1944 : vector<16xi32>
      %gather3A = tpu.vector_load_idx %arg4[%add3A_1945] : memref<16384xf32, #tpu.memory_space<vmem>>[vector<16xi32>], vector<16xf32>,
      %eq3A = arith.cmpf oeq, %gather3A, %scan3A_464#0 : vector<16xf32>
      %eq3A_1946 = arith.cmpf oeq, %gather3A, %scan3A_464#1 : vector<16xf32>
      %select_n3A = arith.select %eq3A_1946, %sub3A_476, %broadcast_in_dim3A_478 : vector<16xi1>, vector<16xf32>
      %select_n3A_1947 = arith.select %eq3A, %div3A_473, %select_n3A : vector<16xi1>, vector<16xf32>
      %add3A_1948 = vector.broadcast %scan3A_1943 : i32 to vector<16xi32>
      %add3A_1949 = arith.addi %add3A_457, %add3A_1948 : vector<16xi32>
      tpu.vector_store_idx %arg5[%add3A_1949], %select_n3A_1947 : memref<16384xf32, #tpu.memory_space<vmem>>[vector<16xi32>], vector<16xf32>,
    }
    %scan3A_484 = arith.constant 64 : i32
    "tpu.region"() ({
      %run_scoped3A = tpu.sem_alloc : memref<!tpu.dma_semaphore, #tpu.memory_space<semaphore_mem>>
      %dma_start3A = tpu.memref_slice %arg3[%mul3A_9] : memref<2097152xf32, #tpu.memory_space<hbm>> -> memref<16384xf32, #tpu.memory_space<hbm>>
      %dma_start3A_1943 = tpu.memref_slice %arg3[%mul3A_9] : memref<2097152xf32, #tpu.memory_space<hbm>> -> memref<16384xf32, #tpu.memory_space<hbm>>
      tpu.enqueue_dma source(%arg5 : memref<16384xf32, #tpu.memory_space<vmem>>) target(%dma_start3A_1943 : memref<16384xf32, #tpu.memory_space<hbm>>) target_semaphore(%run_scoped3A : memref<!tpu.dma_semaphore, #tpu.memory_space<semaphore_mem>>)
      %dma_wait3A = tpu.memref_slice %arg3[%mul3A_9] : memref<2097152xf32, #tpu.memory_space<hbm>> -> memref<16384xf32, #tpu.memory_space<hbm>>
      %dma_wait3A_1944 = tpu.memref_slice %arg3[%mul3A_9] : memref<2097152xf32, #tpu.memory_space<hbm>> -> memref<16384xf32, #tpu.memory_space<hbm>>
      tpu.wait_dma2 semaphore(%run_scoped3A : memref<!tpu.dma_semaphore, #tpu.memory_space<semaphore_mem>>) src(%arg5 : memref<16384xf32, #tpu.memory_space<vmem>>) dst(%dma_wait3A_1944 : memref<16384xf32, #tpu.memory_space<hbm>>)
      tpu.yield
    }) : () -> ()
    %mul3A_485 = arith.constant 1024 : i32
    %mul3A_486 = arith.muli %add3A, %mul3A_485 : i32
    %add3A_487 = arith.constant 256 : i32
    %add3A_488 = arith.addi %mul3A_486, %add3A_487 : i32
    %mul3A_489 = arith.constant 64 : i32
    %mul3A_490 = arith.muli %add3A_488, %mul3A_489 : i32
    "tpu.region"() ({
      %run_scoped3A = tpu.sem_alloc : memref<!tpu.dma_semaphore, #tpu.memory_space<semaphore_mem>>
      %dma_start3A = tpu.memref_slice %arg2[%mul3A_490] : memref<2097152xf32, #tpu.memory_space<hbm>> -> memref<16384xf32, #tpu.memory_space<hbm>>
      %dma_start3A_1943 = tpu.memref_slice %arg2[%mul3A_490] : memref<2097152xf32, #tpu.memory_space<hbm>> -> memref<16384xf32, #tpu.memory_space<hbm>>
      tpu.enqueue_dma source(%dma_start3A_1943 : memref<16384xf32, #tpu.memory_space<hbm>>) target(%arg4 : memref<16384xf32, #tpu.memory_space<vmem>>) target_semaphore(%run_scoped3A : memref<!tpu.dma_semaphore, #tpu.memory_space<semaphore_mem>>)
      %dma_wait3A = tpu.memref_slice %arg2[%mul3A_490] : memref<2097152xf32, #tpu.memory_space<hbm>> -> memref<16384xf32, #tpu.memory_space<hbm>>
      %dma_wait3A_1944 = tpu.memref_slice %arg2[%mul3A_490] : memref<2097152xf32, #tpu.memory_space<hbm>> -> memref<16384xf32, #tpu.memory_space<hbm>>
      tpu.wait_dma2 semaphore(%run_scoped3A : memref<!tpu.dma_semaphore, #tpu.memory_space<semaphore_mem>>) src(%dma_wait3A_1944 : memref<16384xf32, #tpu.memory_space<hbm>>) dst(%arg4 : memref<16384xf32, #tpu.memory_space<vmem>>)
      tpu.yield
    }) : () -> ()
    %add3A_491 = arith.constant 0 : i32
    %add3A_492 = vector.broadcast %add3A_491 : i32 to vector<16xi32>
    %add3A_493 = arith.addi %mul3A_3, %add3A_492 : vector<16xi32>
    %broadcast_in_dim3A_494 = arith.constant 0xFF800000 : f32
    %broadcast_in_dim3A_495 = vector.broadcast %broadcast_in_dim3A_494 : f32 to vector<16xf32>
    %scan3A_496 = arith.constant 0 : i32
    %scan3A_497 = arith.constant 64 : i32
    %scan3A_498 = arith.addi %scan3A_496, %scan3A_497 : i32
    %scan3A_499 = arith.constant 1 : i32
    %scan3A_500:2 = scf.for %scan3A_1943 = %scan3A_496 to %scan3A_498 step %scan3A_499 iter_args(%scan3A_1944 = %broadcast_in_dim3A_495, %scan3A_1945 = %broadcast_in_dim3A_495) -> (vector<16xf32>, vector<16xf32>)  : i32 {
      %add3A_1946 = vector.broadcast %scan3A_1943 : i32 to vector<16xi32>
      %add3A_1947 = arith.addi %add3A_493, %add3A_1946 : vector<16xi32>
      %gather3A = tpu.vector_load_idx %arg4[%add3A_1947] : memref<16384xf32, #tpu.memory_space<vmem>>[vector<16xi32>], vector<16xf32>,
      %gt3A = arith.cmpf ogt, %gather3A, %scan3A_1944 : vector<16xf32>
      %max3A = arith.maximumf %scan3A_1945, %gather3A : vector<16xf32>
      %select_n3A = arith.select %gt3A, %scan3A_1944, %max3A : vector<16xi1>, vector<16xf32>
      %max3A_1948 = arith.maximumf %scan3A_1944, %gather3A : vector<16xf32>
      scf.yield %max3A_1948, %select_n3A : vector<16xf32>, vector<16xf32>
    }
    %scan3A_501 = arith.constant 64 : i32
    %sub3A_502 = arith.subf %scan3A_500#1, %scan3A_500#0 : vector<16xf32>
    %exp3A_503 = math.exp %sub3A_502 : vector<16xf32>
    %add3A_504 = arith.constant 1.000000e+00 : f32
    %add3A_505 = vector.broadcast %add3A_504 : f32 to vector<16xf32>
    %add3A_506 = arith.addf %add3A_505, %exp3A_503 : vector<16xf32>
    %div3A_507 = arith.constant 1.000000e+00 : f32
    %div3A_508 = vector.broadcast %div3A_507 : f32 to vector<16xf32>
    %div3A_509 = arith.divf %div3A_508, %add3A_506 : vector<16xf32>
    %sub3A_510 = arith.constant 1.000000e+00 : f32
    %sub3A_511 = vector.broadcast %sub3A_510 : f32 to vector<16xf32>
    %sub3A_512 = arith.subf %sub3A_511, %div3A_509 : vector<16xf32>
    %broadcast_in_dim3A_513 = arith.constant 0.000000e+00 : f32
    %broadcast_in_dim3A_514 = vector.broadcast %broadcast_in_dim3A_513 : f32 to vector<16xf32>
    %scan3A_515 = arith.constant 0 : i32
    %scan3A_516 = arith.constant 0 : i32
    %scan3A_517 = arith.constant 64 : i32
    %scan3A_518 = arith.addi %scan3A_516, %scan3A_517 : i32
    %scan3A_519 = arith.constant 1 : i32
    scf.for %scan3A_1943 = %scan3A_516 to %scan3A_518 step %scan3A_519  : i32 {
      %add3A_1944 = vector.broadcast %scan3A_1943 : i32 to vector<16xi32>
      %add3A_1945 = arith.addi %add3A_493, %add3A_1944 : vector<16xi32>
      %gather3A = tpu.vector_load_idx %arg4[%add3A_1945] : memref<16384xf32, #tpu.memory_space<vmem>>[vector<16xi32>], vector<16xf32>,
      %eq3A = arith.cmpf oeq, %gather3A, %scan3A_500#0 : vector<16xf32>
      %eq3A_1946 = arith.cmpf oeq, %gather3A, %scan3A_500#1 : vector<16xf32>
      %select_n3A = arith.select %eq3A_1946, %sub3A_512, %broadcast_in_dim3A_514 : vector<16xi1>, vector<16xf32>
      %select_n3A_1947 = arith.select %eq3A, %div3A_509, %select_n3A : vector<16xi1>, vector<16xf32>
      %add3A_1948 = vector.broadcast %scan3A_1943 : i32 to vector<16xi32>
      %add3A_1949 = arith.addi %add3A_493, %add3A_1948 : vector<16xi32>
      tpu.vector_store_idx %arg5[%add3A_1949], %select_n3A_1947 : memref<16384xf32, #tpu.memory_space<vmem>>[vector<16xi32>], vector<16xf32>,
    }
    %scan3A_520 = arith.constant 64 : i32
    %add3A_521 = arith.constant 1024 : i32
    %add3A_522 = vector.broadcast %add3A_521 : i32 to vector<16xi32>
    %add3A_523 = arith.addi %mul3A_3, %add3A_522 : vector<16xi32>
    %broadcast_in_dim3A_524 = arith.constant 0xFF800000 : f32
    %broadcast_in_dim3A_525 = vector.broadcast %broadcast_in_dim3A_524 : f32 to vector<16xf32>
    %scan3A_526 = arith.constant 0 : i32
    %scan3A_527 = arith.constant 64 : i32
    %scan3A_528 = arith.addi %scan3A_526, %scan3A_527 : i32
    %scan3A_529 = arith.constant 1 : i32
    %scan3A_530:2 = scf.for %scan3A_1943 = %scan3A_526 to %scan3A_528 step %scan3A_529 iter_args(%scan3A_1944 = %broadcast_in_dim3A_525, %scan3A_1945 = %broadcast_in_dim3A_525) -> (vector<16xf32>, vector<16xf32>)  : i32 {
      %add3A_1946 = vector.broadcast %scan3A_1943 : i32 to vector<16xi32>
      %add3A_1947 = arith.addi %add3A_523, %add3A_1946 : vector<16xi32>
      %gather3A = tpu.vector_load_idx %arg4[%add3A_1947] : memref<16384xf32, #tpu.memory_space<vmem>>[vector<16xi32>], vector<16xf32>,
      %gt3A = arith.cmpf ogt, %gather3A, %scan3A_1944 : vector<16xf32>
      %max3A = arith.maximumf %scan3A_1945, %gather3A : vector<16xf32>
      %select_n3A = arith.select %gt3A, %scan3A_1944, %max3A : vector<16xi1>, vector<16xf32>
      %max3A_1948 = arith.maximumf %scan3A_1944, %gather3A : vector<16xf32>
      scf.yield %max3A_1948, %select_n3A : vector<16xf32>, vector<16xf32>
    }
    %scan3A_531 = arith.constant 64 : i32
    %sub3A_532 = arith.subf %scan3A_530#1, %scan3A_530#0 : vector<16xf32>
    %exp3A_533 = math.exp %sub3A_532 : vector<16xf32>
    %add3A_534 = arith.constant 1.000000e+00 : f32
    %add3A_535 = vector.broadcast %add3A_534 : f32 to vector<16xf32>
    %add3A_536 = arith.addf %add3A_535, %exp3A_533 : vector<16xf32>
    %div3A_537 = arith.constant 1.000000e+00 : f32
    %div3A_538 = vector.broadcast %div3A_537 : f32 to vector<16xf32>
    %div3A_539 = arith.divf %div3A_538, %add3A_536 : vector<16xf32>
    %sub3A_540 = arith.constant 1.000000e+00 : f32
    %sub3A_541 = vector.broadcast %sub3A_540 : f32 to vector<16xf32>
    %sub3A_542 = arith.subf %sub3A_541, %div3A_539 : vector<16xf32>
    %broadcast_in_dim3A_543 = arith.constant 0.000000e+00 : f32
    %broadcast_in_dim3A_544 = vector.broadcast %broadcast_in_dim3A_543 : f32 to vector<16xf32>
    %scan3A_545 = arith.constant 0 : i32
    %scan3A_546 = arith.constant 0 : i32
    %scan3A_547 = arith.constant 64 : i32
    %scan3A_548 = arith.addi %scan3A_546, %scan3A_547 : i32
    %scan3A_549 = arith.constant 1 : i32
    scf.for %scan3A_1943 = %scan3A_546 to %scan3A_548 step %scan3A_549  : i32 {
      %add3A_1944 = vector.broadcast %scan3A_1943 : i32 to vector<16xi32>
      %add3A_1945 = arith.addi %add3A_523, %add3A_1944 : vector<16xi32>
      %gather3A = tpu.vector_load_idx %arg4[%add3A_1945] : memref<16384xf32, #tpu.memory_space<vmem>>[vector<16xi32>], vector<16xf32>,
      %eq3A = arith.cmpf oeq, %gather3A, %scan3A_530#0 : vector<16xf32>
      %eq3A_1946 = arith.cmpf oeq, %gather3A, %scan3A_530#1 : vector<16xf32>
      %select_n3A = arith.select %eq3A_1946, %sub3A_542, %broadcast_in_dim3A_544 : vector<16xi1>, vector<16xf32>
      %select_n3A_1947 = arith.select %eq3A, %div3A_539, %select_n3A : vector<16xi1>, vector<16xf32>
      %add3A_1948 = vector.broadcast %scan3A_1943 : i32 to vector<16xi32>
      %add3A_1949 = arith.addi %add3A_523, %add3A_1948 : vector<16xi32>
      tpu.vector_store_idx %arg5[%add3A_1949], %select_n3A_1947 : memref<16384xf32, #tpu.memory_space<vmem>>[vector<16xi32>], vector<16xf32>,
    }
    %scan3A_550 = arith.constant 64 : i32
    %add3A_551 = arith.constant 2048 : i32
    %add3A_552 = vector.broadcast %add3A_551 : i32 to vector<16xi32>
    %add3A_553 = arith.addi %mul3A_3, %add3A_552 : vector<16xi32>
    %broadcast_in_dim3A_554 = arith.constant 0xFF800000 : f32
    %broadcast_in_dim3A_555 = vector.broadcast %broadcast_in_dim3A_554 : f32 to vector<16xf32>
    %scan3A_556 = arith.constant 0 : i32
    %scan3A_557 = arith.constant 64 : i32
    %scan3A_558 = arith.addi %scan3A_556, %scan3A_557 : i32
    %scan3A_559 = arith.constant 1 : i32
    %scan3A_560:2 = scf.for %scan3A_1943 = %scan3A_556 to %scan3A_558 step %scan3A_559 iter_args(%scan3A_1944 = %broadcast_in_dim3A_555, %scan3A_1945 = %broadcast_in_dim3A_555) -> (vector<16xf32>, vector<16xf32>)  : i32 {
      %add3A_1946 = vector.broadcast %scan3A_1943 : i32 to vector<16xi32>
      %add3A_1947 = arith.addi %add3A_553, %add3A_1946 : vector<16xi32>
      %gather3A = tpu.vector_load_idx %arg4[%add3A_1947] : memref<16384xf32, #tpu.memory_space<vmem>>[vector<16xi32>], vector<16xf32>,
      %gt3A = arith.cmpf ogt, %gather3A, %scan3A_1944 : vector<16xf32>
      %max3A = arith.maximumf %scan3A_1945, %gather3A : vector<16xf32>
      %select_n3A = arith.select %gt3A, %scan3A_1944, %max3A : vector<16xi1>, vector<16xf32>
      %max3A_1948 = arith.maximumf %scan3A_1944, %gather3A : vector<16xf32>
      scf.yield %max3A_1948, %select_n3A : vector<16xf32>, vector<16xf32>
    }
    %scan3A_561 = arith.constant 64 : i32
    %sub3A_562 = arith.subf %scan3A_560#1, %scan3A_560#0 : vector<16xf32>
    %exp3A_563 = math.exp %sub3A_562 : vector<16xf32>
    %add3A_564 = arith.constant 1.000000e+00 : f32
    %add3A_565 = vector.broadcast %add3A_564 : f32 to vector<16xf32>
    %add3A_566 = arith.addf %add3A_565, %exp3A_563 : vector<16xf32>
    %div3A_567 = arith.constant 1.000000e+00 : f32
    %div3A_568 = vector.broadcast %div3A_567 : f32 to vector<16xf32>
    %div3A_569 = arith.divf %div3A_568, %add3A_566 : vector<16xf32>
    %sub3A_570 = arith.constant 1.000000e+00 : f32
    %sub3A_571 = vector.broadcast %sub3A_570 : f32 to vector<16xf32>
    %sub3A_572 = arith.subf %sub3A_571, %div3A_569 : vector<16xf32>
    %broadcast_in_dim3A_573 = arith.constant 0.000000e+00 : f32
    %broadcast_in_dim3A_574 = vector.broadcast %broadcast_in_dim3A_573 : f32 to vector<16xf32>
    %scan3A_575 = arith.constant 0 : i32
    %scan3A_576 = arith.constant 0 : i32
    %scan3A_577 = arith.constant 64 : i32
    %scan3A_578 = arith.addi %scan3A_576, %scan3A_577 : i32
    %scan3A_579 = arith.constant 1 : i32
    scf.for %scan3A_1943 = %scan3A_576 to %scan3A_578 step %scan3A_579  : i32 {
      %add3A_1944 = vector.broadcast %scan3A_1943 : i32 to vector<16xi32>
      %add3A_1945 = arith.addi %add3A_553, %add3A_1944 : vector<16xi32>
      %gather3A = tpu.vector_load_idx %arg4[%add3A_1945] : memref<16384xf32, #tpu.memory_space<vmem>>[vector<16xi32>], vector<16xf32>,
      %eq3A = arith.cmpf oeq, %gather3A, %scan3A_560#0 : vector<16xf32>
      %eq3A_1946 = arith.cmpf oeq, %gather3A, %scan3A_560#1 : vector<16xf32>
      %select_n3A = arith.select %eq3A_1946, %sub3A_572, %broadcast_in_dim3A_574 : vector<16xi1>, vector<16xf32>
      %select_n3A_1947 = arith.select %eq3A, %div3A_569, %select_n3A : vector<16xi1>, vector<16xf32>
      %add3A_1948 = vector.broadcast %scan3A_1943 : i32 to vector<16xi32>
      %add3A_1949 = arith.addi %add3A_553, %add3A_1948 : vector<16xi32>
      tpu.vector_store_idx %arg5[%add3A_1949], %select_n3A_1947 : memref<16384xf32, #tpu.memory_space<vmem>>[vector<16xi32>], vector<16xf32>,
    }
    %scan3A_580 = arith.constant 64 : i32
    %add3A_581 = arith.constant 3072 : i32
    %add3A_582 = vector.broadcast %add3A_581 : i32 to vector<16xi32>
    %add3A_583 = arith.addi %mul3A_3, %add3A_582 : vector<16xi32>
    %broadcast_in_dim3A_584 = arith.constant 0xFF800000 : f32
    %broadcast_in_dim3A_585 = vector.broadcast %broadcast_in_dim3A_584 : f32 to vector<16xf32>
    %scan3A_586 = arith.constant 0 : i32
    %scan3A_587 = arith.constant 64 : i32
    %scan3A_588 = arith.addi %scan3A_586, %scan3A_587 : i32
    %scan3A_589 = arith.constant 1 : i32
    %scan3A_590:2 = scf.for %scan3A_1943 = %scan3A_586 to %scan3A_588 step %scan3A_589 iter_args(%scan3A_1944 = %broadcast_in_dim3A_585, %scan3A_1945 = %broadcast_in_dim3A_585) -> (vector<16xf32>, vector<16xf32>)  : i32 {
      %add3A_1946 = vector.broadcast %scan3A_1943 : i32 to vector<16xi32>
      %add3A_1947 = arith.addi %add3A_583, %add3A_1946 : vector<16xi32>
      %gather3A = tpu.vector_load_idx %arg4[%add3A_1947] : memref<16384xf32, #tpu.memory_space<vmem>>[vector<16xi32>], vector<16xf32>,
      %gt3A = arith.cmpf ogt, %gather3A, %scan3A_1944 : vector<16xf32>
      %max3A = arith.maximumf %scan3A_1945, %gather3A : vector<16xf32>
      %select_n3A = arith.select %gt3A, %scan3A_1944, %max3A : vector<16xi1>, vector<16xf32>
      %max3A_1948 = arith.maximumf %scan3A_1944, %gather3A : vector<16xf32>
      scf.yield %max3A_1948, %select_n3A : vector<16xf32>, vector<16xf32>
    }
    %scan3A_591 = arith.constant 64 : i32
    %sub3A_592 = arith.subf %scan3A_590#1, %scan3A_590#0 : vector<16xf32>
    %exp3A_593 = math.exp %sub3A_592 : vector<16xf32>
    %add3A_594 = arith.constant 1.000000e+00 : f32
    %add3A_595 = vector.broadcast %add3A_594 : f32 to vector<16xf32>
    %add3A_596 = arith.addf %add3A_595, %exp3A_593 : vector<16xf32>
    %div3A_597 = arith.constant 1.000000e+00 : f32
    %div3A_598 = vector.broadcast %div3A_597 : f32 to vector<16xf32>
    %div3A_599 = arith.divf %div3A_598, %add3A_596 : vector<16xf32>
    %sub3A_600 = arith.constant 1.000000e+00 : f32
    %sub3A_601 = vector.broadcast %sub3A_600 : f32 to vector<16xf32>
    %sub3A_602 = arith.subf %sub3A_601, %div3A_599 : vector<16xf32>
    %broadcast_in_dim3A_603 = arith.constant 0.000000e+00 : f32
    %broadcast_in_dim3A_604 = vector.broadcast %broadcast_in_dim3A_603 : f32 to vector<16xf32>
    %scan3A_605 = arith.constant 0 : i32
    %scan3A_606 = arith.constant 0 : i32
    %scan3A_607 = arith.constant 64 : i32
    %scan3A_608 = arith.addi %scan3A_606, %scan3A_607 : i32
    %scan3A_609 = arith.constant 1 : i32
    scf.for %scan3A_1943 = %scan3A_606 to %scan3A_608 step %scan3A_609  : i32 {
      %add3A_1944 = vector.broadcast %scan3A_1943 : i32 to vector<16xi32>
      %add3A_1945 = arith.addi %add3A_583, %add3A_1944 : vector<16xi32>
      %gather3A = tpu.vector_load_idx %arg4[%add3A_1945] : memref<16384xf32, #tpu.memory_space<vmem>>[vector<16xi32>], vector<16xf32>,
      %eq3A = arith.cmpf oeq, %gather3A, %scan3A_590#0 : vector<16xf32>
      %eq3A_1946 = arith.cmpf oeq, %gather3A, %scan3A_590#1 : vector<16xf32>
      %select_n3A = arith.select %eq3A_1946, %sub3A_602, %broadcast_in_dim3A_604 : vector<16xi1>, vector<16xf32>
      %select_n3A_1947 = arith.select %eq3A, %div3A_599, %select_n3A : vector<16xi1>, vector<16xf32>
      %add3A_1948 = vector.broadcast %scan3A_1943 : i32 to vector<16xi32>
      %add3A_1949 = arith.addi %add3A_583, %add3A_1948 : vector<16xi32>
      tpu.vector_store_idx %arg5[%add3A_1949], %select_n3A_1947 : memref<16384xf32, #tpu.memory_space<vmem>>[vector<16xi32>], vector<16xf32>,
    }
    %scan3A_610 = arith.constant 64 : i32
    %add3A_611 = arith.constant 4096 : i32
    %add3A_612 = vector.broadcast %add3A_611 : i32 to vector<16xi32>
    %add3A_613 = arith.addi %mul3A_3, %add3A_612 : vector<16xi32>
    %broadcast_in_dim3A_614 = arith.constant 0xFF800000 : f32
    %broadcast_in_dim3A_615 = vector.broadcast %broadcast_in_dim3A_614 : f32 to vector<16xf32>
    %scan3A_616 = arith.constant 0 : i32
    %scan3A_617 = arith.constant 64 : i32
    %scan3A_618 = arith.addi %scan3A_616, %scan3A_617 : i32
    %scan3A_619 = arith.constant 1 : i32
    %scan3A_620:2 = scf.for %scan3A_1943 = %scan3A_616 to %scan3A_618 step %scan3A_619 iter_args(%scan3A_1944 = %broadcast_in_dim3A_615, %scan3A_1945 = %broadcast_in_dim3A_615) -> (vector<16xf32>, vector<16xf32>)  : i32 {
      %add3A_1946 = vector.broadcast %scan3A_1943 : i32 to vector<16xi32>
      %add3A_1947 = arith.addi %add3A_613, %add3A_1946 : vector<16xi32>
      %gather3A = tpu.vector_load_idx %arg4[%add3A_1947] : memref<16384xf32, #tpu.memory_space<vmem>>[vector<16xi32>], vector<16xf32>,
      %gt3A = arith.cmpf ogt, %gather3A, %scan3A_1944 : vector<16xf32>
      %max3A = arith.maximumf %scan3A_1945, %gather3A : vector<16xf32>
      %select_n3A = arith.select %gt3A, %scan3A_1944, %max3A : vector<16xi1>, vector<16xf32>
      %max3A_1948 = arith.maximumf %scan3A_1944, %gather3A : vector<16xf32>
      scf.yield %max3A_1948, %select_n3A : vector<16xf32>, vector<16xf32>
    }
    %scan3A_621 = arith.constant 64 : i32
    %sub3A_622 = arith.subf %scan3A_620#1, %scan3A_620#0 : vector<16xf32>
    %exp3A_623 = math.exp %sub3A_622 : vector<16xf32>
    %add3A_624 = arith.constant 1.000000e+00 : f32
    %add3A_625 = vector.broadcast %add3A_624 : f32 to vector<16xf32>
    %add3A_626 = arith.addf %add3A_625, %exp3A_623 : vector<16xf32>
    %div3A_627 = arith.constant 1.000000e+00 : f32
    %div3A_628 = vector.broadcast %div3A_627 : f32 to vector<16xf32>
    %div3A_629 = arith.divf %div3A_628, %add3A_626 : vector<16xf32>
    %sub3A_630 = arith.constant 1.000000e+00 : f32
    %sub3A_631 = vector.broadcast %sub3A_630 : f32 to vector<16xf32>
    %sub3A_632 = arith.subf %sub3A_631, %div3A_629 : vector<16xf32>
    %broadcast_in_dim3A_633 = arith.constant 0.000000e+00 : f32
    %broadcast_in_dim3A_634 = vector.broadcast %broadcast_in_dim3A_633 : f32 to vector<16xf32>
    %scan3A_635 = arith.constant 0 : i32
    %scan3A_636 = arith.constant 0 : i32
    %scan3A_637 = arith.constant 64 : i32
    %scan3A_638 = arith.addi %scan3A_636, %scan3A_637 : i32
    %scan3A_639 = arith.constant 1 : i32
    scf.for %scan3A_1943 = %scan3A_636 to %scan3A_638 step %scan3A_639  : i32 {
      %add3A_1944 = vector.broadcast %scan3A_1943 : i32 to vector<16xi32>
      %add3A_1945 = arith.addi %add3A_613, %add3A_1944 : vector<16xi32>
      %gather3A = tpu.vector_load_idx %arg4[%add3A_1945] : memref<16384xf32, #tpu.memory_space<vmem>>[vector<16xi32>], vector<16xf32>,
      %eq3A = arith.cmpf oeq, %gather3A, %scan3A_620#0 : vector<16xf32>
      %eq3A_1946 = arith.cmpf oeq, %gather3A, %scan3A_620#1 : vector<16xf32>
      %select_n3A = arith.select %eq3A_1946, %sub3A_632, %broadcast_in_dim3A_634 : vector<16xi1>, vector<16xf32>
      %select_n3A_1947 = arith.select %eq3A, %div3A_629, %select_n3A : vector<16xi1>, vector<16xf32>
      %add3A_1948 = vector.broadcast %scan3A_1943 : i32 to vector<16xi32>
      %add3A_1949 = arith.addi %add3A_613, %add3A_1948 : vector<16xi32>
      tpu.vector_store_idx %arg5[%add3A_1949], %select_n3A_1947 : memref<16384xf32, #tpu.memory_space<vmem>>[vector<16xi32>], vector<16xf32>,
    }
    %scan3A_640 = arith.constant 64 : i32
    %add3A_641 = arith.constant 5120 : i32
    %add3A_642 = vector.broadcast %add3A_641 : i32 to vector<16xi32>
    %add3A_643 = arith.addi %mul3A_3, %add3A_642 : vector<16xi32>
    %broadcast_in_dim3A_644 = arith.constant 0xFF800000 : f32
    %broadcast_in_dim3A_645 = vector.broadcast %broadcast_in_dim3A_644 : f32 to vector<16xf32>
    %scan3A_646 = arith.constant 0 : i32
    %scan3A_647 = arith.constant 64 : i32
    %scan3A_648 = arith.addi %scan3A_646, %scan3A_647 : i32
    %scan3A_649 = arith.constant 1 : i32
    %scan3A_650:2 = scf.for %scan3A_1943 = %scan3A_646 to %scan3A_648 step %scan3A_649 iter_args(%scan3A_1944 = %broadcast_in_dim3A_645, %scan3A_1945 = %broadcast_in_dim3A_645) -> (vector<16xf32>, vector<16xf32>)  : i32 {
      %add3A_1946 = vector.broadcast %scan3A_1943 : i32 to vector<16xi32>
      %add3A_1947 = arith.addi %add3A_643, %add3A_1946 : vector<16xi32>
      %gather3A = tpu.vector_load_idx %arg4[%add3A_1947] : memref<16384xf32, #tpu.memory_space<vmem>>[vector<16xi32>], vector<16xf32>,
      %gt3A = arith.cmpf ogt, %gather3A, %scan3A_1944 : vector<16xf32>
      %max3A = arith.maximumf %scan3A_1945, %gather3A : vector<16xf32>
      %select_n3A = arith.select %gt3A, %scan3A_1944, %max3A : vector<16xi1>, vector<16xf32>
      %max3A_1948 = arith.maximumf %scan3A_1944, %gather3A : vector<16xf32>
      scf.yield %max3A_1948, %select_n3A : vector<16xf32>, vector<16xf32>
    }
    %scan3A_651 = arith.constant 64 : i32
    %sub3A_652 = arith.subf %scan3A_650#1, %scan3A_650#0 : vector<16xf32>
    %exp3A_653 = math.exp %sub3A_652 : vector<16xf32>
    %add3A_654 = arith.constant 1.000000e+00 : f32
    %add3A_655 = vector.broadcast %add3A_654 : f32 to vector<16xf32>
    %add3A_656 = arith.addf %add3A_655, %exp3A_653 : vector<16xf32>
    %div3A_657 = arith.constant 1.000000e+00 : f32
    %div3A_658 = vector.broadcast %div3A_657 : f32 to vector<16xf32>
    %div3A_659 = arith.divf %div3A_658, %add3A_656 : vector<16xf32>
    %sub3A_660 = arith.constant 1.000000e+00 : f32
    %sub3A_661 = vector.broadcast %sub3A_660 : f32 to vector<16xf32>
    %sub3A_662 = arith.subf %sub3A_661, %div3A_659 : vector<16xf32>
    %broadcast_in_dim3A_663 = arith.constant 0.000000e+00 : f32
    %broadcast_in_dim3A_664 = vector.broadcast %broadcast_in_dim3A_663 : f32 to vector<16xf32>
    %scan3A_665 = arith.constant 0 : i32
    %scan3A_666 = arith.constant 0 : i32
    %scan3A_667 = arith.constant 64 : i32
    %scan3A_668 = arith.addi %scan3A_666, %scan3A_667 : i32
    %scan3A_669 = arith.constant 1 : i32
    scf.for %scan3A_1943 = %scan3A_666 to %scan3A_668 step %scan3A_669  : i32 {
      %add3A_1944 = vector.broadcast %scan3A_1943 : i32 to vector<16xi32>
      %add3A_1945 = arith.addi %add3A_643, %add3A_1944 : vector<16xi32>
      %gather3A = tpu.vector_load_idx %arg4[%add3A_1945] : memref<16384xf32, #tpu.memory_space<vmem>>[vector<16xi32>], vector<16xf32>,
      %eq3A = arith.cmpf oeq, %gather3A, %scan3A_650#0 : vector<16xf32>
      %eq3A_1946 = arith.cmpf oeq, %gather3A, %scan3A_650#1 : vector<16xf32>
      %select_n3A = arith.select %eq3A_1946, %sub3A_662, %broadcast_in_dim3A_664 : vector<16xi1>, vector<16xf32>
      %select_n3A_1947 = arith.select %eq3A, %div3A_659, %select_n3A : vector<16xi1>, vector<16xf32>
      %add3A_1948 = vector.broadcast %scan3A_1943 : i32 to vector<16xi32>
      %add3A_1949 = arith.addi %add3A_643, %add3A_1948 : vector<16xi32>
      tpu.vector_store_idx %arg5[%add3A_1949], %select_n3A_1947 : memref<16384xf32, #tpu.memory_space<vmem>>[vector<16xi32>], vector<16xf32>,
    }
    %scan3A_670 = arith.constant 64 : i32
    %add3A_671 = arith.constant 6144 : i32
    %add3A_672 = vector.broadcast %add3A_671 : i32 to vector<16xi32>
    %add3A_673 = arith.addi %mul3A_3, %add3A_672 : vector<16xi32>
    %broadcast_in_dim3A_674 = arith.constant 0xFF800000 : f32
    %broadcast_in_dim3A_675 = vector.broadcast %broadcast_in_dim3A_674 : f32 to vector<16xf32>
    %scan3A_676 = arith.constant 0 : i32
    %scan3A_677 = arith.constant 64 : i32
    %scan3A_678 = arith.addi %scan3A_676, %scan3A_677 : i32
    %scan3A_679 = arith.constant 1 : i32
    %scan3A_680:2 = scf.for %scan3A_1943 = %scan3A_676 to %scan3A_678 step %scan3A_679 iter_args(%scan3A_1944 = %broadcast_in_dim3A_675, %scan3A_1945 = %broadcast_in_dim3A_675) -> (vector<16xf32>, vector<16xf32>)  : i32 {
      %add3A_1946 = vector.broadcast %scan3A_1943 : i32 to vector<16xi32>
      %add3A_1947 = arith.addi %add3A_673, %add3A_1946 : vector<16xi32>
      %gather3A = tpu.vector_load_idx %arg4[%add3A_1947] : memref<16384xf32, #tpu.memory_space<vmem>>[vector<16xi32>], vector<16xf32>,
      %gt3A = arith.cmpf ogt, %gather3A, %scan3A_1944 : vector<16xf32>
      %max3A = arith.maximumf %scan3A_1945, %gather3A : vector<16xf32>
      %select_n3A = arith.select %gt3A, %scan3A_1944, %max3A : vector<16xi1>, vector<16xf32>
      %max3A_1948 = arith.maximumf %scan3A_1944, %gather3A : vector<16xf32>
      scf.yield %max3A_1948, %select_n3A : vector<16xf32>, vector<16xf32>
    }
    %scan3A_681 = arith.constant 64 : i32
    %sub3A_682 = arith.subf %scan3A_680#1, %scan3A_680#0 : vector<16xf32>
    %exp3A_683 = math.exp %sub3A_682 : vector<16xf32>
    %add3A_684 = arith.constant 1.000000e+00 : f32
    %add3A_685 = vector.broadcast %add3A_684 : f32 to vector<16xf32>
    %add3A_686 = arith.addf %add3A_685, %exp3A_683 : vector<16xf32>
    %div3A_687 = arith.constant 1.000000e+00 : f32
    %div3A_688 = vector.broadcast %div3A_687 : f32 to vector<16xf32>
    %div3A_689 = arith.divf %div3A_688, %add3A_686 : vector<16xf32>
    %sub3A_690 = arith.constant 1.000000e+00 : f32
    %sub3A_691 = vector.broadcast %sub3A_690 : f32 to vector<16xf32>
    %sub3A_692 = arith.subf %sub3A_691, %div3A_689 : vector<16xf32>
    %broadcast_in_dim3A_693 = arith.constant 0.000000e+00 : f32
    %broadcast_in_dim3A_694 = vector.broadcast %broadcast_in_dim3A_693 : f32 to vector<16xf32>
    %scan3A_695 = arith.constant 0 : i32
    %scan3A_696 = arith.constant 0 : i32
    %scan3A_697 = arith.constant 64 : i32
    %scan3A_698 = arith.addi %scan3A_696, %scan3A_697 : i32
    %scan3A_699 = arith.constant 1 : i32
    scf.for %scan3A_1943 = %scan3A_696 to %scan3A_698 step %scan3A_699  : i32 {
      %add3A_1944 = vector.broadcast %scan3A_1943 : i32 to vector<16xi32>
      %add3A_1945 = arith.addi %add3A_673, %add3A_1944 : vector<16xi32>
      %gather3A = tpu.vector_load_idx %arg4[%add3A_1945] : memref<16384xf32, #tpu.memory_space<vmem>>[vector<16xi32>], vector<16xf32>,
      %eq3A = arith.cmpf oeq, %gather3A, %scan3A_680#0 : vector<16xf32>
      %eq3A_1946 = arith.cmpf oeq, %gather3A, %scan3A_680#1 : vector<16xf32>
      %select_n3A = arith.select %eq3A_1946, %sub3A_692, %broadcast_in_dim3A_694 : vector<16xi1>, vector<16xf32>
      %select_n3A_1947 = arith.select %eq3A, %div3A_689, %select_n3A : vector<16xi1>, vector<16xf32>
      %add3A_1948 = vector.broadcast %scan3A_1943 : i32 to vector<16xi32>
      %add3A_1949 = arith.addi %add3A_673, %add3A_1948 : vector<16xi32>
      tpu.vector_store_idx %arg5[%add3A_1949], %select_n3A_1947 : memref<16384xf32, #tpu.memory_space<vmem>>[vector<16xi32>], vector<16xf32>,
    }
    %scan3A_700 = arith.constant 64 : i32
    %add3A_701 = arith.constant 7168 : i32
    %add3A_702 = vector.broadcast %add3A_701 : i32 to vector<16xi32>
    %add3A_703 = arith.addi %mul3A_3, %add3A_702 : vector<16xi32>
    %broadcast_in_dim3A_704 = arith.constant 0xFF800000 : f32
    %broadcast_in_dim3A_705 = vector.broadcast %broadcast_in_dim3A_704 : f32 to vector<16xf32>
    %scan3A_706 = arith.constant 0 : i32
    %scan3A_707 = arith.constant 64 : i32
    %scan3A_708 = arith.addi %scan3A_706, %scan3A_707 : i32
    %scan3A_709 = arith.constant 1 : i32
    %scan3A_710:2 = scf.for %scan3A_1943 = %scan3A_706 to %scan3A_708 step %scan3A_709 iter_args(%scan3A_1944 = %broadcast_in_dim3A_705, %scan3A_1945 = %broadcast_in_dim3A_705) -> (vector<16xf32>, vector<16xf32>)  : i32 {
      %add3A_1946 = vector.broadcast %scan3A_1943 : i32 to vector<16xi32>
      %add3A_1947 = arith.addi %add3A_703, %add3A_1946 : vector<16xi32>
      %gather3A = tpu.vector_load_idx %arg4[%add3A_1947] : memref<16384xf32, #tpu.memory_space<vmem>>[vector<16xi32>], vector<16xf32>,
      %gt3A = arith.cmpf ogt, %gather3A, %scan3A_1944 : vector<16xf32>
      %max3A = arith.maximumf %scan3A_1945, %gather3A : vector<16xf32>
      %select_n3A = arith.select %gt3A, %scan3A_1944, %max3A : vector<16xi1>, vector<16xf32>
      %max3A_1948 = arith.maximumf %scan3A_1944, %gather3A : vector<16xf32>
      scf.yield %max3A_1948, %select_n3A : vector<16xf32>, vector<16xf32>
    }
    %scan3A_711 = arith.constant 64 : i32
    %sub3A_712 = arith.subf %scan3A_710#1, %scan3A_710#0 : vector<16xf32>
    %exp3A_713 = math.exp %sub3A_712 : vector<16xf32>
    %add3A_714 = arith.constant 1.000000e+00 : f32
    %add3A_715 = vector.broadcast %add3A_714 : f32 to vector<16xf32>
    %add3A_716 = arith.addf %add3A_715, %exp3A_713 : vector<16xf32>
    %div3A_717 = arith.constant 1.000000e+00 : f32
    %div3A_718 = vector.broadcast %div3A_717 : f32 to vector<16xf32>
    %div3A_719 = arith.divf %div3A_718, %add3A_716 : vector<16xf32>
    %sub3A_720 = arith.constant 1.000000e+00 : f32
    %sub3A_721 = vector.broadcast %sub3A_720 : f32 to vector<16xf32>
    %sub3A_722 = arith.subf %sub3A_721, %div3A_719 : vector<16xf32>
    %broadcast_in_dim3A_723 = arith.constant 0.000000e+00 : f32
    %broadcast_in_dim3A_724 = vector.broadcast %broadcast_in_dim3A_723 : f32 to vector<16xf32>
    %scan3A_725 = arith.constant 0 : i32
    %scan3A_726 = arith.constant 0 : i32
    %scan3A_727 = arith.constant 64 : i32
    %scan3A_728 = arith.addi %scan3A_726, %scan3A_727 : i32
    %scan3A_729 = arith.constant 1 : i32
    scf.for %scan3A_1943 = %scan3A_726 to %scan3A_728 step %scan3A_729  : i32 {
      %add3A_1944 = vector.broadcast %scan3A_1943 : i32 to vector<16xi32>
      %add3A_1945 = arith.addi %add3A_703, %add3A_1944 : vector<16xi32>
      %gather3A = tpu.vector_load_idx %arg4[%add3A_1945] : memref<16384xf32, #tpu.memory_space<vmem>>[vector<16xi32>], vector<16xf32>,
      %eq3A = arith.cmpf oeq, %gather3A, %scan3A_710#0 : vector<16xf32>
      %eq3A_1946 = arith.cmpf oeq, %gather3A, %scan3A_710#1 : vector<16xf32>
      %select_n3A = arith.select %eq3A_1946, %sub3A_722, %broadcast_in_dim3A_724 : vector<16xi1>, vector<16xf32>
      %select_n3A_1947 = arith.select %eq3A, %div3A_719, %select_n3A : vector<16xi1>, vector<16xf32>
      %add3A_1948 = vector.broadcast %scan3A_1943 : i32 to vector<16xi32>
      %add3A_1949 = arith.addi %add3A_703, %add3A_1948 : vector<16xi32>
      tpu.vector_store_idx %arg5[%add3A_1949], %select_n3A_1947 : memref<16384xf32, #tpu.memory_space<vmem>>[vector<16xi32>], vector<16xf32>,
    }
    %scan3A_730 = arith.constant 64 : i32
    %add3A_731 = arith.constant 8192 : i32
    %add3A_732 = vector.broadcast %add3A_731 : i32 to vector<16xi32>
    %add3A_733 = arith.addi %mul3A_3, %add3A_732 : vector<16xi32>
    %broadcast_in_dim3A_734 = arith.constant 0xFF800000 : f32
    %broadcast_in_dim3A_735 = vector.broadcast %broadcast_in_dim3A_734 : f32 to vector<16xf32>
    %scan3A_736 = arith.constant 0 : i32
    %scan3A_737 = arith.constant 64 : i32
    %scan3A_738 = arith.addi %scan3A_736, %scan3A_737 : i32
    %scan3A_739 = arith.constant 1 : i32
    %scan3A_740:2 = scf.for %scan3A_1943 = %scan3A_736 to %scan3A_738 step %scan3A_739 iter_args(%scan3A_1944 = %broadcast_in_dim3A_735, %scan3A_1945 = %broadcast_in_dim3A_735) -> (vector<16xf32>, vector<16xf32>)  : i32 {
      %add3A_1946 = vector.broadcast %scan3A_1943 : i32 to vector<16xi32>
      %add3A_1947 = arith.addi %add3A_733, %add3A_1946 : vector<16xi32>
      %gather3A = tpu.vector_load_idx %arg4[%add3A_1947] : memref<16384xf32, #tpu.memory_space<vmem>>[vector<16xi32>], vector<16xf32>,
      %gt3A = arith.cmpf ogt, %gather3A, %scan3A_1944 : vector<16xf32>
      %max3A = arith.maximumf %scan3A_1945, %gather3A : vector<16xf32>
      %select_n3A = arith.select %gt3A, %scan3A_1944, %max3A : vector<16xi1>, vector<16xf32>
      %max3A_1948 = arith.maximumf %scan3A_1944, %gather3A : vector<16xf32>
      scf.yield %max3A_1948, %select_n3A : vector<16xf32>, vector<16xf32>
    }
    %scan3A_741 = arith.constant 64 : i32
    %sub3A_742 = arith.subf %scan3A_740#1, %scan3A_740#0 : vector<16xf32>
    %exp3A_743 = math.exp %sub3A_742 : vector<16xf32>
    %add3A_744 = arith.constant 1.000000e+00 : f32
    %add3A_745 = vector.broadcast %add3A_744 : f32 to vector<16xf32>
    %add3A_746 = arith.addf %add3A_745, %exp3A_743 : vector<16xf32>
    %div3A_747 = arith.constant 1.000000e+00 : f32
    %div3A_748 = vector.broadcast %div3A_747 : f32 to vector<16xf32>
    %div3A_749 = arith.divf %div3A_748, %add3A_746 : vector<16xf32>
    %sub3A_750 = arith.constant 1.000000e+00 : f32
    %sub3A_751 = vector.broadcast %sub3A_750 : f32 to vector<16xf32>
    %sub3A_752 = arith.subf %sub3A_751, %div3A_749 : vector<16xf32>
    %broadcast_in_dim3A_753 = arith.constant 0.000000e+00 : f32
    %broadcast_in_dim3A_754 = vector.broadcast %broadcast_in_dim3A_753 : f32 to vector<16xf32>
    %scan3A_755 = arith.constant 0 : i32
    %scan3A_756 = arith.constant 0 : i32
    %scan3A_757 = arith.constant 64 : i32
    %scan3A_758 = arith.addi %scan3A_756, %scan3A_757 : i32
    %scan3A_759 = arith.constant 1 : i32
    scf.for %scan3A_1943 = %scan3A_756 to %scan3A_758 step %scan3A_759  : i32 {
      %add3A_1944 = vector.broadcast %scan3A_1943 : i32 to vector<16xi32>
      %add3A_1945 = arith.addi %add3A_733, %add3A_1944 : vector<16xi32>
      %gather3A = tpu.vector_load_idx %arg4[%add3A_1945] : memref<16384xf32, #tpu.memory_space<vmem>>[vector<16xi32>], vector<16xf32>,
      %eq3A = arith.cmpf oeq, %gather3A, %scan3A_740#0 : vector<16xf32>
      %eq3A_1946 = arith.cmpf oeq, %gather3A, %scan3A_740#1 : vector<16xf32>
      %select_n3A = arith.select %eq3A_1946, %sub3A_752, %broadcast_in_dim3A_754 : vector<16xi1>, vector<16xf32>
      %select_n3A_1947 = arith.select %eq3A, %div3A_749, %select_n3A : vector<16xi1>, vector<16xf32>
      %add3A_1948 = vector.broadcast %scan3A_1943 : i32 to vector<16xi32>
      %add3A_1949 = arith.addi %add3A_733, %add3A_1948 : vector<16xi32>
      tpu.vector_store_idx %arg5[%add3A_1949], %select_n3A_1947 : memref<16384xf32, #tpu.memory_space<vmem>>[vector<16xi32>], vector<16xf32>,
    }
    %scan3A_760 = arith.constant 64 : i32
    %add3A_761 = arith.constant 9216 : i32
    %add3A_762 = vector.broadcast %add3A_761 : i32 to vector<16xi32>
    %add3A_763 = arith.addi %mul3A_3, %add3A_762 : vector<16xi32>
    %broadcast_in_dim3A_764 = arith.constant 0xFF800000 : f32
    %broadcast_in_dim3A_765 = vector.broadcast %broadcast_in_dim3A_764 : f32 to vector<16xf32>
    %scan3A_766 = arith.constant 0 : i32
    %scan3A_767 = arith.constant 64 : i32
    %scan3A_768 = arith.addi %scan3A_766, %scan3A_767 : i32
    %scan3A_769 = arith.constant 1 : i32
    %scan3A_770:2 = scf.for %scan3A_1943 = %scan3A_766 to %scan3A_768 step %scan3A_769 iter_args(%scan3A_1944 = %broadcast_in_dim3A_765, %scan3A_1945 = %broadcast_in_dim3A_765) -> (vector<16xf32>, vector<16xf32>)  : i32 {
      %add3A_1946 = vector.broadcast %scan3A_1943 : i32 to vector<16xi32>
      %add3A_1947 = arith.addi %add3A_763, %add3A_1946 : vector<16xi32>
      %gather3A = tpu.vector_load_idx %arg4[%add3A_1947] : memref<16384xf32, #tpu.memory_space<vmem>>[vector<16xi32>], vector<16xf32>,
      %gt3A = arith.cmpf ogt, %gather3A, %scan3A_1944 : vector<16xf32>
      %max3A = arith.maximumf %scan3A_1945, %gather3A : vector<16xf32>
      %select_n3A = arith.select %gt3A, %scan3A_1944, %max3A : vector<16xi1>, vector<16xf32>
      %max3A_1948 = arith.maximumf %scan3A_1944, %gather3A : vector<16xf32>
      scf.yield %max3A_1948, %select_n3A : vector<16xf32>, vector<16xf32>
    }
    %scan3A_771 = arith.constant 64 : i32
    %sub3A_772 = arith.subf %scan3A_770#1, %scan3A_770#0 : vector<16xf32>
    %exp3A_773 = math.exp %sub3A_772 : vector<16xf32>
    %add3A_774 = arith.constant 1.000000e+00 : f32
    %add3A_775 = vector.broadcast %add3A_774 : f32 to vector<16xf32>
    %add3A_776 = arith.addf %add3A_775, %exp3A_773 : vector<16xf32>
    %div3A_777 = arith.constant 1.000000e+00 : f32
    %div3A_778 = vector.broadcast %div3A_777 : f32 to vector<16xf32>
    %div3A_779 = arith.divf %div3A_778, %add3A_776 : vector<16xf32>
    %sub3A_780 = arith.constant 1.000000e+00 : f32
    %sub3A_781 = vector.broadcast %sub3A_780 : f32 to vector<16xf32>
    %sub3A_782 = arith.subf %sub3A_781, %div3A_779 : vector<16xf32>
    %broadcast_in_dim3A_783 = arith.constant 0.000000e+00 : f32
    %broadcast_in_dim3A_784 = vector.broadcast %broadcast_in_dim3A_783 : f32 to vector<16xf32>
    %scan3A_785 = arith.constant 0 : i32
    %scan3A_786 = arith.constant 0 : i32
    %scan3A_787 = arith.constant 64 : i32
    %scan3A_788 = arith.addi %scan3A_786, %scan3A_787 : i32
    %scan3A_789 = arith.constant 1 : i32
    scf.for %scan3A_1943 = %scan3A_786 to %scan3A_788 step %scan3A_789  : i32 {
      %add3A_1944 = vector.broadcast %scan3A_1943 : i32 to vector<16xi32>
      %add3A_1945 = arith.addi %add3A_763, %add3A_1944 : vector<16xi32>
      %gather3A = tpu.vector_load_idx %arg4[%add3A_1945] : memref<16384xf32, #tpu.memory_space<vmem>>[vector<16xi32>], vector<16xf32>,
      %eq3A = arith.cmpf oeq, %gather3A, %scan3A_770#0 : vector<16xf32>
      %eq3A_1946 = arith.cmpf oeq, %gather3A, %scan3A_770#1 : vector<16xf32>
      %select_n3A = arith.select %eq3A_1946, %sub3A_782, %broadcast_in_dim3A_784 : vector<16xi1>, vector<16xf32>
      %select_n3A_1947 = arith.select %eq3A, %div3A_779, %select_n3A : vector<16xi1>, vector<16xf32>
      %add3A_1948 = vector.broadcast %scan3A_1943 : i32 to vector<16xi32>
      %add3A_1949 = arith.addi %add3A_763, %add3A_1948 : vector<16xi32>
      tpu.vector_store_idx %arg5[%add3A_1949], %select_n3A_1947 : memref<16384xf32, #tpu.memory_space<vmem>>[vector<16xi32>], vector<16xf32>,
    }
    %scan3A_790 = arith.constant 64 : i32
    %add3A_791 = arith.constant 10240 : i32
    %add3A_792 = vector.broadcast %add3A_791 : i32 to vector<16xi32>
    %add3A_793 = arith.addi %mul3A_3, %add3A_792 : vector<16xi32>
    %broadcast_in_dim3A_794 = arith.constant 0xFF800000 : f32
    %broadcast_in_dim3A_795 = vector.broadcast %broadcast_in_dim3A_794 : f32 to vector<16xf32>
    %scan3A_796 = arith.constant 0 : i32
    %scan3A_797 = arith.constant 64 : i32
    %scan3A_798 = arith.addi %scan3A_796, %scan3A_797 : i32
    %scan3A_799 = arith.constant 1 : i32
    %scan3A_800:2 = scf.for %scan3A_1943 = %scan3A_796 to %scan3A_798 step %scan3A_799 iter_args(%scan3A_1944 = %broadcast_in_dim3A_795, %scan3A_1945 = %broadcast_in_dim3A_795) -> (vector<16xf32>, vector<16xf32>)  : i32 {
      %add3A_1946 = vector.broadcast %scan3A_1943 : i32 to vector<16xi32>
      %add3A_1947 = arith.addi %add3A_793, %add3A_1946 : vector<16xi32>
      %gather3A = tpu.vector_load_idx %arg4[%add3A_1947] : memref<16384xf32, #tpu.memory_space<vmem>>[vector<16xi32>], vector<16xf32>,
      %gt3A = arith.cmpf ogt, %gather3A, %scan3A_1944 : vector<16xf32>
      %max3A = arith.maximumf %scan3A_1945, %gather3A : vector<16xf32>
      %select_n3A = arith.select %gt3A, %scan3A_1944, %max3A : vector<16xi1>, vector<16xf32>
      %max3A_1948 = arith.maximumf %scan3A_1944, %gather3A : vector<16xf32>
      scf.yield %max3A_1948, %select_n3A : vector<16xf32>, vector<16xf32>
    }
    %scan3A_801 = arith.constant 64 : i32
    %sub3A_802 = arith.subf %scan3A_800#1, %scan3A_800#0 : vector<16xf32>
    %exp3A_803 = math.exp %sub3A_802 : vector<16xf32>
    %add3A_804 = arith.constant 1.000000e+00 : f32
    %add3A_805 = vector.broadcast %add3A_804 : f32 to vector<16xf32>
    %add3A_806 = arith.addf %add3A_805, %exp3A_803 : vector<16xf32>
    %div3A_807 = arith.constant 1.000000e+00 : f32
    %div3A_808 = vector.broadcast %div3A_807 : f32 to vector<16xf32>
    %div3A_809 = arith.divf %div3A_808, %add3A_806 : vector<16xf32>
    %sub3A_810 = arith.constant 1.000000e+00 : f32
    %sub3A_811 = vector.broadcast %sub3A_810 : f32 to vector<16xf32>
    %sub3A_812 = arith.subf %sub3A_811, %div3A_809 : vector<16xf32>
    %broadcast_in_dim3A_813 = arith.constant 0.000000e+00 : f32
    %broadcast_in_dim3A_814 = vector.broadcast %broadcast_in_dim3A_813 : f32 to vector<16xf32>
    %scan3A_815 = arith.constant 0 : i32
    %scan3A_816 = arith.constant 0 : i32
    %scan3A_817 = arith.constant 64 : i32
    %scan3A_818 = arith.addi %scan3A_816, %scan3A_817 : i32
    %scan3A_819 = arith.constant 1 : i32
    scf.for %scan3A_1943 = %scan3A_816 to %scan3A_818 step %scan3A_819  : i32 {
      %add3A_1944 = vector.broadcast %scan3A_1943 : i32 to vector<16xi32>
      %add3A_1945 = arith.addi %add3A_793, %add3A_1944 : vector<16xi32>
      %gather3A = tpu.vector_load_idx %arg4[%add3A_1945] : memref<16384xf32, #tpu.memory_space<vmem>>[vector<16xi32>], vector<16xf32>,
      %eq3A = arith.cmpf oeq, %gather3A, %scan3A_800#0 : vector<16xf32>
      %eq3A_1946 = arith.cmpf oeq, %gather3A, %scan3A_800#1 : vector<16xf32>
      %select_n3A = arith.select %eq3A_1946, %sub3A_812, %broadcast_in_dim3A_814 : vector<16xi1>, vector<16xf32>
      %select_n3A_1947 = arith.select %eq3A, %div3A_809, %select_n3A : vector<16xi1>, vector<16xf32>
      %add3A_1948 = vector.broadcast %scan3A_1943 : i32 to vector<16xi32>
      %add3A_1949 = arith.addi %add3A_793, %add3A_1948 : vector<16xi32>
      tpu.vector_store_idx %arg5[%add3A_1949], %select_n3A_1947 : memref<16384xf32, #tpu.memory_space<vmem>>[vector<16xi32>], vector<16xf32>,
    }
    %scan3A_820 = arith.constant 64 : i32
    %add3A_821 = arith.constant 11264 : i32
    %add3A_822 = vector.broadcast %add3A_821 : i32 to vector<16xi32>
    %add3A_823 = arith.addi %mul3A_3, %add3A_822 : vector<16xi32>
    %broadcast_in_dim3A_824 = arith.constant 0xFF800000 : f32
    %broadcast_in_dim3A_825 = vector.broadcast %broadcast_in_dim3A_824 : f32 to vector<16xf32>
    %scan3A_826 = arith.constant 0 : i32
    %scan3A_827 = arith.constant 64 : i32
    %scan3A_828 = arith.addi %scan3A_826, %scan3A_827 : i32
    %scan3A_829 = arith.constant 1 : i32
    %scan3A_830:2 = scf.for %scan3A_1943 = %scan3A_826 to %scan3A_828 step %scan3A_829 iter_args(%scan3A_1944 = %broadcast_in_dim3A_825, %scan3A_1945 = %broadcast_in_dim3A_825) -> (vector<16xf32>, vector<16xf32>)  : i32 {
      %add3A_1946 = vector.broadcast %scan3A_1943 : i32 to vector<16xi32>
      %add3A_1947 = arith.addi %add3A_823, %add3A_1946 : vector<16xi32>
      %gather3A = tpu.vector_load_idx %arg4[%add3A_1947] : memref<16384xf32, #tpu.memory_space<vmem>>[vector<16xi32>], vector<16xf32>,
      %gt3A = arith.cmpf ogt, %gather3A, %scan3A_1944 : vector<16xf32>
      %max3A = arith.maximumf %scan3A_1945, %gather3A : vector<16xf32>
      %select_n3A = arith.select %gt3A, %scan3A_1944, %max3A : vector<16xi1>, vector<16xf32>
      %max3A_1948 = arith.maximumf %scan3A_1944, %gather3A : vector<16xf32>
      scf.yield %max3A_1948, %select_n3A : vector<16xf32>, vector<16xf32>
    }
    %scan3A_831 = arith.constant 64 : i32
    %sub3A_832 = arith.subf %scan3A_830#1, %scan3A_830#0 : vector<16xf32>
    %exp3A_833 = math.exp %sub3A_832 : vector<16xf32>
    %add3A_834 = arith.constant 1.000000e+00 : f32
    %add3A_835 = vector.broadcast %add3A_834 : f32 to vector<16xf32>
    %add3A_836 = arith.addf %add3A_835, %exp3A_833 : vector<16xf32>
    %div3A_837 = arith.constant 1.000000e+00 : f32
    %div3A_838 = vector.broadcast %div3A_837 : f32 to vector<16xf32>
    %div3A_839 = arith.divf %div3A_838, %add3A_836 : vector<16xf32>
    %sub3A_840 = arith.constant 1.000000e+00 : f32
    %sub3A_841 = vector.broadcast %sub3A_840 : f32 to vector<16xf32>
    %sub3A_842 = arith.subf %sub3A_841, %div3A_839 : vector<16xf32>
    %broadcast_in_dim3A_843 = arith.constant 0.000000e+00 : f32
    %broadcast_in_dim3A_844 = vector.broadcast %broadcast_in_dim3A_843 : f32 to vector<16xf32>
    %scan3A_845 = arith.constant 0 : i32
    %scan3A_846 = arith.constant 0 : i32
    %scan3A_847 = arith.constant 64 : i32
    %scan3A_848 = arith.addi %scan3A_846, %scan3A_847 : i32
    %scan3A_849 = arith.constant 1 : i32
    scf.for %scan3A_1943 = %scan3A_846 to %scan3A_848 step %scan3A_849  : i32 {
      %add3A_1944 = vector.broadcast %scan3A_1943 : i32 to vector<16xi32>
      %add3A_1945 = arith.addi %add3A_823, %add3A_1944 : vector<16xi32>
      %gather3A = tpu.vector_load_idx %arg4[%add3A_1945] : memref<16384xf32, #tpu.memory_space<vmem>>[vector<16xi32>], vector<16xf32>,
      %eq3A = arith.cmpf oeq, %gather3A, %scan3A_830#0 : vector<16xf32>
      %eq3A_1946 = arith.cmpf oeq, %gather3A, %scan3A_830#1 : vector<16xf32>
      %select_n3A = arith.select %eq3A_1946, %sub3A_842, %broadcast_in_dim3A_844 : vector<16xi1>, vector<16xf32>
      %select_n3A_1947 = arith.select %eq3A, %div3A_839, %select_n3A : vector<16xi1>, vector<16xf32>
      %add3A_1948 = vector.broadcast %scan3A_1943 : i32 to vector<16xi32>
      %add3A_1949 = arith.addi %add3A_823, %add3A_1948 : vector<16xi32>
      tpu.vector_store_idx %arg5[%add3A_1949], %select_n3A_1947 : memref<16384xf32, #tpu.memory_space<vmem>>[vector<16xi32>], vector<16xf32>,
    }
    %scan3A_850 = arith.constant 64 : i32
    %add3A_851 = arith.constant 12288 : i32
    %add3A_852 = vector.broadcast %add3A_851 : i32 to vector<16xi32>
    %add3A_853 = arith.addi %mul3A_3, %add3A_852 : vector<16xi32>
    %broadcast_in_dim3A_854 = arith.constant 0xFF800000 : f32
    %broadcast_in_dim3A_855 = vector.broadcast %broadcast_in_dim3A_854 : f32 to vector<16xf32>
    %scan3A_856 = arith.constant 0 : i32
    %scan3A_857 = arith.constant 64 : i32
    %scan3A_858 = arith.addi %scan3A_856, %scan3A_857 : i32
    %scan3A_859 = arith.constant 1 : i32
    %scan3A_860:2 = scf.for %scan3A_1943 = %scan3A_856 to %scan3A_858 step %scan3A_859 iter_args(%scan3A_1944 = %broadcast_in_dim3A_855, %scan3A_1945 = %broadcast_in_dim3A_855) -> (vector<16xf32>, vector<16xf32>)  : i32 {
      %add3A_1946 = vector.broadcast %scan3A_1943 : i32 to vector<16xi32>
      %add3A_1947 = arith.addi %add3A_853, %add3A_1946 : vector<16xi32>
      %gather3A = tpu.vector_load_idx %arg4[%add3A_1947] : memref<16384xf32, #tpu.memory_space<vmem>>[vector<16xi32>], vector<16xf32>,
      %gt3A = arith.cmpf ogt, %gather3A, %scan3A_1944 : vector<16xf32>
      %max3A = arith.maximumf %scan3A_1945, %gather3A : vector<16xf32>
      %select_n3A = arith.select %gt3A, %scan3A_1944, %max3A : vector<16xi1>, vector<16xf32>
      %max3A_1948 = arith.maximumf %scan3A_1944, %gather3A : vector<16xf32>
      scf.yield %max3A_1948, %select_n3A : vector<16xf32>, vector<16xf32>
    }
    %scan3A_861 = arith.constant 64 : i32
    %sub3A_862 = arith.subf %scan3A_860#1, %scan3A_860#0 : vector<16xf32>
    %exp3A_863 = math.exp %sub3A_862 : vector<16xf32>
    %add3A_864 = arith.constant 1.000000e+00 : f32
    %add3A_865 = vector.broadcast %add3A_864 : f32 to vector<16xf32>
    %add3A_866 = arith.addf %add3A_865, %exp3A_863 : vector<16xf32>
    %div3A_867 = arith.constant 1.000000e+00 : f32
    %div3A_868 = vector.broadcast %div3A_867 : f32 to vector<16xf32>
    %div3A_869 = arith.divf %div3A_868, %add3A_866 : vector<16xf32>
    %sub3A_870 = arith.constant 1.000000e+00 : f32
    %sub3A_871 = vector.broadcast %sub3A_870 : f32 to vector<16xf32>
    %sub3A_872 = arith.subf %sub3A_871, %div3A_869 : vector<16xf32>
    %broadcast_in_dim3A_873 = arith.constant 0.000000e+00 : f32
    %broadcast_in_dim3A_874 = vector.broadcast %broadcast_in_dim3A_873 : f32 to vector<16xf32>
    %scan3A_875 = arith.constant 0 : i32
    %scan3A_876 = arith.constant 0 : i32
    %scan3A_877 = arith.constant 64 : i32
    %scan3A_878 = arith.addi %scan3A_876, %scan3A_877 : i32
    %scan3A_879 = arith.constant 1 : i32
    scf.for %scan3A_1943 = %scan3A_876 to %scan3A_878 step %scan3A_879  : i32 {
      %add3A_1944 = vector.broadcast %scan3A_1943 : i32 to vector<16xi32>
      %add3A_1945 = arith.addi %add3A_853, %add3A_1944 : vector<16xi32>
      %gather3A = tpu.vector_load_idx %arg4[%add3A_1945] : memref<16384xf32, #tpu.memory_space<vmem>>[vector<16xi32>], vector<16xf32>,
      %eq3A = arith.cmpf oeq, %gather3A, %scan3A_860#0 : vector<16xf32>
      %eq3A_1946 = arith.cmpf oeq, %gather3A, %scan3A_860#1 : vector<16xf32>
      %select_n3A = arith.select %eq3A_1946, %sub3A_872, %broadcast_in_dim3A_874 : vector<16xi1>, vector<16xf32>
      %select_n3A_1947 = arith.select %eq3A, %div3A_869, %select_n3A : vector<16xi1>, vector<16xf32>
      %add3A_1948 = vector.broadcast %scan3A_1943 : i32 to vector<16xi32>
      %add3A_1949 = arith.addi %add3A_853, %add3A_1948 : vector<16xi32>
      tpu.vector_store_idx %arg5[%add3A_1949], %select_n3A_1947 : memref<16384xf32, #tpu.memory_space<vmem>>[vector<16xi32>], vector<16xf32>,
    }
    %scan3A_880 = arith.constant 64 : i32
    %add3A_881 = arith.constant 13312 : i32
    %add3A_882 = vector.broadcast %add3A_881 : i32 to vector<16xi32>
    %add3A_883 = arith.addi %mul3A_3, %add3A_882 : vector<16xi32>
    %broadcast_in_dim3A_884 = arith.constant 0xFF800000 : f32
    %broadcast_in_dim3A_885 = vector.broadcast %broadcast_in_dim3A_884 : f32 to vector<16xf32>
    %scan3A_886 = arith.constant 0 : i32
    %scan3A_887 = arith.constant 64 : i32
    %scan3A_888 = arith.addi %scan3A_886, %scan3A_887 : i32
    %scan3A_889 = arith.constant 1 : i32
    %scan3A_890:2 = scf.for %scan3A_1943 = %scan3A_886 to %scan3A_888 step %scan3A_889 iter_args(%scan3A_1944 = %broadcast_in_dim3A_885, %scan3A_1945 = %broadcast_in_dim3A_885) -> (vector<16xf32>, vector<16xf32>)  : i32 {
      %add3A_1946 = vector.broadcast %scan3A_1943 : i32 to vector<16xi32>
      %add3A_1947 = arith.addi %add3A_883, %add3A_1946 : vector<16xi32>
      %gather3A = tpu.vector_load_idx %arg4[%add3A_1947] : memref<16384xf32, #tpu.memory_space<vmem>>[vector<16xi32>], vector<16xf32>,
      %gt3A = arith.cmpf ogt, %gather3A, %scan3A_1944 : vector<16xf32>
      %max3A = arith.maximumf %scan3A_1945, %gather3A : vector<16xf32>
      %select_n3A = arith.select %gt3A, %scan3A_1944, %max3A : vector<16xi1>, vector<16xf32>
      %max3A_1948 = arith.maximumf %scan3A_1944, %gather3A : vector<16xf32>
      scf.yield %max3A_1948, %select_n3A : vector<16xf32>, vector<16xf32>
    }
    %scan3A_891 = arith.constant 64 : i32
    %sub3A_892 = arith.subf %scan3A_890#1, %scan3A_890#0 : vector<16xf32>
    %exp3A_893 = math.exp %sub3A_892 : vector<16xf32>
    %add3A_894 = arith.constant 1.000000e+00 : f32
    %add3A_895 = vector.broadcast %add3A_894 : f32 to vector<16xf32>
    %add3A_896 = arith.addf %add3A_895, %exp3A_893 : vector<16xf32>
    %div3A_897 = arith.constant 1.000000e+00 : f32
    %div3A_898 = vector.broadcast %div3A_897 : f32 to vector<16xf32>
    %div3A_899 = arith.divf %div3A_898, %add3A_896 : vector<16xf32>
    %sub3A_900 = arith.constant 1.000000e+00 : f32
    %sub3A_901 = vector.broadcast %sub3A_900 : f32 to vector<16xf32>
    %sub3A_902 = arith.subf %sub3A_901, %div3A_899 : vector<16xf32>
    %broadcast_in_dim3A_903 = arith.constant 0.000000e+00 : f32
    %broadcast_in_dim3A_904 = vector.broadcast %broadcast_in_dim3A_903 : f32 to vector<16xf32>
    %scan3A_905 = arith.constant 0 : i32
    %scan3A_906 = arith.constant 0 : i32
    %scan3A_907 = arith.constant 64 : i32
    %scan3A_908 = arith.addi %scan3A_906, %scan3A_907 : i32
    %scan3A_909 = arith.constant 1 : i32
    scf.for %scan3A_1943 = %scan3A_906 to %scan3A_908 step %scan3A_909  : i32 {
      %add3A_1944 = vector.broadcast %scan3A_1943 : i32 to vector<16xi32>
      %add3A_1945 = arith.addi %add3A_883, %add3A_1944 : vector<16xi32>
      %gather3A = tpu.vector_load_idx %arg4[%add3A_1945] : memref<16384xf32, #tpu.memory_space<vmem>>[vector<16xi32>], vector<16xf32>,
      %eq3A = arith.cmpf oeq, %gather3A, %scan3A_890#0 : vector<16xf32>
      %eq3A_1946 = arith.cmpf oeq, %gather3A, %scan3A_890#1 : vector<16xf32>
      %select_n3A = arith.select %eq3A_1946, %sub3A_902, %broadcast_in_dim3A_904 : vector<16xi1>, vector<16xf32>
      %select_n3A_1947 = arith.select %eq3A, %div3A_899, %select_n3A : vector<16xi1>, vector<16xf32>
      %add3A_1948 = vector.broadcast %scan3A_1943 : i32 to vector<16xi32>
      %add3A_1949 = arith.addi %add3A_883, %add3A_1948 : vector<16xi32>
      tpu.vector_store_idx %arg5[%add3A_1949], %select_n3A_1947 : memref<16384xf32, #tpu.memory_space<vmem>>[vector<16xi32>], vector<16xf32>,
    }
    %scan3A_910 = arith.constant 64 : i32
    %add3A_911 = arith.constant 14336 : i32
    %add3A_912 = vector.broadcast %add3A_911 : i32 to vector<16xi32>
    %add3A_913 = arith.addi %mul3A_3, %add3A_912 : vector<16xi32>
    %broadcast_in_dim3A_914 = arith.constant 0xFF800000 : f32
    %broadcast_in_dim3A_915 = vector.broadcast %broadcast_in_dim3A_914 : f32 to vector<16xf32>
    %scan3A_916 = arith.constant 0 : i32
    %scan3A_917 = arith.constant 64 : i32
    %scan3A_918 = arith.addi %scan3A_916, %scan3A_917 : i32
    %scan3A_919 = arith.constant 1 : i32
    %scan3A_920:2 = scf.for %scan3A_1943 = %scan3A_916 to %scan3A_918 step %scan3A_919 iter_args(%scan3A_1944 = %broadcast_in_dim3A_915, %scan3A_1945 = %broadcast_in_dim3A_915) -> (vector<16xf32>, vector<16xf32>)  : i32 {
      %add3A_1946 = vector.broadcast %scan3A_1943 : i32 to vector<16xi32>
      %add3A_1947 = arith.addi %add3A_913, %add3A_1946 : vector<16xi32>
      %gather3A = tpu.vector_load_idx %arg4[%add3A_1947] : memref<16384xf32, #tpu.memory_space<vmem>>[vector<16xi32>], vector<16xf32>,
      %gt3A = arith.cmpf ogt, %gather3A, %scan3A_1944 : vector<16xf32>
      %max3A = arith.maximumf %scan3A_1945, %gather3A : vector<16xf32>
      %select_n3A = arith.select %gt3A, %scan3A_1944, %max3A : vector<16xi1>, vector<16xf32>
      %max3A_1948 = arith.maximumf %scan3A_1944, %gather3A : vector<16xf32>
      scf.yield %max3A_1948, %select_n3A : vector<16xf32>, vector<16xf32>
    }
    %scan3A_921 = arith.constant 64 : i32
    %sub3A_922 = arith.subf %scan3A_920#1, %scan3A_920#0 : vector<16xf32>
    %exp3A_923 = math.exp %sub3A_922 : vector<16xf32>
    %add3A_924 = arith.constant 1.000000e+00 : f32
    %add3A_925 = vector.broadcast %add3A_924 : f32 to vector<16xf32>
    %add3A_926 = arith.addf %add3A_925, %exp3A_923 : vector<16xf32>
    %div3A_927 = arith.constant 1.000000e+00 : f32
    %div3A_928 = vector.broadcast %div3A_927 : f32 to vector<16xf32>
    %div3A_929 = arith.divf %div3A_928, %add3A_926 : vector<16xf32>
    %sub3A_930 = arith.constant 1.000000e+00 : f32
    %sub3A_931 = vector.broadcast %sub3A_930 : f32 to vector<16xf32>
    %sub3A_932 = arith.subf %sub3A_931, %div3A_929 : vector<16xf32>
    %broadcast_in_dim3A_933 = arith.constant 0.000000e+00 : f32
    %broadcast_in_dim3A_934 = vector.broadcast %broadcast_in_dim3A_933 : f32 to vector<16xf32>
    %scan3A_935 = arith.constant 0 : i32
    %scan3A_936 = arith.constant 0 : i32
    %scan3A_937 = arith.constant 64 : i32
    %scan3A_938 = arith.addi %scan3A_936, %scan3A_937 : i32
    %scan3A_939 = arith.constant 1 : i32
    scf.for %scan3A_1943 = %scan3A_936 to %scan3A_938 step %scan3A_939  : i32 {
      %add3A_1944 = vector.broadcast %scan3A_1943 : i32 to vector<16xi32>
      %add3A_1945 = arith.addi %add3A_913, %add3A_1944 : vector<16xi32>
      %gather3A = tpu.vector_load_idx %arg4[%add3A_1945] : memref<16384xf32, #tpu.memory_space<vmem>>[vector<16xi32>], vector<16xf32>,
      %eq3A = arith.cmpf oeq, %gather3A, %scan3A_920#0 : vector<16xf32>
      %eq3A_1946 = arith.cmpf oeq, %gather3A, %scan3A_920#1 : vector<16xf32>
      %select_n3A = arith.select %eq3A_1946, %sub3A_932, %broadcast_in_dim3A_934 : vector<16xi1>, vector<16xf32>
      %select_n3A_1947 = arith.select %eq3A, %div3A_929, %select_n3A : vector<16xi1>, vector<16xf32>
      %add3A_1948 = vector.broadcast %scan3A_1943 : i32 to vector<16xi32>
      %add3A_1949 = arith.addi %add3A_913, %add3A_1948 : vector<16xi32>
      tpu.vector_store_idx %arg5[%add3A_1949], %select_n3A_1947 : memref<16384xf32, #tpu.memory_space<vmem>>[vector<16xi32>], vector<16xf32>,
    }
    %scan3A_940 = arith.constant 64 : i32
    %add3A_941 = arith.constant 15360 : i32
    %add3A_942 = vector.broadcast %add3A_941 : i32 to vector<16xi32>
    %add3A_943 = arith.addi %mul3A_3, %add3A_942 : vector<16xi32>
    %broadcast_in_dim3A_944 = arith.constant 0xFF800000 : f32
    %broadcast_in_dim3A_945 = vector.broadcast %broadcast_in_dim3A_944 : f32 to vector<16xf32>
    %scan3A_946 = arith.constant 0 : i32
    %scan3A_947 = arith.constant 64 : i32
    %scan3A_948 = arith.addi %scan3A_946, %scan3A_947 : i32
    %scan3A_949 = arith.constant 1 : i32
    %scan3A_950:2 = scf.for %scan3A_1943 = %scan3A_946 to %scan3A_948 step %scan3A_949 iter_args(%scan3A_1944 = %broadcast_in_dim3A_945, %scan3A_1945 = %broadcast_in_dim3A_945) -> (vector<16xf32>, vector<16xf32>)  : i32 {
      %add3A_1946 = vector.broadcast %scan3A_1943 : i32 to vector<16xi32>
      %add3A_1947 = arith.addi %add3A_943, %add3A_1946 : vector<16xi32>
      %gather3A = tpu.vector_load_idx %arg4[%add3A_1947] : memref<16384xf32, #tpu.memory_space<vmem>>[vector<16xi32>], vector<16xf32>,
      %gt3A = arith.cmpf ogt, %gather3A, %scan3A_1944 : vector<16xf32>
      %max3A = arith.maximumf %scan3A_1945, %gather3A : vector<16xf32>
      %select_n3A = arith.select %gt3A, %scan3A_1944, %max3A : vector<16xi1>, vector<16xf32>
      %max3A_1948 = arith.maximumf %scan3A_1944, %gather3A : vector<16xf32>
      scf.yield %max3A_1948, %select_n3A : vector<16xf32>, vector<16xf32>
    }
    %scan3A_951 = arith.constant 64 : i32
    %sub3A_952 = arith.subf %scan3A_950#1, %scan3A_950#0 : vector<16xf32>
    %exp3A_953 = math.exp %sub3A_952 : vector<16xf32>
    %add3A_954 = arith.constant 1.000000e+00 : f32
    %add3A_955 = vector.broadcast %add3A_954 : f32 to vector<16xf32>
    %add3A_956 = arith.addf %add3A_955, %exp3A_953 : vector<16xf32>
    %div3A_957 = arith.constant 1.000000e+00 : f32
    %div3A_958 = vector.broadcast %div3A_957 : f32 to vector<16xf32>
    %div3A_959 = arith.divf %div3A_958, %add3A_956 : vector<16xf32>
    %sub3A_960 = arith.constant 1.000000e+00 : f32
    %sub3A_961 = vector.broadcast %sub3A_960 : f32 to vector<16xf32>
    %sub3A_962 = arith.subf %sub3A_961, %div3A_959 : vector<16xf32>
    %broadcast_in_dim3A_963 = arith.constant 0.000000e+00 : f32
    %broadcast_in_dim3A_964 = vector.broadcast %broadcast_in_dim3A_963 : f32 to vector<16xf32>
    %scan3A_965 = arith.constant 0 : i32
    %scan3A_966 = arith.constant 0 : i32
    %scan3A_967 = arith.constant 64 : i32
    %scan3A_968 = arith.addi %scan3A_966, %scan3A_967 : i32
    %scan3A_969 = arith.constant 1 : i32
    scf.for %scan3A_1943 = %scan3A_966 to %scan3A_968 step %scan3A_969  : i32 {
      %add3A_1944 = vector.broadcast %scan3A_1943 : i32 to vector<16xi32>
      %add3A_1945 = arith.addi %add3A_943, %add3A_1944 : vector<16xi32>
      %gather3A = tpu.vector_load_idx %arg4[%add3A_1945] : memref<16384xf32, #tpu.memory_space<vmem>>[vector<16xi32>], vector<16xf32>,
      %eq3A = arith.cmpf oeq, %gather3A, %scan3A_950#0 : vector<16xf32>
      %eq3A_1946 = arith.cmpf oeq, %gather3A, %scan3A_950#1 : vector<16xf32>
      %select_n3A = arith.select %eq3A_1946, %sub3A_962, %broadcast_in_dim3A_964 : vector<16xi1>, vector<16xf32>
      %select_n3A_1947 = arith.select %eq3A, %div3A_959, %select_n3A : vector<16xi1>, vector<16xf32>
      %add3A_1948 = vector.broadcast %scan3A_1943 : i32 to vector<16xi32>
      %add3A_1949 = arith.addi %add3A_943, %add3A_1948 : vector<16xi32>
      tpu.vector_store_idx %arg5[%add3A_1949], %select_n3A_1947 : memref<16384xf32, #tpu.memory_space<vmem>>[vector<16xi32>], vector<16xf32>,
    }
    %scan3A_970 = arith.constant 64 : i32
    "tpu.region"() ({
      %run_scoped3A = tpu.sem_alloc : memref<!tpu.dma_semaphore, #tpu.memory_space<semaphore_mem>>
      %dma_start3A = tpu.memref_slice %arg3[%mul3A_490] : memref<2097152xf32, #tpu.memory_space<hbm>> -> memref<16384xf32, #tpu.memory_space<hbm>>
      %dma_start3A_1943 = tpu.memref_slice %arg3[%mul3A_490] : memref<2097152xf32, #tpu.memory_space<hbm>> -> memref<16384xf32, #tpu.memory_space<hbm>>
      tpu.enqueue_dma source(%arg5 : memref<16384xf32, #tpu.memory_space<vmem>>) target(%dma_start3A_1943 : memref<16384xf32, #tpu.memory_space<hbm>>) target_semaphore(%run_scoped3A : memref<!tpu.dma_semaphore, #tpu.memory_space<semaphore_mem>>)
      %dma_wait3A = tpu.memref_slice %arg3[%mul3A_490] : memref<2097152xf32, #tpu.memory_space<hbm>> -> memref<16384xf32, #tpu.memory_space<hbm>>
      %dma_wait3A_1944 = tpu.memref_slice %arg3[%mul3A_490] : memref<2097152xf32, #tpu.memory_space<hbm>> -> memref<16384xf32, #tpu.memory_space<hbm>>
      tpu.wait_dma2 semaphore(%run_scoped3A : memref<!tpu.dma_semaphore, #tpu.memory_space<semaphore_mem>>) src(%arg5 : memref<16384xf32, #tpu.memory_space<vmem>>) dst(%dma_wait3A_1944 : memref<16384xf32, #tpu.memory_space<hbm>>)
      tpu.yield
    }) : () -> ()
    %mul3A_971 = arith.constant 1024 : i32
    %mul3A_972 = arith.muli %add3A, %mul3A_971 : i32
    %add3A_973 = arith.constant 512 : i32
    %add3A_974 = arith.addi %mul3A_972, %add3A_973 : i32
    %mul3A_975 = arith.constant 64 : i32
    %mul3A_976 = arith.muli %add3A_974, %mul3A_975 : i32
    "tpu.region"() ({
      %run_scoped3A = tpu.sem_alloc : memref<!tpu.dma_semaphore, #tpu.memory_space<semaphore_mem>>
      %dma_start3A = tpu.memref_slice %arg2[%mul3A_976] : memref<2097152xf32, #tpu.memory_space<hbm>> -> memref<16384xf32, #tpu.memory_space<hbm>>
      %dma_start3A_1943 = tpu.memref_slice %arg2[%mul3A_976] : memref<2097152xf32, #tpu.memory_space<hbm>> -> memref<16384xf32, #tpu.memory_space<hbm>>
      tpu.enqueue_dma source(%dma_start3A_1943 : memref<16384xf32, #tpu.memory_space<hbm>>) target(%arg4 : memref<16384xf32, #tpu.memory_space<vmem>>) target_semaphore(%run_scoped3A : memref<!tpu.dma_semaphore, #tpu.memory_space<semaphore_mem>>)
      %dma_wait3A = tpu.memref_slice %arg2[%mul3A_976] : memref<2097152xf32, #tpu.memory_space<hbm>> -> memref<16384xf32, #tpu.memory_space<hbm>>
      %dma_wait3A_1944 = tpu.memref_slice %arg2[%mul3A_976] : memref<2097152xf32, #tpu.memory_space<hbm>> -> memref<16384xf32, #tpu.memory_space<hbm>>
      tpu.wait_dma2 semaphore(%run_scoped3A : memref<!tpu.dma_semaphore, #tpu.memory_space<semaphore_mem>>) src(%dma_wait3A_1944 : memref<16384xf32, #tpu.memory_space<hbm>>) dst(%arg4 : memref<16384xf32, #tpu.memory_space<vmem>>)
      tpu.yield
    }) : () -> ()
    %add3A_977 = arith.constant 0 : i32
    %add3A_978 = vector.broadcast %add3A_977 : i32 to vector<16xi32>
    %add3A_979 = arith.addi %mul3A_3, %add3A_978 : vector<16xi32>
    %broadcast_in_dim3A_980 = arith.constant 0xFF800000 : f32
    %broadcast_in_dim3A_981 = vector.broadcast %broadcast_in_dim3A_980 : f32 to vector<16xf32>
    %scan3A_982 = arith.constant 0 : i32
    %scan3A_983 = arith.constant 64 : i32
    %scan3A_984 = arith.addi %scan3A_982, %scan3A_983 : i32
    %scan3A_985 = arith.constant 1 : i32
    %scan3A_986:2 = scf.for %scan3A_1943 = %scan3A_982 to %scan3A_984 step %scan3A_985 iter_args(%scan3A_1944 = %broadcast_in_dim3A_981, %scan3A_1945 = %broadcast_in_dim3A_981) -> (vector<16xf32>, vector<16xf32>)  : i32 {
      %add3A_1946 = vector.broadcast %scan3A_1943 : i32 to vector<16xi32>
      %add3A_1947 = arith.addi %add3A_979, %add3A_1946 : vector<16xi32>
      %gather3A = tpu.vector_load_idx %arg4[%add3A_1947] : memref<16384xf32, #tpu.memory_space<vmem>>[vector<16xi32>], vector<16xf32>,
      %gt3A = arith.cmpf ogt, %gather3A, %scan3A_1944 : vector<16xf32>
      %max3A = arith.maximumf %scan3A_1945, %gather3A : vector<16xf32>
      %select_n3A = arith.select %gt3A, %scan3A_1944, %max3A : vector<16xi1>, vector<16xf32>
      %max3A_1948 = arith.maximumf %scan3A_1944, %gather3A : vector<16xf32>
      scf.yield %max3A_1948, %select_n3A : vector<16xf32>, vector<16xf32>
    }
    %scan3A_987 = arith.constant 64 : i32
    %sub3A_988 = arith.subf %scan3A_986#1, %scan3A_986#0 : vector<16xf32>
    %exp3A_989 = math.exp %sub3A_988 : vector<16xf32>
    %add3A_990 = arith.constant 1.000000e+00 : f32
    %add3A_991 = vector.broadcast %add3A_990 : f32 to vector<16xf32>
    %add3A_992 = arith.addf %add3A_991, %exp3A_989 : vector<16xf32>
    %div3A_993 = arith.constant 1.000000e+00 : f32
    %div3A_994 = vector.broadcast %div3A_993 : f32 to vector<16xf32>
    %div3A_995 = arith.divf %div3A_994, %add3A_992 : vector<16xf32>
    %sub3A_996 = arith.constant 1.000000e+00 : f32
    %sub3A_997 = vector.broadcast %sub3A_996 : f32 to vector<16xf32>
    %sub3A_998 = arith.subf %sub3A_997, %div3A_995 : vector<16xf32>
    %broadcast_in_dim3A_999 = arith.constant 0.000000e+00 : f32
    %broadcast_in_dim3A_1000 = vector.broadcast %broadcast_in_dim3A_999 : f32 to vector<16xf32>
    %scan3A_1001 = arith.constant 0 : i32
    %scan3A_1002 = arith.constant 0 : i32
    %scan3A_1003 = arith.constant 64 : i32
    %scan3A_1004 = arith.addi %scan3A_1002, %scan3A_1003 : i32
    %scan3A_1005 = arith.constant 1 : i32
    scf.for %scan3A_1943 = %scan3A_1002 to %scan3A_1004 step %scan3A_1005  : i32 {
      %add3A_1944 = vector.broadcast %scan3A_1943 : i32 to vector<16xi32>
      %add3A_1945 = arith.addi %add3A_979, %add3A_1944 : vector<16xi32>
      %gather3A = tpu.vector_load_idx %arg4[%add3A_1945] : memref<16384xf32, #tpu.memory_space<vmem>>[vector<16xi32>], vector<16xf32>,
      %eq3A = arith.cmpf oeq, %gather3A, %scan3A_986#0 : vector<16xf32>
      %eq3A_1946 = arith.cmpf oeq, %gather3A, %scan3A_986#1 : vector<16xf32>
      %select_n3A = arith.select %eq3A_1946, %sub3A_998, %broadcast_in_dim3A_1000 : vector<16xi1>, vector<16xf32>
      %select_n3A_1947 = arith.select %eq3A, %div3A_995, %select_n3A : vector<16xi1>, vector<16xf32>
      %add3A_1948 = vector.broadcast %scan3A_1943 : i32 to vector<16xi32>
      %add3A_1949 = arith.addi %add3A_979, %add3A_1948 : vector<16xi32>
      tpu.vector_store_idx %arg5[%add3A_1949], %select_n3A_1947 : memref<16384xf32, #tpu.memory_space<vmem>>[vector<16xi32>], vector<16xf32>,
    }
    %scan3A_1006 = arith.constant 64 : i32
    %add3A_1007 = arith.constant 1024 : i32
    %add3A_1008 = vector.broadcast %add3A_1007 : i32 to vector<16xi32>
    %add3A_1009 = arith.addi %mul3A_3, %add3A_1008 : vector<16xi32>
    %broadcast_in_dim3A_1010 = arith.constant 0xFF800000 : f32
    %broadcast_in_dim3A_1011 = vector.broadcast %broadcast_in_dim3A_1010 : f32 to vector<16xf32>
    %scan3A_1012 = arith.constant 0 : i32
    %scan3A_1013 = arith.constant 64 : i32
    %scan3A_1014 = arith.addi %scan3A_1012, %scan3A_1013 : i32
    %scan3A_1015 = arith.constant 1 : i32
    %scan3A_1016:2 = scf.for %scan3A_1943 = %scan3A_1012 to %scan3A_1014 step %scan3A_1015 iter_args(%scan3A_1944 = %broadcast_in_dim3A_1011, %scan3A_1945 = %broadcast_in_dim3A_1011) -> (vector<16xf32>, vector<16xf32>)  : i32 {
      %add3A_1946 = vector.broadcast %scan3A_1943 : i32 to vector<16xi32>
      %add3A_1947 = arith.addi %add3A_1009, %add3A_1946 : vector<16xi32>
      %gather3A = tpu.vector_load_idx %arg4[%add3A_1947] : memref<16384xf32, #tpu.memory_space<vmem>>[vector<16xi32>], vector<16xf32>,
      %gt3A = arith.cmpf ogt, %gather3A, %scan3A_1944 : vector<16xf32>
      %max3A = arith.maximumf %scan3A_1945, %gather3A : vector<16xf32>
      %select_n3A = arith.select %gt3A, %scan3A_1944, %max3A : vector<16xi1>, vector<16xf32>
      %max3A_1948 = arith.maximumf %scan3A_1944, %gather3A : vector<16xf32>
      scf.yield %max3A_1948, %select_n3A : vector<16xf32>, vector<16xf32>
    }
    %scan3A_1017 = arith.constant 64 : i32
    %sub3A_1018 = arith.subf %scan3A_1016#1, %scan3A_1016#0 : vector<16xf32>
    %exp3A_1019 = math.exp %sub3A_1018 : vector<16xf32>
    %add3A_1020 = arith.constant 1.000000e+00 : f32
    %add3A_1021 = vector.broadcast %add3A_1020 : f32 to vector<16xf32>
    %add3A_1022 = arith.addf %add3A_1021, %exp3A_1019 : vector<16xf32>
    %div3A_1023 = arith.constant 1.000000e+00 : f32
    %div3A_1024 = vector.broadcast %div3A_1023 : f32 to vector<16xf32>
    %div3A_1025 = arith.divf %div3A_1024, %add3A_1022 : vector<16xf32>
    %sub3A_1026 = arith.constant 1.000000e+00 : f32
    %sub3A_1027 = vector.broadcast %sub3A_1026 : f32 to vector<16xf32>
    %sub3A_1028 = arith.subf %sub3A_1027, %div3A_1025 : vector<16xf32>
    %broadcast_in_dim3A_1029 = arith.constant 0.000000e+00 : f32
    %broadcast_in_dim3A_1030 = vector.broadcast %broadcast_in_dim3A_1029 : f32 to vector<16xf32>
    %scan3A_1031 = arith.constant 0 : i32
    %scan3A_1032 = arith.constant 0 : i32
    %scan3A_1033 = arith.constant 64 : i32
    %scan3A_1034 = arith.addi %scan3A_1032, %scan3A_1033 : i32
    %scan3A_1035 = arith.constant 1 : i32
    scf.for %scan3A_1943 = %scan3A_1032 to %scan3A_1034 step %scan3A_1035  : i32 {
      %add3A_1944 = vector.broadcast %scan3A_1943 : i32 to vector<16xi32>
      %add3A_1945 = arith.addi %add3A_1009, %add3A_1944 : vector<16xi32>
      %gather3A = tpu.vector_load_idx %arg4[%add3A_1945] : memref<16384xf32, #tpu.memory_space<vmem>>[vector<16xi32>], vector<16xf32>,
      %eq3A = arith.cmpf oeq, %gather3A, %scan3A_1016#0 : vector<16xf32>
      %eq3A_1946 = arith.cmpf oeq, %gather3A, %scan3A_1016#1 : vector<16xf32>
      %select_n3A = arith.select %eq3A_1946, %sub3A_1028, %broadcast_in_dim3A_1030 : vector<16xi1>, vector<16xf32>
      %select_n3A_1947 = arith.select %eq3A, %div3A_1025, %select_n3A : vector<16xi1>, vector<16xf32>
      %add3A_1948 = vector.broadcast %scan3A_1943 : i32 to vector<16xi32>
      %add3A_1949 = arith.addi %add3A_1009, %add3A_1948 : vector<16xi32>
      tpu.vector_store_idx %arg5[%add3A_1949], %select_n3A_1947 : memref<16384xf32, #tpu.memory_space<vmem>>[vector<16xi32>], vector<16xf32>,
    }
    %scan3A_1036 = arith.constant 64 : i32
    %add3A_1037 = arith.constant 2048 : i32
    %add3A_1038 = vector.broadcast %add3A_1037 : i32 to vector<16xi32>
    %add3A_1039 = arith.addi %mul3A_3, %add3A_1038 : vector<16xi32>
    %broadcast_in_dim3A_1040 = arith.constant 0xFF800000 : f32
    %broadcast_in_dim3A_1041 = vector.broadcast %broadcast_in_dim3A_1040 : f32 to vector<16xf32>
    %scan3A_1042 = arith.constant 0 : i32
    %scan3A_1043 = arith.constant 64 : i32
    %scan3A_1044 = arith.addi %scan3A_1042, %scan3A_1043 : i32
    %scan3A_1045 = arith.constant 1 : i32
    %scan3A_1046:2 = scf.for %scan3A_1943 = %scan3A_1042 to %scan3A_1044 step %scan3A_1045 iter_args(%scan3A_1944 = %broadcast_in_dim3A_1041, %scan3A_1945 = %broadcast_in_dim3A_1041) -> (vector<16xf32>, vector<16xf32>)  : i32 {
      %add3A_1946 = vector.broadcast %scan3A_1943 : i32 to vector<16xi32>
      %add3A_1947 = arith.addi %add3A_1039, %add3A_1946 : vector<16xi32>
      %gather3A = tpu.vector_load_idx %arg4[%add3A_1947] : memref<16384xf32, #tpu.memory_space<vmem>>[vector<16xi32>], vector<16xf32>,
      %gt3A = arith.cmpf ogt, %gather3A, %scan3A_1944 : vector<16xf32>
      %max3A = arith.maximumf %scan3A_1945, %gather3A : vector<16xf32>
      %select_n3A = arith.select %gt3A, %scan3A_1944, %max3A : vector<16xi1>, vector<16xf32>
      %max3A_1948 = arith.maximumf %scan3A_1944, %gather3A : vector<16xf32>
      scf.yield %max3A_1948, %select_n3A : vector<16xf32>, vector<16xf32>
    }
    %scan3A_1047 = arith.constant 64 : i32
    %sub3A_1048 = arith.subf %scan3A_1046#1, %scan3A_1046#0 : vector<16xf32>
    %exp3A_1049 = math.exp %sub3A_1048 : vector<16xf32>
    %add3A_1050 = arith.constant 1.000000e+00 : f32
    %add3A_1051 = vector.broadcast %add3A_1050 : f32 to vector<16xf32>
    %add3A_1052 = arith.addf %add3A_1051, %exp3A_1049 : vector<16xf32>
    %div3A_1053 = arith.constant 1.000000e+00 : f32
    %div3A_1054 = vector.broadcast %div3A_1053 : f32 to vector<16xf32>
    %div3A_1055 = arith.divf %div3A_1054, %add3A_1052 : vector<16xf32>
    %sub3A_1056 = arith.constant 1.000000e+00 : f32
    %sub3A_1057 = vector.broadcast %sub3A_1056 : f32 to vector<16xf32>
    %sub3A_1058 = arith.subf %sub3A_1057, %div3A_1055 : vector<16xf32>
    %broadcast_in_dim3A_1059 = arith.constant 0.000000e+00 : f32
    %broadcast_in_dim3A_1060 = vector.broadcast %broadcast_in_dim3A_1059 : f32 to vector<16xf32>
    %scan3A_1061 = arith.constant 0 : i32
    %scan3A_1062 = arith.constant 0 : i32
    %scan3A_1063 = arith.constant 64 : i32
    %scan3A_1064 = arith.addi %scan3A_1062, %scan3A_1063 : i32
    %scan3A_1065 = arith.constant 1 : i32
    scf.for %scan3A_1943 = %scan3A_1062 to %scan3A_1064 step %scan3A_1065  : i32 {
      %add3A_1944 = vector.broadcast %scan3A_1943 : i32 to vector<16xi32>
      %add3A_1945 = arith.addi %add3A_1039, %add3A_1944 : vector<16xi32>
      %gather3A = tpu.vector_load_idx %arg4[%add3A_1945] : memref<16384xf32, #tpu.memory_space<vmem>>[vector<16xi32>], vector<16xf32>,
      %eq3A = arith.cmpf oeq, %gather3A, %scan3A_1046#0 : vector<16xf32>
      %eq3A_1946 = arith.cmpf oeq, %gather3A, %scan3A_1046#1 : vector<16xf32>
      %select_n3A = arith.select %eq3A_1946, %sub3A_1058, %broadcast_in_dim3A_1060 : vector<16xi1>, vector<16xf32>
      %select_n3A_1947 = arith.select %eq3A, %div3A_1055, %select_n3A : vector<16xi1>, vector<16xf32>
      %add3A_1948 = vector.broadcast %scan3A_1943 : i32 to vector<16xi32>
      %add3A_1949 = arith.addi %add3A_1039, %add3A_1948 : vector<16xi32>
      tpu.vector_store_idx %arg5[%add3A_1949], %select_n3A_1947 : memref<16384xf32, #tpu.memory_space<vmem>>[vector<16xi32>], vector<16xf32>,
    }
    %scan3A_1066 = arith.constant 64 : i32
    %add3A_1067 = arith.constant 3072 : i32
    %add3A_1068 = vector.broadcast %add3A_1067 : i32 to vector<16xi32>
    %add3A_1069 = arith.addi %mul3A_3, %add3A_1068 : vector<16xi32>
    %broadcast_in_dim3A_1070 = arith.constant 0xFF800000 : f32
    %broadcast_in_dim3A_1071 = vector.broadcast %broadcast_in_dim3A_1070 : f32 to vector<16xf32>
    %scan3A_1072 = arith.constant 0 : i32
    %scan3A_1073 = arith.constant 64 : i32
    %scan3A_1074 = arith.addi %scan3A_1072, %scan3A_1073 : i32
    %scan3A_1075 = arith.constant 1 : i32
    %scan3A_1076:2 = scf.for %scan3A_1943 = %scan3A_1072 to %scan3A_1074 step %scan3A_1075 iter_args(%scan3A_1944 = %broadcast_in_dim3A_1071, %scan3A_1945 = %broadcast_in_dim3A_1071) -> (vector<16xf32>, vector<16xf32>)  : i32 {
      %add3A_1946 = vector.broadcast %scan3A_1943 : i32 to vector<16xi32>
      %add3A_1947 = arith.addi %add3A_1069, %add3A_1946 : vector<16xi32>
      %gather3A = tpu.vector_load_idx %arg4[%add3A_1947] : memref<16384xf32, #tpu.memory_space<vmem>>[vector<16xi32>], vector<16xf32>,
      %gt3A = arith.cmpf ogt, %gather3A, %scan3A_1944 : vector<16xf32>
      %max3A = arith.maximumf %scan3A_1945, %gather3A : vector<16xf32>
      %select_n3A = arith.select %gt3A, %scan3A_1944, %max3A : vector<16xi1>, vector<16xf32>
      %max3A_1948 = arith.maximumf %scan3A_1944, %gather3A : vector<16xf32>
      scf.yield %max3A_1948, %select_n3A : vector<16xf32>, vector<16xf32>
    }
    %scan3A_1077 = arith.constant 64 : i32
    %sub3A_1078 = arith.subf %scan3A_1076#1, %scan3A_1076#0 : vector<16xf32>
    %exp3A_1079 = math.exp %sub3A_1078 : vector<16xf32>
    %add3A_1080 = arith.constant 1.000000e+00 : f32
    %add3A_1081 = vector.broadcast %add3A_1080 : f32 to vector<16xf32>
    %add3A_1082 = arith.addf %add3A_1081, %exp3A_1079 : vector<16xf32>
    %div3A_1083 = arith.constant 1.000000e+00 : f32
    %div3A_1084 = vector.broadcast %div3A_1083 : f32 to vector<16xf32>
    %div3A_1085 = arith.divf %div3A_1084, %add3A_1082 : vector<16xf32>
    %sub3A_1086 = arith.constant 1.000000e+00 : f32
    %sub3A_1087 = vector.broadcast %sub3A_1086 : f32 to vector<16xf32>
    %sub3A_1088 = arith.subf %sub3A_1087, %div3A_1085 : vector<16xf32>
    %broadcast_in_dim3A_1089 = arith.constant 0.000000e+00 : f32
    %broadcast_in_dim3A_1090 = vector.broadcast %broadcast_in_dim3A_1089 : f32 to vector<16xf32>
    %scan3A_1091 = arith.constant 0 : i32
    %scan3A_1092 = arith.constant 0 : i32
    %scan3A_1093 = arith.constant 64 : i32
    %scan3A_1094 = arith.addi %scan3A_1092, %scan3A_1093 : i32
    %scan3A_1095 = arith.constant 1 : i32
    scf.for %scan3A_1943 = %scan3A_1092 to %scan3A_1094 step %scan3A_1095  : i32 {
      %add3A_1944 = vector.broadcast %scan3A_1943 : i32 to vector<16xi32>
      %add3A_1945 = arith.addi %add3A_1069, %add3A_1944 : vector<16xi32>
      %gather3A = tpu.vector_load_idx %arg4[%add3A_1945] : memref<16384xf32, #tpu.memory_space<vmem>>[vector<16xi32>], vector<16xf32>,
      %eq3A = arith.cmpf oeq, %gather3A, %scan3A_1076#0 : vector<16xf32>
      %eq3A_1946 = arith.cmpf oeq, %gather3A, %scan3A_1076#1 : vector<16xf32>
      %select_n3A = arith.select %eq3A_1946, %sub3A_1088, %broadcast_in_dim3A_1090 : vector<16xi1>, vector<16xf32>
      %select_n3A_1947 = arith.select %eq3A, %div3A_1085, %select_n3A : vector<16xi1>, vector<16xf32>
      %add3A_1948 = vector.broadcast %scan3A_1943 : i32 to vector<16xi32>
      %add3A_1949 = arith.addi %add3A_1069, %add3A_1948 : vector<16xi32>
      tpu.vector_store_idx %arg5[%add3A_1949], %select_n3A_1947 : memref<16384xf32, #tpu.memory_space<vmem>>[vector<16xi32>], vector<16xf32>,
    }
    %scan3A_1096 = arith.constant 64 : i32
    %add3A_1097 = arith.constant 4096 : i32
    %add3A_1098 = vector.broadcast %add3A_1097 : i32 to vector<16xi32>
    %add3A_1099 = arith.addi %mul3A_3, %add3A_1098 : vector<16xi32>
    %broadcast_in_dim3A_1100 = arith.constant 0xFF800000 : f32
    %broadcast_in_dim3A_1101 = vector.broadcast %broadcast_in_dim3A_1100 : f32 to vector<16xf32>
    %scan3A_1102 = arith.constant 0 : i32
    %scan3A_1103 = arith.constant 64 : i32
    %scan3A_1104 = arith.addi %scan3A_1102, %scan3A_1103 : i32
    %scan3A_1105 = arith.constant 1 : i32
    %scan3A_1106:2 = scf.for %scan3A_1943 = %scan3A_1102 to %scan3A_1104 step %scan3A_1105 iter_args(%scan3A_1944 = %broadcast_in_dim3A_1101, %scan3A_1945 = %broadcast_in_dim3A_1101) -> (vector<16xf32>, vector<16xf32>)  : i32 {
      %add3A_1946 = vector.broadcast %scan3A_1943 : i32 to vector<16xi32>
      %add3A_1947 = arith.addi %add3A_1099, %add3A_1946 : vector<16xi32>
      %gather3A = tpu.vector_load_idx %arg4[%add3A_1947] : memref<16384xf32, #tpu.memory_space<vmem>>[vector<16xi32>], vector<16xf32>,
      %gt3A = arith.cmpf ogt, %gather3A, %scan3A_1944 : vector<16xf32>
      %max3A = arith.maximumf %scan3A_1945, %gather3A : vector<16xf32>
      %select_n3A = arith.select %gt3A, %scan3A_1944, %max3A : vector<16xi1>, vector<16xf32>
      %max3A_1948 = arith.maximumf %scan3A_1944, %gather3A : vector<16xf32>
      scf.yield %max3A_1948, %select_n3A : vector<16xf32>, vector<16xf32>
    }
    %scan3A_1107 = arith.constant 64 : i32
    %sub3A_1108 = arith.subf %scan3A_1106#1, %scan3A_1106#0 : vector<16xf32>
    %exp3A_1109 = math.exp %sub3A_1108 : vector<16xf32>
    %add3A_1110 = arith.constant 1.000000e+00 : f32
    %add3A_1111 = vector.broadcast %add3A_1110 : f32 to vector<16xf32>
    %add3A_1112 = arith.addf %add3A_1111, %exp3A_1109 : vector<16xf32>
    %div3A_1113 = arith.constant 1.000000e+00 : f32
    %div3A_1114 = vector.broadcast %div3A_1113 : f32 to vector<16xf32>
    %div3A_1115 = arith.divf %div3A_1114, %add3A_1112 : vector<16xf32>
    %sub3A_1116 = arith.constant 1.000000e+00 : f32
    %sub3A_1117 = vector.broadcast %sub3A_1116 : f32 to vector<16xf32>
    %sub3A_1118 = arith.subf %sub3A_1117, %div3A_1115 : vector<16xf32>
    %broadcast_in_dim3A_1119 = arith.constant 0.000000e+00 : f32
    %broadcast_in_dim3A_1120 = vector.broadcast %broadcast_in_dim3A_1119 : f32 to vector<16xf32>
    %scan3A_1121 = arith.constant 0 : i32
    %scan3A_1122 = arith.constant 0 : i32
    %scan3A_1123 = arith.constant 64 : i32
    %scan3A_1124 = arith.addi %scan3A_1122, %scan3A_1123 : i32
    %scan3A_1125 = arith.constant 1 : i32
    scf.for %scan3A_1943 = %scan3A_1122 to %scan3A_1124 step %scan3A_1125  : i32 {
      %add3A_1944 = vector.broadcast %scan3A_1943 : i32 to vector<16xi32>
      %add3A_1945 = arith.addi %add3A_1099, %add3A_1944 : vector<16xi32>
      %gather3A = tpu.vector_load_idx %arg4[%add3A_1945] : memref<16384xf32, #tpu.memory_space<vmem>>[vector<16xi32>], vector<16xf32>,
      %eq3A = arith.cmpf oeq, %gather3A, %scan3A_1106#0 : vector<16xf32>
      %eq3A_1946 = arith.cmpf oeq, %gather3A, %scan3A_1106#1 : vector<16xf32>
      %select_n3A = arith.select %eq3A_1946, %sub3A_1118, %broadcast_in_dim3A_1120 : vector<16xi1>, vector<16xf32>
      %select_n3A_1947 = arith.select %eq3A, %div3A_1115, %select_n3A : vector<16xi1>, vector<16xf32>
      %add3A_1948 = vector.broadcast %scan3A_1943 : i32 to vector<16xi32>
      %add3A_1949 = arith.addi %add3A_1099, %add3A_1948 : vector<16xi32>
      tpu.vector_store_idx %arg5[%add3A_1949], %select_n3A_1947 : memref<16384xf32, #tpu.memory_space<vmem>>[vector<16xi32>], vector<16xf32>,
    }
    %scan3A_1126 = arith.constant 64 : i32
    %add3A_1127 = arith.constant 5120 : i32
    %add3A_1128 = vector.broadcast %add3A_1127 : i32 to vector<16xi32>
    %add3A_1129 = arith.addi %mul3A_3, %add3A_1128 : vector<16xi32>
    %broadcast_in_dim3A_1130 = arith.constant 0xFF800000 : f32
    %broadcast_in_dim3A_1131 = vector.broadcast %broadcast_in_dim3A_1130 : f32 to vector<16xf32>
    %scan3A_1132 = arith.constant 0 : i32
    %scan3A_1133 = arith.constant 64 : i32
    %scan3A_1134 = arith.addi %scan3A_1132, %scan3A_1133 : i32
    %scan3A_1135 = arith.constant 1 : i32
    %scan3A_1136:2 = scf.for %scan3A_1943 = %scan3A_1132 to %scan3A_1134 step %scan3A_1135 iter_args(%scan3A_1944 = %broadcast_in_dim3A_1131, %scan3A_1945 = %broadcast_in_dim3A_1131) -> (vector<16xf32>, vector<16xf32>)  : i32 {
      %add3A_1946 = vector.broadcast %scan3A_1943 : i32 to vector<16xi32>
      %add3A_1947 = arith.addi %add3A_1129, %add3A_1946 : vector<16xi32>
      %gather3A = tpu.vector_load_idx %arg4[%add3A_1947] : memref<16384xf32, #tpu.memory_space<vmem>>[vector<16xi32>], vector<16xf32>,
      %gt3A = arith.cmpf ogt, %gather3A, %scan3A_1944 : vector<16xf32>
      %max3A = arith.maximumf %scan3A_1945, %gather3A : vector<16xf32>
      %select_n3A = arith.select %gt3A, %scan3A_1944, %max3A : vector<16xi1>, vector<16xf32>
      %max3A_1948 = arith.maximumf %scan3A_1944, %gather3A : vector<16xf32>
      scf.yield %max3A_1948, %select_n3A : vector<16xf32>, vector<16xf32>
    }
    %scan3A_1137 = arith.constant 64 : i32
    %sub3A_1138 = arith.subf %scan3A_1136#1, %scan3A_1136#0 : vector<16xf32>
    %exp3A_1139 = math.exp %sub3A_1138 : vector<16xf32>
    %add3A_1140 = arith.constant 1.000000e+00 : f32
    %add3A_1141 = vector.broadcast %add3A_1140 : f32 to vector<16xf32>
    %add3A_1142 = arith.addf %add3A_1141, %exp3A_1139 : vector<16xf32>
    %div3A_1143 = arith.constant 1.000000e+00 : f32
    %div3A_1144 = vector.broadcast %div3A_1143 : f32 to vector<16xf32>
    %div3A_1145 = arith.divf %div3A_1144, %add3A_1142 : vector<16xf32>
    %sub3A_1146 = arith.constant 1.000000e+00 : f32
    %sub3A_1147 = vector.broadcast %sub3A_1146 : f32 to vector<16xf32>
    %sub3A_1148 = arith.subf %sub3A_1147, %div3A_1145 : vector<16xf32>
    %broadcast_in_dim3A_1149 = arith.constant 0.000000e+00 : f32
    %broadcast_in_dim3A_1150 = vector.broadcast %broadcast_in_dim3A_1149 : f32 to vector<16xf32>
    %scan3A_1151 = arith.constant 0 : i32
    %scan3A_1152 = arith.constant 0 : i32
    %scan3A_1153 = arith.constant 64 : i32
    %scan3A_1154 = arith.addi %scan3A_1152, %scan3A_1153 : i32
    %scan3A_1155 = arith.constant 1 : i32
    scf.for %scan3A_1943 = %scan3A_1152 to %scan3A_1154 step %scan3A_1155  : i32 {
      %add3A_1944 = vector.broadcast %scan3A_1943 : i32 to vector<16xi32>
      %add3A_1945 = arith.addi %add3A_1129, %add3A_1944 : vector<16xi32>
      %gather3A = tpu.vector_load_idx %arg4[%add3A_1945] : memref<16384xf32, #tpu.memory_space<vmem>>[vector<16xi32>], vector<16xf32>,
      %eq3A = arith.cmpf oeq, %gather3A, %scan3A_1136#0 : vector<16xf32>
      %eq3A_1946 = arith.cmpf oeq, %gather3A, %scan3A_1136#1 : vector<16xf32>
      %select_n3A = arith.select %eq3A_1946, %sub3A_1148, %broadcast_in_dim3A_1150 : vector<16xi1>, vector<16xf32>
      %select_n3A_1947 = arith.select %eq3A, %div3A_1145, %select_n3A : vector<16xi1>, vector<16xf32>
      %add3A_1948 = vector.broadcast %scan3A_1943 : i32 to vector<16xi32>
      %add3A_1949 = arith.addi %add3A_1129, %add3A_1948 : vector<16xi32>
      tpu.vector_store_idx %arg5[%add3A_1949], %select_n3A_1947 : memref<16384xf32, #tpu.memory_space<vmem>>[vector<16xi32>], vector<16xf32>,
    }
    %scan3A_1156 = arith.constant 64 : i32
    %add3A_1157 = arith.constant 6144 : i32
    %add3A_1158 = vector.broadcast %add3A_1157 : i32 to vector<16xi32>
    %add3A_1159 = arith.addi %mul3A_3, %add3A_1158 : vector<16xi32>
    %broadcast_in_dim3A_1160 = arith.constant 0xFF800000 : f32
    %broadcast_in_dim3A_1161 = vector.broadcast %broadcast_in_dim3A_1160 : f32 to vector<16xf32>
    %scan3A_1162 = arith.constant 0 : i32
    %scan3A_1163 = arith.constant 64 : i32
    %scan3A_1164 = arith.addi %scan3A_1162, %scan3A_1163 : i32
    %scan3A_1165 = arith.constant 1 : i32
    %scan3A_1166:2 = scf.for %scan3A_1943 = %scan3A_1162 to %scan3A_1164 step %scan3A_1165 iter_args(%scan3A_1944 = %broadcast_in_dim3A_1161, %scan3A_1945 = %broadcast_in_dim3A_1161) -> (vector<16xf32>, vector<16xf32>)  : i32 {
      %add3A_1946 = vector.broadcast %scan3A_1943 : i32 to vector<16xi32>
      %add3A_1947 = arith.addi %add3A_1159, %add3A_1946 : vector<16xi32>
      %gather3A = tpu.vector_load_idx %arg4[%add3A_1947] : memref<16384xf32, #tpu.memory_space<vmem>>[vector<16xi32>], vector<16xf32>,
      %gt3A = arith.cmpf ogt, %gather3A, %scan3A_1944 : vector<16xf32>
      %max3A = arith.maximumf %scan3A_1945, %gather3A : vector<16xf32>
      %select_n3A = arith.select %gt3A, %scan3A_1944, %max3A : vector<16xi1>, vector<16xf32>
      %max3A_1948 = arith.maximumf %scan3A_1944, %gather3A : vector<16xf32>
      scf.yield %max3A_1948, %select_n3A : vector<16xf32>, vector<16xf32>
    }
    %scan3A_1167 = arith.constant 64 : i32
    %sub3A_1168 = arith.subf %scan3A_1166#1, %scan3A_1166#0 : vector<16xf32>
    %exp3A_1169 = math.exp %sub3A_1168 : vector<16xf32>
    %add3A_1170 = arith.constant 1.000000e+00 : f32
    %add3A_1171 = vector.broadcast %add3A_1170 : f32 to vector<16xf32>
    %add3A_1172 = arith.addf %add3A_1171, %exp3A_1169 : vector<16xf32>
    %div3A_1173 = arith.constant 1.000000e+00 : f32
    %div3A_1174 = vector.broadcast %div3A_1173 : f32 to vector<16xf32>
    %div3A_1175 = arith.divf %div3A_1174, %add3A_1172 : vector<16xf32>
    %sub3A_1176 = arith.constant 1.000000e+00 : f32
    %sub3A_1177 = vector.broadcast %sub3A_1176 : f32 to vector<16xf32>
    %sub3A_1178 = arith.subf %sub3A_1177, %div3A_1175 : vector<16xf32>
    %broadcast_in_dim3A_1179 = arith.constant 0.000000e+00 : f32
    %broadcast_in_dim3A_1180 = vector.broadcast %broadcast_in_dim3A_1179 : f32 to vector<16xf32>
    %scan3A_1181 = arith.constant 0 : i32
    %scan3A_1182 = arith.constant 0 : i32
    %scan3A_1183 = arith.constant 64 : i32
    %scan3A_1184 = arith.addi %scan3A_1182, %scan3A_1183 : i32
    %scan3A_1185 = arith.constant 1 : i32
    scf.for %scan3A_1943 = %scan3A_1182 to %scan3A_1184 step %scan3A_1185  : i32 {
      %add3A_1944 = vector.broadcast %scan3A_1943 : i32 to vector<16xi32>
      %add3A_1945 = arith.addi %add3A_1159, %add3A_1944 : vector<16xi32>
      %gather3A = tpu.vector_load_idx %arg4[%add3A_1945] : memref<16384xf32, #tpu.memory_space<vmem>>[vector<16xi32>], vector<16xf32>,
      %eq3A = arith.cmpf oeq, %gather3A, %scan3A_1166#0 : vector<16xf32>
      %eq3A_1946 = arith.cmpf oeq, %gather3A, %scan3A_1166#1 : vector<16xf32>
      %select_n3A = arith.select %eq3A_1946, %sub3A_1178, %broadcast_in_dim3A_1180 : vector<16xi1>, vector<16xf32>
      %select_n3A_1947 = arith.select %eq3A, %div3A_1175, %select_n3A : vector<16xi1>, vector<16xf32>
      %add3A_1948 = vector.broadcast %scan3A_1943 : i32 to vector<16xi32>
      %add3A_1949 = arith.addi %add3A_1159, %add3A_1948 : vector<16xi32>
      tpu.vector_store_idx %arg5[%add3A_1949], %select_n3A_1947 : memref<16384xf32, #tpu.memory_space<vmem>>[vector<16xi32>], vector<16xf32>,
    }
    %scan3A_1186 = arith.constant 64 : i32
    %add3A_1187 = arith.constant 7168 : i32
    %add3A_1188 = vector.broadcast %add3A_1187 : i32 to vector<16xi32>
    %add3A_1189 = arith.addi %mul3A_3, %add3A_1188 : vector<16xi32>
    %broadcast_in_dim3A_1190 = arith.constant 0xFF800000 : f32
    %broadcast_in_dim3A_1191 = vector.broadcast %broadcast_in_dim3A_1190 : f32 to vector<16xf32>
    %scan3A_1192 = arith.constant 0 : i32
    %scan3A_1193 = arith.constant 64 : i32
    %scan3A_1194 = arith.addi %scan3A_1192, %scan3A_1193 : i32
    %scan3A_1195 = arith.constant 1 : i32
    %scan3A_1196:2 = scf.for %scan3A_1943 = %scan3A_1192 to %scan3A_1194 step %scan3A_1195 iter_args(%scan3A_1944 = %broadcast_in_dim3A_1191, %scan3A_1945 = %broadcast_in_dim3A_1191) -> (vector<16xf32>, vector<16xf32>)  : i32 {
      %add3A_1946 = vector.broadcast %scan3A_1943 : i32 to vector<16xi32>
      %add3A_1947 = arith.addi %add3A_1189, %add3A_1946 : vector<16xi32>
      %gather3A = tpu.vector_load_idx %arg4[%add3A_1947] : memref<16384xf32, #tpu.memory_space<vmem>>[vector<16xi32>], vector<16xf32>,
      %gt3A = arith.cmpf ogt, %gather3A, %scan3A_1944 : vector<16xf32>
      %max3A = arith.maximumf %scan3A_1945, %gather3A : vector<16xf32>
      %select_n3A = arith.select %gt3A, %scan3A_1944, %max3A : vector<16xi1>, vector<16xf32>
      %max3A_1948 = arith.maximumf %scan3A_1944, %gather3A : vector<16xf32>
      scf.yield %max3A_1948, %select_n3A : vector<16xf32>, vector<16xf32>
    }
    %scan3A_1197 = arith.constant 64 : i32
    %sub3A_1198 = arith.subf %scan3A_1196#1, %scan3A_1196#0 : vector<16xf32>
    %exp3A_1199 = math.exp %sub3A_1198 : vector<16xf32>
    %add3A_1200 = arith.constant 1.000000e+00 : f32
    %add3A_1201 = vector.broadcast %add3A_1200 : f32 to vector<16xf32>
    %add3A_1202 = arith.addf %add3A_1201, %exp3A_1199 : vector<16xf32>
    %div3A_1203 = arith.constant 1.000000e+00 : f32
    %div3A_1204 = vector.broadcast %div3A_1203 : f32 to vector<16xf32>
    %div3A_1205 = arith.divf %div3A_1204, %add3A_1202 : vector<16xf32>
    %sub3A_1206 = arith.constant 1.000000e+00 : f32
    %sub3A_1207 = vector.broadcast %sub3A_1206 : f32 to vector<16xf32>
    %sub3A_1208 = arith.subf %sub3A_1207, %div3A_1205 : vector<16xf32>
    %broadcast_in_dim3A_1209 = arith.constant 0.000000e+00 : f32
    %broadcast_in_dim3A_1210 = vector.broadcast %broadcast_in_dim3A_1209 : f32 to vector<16xf32>
    %scan3A_1211 = arith.constant 0 : i32
    %scan3A_1212 = arith.constant 0 : i32
    %scan3A_1213 = arith.constant 64 : i32
    %scan3A_1214 = arith.addi %scan3A_1212, %scan3A_1213 : i32
    %scan3A_1215 = arith.constant 1 : i32
    scf.for %scan3A_1943 = %scan3A_1212 to %scan3A_1214 step %scan3A_1215  : i32 {
      %add3A_1944 = vector.broadcast %scan3A_1943 : i32 to vector<16xi32>
      %add3A_1945 = arith.addi %add3A_1189, %add3A_1944 : vector<16xi32>
      %gather3A = tpu.vector_load_idx %arg4[%add3A_1945] : memref<16384xf32, #tpu.memory_space<vmem>>[vector<16xi32>], vector<16xf32>,
      %eq3A = arith.cmpf oeq, %gather3A, %scan3A_1196#0 : vector<16xf32>
      %eq3A_1946 = arith.cmpf oeq, %gather3A, %scan3A_1196#1 : vector<16xf32>
      %select_n3A = arith.select %eq3A_1946, %sub3A_1208, %broadcast_in_dim3A_1210 : vector<16xi1>, vector<16xf32>
      %select_n3A_1947 = arith.select %eq3A, %div3A_1205, %select_n3A : vector<16xi1>, vector<16xf32>
      %add3A_1948 = vector.broadcast %scan3A_1943 : i32 to vector<16xi32>
      %add3A_1949 = arith.addi %add3A_1189, %add3A_1948 : vector<16xi32>
      tpu.vector_store_idx %arg5[%add3A_1949], %select_n3A_1947 : memref<16384xf32, #tpu.memory_space<vmem>>[vector<16xi32>], vector<16xf32>,
    }
    %scan3A_1216 = arith.constant 64 : i32
    %add3A_1217 = arith.constant 8192 : i32
    %add3A_1218 = vector.broadcast %add3A_1217 : i32 to vector<16xi32>
    %add3A_1219 = arith.addi %mul3A_3, %add3A_1218 : vector<16xi32>
    %broadcast_in_dim3A_1220 = arith.constant 0xFF800000 : f32
    %broadcast_in_dim3A_1221 = vector.broadcast %broadcast_in_dim3A_1220 : f32 to vector<16xf32>
    %scan3A_1222 = arith.constant 0 : i32
    %scan3A_1223 = arith.constant 64 : i32
    %scan3A_1224 = arith.addi %scan3A_1222, %scan3A_1223 : i32
    %scan3A_1225 = arith.constant 1 : i32
    %scan3A_1226:2 = scf.for %scan3A_1943 = %scan3A_1222 to %scan3A_1224 step %scan3A_1225 iter_args(%scan3A_1944 = %broadcast_in_dim3A_1221, %scan3A_1945 = %broadcast_in_dim3A_1221) -> (vector<16xf32>, vector<16xf32>)  : i32 {
      %add3A_1946 = vector.broadcast %scan3A_1943 : i32 to vector<16xi32>
      %add3A_1947 = arith.addi %add3A_1219, %add3A_1946 : vector<16xi32>
      %gather3A = tpu.vector_load_idx %arg4[%add3A_1947] : memref<16384xf32, #tpu.memory_space<vmem>>[vector<16xi32>], vector<16xf32>,
      %gt3A = arith.cmpf ogt, %gather3A, %scan3A_1944 : vector<16xf32>
      %max3A = arith.maximumf %scan3A_1945, %gather3A : vector<16xf32>
      %select_n3A = arith.select %gt3A, %scan3A_1944, %max3A : vector<16xi1>, vector<16xf32>
      %max3A_1948 = arith.maximumf %scan3A_1944, %gather3A : vector<16xf32>
      scf.yield %max3A_1948, %select_n3A : vector<16xf32>, vector<16xf32>
    }
    %scan3A_1227 = arith.constant 64 : i32
    %sub3A_1228 = arith.subf %scan3A_1226#1, %scan3A_1226#0 : vector<16xf32>
    %exp3A_1229 = math.exp %sub3A_1228 : vector<16xf32>
    %add3A_1230 = arith.constant 1.000000e+00 : f32
    %add3A_1231 = vector.broadcast %add3A_1230 : f32 to vector<16xf32>
    %add3A_1232 = arith.addf %add3A_1231, %exp3A_1229 : vector<16xf32>
    %div3A_1233 = arith.constant 1.000000e+00 : f32
    %div3A_1234 = vector.broadcast %div3A_1233 : f32 to vector<16xf32>
    %div3A_1235 = arith.divf %div3A_1234, %add3A_1232 : vector<16xf32>
    %sub3A_1236 = arith.constant 1.000000e+00 : f32
    %sub3A_1237 = vector.broadcast %sub3A_1236 : f32 to vector<16xf32>
    %sub3A_1238 = arith.subf %sub3A_1237, %div3A_1235 : vector<16xf32>
    %broadcast_in_dim3A_1239 = arith.constant 0.000000e+00 : f32
    %broadcast_in_dim3A_1240 = vector.broadcast %broadcast_in_dim3A_1239 : f32 to vector<16xf32>
    %scan3A_1241 = arith.constant 0 : i32
    %scan3A_1242 = arith.constant 0 : i32
    %scan3A_1243 = arith.constant 64 : i32
    %scan3A_1244 = arith.addi %scan3A_1242, %scan3A_1243 : i32
    %scan3A_1245 = arith.constant 1 : i32
    scf.for %scan3A_1943 = %scan3A_1242 to %scan3A_1244 step %scan3A_1245  : i32 {
      %add3A_1944 = vector.broadcast %scan3A_1943 : i32 to vector<16xi32>
      %add3A_1945 = arith.addi %add3A_1219, %add3A_1944 : vector<16xi32>
      %gather3A = tpu.vector_load_idx %arg4[%add3A_1945] : memref<16384xf32, #tpu.memory_space<vmem>>[vector<16xi32>], vector<16xf32>,
      %eq3A = arith.cmpf oeq, %gather3A, %scan3A_1226#0 : vector<16xf32>
      %eq3A_1946 = arith.cmpf oeq, %gather3A, %scan3A_1226#1 : vector<16xf32>
      %select_n3A = arith.select %eq3A_1946, %sub3A_1238, %broadcast_in_dim3A_1240 : vector<16xi1>, vector<16xf32>
      %select_n3A_1947 = arith.select %eq3A, %div3A_1235, %select_n3A : vector<16xi1>, vector<16xf32>
      %add3A_1948 = vector.broadcast %scan3A_1943 : i32 to vector<16xi32>
      %add3A_1949 = arith.addi %add3A_1219, %add3A_1948 : vector<16xi32>
      tpu.vector_store_idx %arg5[%add3A_1949], %select_n3A_1947 : memref<16384xf32, #tpu.memory_space<vmem>>[vector<16xi32>], vector<16xf32>,
    }
    %scan3A_1246 = arith.constant 64 : i32
    %add3A_1247 = arith.constant 9216 : i32
    %add3A_1248 = vector.broadcast %add3A_1247 : i32 to vector<16xi32>
    %add3A_1249 = arith.addi %mul3A_3, %add3A_1248 : vector<16xi32>
    %broadcast_in_dim3A_1250 = arith.constant 0xFF800000 : f32
    %broadcast_in_dim3A_1251 = vector.broadcast %broadcast_in_dim3A_1250 : f32 to vector<16xf32>
    %scan3A_1252 = arith.constant 0 : i32
    %scan3A_1253 = arith.constant 64 : i32
    %scan3A_1254 = arith.addi %scan3A_1252, %scan3A_1253 : i32
    %scan3A_1255 = arith.constant 1 : i32
    %scan3A_1256:2 = scf.for %scan3A_1943 = %scan3A_1252 to %scan3A_1254 step %scan3A_1255 iter_args(%scan3A_1944 = %broadcast_in_dim3A_1251, %scan3A_1945 = %broadcast_in_dim3A_1251) -> (vector<16xf32>, vector<16xf32>)  : i32 {
      %add3A_1946 = vector.broadcast %scan3A_1943 : i32 to vector<16xi32>
      %add3A_1947 = arith.addi %add3A_1249, %add3A_1946 : vector<16xi32>
      %gather3A = tpu.vector_load_idx %arg4[%add3A_1947] : memref<16384xf32, #tpu.memory_space<vmem>>[vector<16xi32>], vector<16xf32>,
      %gt3A = arith.cmpf ogt, %gather3A, %scan3A_1944 : vector<16xf32>
      %max3A = arith.maximumf %scan3A_1945, %gather3A : vector<16xf32>
      %select_n3A = arith.select %gt3A, %scan3A_1944, %max3A : vector<16xi1>, vector<16xf32>
      %max3A_1948 = arith.maximumf %scan3A_1944, %gather3A : vector<16xf32>
      scf.yield %max3A_1948, %select_n3A : vector<16xf32>, vector<16xf32>
    }
    %scan3A_1257 = arith.constant 64 : i32
    %sub3A_1258 = arith.subf %scan3A_1256#1, %scan3A_1256#0 : vector<16xf32>
    %exp3A_1259 = math.exp %sub3A_1258 : vector<16xf32>
    %add3A_1260 = arith.constant 1.000000e+00 : f32
    %add3A_1261 = vector.broadcast %add3A_1260 : f32 to vector<16xf32>
    %add3A_1262 = arith.addf %add3A_1261, %exp3A_1259 : vector<16xf32>
    %div3A_1263 = arith.constant 1.000000e+00 : f32
    %div3A_1264 = vector.broadcast %div3A_1263 : f32 to vector<16xf32>
    %div3A_1265 = arith.divf %div3A_1264, %add3A_1262 : vector<16xf32>
    %sub3A_1266 = arith.constant 1.000000e+00 : f32
    %sub3A_1267 = vector.broadcast %sub3A_1266 : f32 to vector<16xf32>
    %sub3A_1268 = arith.subf %sub3A_1267, %div3A_1265 : vector<16xf32>
    %broadcast_in_dim3A_1269 = arith.constant 0.000000e+00 : f32
    %broadcast_in_dim3A_1270 = vector.broadcast %broadcast_in_dim3A_1269 : f32 to vector<16xf32>
    %scan3A_1271 = arith.constant 0 : i32
    %scan3A_1272 = arith.constant 0 : i32
    %scan3A_1273 = arith.constant 64 : i32
    %scan3A_1274 = arith.addi %scan3A_1272, %scan3A_1273 : i32
    %scan3A_1275 = arith.constant 1 : i32
    scf.for %scan3A_1943 = %scan3A_1272 to %scan3A_1274 step %scan3A_1275  : i32 {
      %add3A_1944 = vector.broadcast %scan3A_1943 : i32 to vector<16xi32>
      %add3A_1945 = arith.addi %add3A_1249, %add3A_1944 : vector<16xi32>
      %gather3A = tpu.vector_load_idx %arg4[%add3A_1945] : memref<16384xf32, #tpu.memory_space<vmem>>[vector<16xi32>], vector<16xf32>,
      %eq3A = arith.cmpf oeq, %gather3A, %scan3A_1256#0 : vector<16xf32>
      %eq3A_1946 = arith.cmpf oeq, %gather3A, %scan3A_1256#1 : vector<16xf32>
      %select_n3A = arith.select %eq3A_1946, %sub3A_1268, %broadcast_in_dim3A_1270 : vector<16xi1>, vector<16xf32>
      %select_n3A_1947 = arith.select %eq3A, %div3A_1265, %select_n3A : vector<16xi1>, vector<16xf32>
      %add3A_1948 = vector.broadcast %scan3A_1943 : i32 to vector<16xi32>
      %add3A_1949 = arith.addi %add3A_1249, %add3A_1948 : vector<16xi32>
      tpu.vector_store_idx %arg5[%add3A_1949], %select_n3A_1947 : memref<16384xf32, #tpu.memory_space<vmem>>[vector<16xi32>], vector<16xf32>,
    }
    %scan3A_1276 = arith.constant 64 : i32
    %add3A_1277 = arith.constant 10240 : i32
    %add3A_1278 = vector.broadcast %add3A_1277 : i32 to vector<16xi32>
    %add3A_1279 = arith.addi %mul3A_3, %add3A_1278 : vector<16xi32>
    %broadcast_in_dim3A_1280 = arith.constant 0xFF800000 : f32
    %broadcast_in_dim3A_1281 = vector.broadcast %broadcast_in_dim3A_1280 : f32 to vector<16xf32>
    %scan3A_1282 = arith.constant 0 : i32
    %scan3A_1283 = arith.constant 64 : i32
    %scan3A_1284 = arith.addi %scan3A_1282, %scan3A_1283 : i32
    %scan3A_1285 = arith.constant 1 : i32
    %scan3A_1286:2 = scf.for %scan3A_1943 = %scan3A_1282 to %scan3A_1284 step %scan3A_1285 iter_args(%scan3A_1944 = %broadcast_in_dim3A_1281, %scan3A_1945 = %broadcast_in_dim3A_1281) -> (vector<16xf32>, vector<16xf32>)  : i32 {
      %add3A_1946 = vector.broadcast %scan3A_1943 : i32 to vector<16xi32>
      %add3A_1947 = arith.addi %add3A_1279, %add3A_1946 : vector<16xi32>
      %gather3A = tpu.vector_load_idx %arg4[%add3A_1947] : memref<16384xf32, #tpu.memory_space<vmem>>[vector<16xi32>], vector<16xf32>,
      %gt3A = arith.cmpf ogt, %gather3A, %scan3A_1944 : vector<16xf32>
      %max3A = arith.maximumf %scan3A_1945, %gather3A : vector<16xf32>
      %select_n3A = arith.select %gt3A, %scan3A_1944, %max3A : vector<16xi1>, vector<16xf32>
      %max3A_1948 = arith.maximumf %scan3A_1944, %gather3A : vector<16xf32>
      scf.yield %max3A_1948, %select_n3A : vector<16xf32>, vector<16xf32>
    }
    %scan3A_1287 = arith.constant 64 : i32
    %sub3A_1288 = arith.subf %scan3A_1286#1, %scan3A_1286#0 : vector<16xf32>
    %exp3A_1289 = math.exp %sub3A_1288 : vector<16xf32>
    %add3A_1290 = arith.constant 1.000000e+00 : f32
    %add3A_1291 = vector.broadcast %add3A_1290 : f32 to vector<16xf32>
    %add3A_1292 = arith.addf %add3A_1291, %exp3A_1289 : vector<16xf32>
    %div3A_1293 = arith.constant 1.000000e+00 : f32
    %div3A_1294 = vector.broadcast %div3A_1293 : f32 to vector<16xf32>
    %div3A_1295 = arith.divf %div3A_1294, %add3A_1292 : vector<16xf32>
    %sub3A_1296 = arith.constant 1.000000e+00 : f32
    %sub3A_1297 = vector.broadcast %sub3A_1296 : f32 to vector<16xf32>
    %sub3A_1298 = arith.subf %sub3A_1297, %div3A_1295 : vector<16xf32>
    %broadcast_in_dim3A_1299 = arith.constant 0.000000e+00 : f32
    %broadcast_in_dim3A_1300 = vector.broadcast %broadcast_in_dim3A_1299 : f32 to vector<16xf32>
    %scan3A_1301 = arith.constant 0 : i32
    %scan3A_1302 = arith.constant 0 : i32
    %scan3A_1303 = arith.constant 64 : i32
    %scan3A_1304 = arith.addi %scan3A_1302, %scan3A_1303 : i32
    %scan3A_1305 = arith.constant 1 : i32
    scf.for %scan3A_1943 = %scan3A_1302 to %scan3A_1304 step %scan3A_1305  : i32 {
      %add3A_1944 = vector.broadcast %scan3A_1943 : i32 to vector<16xi32>
      %add3A_1945 = arith.addi %add3A_1279, %add3A_1944 : vector<16xi32>
      %gather3A = tpu.vector_load_idx %arg4[%add3A_1945] : memref<16384xf32, #tpu.memory_space<vmem>>[vector<16xi32>], vector<16xf32>,
      %eq3A = arith.cmpf oeq, %gather3A, %scan3A_1286#0 : vector<16xf32>
      %eq3A_1946 = arith.cmpf oeq, %gather3A, %scan3A_1286#1 : vector<16xf32>
      %select_n3A = arith.select %eq3A_1946, %sub3A_1298, %broadcast_in_dim3A_1300 : vector<16xi1>, vector<16xf32>
      %select_n3A_1947 = arith.select %eq3A, %div3A_1295, %select_n3A : vector<16xi1>, vector<16xf32>
      %add3A_1948 = vector.broadcast %scan3A_1943 : i32 to vector<16xi32>
      %add3A_1949 = arith.addi %add3A_1279, %add3A_1948 : vector<16xi32>
      tpu.vector_store_idx %arg5[%add3A_1949], %select_n3A_1947 : memref<16384xf32, #tpu.memory_space<vmem>>[vector<16xi32>], vector<16xf32>,
    }
    %scan3A_1306 = arith.constant 64 : i32
    %add3A_1307 = arith.constant 11264 : i32
    %add3A_1308 = vector.broadcast %add3A_1307 : i32 to vector<16xi32>
    %add3A_1309 = arith.addi %mul3A_3, %add3A_1308 : vector<16xi32>
    %broadcast_in_dim3A_1310 = arith.constant 0xFF800000 : f32
    %broadcast_in_dim3A_1311 = vector.broadcast %broadcast_in_dim3A_1310 : f32 to vector<16xf32>
    %scan3A_1312 = arith.constant 0 : i32
    %scan3A_1313 = arith.constant 64 : i32
    %scan3A_1314 = arith.addi %scan3A_1312, %scan3A_1313 : i32
    %scan3A_1315 = arith.constant 1 : i32
    %scan3A_1316:2 = scf.for %scan3A_1943 = %scan3A_1312 to %scan3A_1314 step %scan3A_1315 iter_args(%scan3A_1944 = %broadcast_in_dim3A_1311, %scan3A_1945 = %broadcast_in_dim3A_1311) -> (vector<16xf32>, vector<16xf32>)  : i32 {
      %add3A_1946 = vector.broadcast %scan3A_1943 : i32 to vector<16xi32>
      %add3A_1947 = arith.addi %add3A_1309, %add3A_1946 : vector<16xi32>
      %gather3A = tpu.vector_load_idx %arg4[%add3A_1947] : memref<16384xf32, #tpu.memory_space<vmem>>[vector<16xi32>], vector<16xf32>,
      %gt3A = arith.cmpf ogt, %gather3A, %scan3A_1944 : vector<16xf32>
      %max3A = arith.maximumf %scan3A_1945, %gather3A : vector<16xf32>
      %select_n3A = arith.select %gt3A, %scan3A_1944, %max3A : vector<16xi1>, vector<16xf32>
      %max3A_1948 = arith.maximumf %scan3A_1944, %gather3A : vector<16xf32>
      scf.yield %max3A_1948, %select_n3A : vector<16xf32>, vector<16xf32>
    }
    %scan3A_1317 = arith.constant 64 : i32
    %sub3A_1318 = arith.subf %scan3A_1316#1, %scan3A_1316#0 : vector<16xf32>
    %exp3A_1319 = math.exp %sub3A_1318 : vector<16xf32>
    %add3A_1320 = arith.constant 1.000000e+00 : f32
    %add3A_1321 = vector.broadcast %add3A_1320 : f32 to vector<16xf32>
    %add3A_1322 = arith.addf %add3A_1321, %exp3A_1319 : vector<16xf32>
    %div3A_1323 = arith.constant 1.000000e+00 : f32
    %div3A_1324 = vector.broadcast %div3A_1323 : f32 to vector<16xf32>
    %div3A_1325 = arith.divf %div3A_1324, %add3A_1322 : vector<16xf32>
    %sub3A_1326 = arith.constant 1.000000e+00 : f32
    %sub3A_1327 = vector.broadcast %sub3A_1326 : f32 to vector<16xf32>
    %sub3A_1328 = arith.subf %sub3A_1327, %div3A_1325 : vector<16xf32>
    %broadcast_in_dim3A_1329 = arith.constant 0.000000e+00 : f32
    %broadcast_in_dim3A_1330 = vector.broadcast %broadcast_in_dim3A_1329 : f32 to vector<16xf32>
    %scan3A_1331 = arith.constant 0 : i32
    %scan3A_1332 = arith.constant 0 : i32
    %scan3A_1333 = arith.constant 64 : i32
    %scan3A_1334 = arith.addi %scan3A_1332, %scan3A_1333 : i32
    %scan3A_1335 = arith.constant 1 : i32
    scf.for %scan3A_1943 = %scan3A_1332 to %scan3A_1334 step %scan3A_1335  : i32 {
      %add3A_1944 = vector.broadcast %scan3A_1943 : i32 to vector<16xi32>
      %add3A_1945 = arith.addi %add3A_1309, %add3A_1944 : vector<16xi32>
      %gather3A = tpu.vector_load_idx %arg4[%add3A_1945] : memref<16384xf32, #tpu.memory_space<vmem>>[vector<16xi32>], vector<16xf32>,
      %eq3A = arith.cmpf oeq, %gather3A, %scan3A_1316#0 : vector<16xf32>
      %eq3A_1946 = arith.cmpf oeq, %gather3A, %scan3A_1316#1 : vector<16xf32>
      %select_n3A = arith.select %eq3A_1946, %sub3A_1328, %broadcast_in_dim3A_1330 : vector<16xi1>, vector<16xf32>
      %select_n3A_1947 = arith.select %eq3A, %div3A_1325, %select_n3A : vector<16xi1>, vector<16xf32>
      %add3A_1948 = vector.broadcast %scan3A_1943 : i32 to vector<16xi32>
      %add3A_1949 = arith.addi %add3A_1309, %add3A_1948 : vector<16xi32>
      tpu.vector_store_idx %arg5[%add3A_1949], %select_n3A_1947 : memref<16384xf32, #tpu.memory_space<vmem>>[vector<16xi32>], vector<16xf32>,
    }
    %scan3A_1336 = arith.constant 64 : i32
    %add3A_1337 = arith.constant 12288 : i32
    %add3A_1338 = vector.broadcast %add3A_1337 : i32 to vector<16xi32>
    %add3A_1339 = arith.addi %mul3A_3, %add3A_1338 : vector<16xi32>
    %broadcast_in_dim3A_1340 = arith.constant 0xFF800000 : f32
    %broadcast_in_dim3A_1341 = vector.broadcast %broadcast_in_dim3A_1340 : f32 to vector<16xf32>
    %scan3A_1342 = arith.constant 0 : i32
    %scan3A_1343 = arith.constant 64 : i32
    %scan3A_1344 = arith.addi %scan3A_1342, %scan3A_1343 : i32
    %scan3A_1345 = arith.constant 1 : i32
    %scan3A_1346:2 = scf.for %scan3A_1943 = %scan3A_1342 to %scan3A_1344 step %scan3A_1345 iter_args(%scan3A_1944 = %broadcast_in_dim3A_1341, %scan3A_1945 = %broadcast_in_dim3A_1341) -> (vector<16xf32>, vector<16xf32>)  : i32 {
      %add3A_1946 = vector.broadcast %scan3A_1943 : i32 to vector<16xi32>
      %add3A_1947 = arith.addi %add3A_1339, %add3A_1946 : vector<16xi32>
      %gather3A = tpu.vector_load_idx %arg4[%add3A_1947] : memref<16384xf32, #tpu.memory_space<vmem>>[vector<16xi32>], vector<16xf32>,
      %gt3A = arith.cmpf ogt, %gather3A, %scan3A_1944 : vector<16xf32>
      %max3A = arith.maximumf %scan3A_1945, %gather3A : vector<16xf32>
      %select_n3A = arith.select %gt3A, %scan3A_1944, %max3A : vector<16xi1>, vector<16xf32>
      %max3A_1948 = arith.maximumf %scan3A_1944, %gather3A : vector<16xf32>
      scf.yield %max3A_1948, %select_n3A : vector<16xf32>, vector<16xf32>
    }
    %scan3A_1347 = arith.constant 64 : i32
    %sub3A_1348 = arith.subf %scan3A_1346#1, %scan3A_1346#0 : vector<16xf32>
    %exp3A_1349 = math.exp %sub3A_1348 : vector<16xf32>
    %add3A_1350 = arith.constant 1.000000e+00 : f32
    %add3A_1351 = vector.broadcast %add3A_1350 : f32 to vector<16xf32>
    %add3A_1352 = arith.addf %add3A_1351, %exp3A_1349 : vector<16xf32>
    %div3A_1353 = arith.constant 1.000000e+00 : f32
    %div3A_1354 = vector.broadcast %div3A_1353 : f32 to vector<16xf32>
    %div3A_1355 = arith.divf %div3A_1354, %add3A_1352 : vector<16xf32>
    %sub3A_1356 = arith.constant 1.000000e+00 : f32
    %sub3A_1357 = vector.broadcast %sub3A_1356 : f32 to vector<16xf32>
    %sub3A_1358 = arith.subf %sub3A_1357, %div3A_1355 : vector<16xf32>
    %broadcast_in_dim3A_1359 = arith.constant 0.000000e+00 : f32
    %broadcast_in_dim3A_1360 = vector.broadcast %broadcast_in_dim3A_1359 : f32 to vector<16xf32>
    %scan3A_1361 = arith.constant 0 : i32
    %scan3A_1362 = arith.constant 0 : i32
    %scan3A_1363 = arith.constant 64 : i32
    %scan3A_1364 = arith.addi %scan3A_1362, %scan3A_1363 : i32
    %scan3A_1365 = arith.constant 1 : i32
    scf.for %scan3A_1943 = %scan3A_1362 to %scan3A_1364 step %scan3A_1365  : i32 {
      %add3A_1944 = vector.broadcast %scan3A_1943 : i32 to vector<16xi32>
      %add3A_1945 = arith.addi %add3A_1339, %add3A_1944 : vector<16xi32>
      %gather3A = tpu.vector_load_idx %arg4[%add3A_1945] : memref<16384xf32, #tpu.memory_space<vmem>>[vector<16xi32>], vector<16xf32>,
      %eq3A = arith.cmpf oeq, %gather3A, %scan3A_1346#0 : vector<16xf32>
      %eq3A_1946 = arith.cmpf oeq, %gather3A, %scan3A_1346#1 : vector<16xf32>
      %select_n3A = arith.select %eq3A_1946, %sub3A_1358, %broadcast_in_dim3A_1360 : vector<16xi1>, vector<16xf32>
      %select_n3A_1947 = arith.select %eq3A, %div3A_1355, %select_n3A : vector<16xi1>, vector<16xf32>
      %add3A_1948 = vector.broadcast %scan3A_1943 : i32 to vector<16xi32>
      %add3A_1949 = arith.addi %add3A_1339, %add3A_1948 : vector<16xi32>
      tpu.vector_store_idx %arg5[%add3A_1949], %select_n3A_1947 : memref<16384xf32, #tpu.memory_space<vmem>>[vector<16xi32>], vector<16xf32>,
    }
    %scan3A_1366 = arith.constant 64 : i32
    %add3A_1367 = arith.constant 13312 : i32
    %add3A_1368 = vector.broadcast %add3A_1367 : i32 to vector<16xi32>
    %add3A_1369 = arith.addi %mul3A_3, %add3A_1368 : vector<16xi32>
    %broadcast_in_dim3A_1370 = arith.constant 0xFF800000 : f32
    %broadcast_in_dim3A_1371 = vector.broadcast %broadcast_in_dim3A_1370 : f32 to vector<16xf32>
    %scan3A_1372 = arith.constant 0 : i32
    %scan3A_1373 = arith.constant 64 : i32
    %scan3A_1374 = arith.addi %scan3A_1372, %scan3A_1373 : i32
    %scan3A_1375 = arith.constant 1 : i32
    %scan3A_1376:2 = scf.for %scan3A_1943 = %scan3A_1372 to %scan3A_1374 step %scan3A_1375 iter_args(%scan3A_1944 = %broadcast_in_dim3A_1371, %scan3A_1945 = %broadcast_in_dim3A_1371) -> (vector<16xf32>, vector<16xf32>)  : i32 {
      %add3A_1946 = vector.broadcast %scan3A_1943 : i32 to vector<16xi32>
      %add3A_1947 = arith.addi %add3A_1369, %add3A_1946 : vector<16xi32>
      %gather3A = tpu.vector_load_idx %arg4[%add3A_1947] : memref<16384xf32, #tpu.memory_space<vmem>>[vector<16xi32>], vector<16xf32>,
      %gt3A = arith.cmpf ogt, %gather3A, %scan3A_1944 : vector<16xf32>
      %max3A = arith.maximumf %scan3A_1945, %gather3A : vector<16xf32>
      %select_n3A = arith.select %gt3A, %scan3A_1944, %max3A : vector<16xi1>, vector<16xf32>
      %max3A_1948 = arith.maximumf %scan3A_1944, %gather3A : vector<16xf32>
      scf.yield %max3A_1948, %select_n3A : vector<16xf32>, vector<16xf32>
    }
    %scan3A_1377 = arith.constant 64 : i32
    %sub3A_1378 = arith.subf %scan3A_1376#1, %scan3A_1376#0 : vector<16xf32>
    %exp3A_1379 = math.exp %sub3A_1378 : vector<16xf32>
    %add3A_1380 = arith.constant 1.000000e+00 : f32
    %add3A_1381 = vector.broadcast %add3A_1380 : f32 to vector<16xf32>
    %add3A_1382 = arith.addf %add3A_1381, %exp3A_1379 : vector<16xf32>
    %div3A_1383 = arith.constant 1.000000e+00 : f32
    %div3A_1384 = vector.broadcast %div3A_1383 : f32 to vector<16xf32>
    %div3A_1385 = arith.divf %div3A_1384, %add3A_1382 : vector<16xf32>
    %sub3A_1386 = arith.constant 1.000000e+00 : f32
    %sub3A_1387 = vector.broadcast %sub3A_1386 : f32 to vector<16xf32>
    %sub3A_1388 = arith.subf %sub3A_1387, %div3A_1385 : vector<16xf32>
    %broadcast_in_dim3A_1389 = arith.constant 0.000000e+00 : f32
    %broadcast_in_dim3A_1390 = vector.broadcast %broadcast_in_dim3A_1389 : f32 to vector<16xf32>
    %scan3A_1391 = arith.constant 0 : i32
    %scan3A_1392 = arith.constant 0 : i32
    %scan3A_1393 = arith.constant 64 : i32
    %scan3A_1394 = arith.addi %scan3A_1392, %scan3A_1393 : i32
    %scan3A_1395 = arith.constant 1 : i32
    scf.for %scan3A_1943 = %scan3A_1392 to %scan3A_1394 step %scan3A_1395  : i32 {
      %add3A_1944 = vector.broadcast %scan3A_1943 : i32 to vector<16xi32>
      %add3A_1945 = arith.addi %add3A_1369, %add3A_1944 : vector<16xi32>
      %gather3A = tpu.vector_load_idx %arg4[%add3A_1945] : memref<16384xf32, #tpu.memory_space<vmem>>[vector<16xi32>], vector<16xf32>,
      %eq3A = arith.cmpf oeq, %gather3A, %scan3A_1376#0 : vector<16xf32>
      %eq3A_1946 = arith.cmpf oeq, %gather3A, %scan3A_1376#1 : vector<16xf32>
      %select_n3A = arith.select %eq3A_1946, %sub3A_1388, %broadcast_in_dim3A_1390 : vector<16xi1>, vector<16xf32>
      %select_n3A_1947 = arith.select %eq3A, %div3A_1385, %select_n3A : vector<16xi1>, vector<16xf32>
      %add3A_1948 = vector.broadcast %scan3A_1943 : i32 to vector<16xi32>
      %add3A_1949 = arith.addi %add3A_1369, %add3A_1948 : vector<16xi32>
      tpu.vector_store_idx %arg5[%add3A_1949], %select_n3A_1947 : memref<16384xf32, #tpu.memory_space<vmem>>[vector<16xi32>], vector<16xf32>,
    }
    %scan3A_1396 = arith.constant 64 : i32
    %add3A_1397 = arith.constant 14336 : i32
    %add3A_1398 = vector.broadcast %add3A_1397 : i32 to vector<16xi32>
    %add3A_1399 = arith.addi %mul3A_3, %add3A_1398 : vector<16xi32>
    %broadcast_in_dim3A_1400 = arith.constant 0xFF800000 : f32
    %broadcast_in_dim3A_1401 = vector.broadcast %broadcast_in_dim3A_1400 : f32 to vector<16xf32>
    %scan3A_1402 = arith.constant 0 : i32
    %scan3A_1403 = arith.constant 64 : i32
    %scan3A_1404 = arith.addi %scan3A_1402, %scan3A_1403 : i32
    %scan3A_1405 = arith.constant 1 : i32
    %scan3A_1406:2 = scf.for %scan3A_1943 = %scan3A_1402 to %scan3A_1404 step %scan3A_1405 iter_args(%scan3A_1944 = %broadcast_in_dim3A_1401, %scan3A_1945 = %broadcast_in_dim3A_1401) -> (vector<16xf32>, vector<16xf32>)  : i32 {
      %add3A_1946 = vector.broadcast %scan3A_1943 : i32 to vector<16xi32>
      %add3A_1947 = arith.addi %add3A_1399, %add3A_1946 : vector<16xi32>
      %gather3A = tpu.vector_load_idx %arg4[%add3A_1947] : memref<16384xf32, #tpu.memory_space<vmem>>[vector<16xi32>], vector<16xf32>,
      %gt3A = arith.cmpf ogt, %gather3A, %scan3A_1944 : vector<16xf32>
      %max3A = arith.maximumf %scan3A_1945, %gather3A : vector<16xf32>
      %select_n3A = arith.select %gt3A, %scan3A_1944, %max3A : vector<16xi1>, vector<16xf32>
      %max3A_1948 = arith.maximumf %scan3A_1944, %gather3A : vector<16xf32>
      scf.yield %max3A_1948, %select_n3A : vector<16xf32>, vector<16xf32>
    }
    %scan3A_1407 = arith.constant 64 : i32
    %sub3A_1408 = arith.subf %scan3A_1406#1, %scan3A_1406#0 : vector<16xf32>
    %exp3A_1409 = math.exp %sub3A_1408 : vector<16xf32>
    %add3A_1410 = arith.constant 1.000000e+00 : f32
    %add3A_1411 = vector.broadcast %add3A_1410 : f32 to vector<16xf32>
    %add3A_1412 = arith.addf %add3A_1411, %exp3A_1409 : vector<16xf32>
    %div3A_1413 = arith.constant 1.000000e+00 : f32
    %div3A_1414 = vector.broadcast %div3A_1413 : f32 to vector<16xf32>
    %div3A_1415 = arith.divf %div3A_1414, %add3A_1412 : vector<16xf32>
    %sub3A_1416 = arith.constant 1.000000e+00 : f32
    %sub3A_1417 = vector.broadcast %sub3A_1416 : f32 to vector<16xf32>
    %sub3A_1418 = arith.subf %sub3A_1417, %div3A_1415 : vector<16xf32>
    %broadcast_in_dim3A_1419 = arith.constant 0.000000e+00 : f32
    %broadcast_in_dim3A_1420 = vector.broadcast %broadcast_in_dim3A_1419 : f32 to vector<16xf32>
    %scan3A_1421 = arith.constant 0 : i32
    %scan3A_1422 = arith.constant 0 : i32
    %scan3A_1423 = arith.constant 64 : i32
    %scan3A_1424 = arith.addi %scan3A_1422, %scan3A_1423 : i32
    %scan3A_1425 = arith.constant 1 : i32
    scf.for %scan3A_1943 = %scan3A_1422 to %scan3A_1424 step %scan3A_1425  : i32 {
      %add3A_1944 = vector.broadcast %scan3A_1943 : i32 to vector<16xi32>
      %add3A_1945 = arith.addi %add3A_1399, %add3A_1944 : vector<16xi32>
      %gather3A = tpu.vector_load_idx %arg4[%add3A_1945] : memref<16384xf32, #tpu.memory_space<vmem>>[vector<16xi32>], vector<16xf32>,
      %eq3A = arith.cmpf oeq, %gather3A, %scan3A_1406#0 : vector<16xf32>
      %eq3A_1946 = arith.cmpf oeq, %gather3A, %scan3A_1406#1 : vector<16xf32>
      %select_n3A = arith.select %eq3A_1946, %sub3A_1418, %broadcast_in_dim3A_1420 : vector<16xi1>, vector<16xf32>
      %select_n3A_1947 = arith.select %eq3A, %div3A_1415, %select_n3A : vector<16xi1>, vector<16xf32>
      %add3A_1948 = vector.broadcast %scan3A_1943 : i32 to vector<16xi32>
      %add3A_1949 = arith.addi %add3A_1399, %add3A_1948 : vector<16xi32>
      tpu.vector_store_idx %arg5[%add3A_1949], %select_n3A_1947 : memref<16384xf32, #tpu.memory_space<vmem>>[vector<16xi32>], vector<16xf32>,
    }
    %scan3A_1426 = arith.constant 64 : i32
    %add3A_1427 = arith.constant 15360 : i32
    %add3A_1428 = vector.broadcast %add3A_1427 : i32 to vector<16xi32>
    %add3A_1429 = arith.addi %mul3A_3, %add3A_1428 : vector<16xi32>
    %broadcast_in_dim3A_1430 = arith.constant 0xFF800000 : f32
    %broadcast_in_dim3A_1431 = vector.broadcast %broadcast_in_dim3A_1430 : f32 to vector<16xf32>
    %scan3A_1432 = arith.constant 0 : i32
    %scan3A_1433 = arith.constant 64 : i32
    %scan3A_1434 = arith.addi %scan3A_1432, %scan3A_1433 : i32
    %scan3A_1435 = arith.constant 1 : i32
    %scan3A_1436:2 = scf.for %scan3A_1943 = %scan3A_1432 to %scan3A_1434 step %scan3A_1435 iter_args(%scan3A_1944 = %broadcast_in_dim3A_1431, %scan3A_1945 = %broadcast_in_dim3A_1431) -> (vector<16xf32>, vector<16xf32>)  : i32 {
      %add3A_1946 = vector.broadcast %scan3A_1943 : i32 to vector<16xi32>
      %add3A_1947 = arith.addi %add3A_1429, %add3A_1946 : vector<16xi32>
      %gather3A = tpu.vector_load_idx %arg4[%add3A_1947] : memref<16384xf32, #tpu.memory_space<vmem>>[vector<16xi32>], vector<16xf32>,
      %gt3A = arith.cmpf ogt, %gather3A, %scan3A_1944 : vector<16xf32>
      %max3A = arith.maximumf %scan3A_1945, %gather3A : vector<16xf32>
      %select_n3A = arith.select %gt3A, %scan3A_1944, %max3A : vector<16xi1>, vector<16xf32>
      %max3A_1948 = arith.maximumf %scan3A_1944, %gather3A : vector<16xf32>
      scf.yield %max3A_1948, %select_n3A : vector<16xf32>, vector<16xf32>
    }
    %scan3A_1437 = arith.constant 64 : i32
    %sub3A_1438 = arith.subf %scan3A_1436#1, %scan3A_1436#0 : vector<16xf32>
    %exp3A_1439 = math.exp %sub3A_1438 : vector<16xf32>
    %add3A_1440 = arith.constant 1.000000e+00 : f32
    %add3A_1441 = vector.broadcast %add3A_1440 : f32 to vector<16xf32>
    %add3A_1442 = arith.addf %add3A_1441, %exp3A_1439 : vector<16xf32>
    %div3A_1443 = arith.constant 1.000000e+00 : f32
    %div3A_1444 = vector.broadcast %div3A_1443 : f32 to vector<16xf32>
    %div3A_1445 = arith.divf %div3A_1444, %add3A_1442 : vector<16xf32>
    %sub3A_1446 = arith.constant 1.000000e+00 : f32
    %sub3A_1447 = vector.broadcast %sub3A_1446 : f32 to vector<16xf32>
    %sub3A_1448 = arith.subf %sub3A_1447, %div3A_1445 : vector<16xf32>
    %broadcast_in_dim3A_1449 = arith.constant 0.000000e+00 : f32
    %broadcast_in_dim3A_1450 = vector.broadcast %broadcast_in_dim3A_1449 : f32 to vector<16xf32>
    %scan3A_1451 = arith.constant 0 : i32
    %scan3A_1452 = arith.constant 0 : i32
    %scan3A_1453 = arith.constant 64 : i32
    %scan3A_1454 = arith.addi %scan3A_1452, %scan3A_1453 : i32
    %scan3A_1455 = arith.constant 1 : i32
    scf.for %scan3A_1943 = %scan3A_1452 to %scan3A_1454 step %scan3A_1455  : i32 {
      %add3A_1944 = vector.broadcast %scan3A_1943 : i32 to vector<16xi32>
      %add3A_1945 = arith.addi %add3A_1429, %add3A_1944 : vector<16xi32>
      %gather3A = tpu.vector_load_idx %arg4[%add3A_1945] : memref<16384xf32, #tpu.memory_space<vmem>>[vector<16xi32>], vector<16xf32>,
      %eq3A = arith.cmpf oeq, %gather3A, %scan3A_1436#0 : vector<16xf32>
      %eq3A_1946 = arith.cmpf oeq, %gather3A, %scan3A_1436#1 : vector<16xf32>
      %select_n3A = arith.select %eq3A_1946, %sub3A_1448, %broadcast_in_dim3A_1450 : vector<16xi1>, vector<16xf32>
      %select_n3A_1947 = arith.select %eq3A, %div3A_1445, %select_n3A : vector<16xi1>, vector<16xf32>
      %add3A_1948 = vector.broadcast %scan3A_1943 : i32 to vector<16xi32>
      %add3A_1949 = arith.addi %add3A_1429, %add3A_1948 : vector<16xi32>
      tpu.vector_store_idx %arg5[%add3A_1949], %select_n3A_1947 : memref<16384xf32, #tpu.memory_space<vmem>>[vector<16xi32>], vector<16xf32>,
    }
    %scan3A_1456 = arith.constant 64 : i32
    "tpu.region"() ({
      %run_scoped3A = tpu.sem_alloc : memref<!tpu.dma_semaphore, #tpu.memory_space<semaphore_mem>>
      %dma_start3A = tpu.memref_slice %arg3[%mul3A_976] : memref<2097152xf32, #tpu.memory_space<hbm>> -> memref<16384xf32, #tpu.memory_space<hbm>>
      %dma_start3A_1943 = tpu.memref_slice %arg3[%mul3A_976] : memref<2097152xf32, #tpu.memory_space<hbm>> -> memref<16384xf32, #tpu.memory_space<hbm>>
      tpu.enqueue_dma source(%arg5 : memref<16384xf32, #tpu.memory_space<vmem>>) target(%dma_start3A_1943 : memref<16384xf32, #tpu.memory_space<hbm>>) target_semaphore(%run_scoped3A : memref<!tpu.dma_semaphore, #tpu.memory_space<semaphore_mem>>)
      %dma_wait3A = tpu.memref_slice %arg3[%mul3A_976] : memref<2097152xf32, #tpu.memory_space<hbm>> -> memref<16384xf32, #tpu.memory_space<hbm>>
      %dma_wait3A_1944 = tpu.memref_slice %arg3[%mul3A_976] : memref<2097152xf32, #tpu.memory_space<hbm>> -> memref<16384xf32, #tpu.memory_space<hbm>>
      tpu.wait_dma2 semaphore(%run_scoped3A : memref<!tpu.dma_semaphore, #tpu.memory_space<semaphore_mem>>) src(%arg5 : memref<16384xf32, #tpu.memory_space<vmem>>) dst(%dma_wait3A_1944 : memref<16384xf32, #tpu.memory_space<hbm>>)
      tpu.yield
    }) : () -> ()
    %mul3A_1457 = arith.constant 1024 : i32
    %mul3A_1458 = arith.muli %add3A, %mul3A_1457 : i32
    %add3A_1459 = arith.constant 768 : i32
    %add3A_1460 = arith.addi %mul3A_1458, %add3A_1459 : i32
    %mul3A_1461 = arith.constant 64 : i32
    %mul3A_1462 = arith.muli %add3A_1460, %mul3A_1461 : i32
    "tpu.region"() ({
      %run_scoped3A = tpu.sem_alloc : memref<!tpu.dma_semaphore, #tpu.memory_space<semaphore_mem>>
      %dma_start3A = tpu.memref_slice %arg2[%mul3A_1462] : memref<2097152xf32, #tpu.memory_space<hbm>> -> memref<16384xf32, #tpu.memory_space<hbm>>
      %dma_start3A_1943 = tpu.memref_slice %arg2[%mul3A_1462] : memref<2097152xf32, #tpu.memory_space<hbm>> -> memref<16384xf32, #tpu.memory_space<hbm>>
      tpu.enqueue_dma source(%dma_start3A_1943 : memref<16384xf32, #tpu.memory_space<hbm>>) target(%arg4 : memref<16384xf32, #tpu.memory_space<vmem>>) target_semaphore(%run_scoped3A : memref<!tpu.dma_semaphore, #tpu.memory_space<semaphore_mem>>)
      %dma_wait3A = tpu.memref_slice %arg2[%mul3A_1462] : memref<2097152xf32, #tpu.memory_space<hbm>> -> memref<16384xf32, #tpu.memory_space<hbm>>
      %dma_wait3A_1944 = tpu.memref_slice %arg2[%mul3A_1462] : memref<2097152xf32, #tpu.memory_space<hbm>> -> memref<16384xf32, #tpu.memory_space<hbm>>
      tpu.wait_dma2 semaphore(%run_scoped3A : memref<!tpu.dma_semaphore, #tpu.memory_space<semaphore_mem>>) src(%dma_wait3A_1944 : memref<16384xf32, #tpu.memory_space<hbm>>) dst(%arg4 : memref<16384xf32, #tpu.memory_space<vmem>>)
      tpu.yield
    }) : () -> ()
    %add3A_1463 = arith.constant 0 : i32
    %add3A_1464 = vector.broadcast %add3A_1463 : i32 to vector<16xi32>
    %add3A_1465 = arith.addi %mul3A_3, %add3A_1464 : vector<16xi32>
    %broadcast_in_dim3A_1466 = arith.constant 0xFF800000 : f32
    %broadcast_in_dim3A_1467 = vector.broadcast %broadcast_in_dim3A_1466 : f32 to vector<16xf32>
    %scan3A_1468 = arith.constant 0 : i32
    %scan3A_1469 = arith.constant 64 : i32
    %scan3A_1470 = arith.addi %scan3A_1468, %scan3A_1469 : i32
    %scan3A_1471 = arith.constant 1 : i32
    %scan3A_1472:2 = scf.for %scan3A_1943 = %scan3A_1468 to %scan3A_1470 step %scan3A_1471 iter_args(%scan3A_1944 = %broadcast_in_dim3A_1467, %scan3A_1945 = %broadcast_in_dim3A_1467) -> (vector<16xf32>, vector<16xf32>)  : i32 {
      %add3A_1946 = vector.broadcast %scan3A_1943 : i32 to vector<16xi32>
      %add3A_1947 = arith.addi %add3A_1465, %add3A_1946 : vector<16xi32>
      %gather3A = tpu.vector_load_idx %arg4[%add3A_1947] : memref<16384xf32, #tpu.memory_space<vmem>>[vector<16xi32>], vector<16xf32>,
      %gt3A = arith.cmpf ogt, %gather3A, %scan3A_1944 : vector<16xf32>
      %max3A = arith.maximumf %scan3A_1945, %gather3A : vector<16xf32>
      %select_n3A = arith.select %gt3A, %scan3A_1944, %max3A : vector<16xi1>, vector<16xf32>
      %max3A_1948 = arith.maximumf %scan3A_1944, %gather3A : vector<16xf32>
      scf.yield %max3A_1948, %select_n3A : vector<16xf32>, vector<16xf32>
    }
    %scan3A_1473 = arith.constant 64 : i32
    %sub3A_1474 = arith.subf %scan3A_1472#1, %scan3A_1472#0 : vector<16xf32>
    %exp3A_1475 = math.exp %sub3A_1474 : vector<16xf32>
    %add3A_1476 = arith.constant 1.000000e+00 : f32
    %add3A_1477 = vector.broadcast %add3A_1476 : f32 to vector<16xf32>
    %add3A_1478 = arith.addf %add3A_1477, %exp3A_1475 : vector<16xf32>
    %div3A_1479 = arith.constant 1.000000e+00 : f32
    %div3A_1480 = vector.broadcast %div3A_1479 : f32 to vector<16xf32>
    %div3A_1481 = arith.divf %div3A_1480, %add3A_1478 : vector<16xf32>
    %sub3A_1482 = arith.constant 1.000000e+00 : f32
    %sub3A_1483 = vector.broadcast %sub3A_1482 : f32 to vector<16xf32>
    %sub3A_1484 = arith.subf %sub3A_1483, %div3A_1481 : vector<16xf32>
    %broadcast_in_dim3A_1485 = arith.constant 0.000000e+00 : f32
    %broadcast_in_dim3A_1486 = vector.broadcast %broadcast_in_dim3A_1485 : f32 to vector<16xf32>
    %scan3A_1487 = arith.constant 0 : i32
    %scan3A_1488 = arith.constant 0 : i32
    %scan3A_1489 = arith.constant 64 : i32
    %scan3A_1490 = arith.addi %scan3A_1488, %scan3A_1489 : i32
    %scan3A_1491 = arith.constant 1 : i32
    scf.for %scan3A_1943 = %scan3A_1488 to %scan3A_1490 step %scan3A_1491  : i32 {
      %add3A_1944 = vector.broadcast %scan3A_1943 : i32 to vector<16xi32>
      %add3A_1945 = arith.addi %add3A_1465, %add3A_1944 : vector<16xi32>
      %gather3A = tpu.vector_load_idx %arg4[%add3A_1945] : memref<16384xf32, #tpu.memory_space<vmem>>[vector<16xi32>], vector<16xf32>,
      %eq3A = arith.cmpf oeq, %gather3A, %scan3A_1472#0 : vector<16xf32>
      %eq3A_1946 = arith.cmpf oeq, %gather3A, %scan3A_1472#1 : vector<16xf32>
      %select_n3A = arith.select %eq3A_1946, %sub3A_1484, %broadcast_in_dim3A_1486 : vector<16xi1>, vector<16xf32>
      %select_n3A_1947 = arith.select %eq3A, %div3A_1481, %select_n3A : vector<16xi1>, vector<16xf32>
      %add3A_1948 = vector.broadcast %scan3A_1943 : i32 to vector<16xi32>
      %add3A_1949 = arith.addi %add3A_1465, %add3A_1948 : vector<16xi32>
      tpu.vector_store_idx %arg5[%add3A_1949], %select_n3A_1947 : memref<16384xf32, #tpu.memory_space<vmem>>[vector<16xi32>], vector<16xf32>,
    }
    %scan3A_1492 = arith.constant 64 : i32
    %add3A_1493 = arith.constant 1024 : i32
    %add3A_1494 = vector.broadcast %add3A_1493 : i32 to vector<16xi32>
    %add3A_1495 = arith.addi %mul3A_3, %add3A_1494 : vector<16xi32>
    %broadcast_in_dim3A_1496 = arith.constant 0xFF800000 : f32
    %broadcast_in_dim3A_1497 = vector.broadcast %broadcast_in_dim3A_1496 : f32 to vector<16xf32>
    %scan3A_1498 = arith.constant 0 : i32
    %scan3A_1499 = arith.constant 64 : i32
    %scan3A_1500 = arith.addi %scan3A_1498, %scan3A_1499 : i32
    %scan3A_1501 = arith.constant 1 : i32
    %scan3A_1502:2 = scf.for %scan3A_1943 = %scan3A_1498 to %scan3A_1500 step %scan3A_1501 iter_args(%scan3A_1944 = %broadcast_in_dim3A_1497, %scan3A_1945 = %broadcast_in_dim3A_1497) -> (vector<16xf32>, vector<16xf32>)  : i32 {
      %add3A_1946 = vector.broadcast %scan3A_1943 : i32 to vector<16xi32>
      %add3A_1947 = arith.addi %add3A_1495, %add3A_1946 : vector<16xi32>
      %gather3A = tpu.vector_load_idx %arg4[%add3A_1947] : memref<16384xf32, #tpu.memory_space<vmem>>[vector<16xi32>], vector<16xf32>,
      %gt3A = arith.cmpf ogt, %gather3A, %scan3A_1944 : vector<16xf32>
      %max3A = arith.maximumf %scan3A_1945, %gather3A : vector<16xf32>
      %select_n3A = arith.select %gt3A, %scan3A_1944, %max3A : vector<16xi1>, vector<16xf32>
      %max3A_1948 = arith.maximumf %scan3A_1944, %gather3A : vector<16xf32>
      scf.yield %max3A_1948, %select_n3A : vector<16xf32>, vector<16xf32>
    }
    %scan3A_1503 = arith.constant 64 : i32
    %sub3A_1504 = arith.subf %scan3A_1502#1, %scan3A_1502#0 : vector<16xf32>
    %exp3A_1505 = math.exp %sub3A_1504 : vector<16xf32>
    %add3A_1506 = arith.constant 1.000000e+00 : f32
    %add3A_1507 = vector.broadcast %add3A_1506 : f32 to vector<16xf32>
    %add3A_1508 = arith.addf %add3A_1507, %exp3A_1505 : vector<16xf32>
    %div3A_1509 = arith.constant 1.000000e+00 : f32
    %div3A_1510 = vector.broadcast %div3A_1509 : f32 to vector<16xf32>
    %div3A_1511 = arith.divf %div3A_1510, %add3A_1508 : vector<16xf32>
    %sub3A_1512 = arith.constant 1.000000e+00 : f32
    %sub3A_1513 = vector.broadcast %sub3A_1512 : f32 to vector<16xf32>
    %sub3A_1514 = arith.subf %sub3A_1513, %div3A_1511 : vector<16xf32>
    %broadcast_in_dim3A_1515 = arith.constant 0.000000e+00 : f32
    %broadcast_in_dim3A_1516 = vector.broadcast %broadcast_in_dim3A_1515 : f32 to vector<16xf32>
    %scan3A_1517 = arith.constant 0 : i32
    %scan3A_1518 = arith.constant 0 : i32
    %scan3A_1519 = arith.constant 64 : i32
    %scan3A_1520 = arith.addi %scan3A_1518, %scan3A_1519 : i32
    %scan3A_1521 = arith.constant 1 : i32
    scf.for %scan3A_1943 = %scan3A_1518 to %scan3A_1520 step %scan3A_1521  : i32 {
      %add3A_1944 = vector.broadcast %scan3A_1943 : i32 to vector<16xi32>
      %add3A_1945 = arith.addi %add3A_1495, %add3A_1944 : vector<16xi32>
      %gather3A = tpu.vector_load_idx %arg4[%add3A_1945] : memref<16384xf32, #tpu.memory_space<vmem>>[vector<16xi32>], vector<16xf32>,
      %eq3A = arith.cmpf oeq, %gather3A, %scan3A_1502#0 : vector<16xf32>
      %eq3A_1946 = arith.cmpf oeq, %gather3A, %scan3A_1502#1 : vector<16xf32>
      %select_n3A = arith.select %eq3A_1946, %sub3A_1514, %broadcast_in_dim3A_1516 : vector<16xi1>, vector<16xf32>
      %select_n3A_1947 = arith.select %eq3A, %div3A_1511, %select_n3A : vector<16xi1>, vector<16xf32>
      %add3A_1948 = vector.broadcast %scan3A_1943 : i32 to vector<16xi32>
      %add3A_1949 = arith.addi %add3A_1495, %add3A_1948 : vector<16xi32>
      tpu.vector_store_idx %arg5[%add3A_1949], %select_n3A_1947 : memref<16384xf32, #tpu.memory_space<vmem>>[vector<16xi32>], vector<16xf32>,
    }
    %scan3A_1522 = arith.constant 64 : i32
    %add3A_1523 = arith.constant 2048 : i32
    %add3A_1524 = vector.broadcast %add3A_1523 : i32 to vector<16xi32>
    %add3A_1525 = arith.addi %mul3A_3, %add3A_1524 : vector<16xi32>
    %broadcast_in_dim3A_1526 = arith.constant 0xFF800000 : f32
    %broadcast_in_dim3A_1527 = vector.broadcast %broadcast_in_dim3A_1526 : f32 to vector<16xf32>
    %scan3A_1528 = arith.constant 0 : i32
    %scan3A_1529 = arith.constant 64 : i32
    %scan3A_1530 = arith.addi %scan3A_1528, %scan3A_1529 : i32
    %scan3A_1531 = arith.constant 1 : i32
    %scan3A_1532:2 = scf.for %scan3A_1943 = %scan3A_1528 to %scan3A_1530 step %scan3A_1531 iter_args(%scan3A_1944 = %broadcast_in_dim3A_1527, %scan3A_1945 = %broadcast_in_dim3A_1527) -> (vector<16xf32>, vector<16xf32>)  : i32 {
      %add3A_1946 = vector.broadcast %scan3A_1943 : i32 to vector<16xi32>
      %add3A_1947 = arith.addi %add3A_1525, %add3A_1946 : vector<16xi32>
      %gather3A = tpu.vector_load_idx %arg4[%add3A_1947] : memref<16384xf32, #tpu.memory_space<vmem>>[vector<16xi32>], vector<16xf32>,
      %gt3A = arith.cmpf ogt, %gather3A, %scan3A_1944 : vector<16xf32>
      %max3A = arith.maximumf %scan3A_1945, %gather3A : vector<16xf32>
      %select_n3A = arith.select %gt3A, %scan3A_1944, %max3A : vector<16xi1>, vector<16xf32>
      %max3A_1948 = arith.maximumf %scan3A_1944, %gather3A : vector<16xf32>
      scf.yield %max3A_1948, %select_n3A : vector<16xf32>, vector<16xf32>
    }
    %scan3A_1533 = arith.constant 64 : i32
    %sub3A_1534 = arith.subf %scan3A_1532#1, %scan3A_1532#0 : vector<16xf32>
    %exp3A_1535 = math.exp %sub3A_1534 : vector<16xf32>
    %add3A_1536 = arith.constant 1.000000e+00 : f32
    %add3A_1537 = vector.broadcast %add3A_1536 : f32 to vector<16xf32>
    %add3A_1538 = arith.addf %add3A_1537, %exp3A_1535 : vector<16xf32>
    %div3A_1539 = arith.constant 1.000000e+00 : f32
    %div3A_1540 = vector.broadcast %div3A_1539 : f32 to vector<16xf32>
    %div3A_1541 = arith.divf %div3A_1540, %add3A_1538 : vector<16xf32>
    %sub3A_1542 = arith.constant 1.000000e+00 : f32
    %sub3A_1543 = vector.broadcast %sub3A_1542 : f32 to vector<16xf32>
    %sub3A_1544 = arith.subf %sub3A_1543, %div3A_1541 : vector<16xf32>
    %broadcast_in_dim3A_1545 = arith.constant 0.000000e+00 : f32
    %broadcast_in_dim3A_1546 = vector.broadcast %broadcast_in_dim3A_1545 : f32 to vector<16xf32>
    %scan3A_1547 = arith.constant 0 : i32
    %scan3A_1548 = arith.constant 0 : i32
    %scan3A_1549 = arith.constant 64 : i32
    %scan3A_1550 = arith.addi %scan3A_1548, %scan3A_1549 : i32
    %scan3A_1551 = arith.constant 1 : i32
    scf.for %scan3A_1943 = %scan3A_1548 to %scan3A_1550 step %scan3A_1551  : i32 {
      %add3A_1944 = vector.broadcast %scan3A_1943 : i32 to vector<16xi32>
      %add3A_1945 = arith.addi %add3A_1525, %add3A_1944 : vector<16xi32>
      %gather3A = tpu.vector_load_idx %arg4[%add3A_1945] : memref<16384xf32, #tpu.memory_space<vmem>>[vector<16xi32>], vector<16xf32>,
      %eq3A = arith.cmpf oeq, %gather3A, %scan3A_1532#0 : vector<16xf32>
      %eq3A_1946 = arith.cmpf oeq, %gather3A, %scan3A_1532#1 : vector<16xf32>
      %select_n3A = arith.select %eq3A_1946, %sub3A_1544, %broadcast_in_dim3A_1546 : vector<16xi1>, vector<16xf32>
      %select_n3A_1947 = arith.select %eq3A, %div3A_1541, %select_n3A : vector<16xi1>, vector<16xf32>
      %add3A_1948 = vector.broadcast %scan3A_1943 : i32 to vector<16xi32>
      %add3A_1949 = arith.addi %add3A_1525, %add3A_1948 : vector<16xi32>
      tpu.vector_store_idx %arg5[%add3A_1949], %select_n3A_1947 : memref<16384xf32, #tpu.memory_space<vmem>>[vector<16xi32>], vector<16xf32>,
    }
    %scan3A_1552 = arith.constant 64 : i32
    %add3A_1553 = arith.constant 3072 : i32
    %add3A_1554 = vector.broadcast %add3A_1553 : i32 to vector<16xi32>
    %add3A_1555 = arith.addi %mul3A_3, %add3A_1554 : vector<16xi32>
    %broadcast_in_dim3A_1556 = arith.constant 0xFF800000 : f32
    %broadcast_in_dim3A_1557 = vector.broadcast %broadcast_in_dim3A_1556 : f32 to vector<16xf32>
    %scan3A_1558 = arith.constant 0 : i32
    %scan3A_1559 = arith.constant 64 : i32
    %scan3A_1560 = arith.addi %scan3A_1558, %scan3A_1559 : i32
    %scan3A_1561 = arith.constant 1 : i32
    %scan3A_1562:2 = scf.for %scan3A_1943 = %scan3A_1558 to %scan3A_1560 step %scan3A_1561 iter_args(%scan3A_1944 = %broadcast_in_dim3A_1557, %scan3A_1945 = %broadcast_in_dim3A_1557) -> (vector<16xf32>, vector<16xf32>)  : i32 {
      %add3A_1946 = vector.broadcast %scan3A_1943 : i32 to vector<16xi32>
      %add3A_1947 = arith.addi %add3A_1555, %add3A_1946 : vector<16xi32>
      %gather3A = tpu.vector_load_idx %arg4[%add3A_1947] : memref<16384xf32, #tpu.memory_space<vmem>>[vector<16xi32>], vector<16xf32>,
      %gt3A = arith.cmpf ogt, %gather3A, %scan3A_1944 : vector<16xf32>
      %max3A = arith.maximumf %scan3A_1945, %gather3A : vector<16xf32>
      %select_n3A = arith.select %gt3A, %scan3A_1944, %max3A : vector<16xi1>, vector<16xf32>
      %max3A_1948 = arith.maximumf %scan3A_1944, %gather3A : vector<16xf32>
      scf.yield %max3A_1948, %select_n3A : vector<16xf32>, vector<16xf32>
    }
    %scan3A_1563 = arith.constant 64 : i32
    %sub3A_1564 = arith.subf %scan3A_1562#1, %scan3A_1562#0 : vector<16xf32>
    %exp3A_1565 = math.exp %sub3A_1564 : vector<16xf32>
    %add3A_1566 = arith.constant 1.000000e+00 : f32
    %add3A_1567 = vector.broadcast %add3A_1566 : f32 to vector<16xf32>
    %add3A_1568 = arith.addf %add3A_1567, %exp3A_1565 : vector<16xf32>
    %div3A_1569 = arith.constant 1.000000e+00 : f32
    %div3A_1570 = vector.broadcast %div3A_1569 : f32 to vector<16xf32>
    %div3A_1571 = arith.divf %div3A_1570, %add3A_1568 : vector<16xf32>
    %sub3A_1572 = arith.constant 1.000000e+00 : f32
    %sub3A_1573 = vector.broadcast %sub3A_1572 : f32 to vector<16xf32>
    %sub3A_1574 = arith.subf %sub3A_1573, %div3A_1571 : vector<16xf32>
    %broadcast_in_dim3A_1575 = arith.constant 0.000000e+00 : f32
    %broadcast_in_dim3A_1576 = vector.broadcast %broadcast_in_dim3A_1575 : f32 to vector<16xf32>
    %scan3A_1577 = arith.constant 0 : i32
    %scan3A_1578 = arith.constant 0 : i32
    %scan3A_1579 = arith.constant 64 : i32
    %scan3A_1580 = arith.addi %scan3A_1578, %scan3A_1579 : i32
    %scan3A_1581 = arith.constant 1 : i32
    scf.for %scan3A_1943 = %scan3A_1578 to %scan3A_1580 step %scan3A_1581  : i32 {
      %add3A_1944 = vector.broadcast %scan3A_1943 : i32 to vector<16xi32>
      %add3A_1945 = arith.addi %add3A_1555, %add3A_1944 : vector<16xi32>
      %gather3A = tpu.vector_load_idx %arg4[%add3A_1945] : memref<16384xf32, #tpu.memory_space<vmem>>[vector<16xi32>], vector<16xf32>,
      %eq3A = arith.cmpf oeq, %gather3A, %scan3A_1562#0 : vector<16xf32>
      %eq3A_1946 = arith.cmpf oeq, %gather3A, %scan3A_1562#1 : vector<16xf32>
      %select_n3A = arith.select %eq3A_1946, %sub3A_1574, %broadcast_in_dim3A_1576 : vector<16xi1>, vector<16xf32>
      %select_n3A_1947 = arith.select %eq3A, %div3A_1571, %select_n3A : vector<16xi1>, vector<16xf32>
      %add3A_1948 = vector.broadcast %scan3A_1943 : i32 to vector<16xi32>
      %add3A_1949 = arith.addi %add3A_1555, %add3A_1948 : vector<16xi32>
      tpu.vector_store_idx %arg5[%add3A_1949], %select_n3A_1947 : memref<16384xf32, #tpu.memory_space<vmem>>[vector<16xi32>], vector<16xf32>,
    }
    %scan3A_1582 = arith.constant 64 : i32
    %add3A_1583 = arith.constant 4096 : i32
    %add3A_1584 = vector.broadcast %add3A_1583 : i32 to vector<16xi32>
    %add3A_1585 = arith.addi %mul3A_3, %add3A_1584 : vector<16xi32>
    %broadcast_in_dim3A_1586 = arith.constant 0xFF800000 : f32
    %broadcast_in_dim3A_1587 = vector.broadcast %broadcast_in_dim3A_1586 : f32 to vector<16xf32>
    %scan3A_1588 = arith.constant 0 : i32
    %scan3A_1589 = arith.constant 64 : i32
    %scan3A_1590 = arith.addi %scan3A_1588, %scan3A_1589 : i32
    %scan3A_1591 = arith.constant 1 : i32
    %scan3A_1592:2 = scf.for %scan3A_1943 = %scan3A_1588 to %scan3A_1590 step %scan3A_1591 iter_args(%scan3A_1944 = %broadcast_in_dim3A_1587, %scan3A_1945 = %broadcast_in_dim3A_1587) -> (vector<16xf32>, vector<16xf32>)  : i32 {
      %add3A_1946 = vector.broadcast %scan3A_1943 : i32 to vector<16xi32>
      %add3A_1947 = arith.addi %add3A_1585, %add3A_1946 : vector<16xi32>
      %gather3A = tpu.vector_load_idx %arg4[%add3A_1947] : memref<16384xf32, #tpu.memory_space<vmem>>[vector<16xi32>], vector<16xf32>,
      %gt3A = arith.cmpf ogt, %gather3A, %scan3A_1944 : vector<16xf32>
      %max3A = arith.maximumf %scan3A_1945, %gather3A : vector<16xf32>
      %select_n3A = arith.select %gt3A, %scan3A_1944, %max3A : vector<16xi1>, vector<16xf32>
      %max3A_1948 = arith.maximumf %scan3A_1944, %gather3A : vector<16xf32>
      scf.yield %max3A_1948, %select_n3A : vector<16xf32>, vector<16xf32>
    }
    %scan3A_1593 = arith.constant 64 : i32
    %sub3A_1594 = arith.subf %scan3A_1592#1, %scan3A_1592#0 : vector<16xf32>
    %exp3A_1595 = math.exp %sub3A_1594 : vector<16xf32>
    %add3A_1596 = arith.constant 1.000000e+00 : f32
    %add3A_1597 = vector.broadcast %add3A_1596 : f32 to vector<16xf32>
    %add3A_1598 = arith.addf %add3A_1597, %exp3A_1595 : vector<16xf32>
    %div3A_1599 = arith.constant 1.000000e+00 : f32
    %div3A_1600 = vector.broadcast %div3A_1599 : f32 to vector<16xf32>
    %div3A_1601 = arith.divf %div3A_1600, %add3A_1598 : vector<16xf32>
    %sub3A_1602 = arith.constant 1.000000e+00 : f32
    %sub3A_1603 = vector.broadcast %sub3A_1602 : f32 to vector<16xf32>
    %sub3A_1604 = arith.subf %sub3A_1603, %div3A_1601 : vector<16xf32>
    %broadcast_in_dim3A_1605 = arith.constant 0.000000e+00 : f32
    %broadcast_in_dim3A_1606 = vector.broadcast %broadcast_in_dim3A_1605 : f32 to vector<16xf32>
    %scan3A_1607 = arith.constant 0 : i32
    %scan3A_1608 = arith.constant 0 : i32
    %scan3A_1609 = arith.constant 64 : i32
    %scan3A_1610 = arith.addi %scan3A_1608, %scan3A_1609 : i32
    %scan3A_1611 = arith.constant 1 : i32
    scf.for %scan3A_1943 = %scan3A_1608 to %scan3A_1610 step %scan3A_1611  : i32 {
      %add3A_1944 = vector.broadcast %scan3A_1943 : i32 to vector<16xi32>
      %add3A_1945 = arith.addi %add3A_1585, %add3A_1944 : vector<16xi32>
      %gather3A = tpu.vector_load_idx %arg4[%add3A_1945] : memref<16384xf32, #tpu.memory_space<vmem>>[vector<16xi32>], vector<16xf32>,
      %eq3A = arith.cmpf oeq, %gather3A, %scan3A_1592#0 : vector<16xf32>
      %eq3A_1946 = arith.cmpf oeq, %gather3A, %scan3A_1592#1 : vector<16xf32>
      %select_n3A = arith.select %eq3A_1946, %sub3A_1604, %broadcast_in_dim3A_1606 : vector<16xi1>, vector<16xf32>
      %select_n3A_1947 = arith.select %eq3A, %div3A_1601, %select_n3A : vector<16xi1>, vector<16xf32>
      %add3A_1948 = vector.broadcast %scan3A_1943 : i32 to vector<16xi32>
      %add3A_1949 = arith.addi %add3A_1585, %add3A_1948 : vector<16xi32>
      tpu.vector_store_idx %arg5[%add3A_1949], %select_n3A_1947 : memref<16384xf32, #tpu.memory_space<vmem>>[vector<16xi32>], vector<16xf32>,
    }
    %scan3A_1612 = arith.constant 64 : i32
    %add3A_1613 = arith.constant 5120 : i32
    %add3A_1614 = vector.broadcast %add3A_1613 : i32 to vector<16xi32>
    %add3A_1615 = arith.addi %mul3A_3, %add3A_1614 : vector<16xi32>
    %broadcast_in_dim3A_1616 = arith.constant 0xFF800000 : f32
    %broadcast_in_dim3A_1617 = vector.broadcast %broadcast_in_dim3A_1616 : f32 to vector<16xf32>
    %scan3A_1618 = arith.constant 0 : i32
    %scan3A_1619 = arith.constant 64 : i32
    %scan3A_1620 = arith.addi %scan3A_1618, %scan3A_1619 : i32
    %scan3A_1621 = arith.constant 1 : i32
    %scan3A_1622:2 = scf.for %scan3A_1943 = %scan3A_1618 to %scan3A_1620 step %scan3A_1621 iter_args(%scan3A_1944 = %broadcast_in_dim3A_1617, %scan3A_1945 = %broadcast_in_dim3A_1617) -> (vector<16xf32>, vector<16xf32>)  : i32 {
      %add3A_1946 = vector.broadcast %scan3A_1943 : i32 to vector<16xi32>
      %add3A_1947 = arith.addi %add3A_1615, %add3A_1946 : vector<16xi32>
      %gather3A = tpu.vector_load_idx %arg4[%add3A_1947] : memref<16384xf32, #tpu.memory_space<vmem>>[vector<16xi32>], vector<16xf32>,
      %gt3A = arith.cmpf ogt, %gather3A, %scan3A_1944 : vector<16xf32>
      %max3A = arith.maximumf %scan3A_1945, %gather3A : vector<16xf32>
      %select_n3A = arith.select %gt3A, %scan3A_1944, %max3A : vector<16xi1>, vector<16xf32>
      %max3A_1948 = arith.maximumf %scan3A_1944, %gather3A : vector<16xf32>
      scf.yield %max3A_1948, %select_n3A : vector<16xf32>, vector<16xf32>
    }
    %scan3A_1623 = arith.constant 64 : i32
    %sub3A_1624 = arith.subf %scan3A_1622#1, %scan3A_1622#0 : vector<16xf32>
    %exp3A_1625 = math.exp %sub3A_1624 : vector<16xf32>
    %add3A_1626 = arith.constant 1.000000e+00 : f32
    %add3A_1627 = vector.broadcast %add3A_1626 : f32 to vector<16xf32>
    %add3A_1628 = arith.addf %add3A_1627, %exp3A_1625 : vector<16xf32>
    %div3A_1629 = arith.constant 1.000000e+00 : f32
    %div3A_1630 = vector.broadcast %div3A_1629 : f32 to vector<16xf32>
    %div3A_1631 = arith.divf %div3A_1630, %add3A_1628 : vector<16xf32>
    %sub3A_1632 = arith.constant 1.000000e+00 : f32
    %sub3A_1633 = vector.broadcast %sub3A_1632 : f32 to vector<16xf32>
    %sub3A_1634 = arith.subf %sub3A_1633, %div3A_1631 : vector<16xf32>
    %broadcast_in_dim3A_1635 = arith.constant 0.000000e+00 : f32
    %broadcast_in_dim3A_1636 = vector.broadcast %broadcast_in_dim3A_1635 : f32 to vector<16xf32>
    %scan3A_1637 = arith.constant 0 : i32
    %scan3A_1638 = arith.constant 0 : i32
    %scan3A_1639 = arith.constant 64 : i32
    %scan3A_1640 = arith.addi %scan3A_1638, %scan3A_1639 : i32
    %scan3A_1641 = arith.constant 1 : i32
    scf.for %scan3A_1943 = %scan3A_1638 to %scan3A_1640 step %scan3A_1641  : i32 {
      %add3A_1944 = vector.broadcast %scan3A_1943 : i32 to vector<16xi32>
      %add3A_1945 = arith.addi %add3A_1615, %add3A_1944 : vector<16xi32>
      %gather3A = tpu.vector_load_idx %arg4[%add3A_1945] : memref<16384xf32, #tpu.memory_space<vmem>>[vector<16xi32>], vector<16xf32>,
      %eq3A = arith.cmpf oeq, %gather3A, %scan3A_1622#0 : vector<16xf32>
      %eq3A_1946 = arith.cmpf oeq, %gather3A, %scan3A_1622#1 : vector<16xf32>
      %select_n3A = arith.select %eq3A_1946, %sub3A_1634, %broadcast_in_dim3A_1636 : vector<16xi1>, vector<16xf32>
      %select_n3A_1947 = arith.select %eq3A, %div3A_1631, %select_n3A : vector<16xi1>, vector<16xf32>
      %add3A_1948 = vector.broadcast %scan3A_1943 : i32 to vector<16xi32>
      %add3A_1949 = arith.addi %add3A_1615, %add3A_1948 : vector<16xi32>
      tpu.vector_store_idx %arg5[%add3A_1949], %select_n3A_1947 : memref<16384xf32, #tpu.memory_space<vmem>>[vector<16xi32>], vector<16xf32>,
    }
    %scan3A_1642 = arith.constant 64 : i32
    %add3A_1643 = arith.constant 6144 : i32
    %add3A_1644 = vector.broadcast %add3A_1643 : i32 to vector<16xi32>
    %add3A_1645 = arith.addi %mul3A_3, %add3A_1644 : vector<16xi32>
    %broadcast_in_dim3A_1646 = arith.constant 0xFF800000 : f32
    %broadcast_in_dim3A_1647 = vector.broadcast %broadcast_in_dim3A_1646 : f32 to vector<16xf32>
    %scan3A_1648 = arith.constant 0 : i32
    %scan3A_1649 = arith.constant 64 : i32
    %scan3A_1650 = arith.addi %scan3A_1648, %scan3A_1649 : i32
    %scan3A_1651 = arith.constant 1 : i32
    %scan3A_1652:2 = scf.for %scan3A_1943 = %scan3A_1648 to %scan3A_1650 step %scan3A_1651 iter_args(%scan3A_1944 = %broadcast_in_dim3A_1647, %scan3A_1945 = %broadcast_in_dim3A_1647) -> (vector<16xf32>, vector<16xf32>)  : i32 {
      %add3A_1946 = vector.broadcast %scan3A_1943 : i32 to vector<16xi32>
      %add3A_1947 = arith.addi %add3A_1645, %add3A_1946 : vector<16xi32>
      %gather3A = tpu.vector_load_idx %arg4[%add3A_1947] : memref<16384xf32, #tpu.memory_space<vmem>>[vector<16xi32>], vector<16xf32>,
      %gt3A = arith.cmpf ogt, %gather3A, %scan3A_1944 : vector<16xf32>
      %max3A = arith.maximumf %scan3A_1945, %gather3A : vector<16xf32>
      %select_n3A = arith.select %gt3A, %scan3A_1944, %max3A : vector<16xi1>, vector<16xf32>
      %max3A_1948 = arith.maximumf %scan3A_1944, %gather3A : vector<16xf32>
      scf.yield %max3A_1948, %select_n3A : vector<16xf32>, vector<16xf32>
    }
    %scan3A_1653 = arith.constant 64 : i32
    %sub3A_1654 = arith.subf %scan3A_1652#1, %scan3A_1652#0 : vector<16xf32>
    %exp3A_1655 = math.exp %sub3A_1654 : vector<16xf32>
    %add3A_1656 = arith.constant 1.000000e+00 : f32
    %add3A_1657 = vector.broadcast %add3A_1656 : f32 to vector<16xf32>
    %add3A_1658 = arith.addf %add3A_1657, %exp3A_1655 : vector<16xf32>
    %div3A_1659 = arith.constant 1.000000e+00 : f32
    %div3A_1660 = vector.broadcast %div3A_1659 : f32 to vector<16xf32>
    %div3A_1661 = arith.divf %div3A_1660, %add3A_1658 : vector<16xf32>
    %sub3A_1662 = arith.constant 1.000000e+00 : f32
    %sub3A_1663 = vector.broadcast %sub3A_1662 : f32 to vector<16xf32>
    %sub3A_1664 = arith.subf %sub3A_1663, %div3A_1661 : vector<16xf32>
    %broadcast_in_dim3A_1665 = arith.constant 0.000000e+00 : f32
    %broadcast_in_dim3A_1666 = vector.broadcast %broadcast_in_dim3A_1665 : f32 to vector<16xf32>
    %scan3A_1667 = arith.constant 0 : i32
    %scan3A_1668 = arith.constant 0 : i32
    %scan3A_1669 = arith.constant 64 : i32
    %scan3A_1670 = arith.addi %scan3A_1668, %scan3A_1669 : i32
    %scan3A_1671 = arith.constant 1 : i32
    scf.for %scan3A_1943 = %scan3A_1668 to %scan3A_1670 step %scan3A_1671  : i32 {
      %add3A_1944 = vector.broadcast %scan3A_1943 : i32 to vector<16xi32>
      %add3A_1945 = arith.addi %add3A_1645, %add3A_1944 : vector<16xi32>
      %gather3A = tpu.vector_load_idx %arg4[%add3A_1945] : memref<16384xf32, #tpu.memory_space<vmem>>[vector<16xi32>], vector<16xf32>,
      %eq3A = arith.cmpf oeq, %gather3A, %scan3A_1652#0 : vector<16xf32>
      %eq3A_1946 = arith.cmpf oeq, %gather3A, %scan3A_1652#1 : vector<16xf32>
      %select_n3A = arith.select %eq3A_1946, %sub3A_1664, %broadcast_in_dim3A_1666 : vector<16xi1>, vector<16xf32>
      %select_n3A_1947 = arith.select %eq3A, %div3A_1661, %select_n3A : vector<16xi1>, vector<16xf32>
      %add3A_1948 = vector.broadcast %scan3A_1943 : i32 to vector<16xi32>
      %add3A_1949 = arith.addi %add3A_1645, %add3A_1948 : vector<16xi32>
      tpu.vector_store_idx %arg5[%add3A_1949], %select_n3A_1947 : memref<16384xf32, #tpu.memory_space<vmem>>[vector<16xi32>], vector<16xf32>,
    }
    %scan3A_1672 = arith.constant 64 : i32
    %add3A_1673 = arith.constant 7168 : i32
    %add3A_1674 = vector.broadcast %add3A_1673 : i32 to vector<16xi32>
    %add3A_1675 = arith.addi %mul3A_3, %add3A_1674 : vector<16xi32>
    %broadcast_in_dim3A_1676 = arith.constant 0xFF800000 : f32
    %broadcast_in_dim3A_1677 = vector.broadcast %broadcast_in_dim3A_1676 : f32 to vector<16xf32>
    %scan3A_1678 = arith.constant 0 : i32
    %scan3A_1679 = arith.constant 64 : i32
    %scan3A_1680 = arith.addi %scan3A_1678, %scan3A_1679 : i32
    %scan3A_1681 = arith.constant 1 : i32
    %scan3A_1682:2 = scf.for %scan3A_1943 = %scan3A_1678 to %scan3A_1680 step %scan3A_1681 iter_args(%scan3A_1944 = %broadcast_in_dim3A_1677, %scan3A_1945 = %broadcast_in_dim3A_1677) -> (vector<16xf32>, vector<16xf32>)  : i32 {
      %add3A_1946 = vector.broadcast %scan3A_1943 : i32 to vector<16xi32>
      %add3A_1947 = arith.addi %add3A_1675, %add3A_1946 : vector<16xi32>
      %gather3A = tpu.vector_load_idx %arg4[%add3A_1947] : memref<16384xf32, #tpu.memory_space<vmem>>[vector<16xi32>], vector<16xf32>,
      %gt3A = arith.cmpf ogt, %gather3A, %scan3A_1944 : vector<16xf32>
      %max3A = arith.maximumf %scan3A_1945, %gather3A : vector<16xf32>
      %select_n3A = arith.select %gt3A, %scan3A_1944, %max3A : vector<16xi1>, vector<16xf32>
      %max3A_1948 = arith.maximumf %scan3A_1944, %gather3A : vector<16xf32>
      scf.yield %max3A_1948, %select_n3A : vector<16xf32>, vector<16xf32>
    }
    %scan3A_1683 = arith.constant 64 : i32
    %sub3A_1684 = arith.subf %scan3A_1682#1, %scan3A_1682#0 : vector<16xf32>
    %exp3A_1685 = math.exp %sub3A_1684 : vector<16xf32>
    %add3A_1686 = arith.constant 1.000000e+00 : f32
    %add3A_1687 = vector.broadcast %add3A_1686 : f32 to vector<16xf32>
    %add3A_1688 = arith.addf %add3A_1687, %exp3A_1685 : vector<16xf32>
    %div3A_1689 = arith.constant 1.000000e+00 : f32
    %div3A_1690 = vector.broadcast %div3A_1689 : f32 to vector<16xf32>
    %div3A_1691 = arith.divf %div3A_1690, %add3A_1688 : vector<16xf32>
    %sub3A_1692 = arith.constant 1.000000e+00 : f32
    %sub3A_1693 = vector.broadcast %sub3A_1692 : f32 to vector<16xf32>
    %sub3A_1694 = arith.subf %sub3A_1693, %div3A_1691 : vector<16xf32>
    %broadcast_in_dim3A_1695 = arith.constant 0.000000e+00 : f32
    %broadcast_in_dim3A_1696 = vector.broadcast %broadcast_in_dim3A_1695 : f32 to vector<16xf32>
    %scan3A_1697 = arith.constant 0 : i32
    %scan3A_1698 = arith.constant 0 : i32
    %scan3A_1699 = arith.constant 64 : i32
    %scan3A_1700 = arith.addi %scan3A_1698, %scan3A_1699 : i32
    %scan3A_1701 = arith.constant 1 : i32
    scf.for %scan3A_1943 = %scan3A_1698 to %scan3A_1700 step %scan3A_1701  : i32 {
      %add3A_1944 = vector.broadcast %scan3A_1943 : i32 to vector<16xi32>
      %add3A_1945 = arith.addi %add3A_1675, %add3A_1944 : vector<16xi32>
      %gather3A = tpu.vector_load_idx %arg4[%add3A_1945] : memref<16384xf32, #tpu.memory_space<vmem>>[vector<16xi32>], vector<16xf32>,
      %eq3A = arith.cmpf oeq, %gather3A, %scan3A_1682#0 : vector<16xf32>
      %eq3A_1946 = arith.cmpf oeq, %gather3A, %scan3A_1682#1 : vector<16xf32>
      %select_n3A = arith.select %eq3A_1946, %sub3A_1694, %broadcast_in_dim3A_1696 : vector<16xi1>, vector<16xf32>
      %select_n3A_1947 = arith.select %eq3A, %div3A_1691, %select_n3A : vector<16xi1>, vector<16xf32>
      %add3A_1948 = vector.broadcast %scan3A_1943 : i32 to vector<16xi32>
      %add3A_1949 = arith.addi %add3A_1675, %add3A_1948 : vector<16xi32>
      tpu.vector_store_idx %arg5[%add3A_1949], %select_n3A_1947 : memref<16384xf32, #tpu.memory_space<vmem>>[vector<16xi32>], vector<16xf32>,
    }
    %scan3A_1702 = arith.constant 64 : i32
    %add3A_1703 = arith.constant 8192 : i32
    %add3A_1704 = vector.broadcast %add3A_1703 : i32 to vector<16xi32>
    %add3A_1705 = arith.addi %mul3A_3, %add3A_1704 : vector<16xi32>
    %broadcast_in_dim3A_1706 = arith.constant 0xFF800000 : f32
    %broadcast_in_dim3A_1707 = vector.broadcast %broadcast_in_dim3A_1706 : f32 to vector<16xf32>
    %scan3A_1708 = arith.constant 0 : i32
    %scan3A_1709 = arith.constant 64 : i32
    %scan3A_1710 = arith.addi %scan3A_1708, %scan3A_1709 : i32
    %scan3A_1711 = arith.constant 1 : i32
    %scan3A_1712:2 = scf.for %scan3A_1943 = %scan3A_1708 to %scan3A_1710 step %scan3A_1711 iter_args(%scan3A_1944 = %broadcast_in_dim3A_1707, %scan3A_1945 = %broadcast_in_dim3A_1707) -> (vector<16xf32>, vector<16xf32>)  : i32 {
      %add3A_1946 = vector.broadcast %scan3A_1943 : i32 to vector<16xi32>
      %add3A_1947 = arith.addi %add3A_1705, %add3A_1946 : vector<16xi32>
      %gather3A = tpu.vector_load_idx %arg4[%add3A_1947] : memref<16384xf32, #tpu.memory_space<vmem>>[vector<16xi32>], vector<16xf32>,
      %gt3A = arith.cmpf ogt, %gather3A, %scan3A_1944 : vector<16xf32>
      %max3A = arith.maximumf %scan3A_1945, %gather3A : vector<16xf32>
      %select_n3A = arith.select %gt3A, %scan3A_1944, %max3A : vector<16xi1>, vector<16xf32>
      %max3A_1948 = arith.maximumf %scan3A_1944, %gather3A : vector<16xf32>
      scf.yield %max3A_1948, %select_n3A : vector<16xf32>, vector<16xf32>
    }
    %scan3A_1713 = arith.constant 64 : i32
    %sub3A_1714 = arith.subf %scan3A_1712#1, %scan3A_1712#0 : vector<16xf32>
    %exp3A_1715 = math.exp %sub3A_1714 : vector<16xf32>
    %add3A_1716 = arith.constant 1.000000e+00 : f32
    %add3A_1717 = vector.broadcast %add3A_1716 : f32 to vector<16xf32>
    %add3A_1718 = arith.addf %add3A_1717, %exp3A_1715 : vector<16xf32>
    %div3A_1719 = arith.constant 1.000000e+00 : f32
    %div3A_1720 = vector.broadcast %div3A_1719 : f32 to vector<16xf32>
    %div3A_1721 = arith.divf %div3A_1720, %add3A_1718 : vector<16xf32>
    %sub3A_1722 = arith.constant 1.000000e+00 : f32
    %sub3A_1723 = vector.broadcast %sub3A_1722 : f32 to vector<16xf32>
    %sub3A_1724 = arith.subf %sub3A_1723, %div3A_1721 : vector<16xf32>
    %broadcast_in_dim3A_1725 = arith.constant 0.000000e+00 : f32
    %broadcast_in_dim3A_1726 = vector.broadcast %broadcast_in_dim3A_1725 : f32 to vector<16xf32>
    %scan3A_1727 = arith.constant 0 : i32
    %scan3A_1728 = arith.constant 0 : i32
    %scan3A_1729 = arith.constant 64 : i32
    %scan3A_1730 = arith.addi %scan3A_1728, %scan3A_1729 : i32
    %scan3A_1731 = arith.constant 1 : i32
    scf.for %scan3A_1943 = %scan3A_1728 to %scan3A_1730 step %scan3A_1731  : i32 {
      %add3A_1944 = vector.broadcast %scan3A_1943 : i32 to vector<16xi32>
      %add3A_1945 = arith.addi %add3A_1705, %add3A_1944 : vector<16xi32>
      %gather3A = tpu.vector_load_idx %arg4[%add3A_1945] : memref<16384xf32, #tpu.memory_space<vmem>>[vector<16xi32>], vector<16xf32>,
      %eq3A = arith.cmpf oeq, %gather3A, %scan3A_1712#0 : vector<16xf32>
      %eq3A_1946 = arith.cmpf oeq, %gather3A, %scan3A_1712#1 : vector<16xf32>
      %select_n3A = arith.select %eq3A_1946, %sub3A_1724, %broadcast_in_dim3A_1726 : vector<16xi1>, vector<16xf32>
      %select_n3A_1947 = arith.select %eq3A, %div3A_1721, %select_n3A : vector<16xi1>, vector<16xf32>
      %add3A_1948 = vector.broadcast %scan3A_1943 : i32 to vector<16xi32>
      %add3A_1949 = arith.addi %add3A_1705, %add3A_1948 : vector<16xi32>
      tpu.vector_store_idx %arg5[%add3A_1949], %select_n3A_1947 : memref<16384xf32, #tpu.memory_space<vmem>>[vector<16xi32>], vector<16xf32>,
    }
    %scan3A_1732 = arith.constant 64 : i32
    %add3A_1733 = arith.constant 9216 : i32
    %add3A_1734 = vector.broadcast %add3A_1733 : i32 to vector<16xi32>
    %add3A_1735 = arith.addi %mul3A_3, %add3A_1734 : vector<16xi32>
    %broadcast_in_dim3A_1736 = arith.constant 0xFF800000 : f32
    %broadcast_in_dim3A_1737 = vector.broadcast %broadcast_in_dim3A_1736 : f32 to vector<16xf32>
    %scan3A_1738 = arith.constant 0 : i32
    %scan3A_1739 = arith.constant 64 : i32
    %scan3A_1740 = arith.addi %scan3A_1738, %scan3A_1739 : i32
    %scan3A_1741 = arith.constant 1 : i32
    %scan3A_1742:2 = scf.for %scan3A_1943 = %scan3A_1738 to %scan3A_1740 step %scan3A_1741 iter_args(%scan3A_1944 = %broadcast_in_dim3A_1737, %scan3A_1945 = %broadcast_in_dim3A_1737) -> (vector<16xf32>, vector<16xf32>)  : i32 {
      %add3A_1946 = vector.broadcast %scan3A_1943 : i32 to vector<16xi32>
      %add3A_1947 = arith.addi %add3A_1735, %add3A_1946 : vector<16xi32>
      %gather3A = tpu.vector_load_idx %arg4[%add3A_1947] : memref<16384xf32, #tpu.memory_space<vmem>>[vector<16xi32>], vector<16xf32>,
      %gt3A = arith.cmpf ogt, %gather3A, %scan3A_1944 : vector<16xf32>
      %max3A = arith.maximumf %scan3A_1945, %gather3A : vector<16xf32>
      %select_n3A = arith.select %gt3A, %scan3A_1944, %max3A : vector<16xi1>, vector<16xf32>
      %max3A_1948 = arith.maximumf %scan3A_1944, %gather3A : vector<16xf32>
      scf.yield %max3A_1948, %select_n3A : vector<16xf32>, vector<16xf32>
    }
    %scan3A_1743 = arith.constant 64 : i32
    %sub3A_1744 = arith.subf %scan3A_1742#1, %scan3A_1742#0 : vector<16xf32>
    %exp3A_1745 = math.exp %sub3A_1744 : vector<16xf32>
    %add3A_1746 = arith.constant 1.000000e+00 : f32
    %add3A_1747 = vector.broadcast %add3A_1746 : f32 to vector<16xf32>
    %add3A_1748 = arith.addf %add3A_1747, %exp3A_1745 : vector<16xf32>
    %div3A_1749 = arith.constant 1.000000e+00 : f32
    %div3A_1750 = vector.broadcast %div3A_1749 : f32 to vector<16xf32>
    %div3A_1751 = arith.divf %div3A_1750, %add3A_1748 : vector<16xf32>
    %sub3A_1752 = arith.constant 1.000000e+00 : f32
    %sub3A_1753 = vector.broadcast %sub3A_1752 : f32 to vector<16xf32>
    %sub3A_1754 = arith.subf %sub3A_1753, %div3A_1751 : vector<16xf32>
    %broadcast_in_dim3A_1755 = arith.constant 0.000000e+00 : f32
    %broadcast_in_dim3A_1756 = vector.broadcast %broadcast_in_dim3A_1755 : f32 to vector<16xf32>
    %scan3A_1757 = arith.constant 0 : i32
    %scan3A_1758 = arith.constant 0 : i32
    %scan3A_1759 = arith.constant 64 : i32
    %scan3A_1760 = arith.addi %scan3A_1758, %scan3A_1759 : i32
    %scan3A_1761 = arith.constant 1 : i32
    scf.for %scan3A_1943 = %scan3A_1758 to %scan3A_1760 step %scan3A_1761  : i32 {
      %add3A_1944 = vector.broadcast %scan3A_1943 : i32 to vector<16xi32>
      %add3A_1945 = arith.addi %add3A_1735, %add3A_1944 : vector<16xi32>
      %gather3A = tpu.vector_load_idx %arg4[%add3A_1945] : memref<16384xf32, #tpu.memory_space<vmem>>[vector<16xi32>], vector<16xf32>,
      %eq3A = arith.cmpf oeq, %gather3A, %scan3A_1742#0 : vector<16xf32>
      %eq3A_1946 = arith.cmpf oeq, %gather3A, %scan3A_1742#1 : vector<16xf32>
      %select_n3A = arith.select %eq3A_1946, %sub3A_1754, %broadcast_in_dim3A_1756 : vector<16xi1>, vector<16xf32>
      %select_n3A_1947 = arith.select %eq3A, %div3A_1751, %select_n3A : vector<16xi1>, vector<16xf32>
      %add3A_1948 = vector.broadcast %scan3A_1943 : i32 to vector<16xi32>
      %add3A_1949 = arith.addi %add3A_1735, %add3A_1948 : vector<16xi32>
      tpu.vector_store_idx %arg5[%add3A_1949], %select_n3A_1947 : memref<16384xf32, #tpu.memory_space<vmem>>[vector<16xi32>], vector<16xf32>,
    }
    %scan3A_1762 = arith.constant 64 : i32
    %add3A_1763 = arith.constant 10240 : i32
    %add3A_1764 = vector.broadcast %add3A_1763 : i32 to vector<16xi32>
    %add3A_1765 = arith.addi %mul3A_3, %add3A_1764 : vector<16xi32>
    %broadcast_in_dim3A_1766 = arith.constant 0xFF800000 : f32
    %broadcast_in_dim3A_1767 = vector.broadcast %broadcast_in_dim3A_1766 : f32 to vector<16xf32>
    %scan3A_1768 = arith.constant 0 : i32
    %scan3A_1769 = arith.constant 64 : i32
    %scan3A_1770 = arith.addi %scan3A_1768, %scan3A_1769 : i32
    %scan3A_1771 = arith.constant 1 : i32
    %scan3A_1772:2 = scf.for %scan3A_1943 = %scan3A_1768 to %scan3A_1770 step %scan3A_1771 iter_args(%scan3A_1944 = %broadcast_in_dim3A_1767, %scan3A_1945 = %broadcast_in_dim3A_1767) -> (vector<16xf32>, vector<16xf32>)  : i32 {
      %add3A_1946 = vector.broadcast %scan3A_1943 : i32 to vector<16xi32>
      %add3A_1947 = arith.addi %add3A_1765, %add3A_1946 : vector<16xi32>
      %gather3A = tpu.vector_load_idx %arg4[%add3A_1947] : memref<16384xf32, #tpu.memory_space<vmem>>[vector<16xi32>], vector<16xf32>,
      %gt3A = arith.cmpf ogt, %gather3A, %scan3A_1944 : vector<16xf32>
      %max3A = arith.maximumf %scan3A_1945, %gather3A : vector<16xf32>
      %select_n3A = arith.select %gt3A, %scan3A_1944, %max3A : vector<16xi1>, vector<16xf32>
      %max3A_1948 = arith.maximumf %scan3A_1944, %gather3A : vector<16xf32>
      scf.yield %max3A_1948, %select_n3A : vector<16xf32>, vector<16xf32>
    }
    %scan3A_1773 = arith.constant 64 : i32
    %sub3A_1774 = arith.subf %scan3A_1772#1, %scan3A_1772#0 : vector<16xf32>
    %exp3A_1775 = math.exp %sub3A_1774 : vector<16xf32>
    %add3A_1776 = arith.constant 1.000000e+00 : f32
    %add3A_1777 = vector.broadcast %add3A_1776 : f32 to vector<16xf32>
    %add3A_1778 = arith.addf %add3A_1777, %exp3A_1775 : vector<16xf32>
    %div3A_1779 = arith.constant 1.000000e+00 : f32
    %div3A_1780 = vector.broadcast %div3A_1779 : f32 to vector<16xf32>
    %div3A_1781 = arith.divf %div3A_1780, %add3A_1778 : vector<16xf32>
    %sub3A_1782 = arith.constant 1.000000e+00 : f32
    %sub3A_1783 = vector.broadcast %sub3A_1782 : f32 to vector<16xf32>
    %sub3A_1784 = arith.subf %sub3A_1783, %div3A_1781 : vector<16xf32>
    %broadcast_in_dim3A_1785 = arith.constant 0.000000e+00 : f32
    %broadcast_in_dim3A_1786 = vector.broadcast %broadcast_in_dim3A_1785 : f32 to vector<16xf32>
    %scan3A_1787 = arith.constant 0 : i32
    %scan3A_1788 = arith.constant 0 : i32
    %scan3A_1789 = arith.constant 64 : i32
    %scan3A_1790 = arith.addi %scan3A_1788, %scan3A_1789 : i32
    %scan3A_1791 = arith.constant 1 : i32
    scf.for %scan3A_1943 = %scan3A_1788 to %scan3A_1790 step %scan3A_1791  : i32 {
      %add3A_1944 = vector.broadcast %scan3A_1943 : i32 to vector<16xi32>
      %add3A_1945 = arith.addi %add3A_1765, %add3A_1944 : vector<16xi32>
      %gather3A = tpu.vector_load_idx %arg4[%add3A_1945] : memref<16384xf32, #tpu.memory_space<vmem>>[vector<16xi32>], vector<16xf32>,
      %eq3A = arith.cmpf oeq, %gather3A, %scan3A_1772#0 : vector<16xf32>
      %eq3A_1946 = arith.cmpf oeq, %gather3A, %scan3A_1772#1 : vector<16xf32>
      %select_n3A = arith.select %eq3A_1946, %sub3A_1784, %broadcast_in_dim3A_1786 : vector<16xi1>, vector<16xf32>
      %select_n3A_1947 = arith.select %eq3A, %div3A_1781, %select_n3A : vector<16xi1>, vector<16xf32>
      %add3A_1948 = vector.broadcast %scan3A_1943 : i32 to vector<16xi32>
      %add3A_1949 = arith.addi %add3A_1765, %add3A_1948 : vector<16xi32>
      tpu.vector_store_idx %arg5[%add3A_1949], %select_n3A_1947 : memref<16384xf32, #tpu.memory_space<vmem>>[vector<16xi32>], vector<16xf32>,
    }
    %scan3A_1792 = arith.constant 64 : i32
    %add3A_1793 = arith.constant 11264 : i32
    %add3A_1794 = vector.broadcast %add3A_1793 : i32 to vector<16xi32>
    %add3A_1795 = arith.addi %mul3A_3, %add3A_1794 : vector<16xi32>
    %broadcast_in_dim3A_1796 = arith.constant 0xFF800000 : f32
    %broadcast_in_dim3A_1797 = vector.broadcast %broadcast_in_dim3A_1796 : f32 to vector<16xf32>
    %scan3A_1798 = arith.constant 0 : i32
    %scan3A_1799 = arith.constant 64 : i32
    %scan3A_1800 = arith.addi %scan3A_1798, %scan3A_1799 : i32
    %scan3A_1801 = arith.constant 1 : i32
    %scan3A_1802:2 = scf.for %scan3A_1943 = %scan3A_1798 to %scan3A_1800 step %scan3A_1801 iter_args(%scan3A_1944 = %broadcast_in_dim3A_1797, %scan3A_1945 = %broadcast_in_dim3A_1797) -> (vector<16xf32>, vector<16xf32>)  : i32 {
      %add3A_1946 = vector.broadcast %scan3A_1943 : i32 to vector<16xi32>
      %add3A_1947 = arith.addi %add3A_1795, %add3A_1946 : vector<16xi32>
      %gather3A = tpu.vector_load_idx %arg4[%add3A_1947] : memref<16384xf32, #tpu.memory_space<vmem>>[vector<16xi32>], vector<16xf32>,
      %gt3A = arith.cmpf ogt, %gather3A, %scan3A_1944 : vector<16xf32>
      %max3A = arith.maximumf %scan3A_1945, %gather3A : vector<16xf32>
      %select_n3A = arith.select %gt3A, %scan3A_1944, %max3A : vector<16xi1>, vector<16xf32>
      %max3A_1948 = arith.maximumf %scan3A_1944, %gather3A : vector<16xf32>
      scf.yield %max3A_1948, %select_n3A : vector<16xf32>, vector<16xf32>
    }
    %scan3A_1803 = arith.constant 64 : i32
    %sub3A_1804 = arith.subf %scan3A_1802#1, %scan3A_1802#0 : vector<16xf32>
    %exp3A_1805 = math.exp %sub3A_1804 : vector<16xf32>
    %add3A_1806 = arith.constant 1.000000e+00 : f32
    %add3A_1807 = vector.broadcast %add3A_1806 : f32 to vector<16xf32>
    %add3A_1808 = arith.addf %add3A_1807, %exp3A_1805 : vector<16xf32>
    %div3A_1809 = arith.constant 1.000000e+00 : f32
    %div3A_1810 = vector.broadcast %div3A_1809 : f32 to vector<16xf32>
    %div3A_1811 = arith.divf %div3A_1810, %add3A_1808 : vector<16xf32>
    %sub3A_1812 = arith.constant 1.000000e+00 : f32
    %sub3A_1813 = vector.broadcast %sub3A_1812 : f32 to vector<16xf32>
    %sub3A_1814 = arith.subf %sub3A_1813, %div3A_1811 : vector<16xf32>
    %broadcast_in_dim3A_1815 = arith.constant 0.000000e+00 : f32
    %broadcast_in_dim3A_1816 = vector.broadcast %broadcast_in_dim3A_1815 : f32 to vector<16xf32>
    %scan3A_1817 = arith.constant 0 : i32
    %scan3A_1818 = arith.constant 0 : i32
    %scan3A_1819 = arith.constant 64 : i32
    %scan3A_1820 = arith.addi %scan3A_1818, %scan3A_1819 : i32
    %scan3A_1821 = arith.constant 1 : i32
    scf.for %scan3A_1943 = %scan3A_1818 to %scan3A_1820 step %scan3A_1821  : i32 {
      %add3A_1944 = vector.broadcast %scan3A_1943 : i32 to vector<16xi32>
      %add3A_1945 = arith.addi %add3A_1795, %add3A_1944 : vector<16xi32>
      %gather3A = tpu.vector_load_idx %arg4[%add3A_1945] : memref<16384xf32, #tpu.memory_space<vmem>>[vector<16xi32>], vector<16xf32>,
      %eq3A = arith.cmpf oeq, %gather3A, %scan3A_1802#0 : vector<16xf32>
      %eq3A_1946 = arith.cmpf oeq, %gather3A, %scan3A_1802#1 : vector<16xf32>
      %select_n3A = arith.select %eq3A_1946, %sub3A_1814, %broadcast_in_dim3A_1816 : vector<16xi1>, vector<16xf32>
      %select_n3A_1947 = arith.select %eq3A, %div3A_1811, %select_n3A : vector<16xi1>, vector<16xf32>
      %add3A_1948 = vector.broadcast %scan3A_1943 : i32 to vector<16xi32>
      %add3A_1949 = arith.addi %add3A_1795, %add3A_1948 : vector<16xi32>
      tpu.vector_store_idx %arg5[%add3A_1949], %select_n3A_1947 : memref<16384xf32, #tpu.memory_space<vmem>>[vector<16xi32>], vector<16xf32>,
    }
    %scan3A_1822 = arith.constant 64 : i32
    %add3A_1823 = arith.constant 12288 : i32
    %add3A_1824 = vector.broadcast %add3A_1823 : i32 to vector<16xi32>
    %add3A_1825 = arith.addi %mul3A_3, %add3A_1824 : vector<16xi32>
    %broadcast_in_dim3A_1826 = arith.constant 0xFF800000 : f32
    %broadcast_in_dim3A_1827 = vector.broadcast %broadcast_in_dim3A_1826 : f32 to vector<16xf32>
    %scan3A_1828 = arith.constant 0 : i32
    %scan3A_1829 = arith.constant 64 : i32
    %scan3A_1830 = arith.addi %scan3A_1828, %scan3A_1829 : i32
    %scan3A_1831 = arith.constant 1 : i32
    %scan3A_1832:2 = scf.for %scan3A_1943 = %scan3A_1828 to %scan3A_1830 step %scan3A_1831 iter_args(%scan3A_1944 = %broadcast_in_dim3A_1827, %scan3A_1945 = %broadcast_in_dim3A_1827) -> (vector<16xf32>, vector<16xf32>)  : i32 {
      %add3A_1946 = vector.broadcast %scan3A_1943 : i32 to vector<16xi32>
      %add3A_1947 = arith.addi %add3A_1825, %add3A_1946 : vector<16xi32>
      %gather3A = tpu.vector_load_idx %arg4[%add3A_1947] : memref<16384xf32, #tpu.memory_space<vmem>>[vector<16xi32>], vector<16xf32>,
      %gt3A = arith.cmpf ogt, %gather3A, %scan3A_1944 : vector<16xf32>
      %max3A = arith.maximumf %scan3A_1945, %gather3A : vector<16xf32>
      %select_n3A = arith.select %gt3A, %scan3A_1944, %max3A : vector<16xi1>, vector<16xf32>
      %max3A_1948 = arith.maximumf %scan3A_1944, %gather3A : vector<16xf32>
      scf.yield %max3A_1948, %select_n3A : vector<16xf32>, vector<16xf32>
    }
    %scan3A_1833 = arith.constant 64 : i32
    %sub3A_1834 = arith.subf %scan3A_1832#1, %scan3A_1832#0 : vector<16xf32>
    %exp3A_1835 = math.exp %sub3A_1834 : vector<16xf32>
    %add3A_1836 = arith.constant 1.000000e+00 : f32
    %add3A_1837 = vector.broadcast %add3A_1836 : f32 to vector<16xf32>
    %add3A_1838 = arith.addf %add3A_1837, %exp3A_1835 : vector<16xf32>
    %div3A_1839 = arith.constant 1.000000e+00 : f32
    %div3A_1840 = vector.broadcast %div3A_1839 : f32 to vector<16xf32>
    %div3A_1841 = arith.divf %div3A_1840, %add3A_1838 : vector<16xf32>
    %sub3A_1842 = arith.constant 1.000000e+00 : f32
    %sub3A_1843 = vector.broadcast %sub3A_1842 : f32 to vector<16xf32>
    %sub3A_1844 = arith.subf %sub3A_1843, %div3A_1841 : vector<16xf32>
    %broadcast_in_dim3A_1845 = arith.constant 0.000000e+00 : f32
    %broadcast_in_dim3A_1846 = vector.broadcast %broadcast_in_dim3A_1845 : f32 to vector<16xf32>
    %scan3A_1847 = arith.constant 0 : i32
    %scan3A_1848 = arith.constant 0 : i32
    %scan3A_1849 = arith.constant 64 : i32
    %scan3A_1850 = arith.addi %scan3A_1848, %scan3A_1849 : i32
    %scan3A_1851 = arith.constant 1 : i32
    scf.for %scan3A_1943 = %scan3A_1848 to %scan3A_1850 step %scan3A_1851  : i32 {
      %add3A_1944 = vector.broadcast %scan3A_1943 : i32 to vector<16xi32>
      %add3A_1945 = arith.addi %add3A_1825, %add3A_1944 : vector<16xi32>
      %gather3A = tpu.vector_load_idx %arg4[%add3A_1945] : memref<16384xf32, #tpu.memory_space<vmem>>[vector<16xi32>], vector<16xf32>,
      %eq3A = arith.cmpf oeq, %gather3A, %scan3A_1832#0 : vector<16xf32>
      %eq3A_1946 = arith.cmpf oeq, %gather3A, %scan3A_1832#1 : vector<16xf32>
      %select_n3A = arith.select %eq3A_1946, %sub3A_1844, %broadcast_in_dim3A_1846 : vector<16xi1>, vector<16xf32>
      %select_n3A_1947 = arith.select %eq3A, %div3A_1841, %select_n3A : vector<16xi1>, vector<16xf32>
      %add3A_1948 = vector.broadcast %scan3A_1943 : i32 to vector<16xi32>
      %add3A_1949 = arith.addi %add3A_1825, %add3A_1948 : vector<16xi32>
      tpu.vector_store_idx %arg5[%add3A_1949], %select_n3A_1947 : memref<16384xf32, #tpu.memory_space<vmem>>[vector<16xi32>], vector<16xf32>,
    }
    %scan3A_1852 = arith.constant 64 : i32
    %add3A_1853 = arith.constant 13312 : i32
    %add3A_1854 = vector.broadcast %add3A_1853 : i32 to vector<16xi32>
    %add3A_1855 = arith.addi %mul3A_3, %add3A_1854 : vector<16xi32>
    %broadcast_in_dim3A_1856 = arith.constant 0xFF800000 : f32
    %broadcast_in_dim3A_1857 = vector.broadcast %broadcast_in_dim3A_1856 : f32 to vector<16xf32>
    %scan3A_1858 = arith.constant 0 : i32
    %scan3A_1859 = arith.constant 64 : i32
    %scan3A_1860 = arith.addi %scan3A_1858, %scan3A_1859 : i32
    %scan3A_1861 = arith.constant 1 : i32
    %scan3A_1862:2 = scf.for %scan3A_1943 = %scan3A_1858 to %scan3A_1860 step %scan3A_1861 iter_args(%scan3A_1944 = %broadcast_in_dim3A_1857, %scan3A_1945 = %broadcast_in_dim3A_1857) -> (vector<16xf32>, vector<16xf32>)  : i32 {
      %add3A_1946 = vector.broadcast %scan3A_1943 : i32 to vector<16xi32>
      %add3A_1947 = arith.addi %add3A_1855, %add3A_1946 : vector<16xi32>
      %gather3A = tpu.vector_load_idx %arg4[%add3A_1947] : memref<16384xf32, #tpu.memory_space<vmem>>[vector<16xi32>], vector<16xf32>,
      %gt3A = arith.cmpf ogt, %gather3A, %scan3A_1944 : vector<16xf32>
      %max3A = arith.maximumf %scan3A_1945, %gather3A : vector<16xf32>
      %select_n3A = arith.select %gt3A, %scan3A_1944, %max3A : vector<16xi1>, vector<16xf32>
      %max3A_1948 = arith.maximumf %scan3A_1944, %gather3A : vector<16xf32>
      scf.yield %max3A_1948, %select_n3A : vector<16xf32>, vector<16xf32>
    }
    %scan3A_1863 = arith.constant 64 : i32
    %sub3A_1864 = arith.subf %scan3A_1862#1, %scan3A_1862#0 : vector<16xf32>
    %exp3A_1865 = math.exp %sub3A_1864 : vector<16xf32>
    %add3A_1866 = arith.constant 1.000000e+00 : f32
    %add3A_1867 = vector.broadcast %add3A_1866 : f32 to vector<16xf32>
    %add3A_1868 = arith.addf %add3A_1867, %exp3A_1865 : vector<16xf32>
    %div3A_1869 = arith.constant 1.000000e+00 : f32
    %div3A_1870 = vector.broadcast %div3A_1869 : f32 to vector<16xf32>
    %div3A_1871 = arith.divf %div3A_1870, %add3A_1868 : vector<16xf32>
    %sub3A_1872 = arith.constant 1.000000e+00 : f32
    %sub3A_1873 = vector.broadcast %sub3A_1872 : f32 to vector<16xf32>
    %sub3A_1874 = arith.subf %sub3A_1873, %div3A_1871 : vector<16xf32>
    %broadcast_in_dim3A_1875 = arith.constant 0.000000e+00 : f32
    %broadcast_in_dim3A_1876 = vector.broadcast %broadcast_in_dim3A_1875 : f32 to vector<16xf32>
    %scan3A_1877 = arith.constant 0 : i32
    %scan3A_1878 = arith.constant 0 : i32
    %scan3A_1879 = arith.constant 64 : i32
    %scan3A_1880 = arith.addi %scan3A_1878, %scan3A_1879 : i32
    %scan3A_1881 = arith.constant 1 : i32
    scf.for %scan3A_1943 = %scan3A_1878 to %scan3A_1880 step %scan3A_1881  : i32 {
      %add3A_1944 = vector.broadcast %scan3A_1943 : i32 to vector<16xi32>
      %add3A_1945 = arith.addi %add3A_1855, %add3A_1944 : vector<16xi32>
      %gather3A = tpu.vector_load_idx %arg4[%add3A_1945] : memref<16384xf32, #tpu.memory_space<vmem>>[vector<16xi32>], vector<16xf32>,
      %eq3A = arith.cmpf oeq, %gather3A, %scan3A_1862#0 : vector<16xf32>
      %eq3A_1946 = arith.cmpf oeq, %gather3A, %scan3A_1862#1 : vector<16xf32>
      %select_n3A = arith.select %eq3A_1946, %sub3A_1874, %broadcast_in_dim3A_1876 : vector<16xi1>, vector<16xf32>
      %select_n3A_1947 = arith.select %eq3A, %div3A_1871, %select_n3A : vector<16xi1>, vector<16xf32>
      %add3A_1948 = vector.broadcast %scan3A_1943 : i32 to vector<16xi32>
      %add3A_1949 = arith.addi %add3A_1855, %add3A_1948 : vector<16xi32>
      tpu.vector_store_idx %arg5[%add3A_1949], %select_n3A_1947 : memref<16384xf32, #tpu.memory_space<vmem>>[vector<16xi32>], vector<16xf32>,
    }
    %scan3A_1882 = arith.constant 64 : i32
    %add3A_1883 = arith.constant 14336 : i32
    %add3A_1884 = vector.broadcast %add3A_1883 : i32 to vector<16xi32>
    %add3A_1885 = arith.addi %mul3A_3, %add3A_1884 : vector<16xi32>
    %broadcast_in_dim3A_1886 = arith.constant 0xFF800000 : f32
    %broadcast_in_dim3A_1887 = vector.broadcast %broadcast_in_dim3A_1886 : f32 to vector<16xf32>
    %scan3A_1888 = arith.constant 0 : i32
    %scan3A_1889 = arith.constant 64 : i32
    %scan3A_1890 = arith.addi %scan3A_1888, %scan3A_1889 : i32
    %scan3A_1891 = arith.constant 1 : i32
    %scan3A_1892:2 = scf.for %scan3A_1943 = %scan3A_1888 to %scan3A_1890 step %scan3A_1891 iter_args(%scan3A_1944 = %broadcast_in_dim3A_1887, %scan3A_1945 = %broadcast_in_dim3A_1887) -> (vector<16xf32>, vector<16xf32>)  : i32 {
      %add3A_1946 = vector.broadcast %scan3A_1943 : i32 to vector<16xi32>
      %add3A_1947 = arith.addi %add3A_1885, %add3A_1946 : vector<16xi32>
      %gather3A = tpu.vector_load_idx %arg4[%add3A_1947] : memref<16384xf32, #tpu.memory_space<vmem>>[vector<16xi32>], vector<16xf32>,
      %gt3A = arith.cmpf ogt, %gather3A, %scan3A_1944 : vector<16xf32>
      %max3A = arith.maximumf %scan3A_1945, %gather3A : vector<16xf32>
      %select_n3A = arith.select %gt3A, %scan3A_1944, %max3A : vector<16xi1>, vector<16xf32>
      %max3A_1948 = arith.maximumf %scan3A_1944, %gather3A : vector<16xf32>
      scf.yield %max3A_1948, %select_n3A : vector<16xf32>, vector<16xf32>
    }
    %scan3A_1893 = arith.constant 64 : i32
    %sub3A_1894 = arith.subf %scan3A_1892#1, %scan3A_1892#0 : vector<16xf32>
    %exp3A_1895 = math.exp %sub3A_1894 : vector<16xf32>
    %add3A_1896 = arith.constant 1.000000e+00 : f32
    %add3A_1897 = vector.broadcast %add3A_1896 : f32 to vector<16xf32>
    %add3A_1898 = arith.addf %add3A_1897, %exp3A_1895 : vector<16xf32>
    %div3A_1899 = arith.constant 1.000000e+00 : f32
    %div3A_1900 = vector.broadcast %div3A_1899 : f32 to vector<16xf32>
    %div3A_1901 = arith.divf %div3A_1900, %add3A_1898 : vector<16xf32>
    %sub3A_1902 = arith.constant 1.000000e+00 : f32
    %sub3A_1903 = vector.broadcast %sub3A_1902 : f32 to vector<16xf32>
    %sub3A_1904 = arith.subf %sub3A_1903, %div3A_1901 : vector<16xf32>
    %broadcast_in_dim3A_1905 = arith.constant 0.000000e+00 : f32
    %broadcast_in_dim3A_1906 = vector.broadcast %broadcast_in_dim3A_1905 : f32 to vector<16xf32>
    %scan3A_1907 = arith.constant 0 : i32
    %scan3A_1908 = arith.constant 0 : i32
    %scan3A_1909 = arith.constant 64 : i32
    %scan3A_1910 = arith.addi %scan3A_1908, %scan3A_1909 : i32
    %scan3A_1911 = arith.constant 1 : i32
    scf.for %scan3A_1943 = %scan3A_1908 to %scan3A_1910 step %scan3A_1911  : i32 {
      %add3A_1944 = vector.broadcast %scan3A_1943 : i32 to vector<16xi32>
      %add3A_1945 = arith.addi %add3A_1885, %add3A_1944 : vector<16xi32>
      %gather3A = tpu.vector_load_idx %arg4[%add3A_1945] : memref<16384xf32, #tpu.memory_space<vmem>>[vector<16xi32>], vector<16xf32>,
      %eq3A = arith.cmpf oeq, %gather3A, %scan3A_1892#0 : vector<16xf32>
      %eq3A_1946 = arith.cmpf oeq, %gather3A, %scan3A_1892#1 : vector<16xf32>
      %select_n3A = arith.select %eq3A_1946, %sub3A_1904, %broadcast_in_dim3A_1906 : vector<16xi1>, vector<16xf32>
      %select_n3A_1947 = arith.select %eq3A, %div3A_1901, %select_n3A : vector<16xi1>, vector<16xf32>
      %add3A_1948 = vector.broadcast %scan3A_1943 : i32 to vector<16xi32>
      %add3A_1949 = arith.addi %add3A_1885, %add3A_1948 : vector<16xi32>
      tpu.vector_store_idx %arg5[%add3A_1949], %select_n3A_1947 : memref<16384xf32, #tpu.memory_space<vmem>>[vector<16xi32>], vector<16xf32>,
    }
    %scan3A_1912 = arith.constant 64 : i32
    %add3A_1913 = arith.constant 15360 : i32
    %add3A_1914 = vector.broadcast %add3A_1913 : i32 to vector<16xi32>
    %add3A_1915 = arith.addi %mul3A_3, %add3A_1914 : vector<16xi32>
    %broadcast_in_dim3A_1916 = arith.constant 0xFF800000 : f32
    %broadcast_in_dim3A_1917 = vector.broadcast %broadcast_in_dim3A_1916 : f32 to vector<16xf32>
    %scan3A_1918 = arith.constant 0 : i32
    %scan3A_1919 = arith.constant 64 : i32
    %scan3A_1920 = arith.addi %scan3A_1918, %scan3A_1919 : i32
    %scan3A_1921 = arith.constant 1 : i32
    %scan3A_1922:2 = scf.for %scan3A_1943 = %scan3A_1918 to %scan3A_1920 step %scan3A_1921 iter_args(%scan3A_1944 = %broadcast_in_dim3A_1917, %scan3A_1945 = %broadcast_in_dim3A_1917) -> (vector<16xf32>, vector<16xf32>)  : i32 {
      %add3A_1946 = vector.broadcast %scan3A_1943 : i32 to vector<16xi32>
      %add3A_1947 = arith.addi %add3A_1915, %add3A_1946 : vector<16xi32>
      %gather3A = tpu.vector_load_idx %arg4[%add3A_1947] : memref<16384xf32, #tpu.memory_space<vmem>>[vector<16xi32>], vector<16xf32>,
      %gt3A = arith.cmpf ogt, %gather3A, %scan3A_1944 : vector<16xf32>
      %max3A = arith.maximumf %scan3A_1945, %gather3A : vector<16xf32>
      %select_n3A = arith.select %gt3A, %scan3A_1944, %max3A : vector<16xi1>, vector<16xf32>
      %max3A_1948 = arith.maximumf %scan3A_1944, %gather3A : vector<16xf32>
      scf.yield %max3A_1948, %select_n3A : vector<16xf32>, vector<16xf32>
    }
    %scan3A_1923 = arith.constant 64 : i32
    %sub3A_1924 = arith.subf %scan3A_1922#1, %scan3A_1922#0 : vector<16xf32>
    %exp3A_1925 = math.exp %sub3A_1924 : vector<16xf32>
    %add3A_1926 = arith.constant 1.000000e+00 : f32
    %add3A_1927 = vector.broadcast %add3A_1926 : f32 to vector<16xf32>
    %add3A_1928 = arith.addf %add3A_1927, %exp3A_1925 : vector<16xf32>
    %div3A_1929 = arith.constant 1.000000e+00 : f32
    %div3A_1930 = vector.broadcast %div3A_1929 : f32 to vector<16xf32>
    %div3A_1931 = arith.divf %div3A_1930, %add3A_1928 : vector<16xf32>
    %sub3A_1932 = arith.constant 1.000000e+00 : f32
    %sub3A_1933 = vector.broadcast %sub3A_1932 : f32 to vector<16xf32>
    %sub3A_1934 = arith.subf %sub3A_1933, %div3A_1931 : vector<16xf32>
    %broadcast_in_dim3A_1935 = arith.constant 0.000000e+00 : f32
    %broadcast_in_dim3A_1936 = vector.broadcast %broadcast_in_dim3A_1935 : f32 to vector<16xf32>
    %scan3A_1937 = arith.constant 0 : i32
    %scan3A_1938 = arith.constant 0 : i32
    %scan3A_1939 = arith.constant 64 : i32
    %scan3A_1940 = arith.addi %scan3A_1938, %scan3A_1939 : i32
    %scan3A_1941 = arith.constant 1 : i32
    scf.for %scan3A_1943 = %scan3A_1938 to %scan3A_1940 step %scan3A_1941  : i32 {
      %add3A_1944 = vector.broadcast %scan3A_1943 : i32 to vector<16xi32>
      %add3A_1945 = arith.addi %add3A_1915, %add3A_1944 : vector<16xi32>
      %gather3A = tpu.vector_load_idx %arg4[%add3A_1945] : memref<16384xf32, #tpu.memory_space<vmem>>[vector<16xi32>], vector<16xf32>,
      %eq3A = arith.cmpf oeq, %gather3A, %scan3A_1922#0 : vector<16xf32>
      %eq3A_1946 = arith.cmpf oeq, %gather3A, %scan3A_1922#1 : vector<16xf32>
      %select_n3A = arith.select %eq3A_1946, %sub3A_1934, %broadcast_in_dim3A_1936 : vector<16xi1>, vector<16xf32>
      %select_n3A_1947 = arith.select %eq3A, %div3A_1931, %select_n3A : vector<16xi1>, vector<16xf32>
      %add3A_1948 = vector.broadcast %scan3A_1943 : i32 to vector<16xi32>
      %add3A_1949 = arith.addi %add3A_1915, %add3A_1948 : vector<16xi32>
      tpu.vector_store_idx %arg5[%add3A_1949], %select_n3A_1947 : memref<16384xf32, #tpu.memory_space<vmem>>[vector<16xi32>], vector<16xf32>,
    }
    %scan3A_1942 = arith.constant 64 : i32
    "tpu.region"() ({
      %run_scoped3A = tpu.sem_alloc : memref<!tpu.dma_semaphore, #tpu.memory_space<semaphore_mem>>
      %dma_start3A = tpu.memref_slice %arg3[%mul3A_1462] : memref<2097152xf32, #tpu.memory_space<hbm>> -> memref<16384xf32, #tpu.memory_space<hbm>>
      %dma_start3A_1943 = tpu.memref_slice %arg3[%mul3A_1462] : memref<2097152xf32, #tpu.memory_space<hbm>> -> memref<16384xf32, #tpu.memory_space<hbm>>
      tpu.enqueue_dma source(%arg5 : memref<16384xf32, #tpu.memory_space<vmem>>) target(%dma_start3A_1943 : memref<16384xf32, #tpu.memory_space<hbm>>) target_semaphore(%run_scoped3A : memref<!tpu.dma_semaphore, #tpu.memory_space<semaphore_mem>>)
      %dma_wait3A = tpu.memref_slice %arg3[%mul3A_1462] : memref<2097152xf32, #tpu.memory_space<hbm>> -> memref<16384xf32, #tpu.memory_space<hbm>>
      %dma_wait3A_1944 = tpu.memref_slice %arg3[%mul3A_1462] : memref<2097152xf32, #tpu.memory_space<hbm>> -> memref<16384xf32, #tpu.memory_space<hbm>>
      tpu.wait_dma2 semaphore(%run_scoped3A : memref<!tpu.dma_semaphore, #tpu.memory_space<semaphore_mem>>) src(%arg5 : memref<16384xf32, #tpu.memory_space<vmem>>) dst(%dma_wait3A_1944 : memref<16384xf32, #tpu.memory_space<hbm>>)
      tpu.yield
    }) : () -> ()
    return
  }
}

module attributes {stable_mosaic.version = 14 : i64} {
  func.func @_matmul_kernel(%arg0: i32, %arg1: memref<4096x768xf32, #tpu.memory_space<vmem>>, %arg2: memref<64x768xf32, #tpu.memory_space<vmem>>, %arg3: memref<1x64xf32, #tpu.memory_space<vmem>>, %arg4: memref<4096x64xf32, #tpu.memory_space<vmem>>) attributes {dimension_semantics = [#tpu.dimension_semantics<arbitrary>], iteration_bounds = array<i64: 8>, scalar_prefetch = 0 : i64, scratch_operands = 0 : i64, tpu.core_type = #tpu.core_type<tc>, window_params = [{transform_indices = @transform_0, window_bounds = array<i64: 4096, 768>}, {pipeline_mode = #tpu.pipeline_mode<synchronous>, transform_indices = @transform_1, window_bounds = array<i64: 64, 768>}, {pipeline_mode = #tpu.pipeline_mode<synchronous>, transform_indices = @transform_2, window_bounds = array<i64: 1, 64>}, {transform_indices = @transform_3, window_bounds = array<i64: 4096, 64>}]} {
    %get3A = arith.constant 0 : index
    %get3A_0 = arith.constant 0 : index
    %get3A_1 = vector.load %arg1[%get3A, %get3A_0] : memref<4096x768xf32, #tpu.memory_space<vmem>>, vector<4096x768xf32>
    %get3A_2 = arith.constant 0 : index
    %get3A_3 = arith.constant 0 : index
    %get3A_4 = vector.load %arg2[%get3A_2, %get3A_3] : memref<64x768xf32, #tpu.memory_space<vmem>>, vector<64x768xf32>
    %dot_general3A = arith.constant dense<0.000000e+00> : vector<4096x64xf32>
    %dot_general3A_5 = tpu.matmul %get3A_1, %get3A_4, %dot_general3A {dimension_numbers = #tpu.dot_dimension_numbers<[1], [1], [0], [0], [0, 0, 1, 0], [], []>, transpose_lhs_hint = false} : vector<4096x768xf32>, vector<64x768xf32>, vector<4096x64xf32> -> vector<4096x64xf32>
    %get3A_6 = arith.constant 0 : index
    %get3A_7 = arith.constant 0 : index
    %get3A_8 = vector.load %arg3[%get3A_6, %get3A_7] : memref<1x64xf32, #tpu.memory_space<vmem>>, vector<1x64xf32>
    %add3A = vector.broadcast %get3A_8 : vector<1x64xf32> to vector<4096x64xf32>
    %add3A_9 = arith.addf %dot_general3A_5, %add3A : vector<4096x64xf32>
    %swap3A = arith.constant 0 : index
    %swap3A_10 = arith.constant 0 : index
    %swap3A_11 = vector.load %arg4[%swap3A, %swap3A_10] : memref<4096x64xf32, #tpu.memory_space<vmem>>, vector<4096x64xf32>
    tpu.vector_store %arg4[%swap3A, %swap3A_10], %add3A_9 {strides = array<i32>} : memref<4096x64xf32, #tpu.memory_space<vmem>>, vector<4096x64xf32>,
    return
  }
  func.func @transform_0(%arg0: i32) -> (i32, i32) {
    %c0_i32 = arith.constant 0 : i32
    %c0_i32_0 = arith.constant 0 : i32
    return %arg0, %c0_i32 : i32, i32
  }
  func.func @transform_1(%arg0: i32) -> (i32, i32) {
    %c0_i32 = arith.constant 0 : i32
    %c0_i32_0 = arith.constant 0 : i32
    %c0_i32_1 = arith.constant 0 : i32
    return %c0_i32, %c0_i32_0 : i32, i32
  }
  func.func @transform_2(%arg0: i32) -> (i32, i32) {
    %c0_i32 = arith.constant 0 : i32
    %c0_i32_0 = arith.constant 0 : i32
    %c0_i32_1 = arith.constant 0 : i32
    return %c0_i32, %c0_i32_0 : i32, i32
  }
  func.func @transform_3(%arg0: i32) -> (i32, i32) {
    %c0_i32 = arith.constant 0 : i32
    %c0_i32_0 = arith.constant 0 : i32
    return %arg0, %c0_i32 : i32, i32
  }
}

</mosaic_0001>

<sc_bundles>
// kernel: kernel.4.cloned.1.call-start
scs
__scs_entry_jumppad:
0x0: {  	(pc) =	sbr.rel $0x88, $3  }
0x1: {  	(tag) =	ssettag $0x0;
	lr =	simm.s32 $0x1  }
0x2: {  	[smem:$0x3F9E] =	sst lr;
	_ =	strace $0xD0000000  }
0x3: {  	_ = 	snop  }
0x4: {  	_ = 	snop  }
0x5: {  	_ = 	snop  }
0x6: {  	_ = 	snop  }
0x7: {  	_ = 	snop  }
__scs_overlays_trampoline_lowered:
0x8: {  	[smem:$0x3FAD] =	sst s0  }
0x9: {  	[smem:$0x3FAE] =	sst s1  }
0xa: {  	[smem:$0x3FAF] =	sst s2  }
0xb: {  	[smem:$0x3FB0] =	sst s3  }
0xc: {  	[smem:$0x3FB1] =	sst s4  }
0xd: {  	[smem:$0x3FB2] =	sst s5  }
0xe: {  	[smem:$0x3FB3] =	sst s6  }
0xf: {  	[smem:$0x3FB4] =	sst s7  }
0x10: {  	[smem:$0x3FB5] =	sst s8  }
0x11: {  	[smem:$0x3FB6] =	sst s9;
	s0 =	simm.s32 @!p0 $0x0  }
0x12: {  	s1 =	sld [smem:$0x3F9C];
	s0 =	simm.s32 @p0 $0x1  }
0x13: {  	[smem:$0x3FB7] =	sst s0;
	s0 =	simm.s32 @!p1 $0x0  }
0x14: {  	s2 =	sld [smem:$0x3F9B];
	s0 =	simm.s32 @p1 $0x1  }
0x15: {  	[smem:$0x3FB8] =	sst s0;
	s0 =	simm.s32 @!p2 $0x0  }
0x16: {  	s3 =	sld [smem:$0x3FDB];
	s0 =	simm.s32 @p2 $0x1  }
0x17: {  	s4 =	simm.s32 $0x1BF5;
	[smem:$0x3FBA] =	sst s0  }
0x18: {  	s0 =	sld [smem:$0x3F9D];
	_ =	swait.ge [sflag:s4], $0x0  }
0x19: {  	s7 =	sld [smem:$0x3F9E]  }
0x1a: {  	s8 =	sadd.s32 $0xFFFFE003, lr  }
0x1b: {  	s9 =	sadd.s32 $0xFFFFFEF7, lr;
	s5 =	simm.s32 $0xFFFFFFFF;
	p2 =	slt.u32 s8, $0xFFFFF086  }
0x1c: {  	p1 =	slt.u32 s9, $0xF7A;
	s5 =	simm.s32 @!p2 $0x0  }
0x1d: {  	s5 =	simm.s32 @p1 $0x1;
	p0 =	seq.s32 s7, s2  }
0x1e: {  	s7 =	smul.u32 @!p0 $0xF7A, s2;
	p2 =	seq.s32 @!p0 s5, $0x0  }
0x1f: {  	s9 =	smul.u32 $0xF7A, s1;
	s8 =	simm.s32 @!p0 $0x1BF5;
	p2 =	por !p2, p0  }
0x20: {  	[sflag:s8] =	ssyncset.s32 @!p0 $0xFFFFF086;
	s6 =	sadd.s32 @!p0 s3, s7;
	s7 =	simm.s32 @!p0 $0x108  }
0x21: {  	s3 =	sadd.s32 s3, s9;
	s6 =	sadd.s32 @!p0 $0x88, s6;
	s7 =	simm.s32 @p2 $0x1082  }
0x22: {  	[simem:s7], [sflag:s8] =	dma.local @!p0 [hbm:s6], $0xF7A  }
0x23: {  	s9 =	sor.u32 $0xD0000000, s2;
	s6 =	simm.s32 $0x108;
	_ =	swait.ge @!p0 [sflag:s8], $0x0  }
0x24: {  	s3 =	sadd.s32 $0x88, s3;
	s6 =	simm.s32 @!p1 $0x1082;
	[sflag:s4] =	ssyncset.s32 $0xFFFFF086  }
0x25: {  	[simem:s6], [sflag:s4] =	dma.local [hbm:s3], $0xF7A  }
0x26: {  	[smem:$0x3F9E] =	sst s1;
	(tag) =	ssettag s2;
	_ =	strace s9  }
0x27: {  	s1 =	sld [smem:$0x3FAE]  }
0x28: {  	s2 =	sld [smem:$0x3FAF]  }
0x29: {  	s4 =	sld [smem:$0x3FB1]  }
0x2a: {  	p0 =	seq.s32 s5, $0x0;
	s5 =	sld [smem:$0x3FB2]  }
0x2b: {  	s6 =	sld [smem:$0x3FB3]  }
0x2c: {  	s7 =	sld [smem:$0x3FB4]  }
0x2d: {  	s3 =	simm.s32 $0x108;
	s8 =	sld [smem:$0x3FB5]  }
0x2e: {  	s3 =	simm.s32 @!p0 $0x1082;
	s9 =	sld [smem:$0x3FB6]  }
0x2f: {  	lr =	sadd.s32 s0, s3;
	s0 =	sld [smem:$0x3FAD]  }
0x30: {  	s3 =	sld [smem:$0x3FB0]  }
0x31: {  	[smem:$0x3FB9] =	sst s10  }
0x32: {  	s10 =	sld [smem:$0x3FB7];
	_ =	sdelay $0x3  }
0x33: {  	p0 =	seq.s32 s10, $0x1;
	s10 =	sld [smem:$0x3FB9];
	_ =	sdelay $0x3  }
0x34: {  	[smem:$0x3FB9] =	sst s10  }
0x35: {  	s10 =	sld [smem:$0x3FB8];
	_ =	sdelay $0x3  }
0x36: {  	p1 =	seq.s32 s10, $0x1;
	s10 =	sld [smem:$0x3FB9];
	_ =	sdelay $0x3  }
0x37: {  	[smem:$0x3FB9] =	sst s10  }
0x38: {  	s10 =	sld [smem:$0x3FBA]  }
0x39: {  	_ = 	snop;
	(pc) =	sbr.ind lr, $3  }
0x3a: {  	_ = 	snop  }
0x3b: {  	_ = 	snop  }
0x3c: {  	p2 =	seq.s32 s10, $0x1;
	s10 =	sld [smem:$0x3FB9]  }
0x3d: {  	_ =	shalt  }
0x3e: {  	_ =	shalt  }
0x3f: {  	_ =	shalt  }
0x40: {  	_ =	shalt  }
0x41: {  	_ =	shalt  }
0x42: {  	_ =	shalt  }
0x43: {  	_ =	shalt  }
0x44: {  	_ =	shalt  }
0x45: {  	_ =	shalt  }
0x46: {  	_ =	shalt  }
0x47: {  	_ =	shalt  }
0x48: {  	_ =	shalt  }
0x49: {  	_ =	shalt  }
0x4a: {  	_ =	shalt  }
0x4b: {  	_ =	shalt  }
0x4c: {  	_ =	shalt  }
0x4d: {  	_ =	shalt  }
0x4e: {  	_ =	shalt  }
0x4f: {  	_ =	shalt  }
0x50: {  	_ =	shalt  }
0x51: {  	_ =	shalt  }
0x52: {  	_ =	shalt  }
0x53: {  	_ =	shalt  }
0x54: {  	_ =	shalt  }
0x55: {  	_ =	shalt  }
0x56: {  	_ =	shalt  }
0x57: {  	_ =	shalt  }
0x58: {  	_ =	shalt  }
0x59: {  	_ =	shalt  }
0x5a: {  	_ =	shalt  }
0x5b: {  	_ =	shalt  }
0x5c: {  	_ =	shalt  }
0x5d: {  	_ =	shalt  }
0x5e: {  	_ =	shalt  }
0x5f: {  	_ =	shalt  }
0x60: {  	_ =	shalt  }
0x61: {  	_ =	shalt  }
0x62: {  	_ =	shalt  }
0x63: {  	_ =	shalt  }
0x64: {  	_ =	shalt  }
0x65: {  	_ =	shalt  }
0x66: {  	_ =	shalt  }
0x67: {  	_ =	shalt  }
0x68: {  	_ =	shalt  }
0x69: {  	_ =	shalt  }
0x6a: {  	_ =	shalt  }
0x6b: {  	_ =	shalt  }
0x6c: {  	_ =	shalt  }
0x6d: {  	_ =	shalt  }
0x6e: {  	_ =	shalt  }
0x6f: {  	_ =	shalt  }
0x70: {  	_ =	shalt  }
0x71: {  	_ =	shalt  }
0x72: {  	_ =	shalt  }
0x73: {  	_ =	shalt  }
0x74: {  	_ =	shalt  }
0x75: {  	_ =	shalt  }
0x76: {  	_ =	shalt  }
0x77: {  	_ =	shalt  }
0x78: {  	_ =	shalt  }
0x79: {  	_ =	shalt  }
0x7a: {  	_ =	shalt  }
0x7b: {  	_ =	shalt  }
0x7c: {  	_ =	shalt  }
0x7d: {  	_ =	shalt  }
0x7e: {  	_ =	shalt  }
0x7f: {  	_ =	shalt  }
0x80: {  	_ =	shalt  }
0x81: {  	_ =	shalt  }
0x82: {  	_ =	shalt  }
0x83: {  	_ =	shalt  }
0x84: {  	_ =	shalt  }
0x85: {  	_ =	shalt  }
0x86: {  	_ =	shalt  }
0x87: {  	_ =	shalt  }
.Lfunc_end0:
.L_simem_size_0:
called_computation_lowered:
.L_overlay_start_0:
0x88: {  	s2 =	sld [smem:$0x3FD9]  }
0x89: {  	s3 =	sld [smem:$0x3FFE];
	_ =	sdelay $0x1  }
0x8a: {  	s1 =	srdreg.scid  }
0x8b: {  	s0 =	sand.u32 $0x1, s1  }
0x8c: {  	s17 =	sshll.u32 s0, $0xA;
	s2 =	sadd.s32 s3, s2  }
0x8d: {  	s2 =	sadd.s32 s2, s17  }
0x8e: {  	[smem:$0x3FC5] =	sst s2  }
0x8f: {  	_ = 	snop  }
0x90: {  	s2 =	sld [smem:$0x3FD0];
	(tm) =	ssettm $0x1  }
0x91: {  	s18 =	sld [smem:$0x3FFB];
	_ =	sdelay $0x3  }
0x92: {  	_ =	strace s18  }
0x93: {  	s3 =	sld [smem:$0x3FFC];
	_ =	sdelay $0x3  }
0x94: {  	_ =	strace s3  }
0x95: {  	s3 =	sld [smem:$0x3FFD];
	_ =	sdelay $0x3  }
0x96: {  	_ =	strace s3  }
0x97: {  	_ =	strace $0x8FFFFFFF  }
0x98: {  	s19 =	sld [smem:$0x3FDB];
	_ =	sdelay $0x1  }
0x99: {  	s4 =	simm.s32 $_scs_section_size  }
0x9a: {  	s5 =	simm.s32 $_size__tile_overlayer_lowered;
	s6 =	simm.s32 $_tile_overlayer_lowered  }
0x9b: {  	s22 =	simm.s32 $0x1BFF;
	s21 =	sshll.u32 s6, $0x1;
	s3 =	sadd.s32 s4, s19  }
0x9c: {  	s7 =	simm.s32 $0x0;
	s20 =	sshll.u32 s5, $0x1;
	s5 =	sadd.s32 s21, s3  }
0x9d: {  	[timem:s7], [sflag:s22] =	dma.local [hbm:s5], s20  }
0x9e: {  	_ =	swait.ge [sflag:s22], s20  }
0x9f: {  	s4 =	ssub.s32 $0x0, s20;
	[sflag:s22] =	ssyncset.done $0x0  }
0xa0: {  	[sflag:s22] =	ssyncadd.s32 s4;
	_ =	sdelay $0x1  }
0xa1: {  	s23 =	simm.s32 $0x1B8B  }
0xa2: {  	_ =	swait.ge [sflag:s23], $0x1  }
0xa3: {  	[sflag:s23] =	ssyncset.done $0x0  }
0xa4: {  	s25 =	simm.s32 $0x1B8E;
	s24 =	sld [smem:$0x3FFE];
	[sflag:s23] =	ssyncadd.s32 $0xFFFFFFFF  }
0xa5: {  	s26 =	simm.s32 $execute0_lowered;
	[smem:$0x3FD2] =	sst s25  }
0xa6: {  	s5 =	sshll.u32 s26, $0x1;
	_ =	strace $0x80000046;
	[dreg:$0x1] =	wrdreg $0xFFFFFFFF  }
0xa7: {  	s28 =	simm.s32 $_size_execute0_lowered;
	s3 =	sadd.s32 s3, s5;
	[dreg:$0x0] =	wrdreg $0x0  }
0xa8: {  	s5 =	sshll.u32 s28, $0x1;
	[dreg:$0x2] =	wrdreg s3  }
0xa9: {  	[dreg:$0x3] =	wrdreg s5  }
0xaa: {  	[dreg:$0x4] =	wrdreg $0xC0  }
0xab: {  	_ =	task [dreg:s7], $0x5FFFF  }
0xac: {  	[dreg:$0x1] =	wrdreg $0xFFFFFFFF  }
0xad: {  	[dreg:$0x0] =	wrdreg $0x60  }
0xae: {  	[dreg:$0x2] =	wrdreg s2  }
0xaf: {  	[dreg:$0x3] =	wrdreg s24  }
0xb0: {  	[dreg:$0x4] =	wrdreg $0x9  }
0xb1: {  	_ =	task.clear_ibuf [dreg:s7], $0x5FFFF;
	_ =	strace $0x90000046  }
0xb2: {  	s29 =	simm.s32 $0x9;
	_ =	strace $0x80000048  }
0xb3: {  	_ =	swait.ge [sflag:s29], $0x1  }
0xb4: {  	[sflag:s29] =	ssyncadd.s32 $0xFFFFFFFF  }
0xb5: {  	_ =	strace $0x90000048  }
0xb6: {  	_ =	sfence  }
0xb7: {  	s30 =	sld [smem:$0x0];
	_ =	sdelay $0x2  }
0xb8: {  	s31 =	sshll.u32 s1, $0xD;
	s1 =	sshrl.u32 s1, $0x2  }
0xb9: {  	s3 =	sand.u32 $0x4000, s31;
	s1 =	sadd.s32 s1, s30  }
0xba: {  	s0 =	sor.u32 s3, s0;
	s1 =	sshll.u32 s1, $0x11  }
0xbb: {  	s0 =	sor.u32 s1, s0  }
0xbc: {  	s0 =	sadd.s32 $0x8F2B, s0  }
0xbd: {  	[sflag:s0] =	ssyncadd.remote.s32 $0x1  }
0xbe: {  	_ =	sfence.sel $0xFFFF  }
0xbf: {  	[dreg:$0x0] =	wrdreg $0xFFFFFFFF;
	(pc) =	sbr.abs _section_cstart, $3  }
0xc0: {  	[dreg:$0x1] =	wrdreg $0xFFFFFFFF  }
0xc1: {  	_ =	task.clear_ibuf [dreg:s7], $0x2FFFF;
	_ =	strace $0x9FFFFFFF  }
0xc2: {  	(tm) =	ssettm $0x7FFFFFFF  }
0xc3: {  	_ =	shalt  }
tec
execute0_lowered:
.L_overlay_start_1:
0x0: {  	(tag) =	ssettag $0x1  }
0x1: {  	s9 =	rddreg [dreg:$0x0]  }
0x2: {  	s3 =	rddreg [dreg:$0x1]  }
0x3: {  	s0 =	rddreg [dreg:$0x2];
	s1 =	simm.s32 $0x0  }
0x4: {  	s2 =	srdreg.scid;
	s13 =	simm.s32 $0x4000;
	s14 =	simm.s32 $0x0  }
0x5: {  	[smem:$0x7FF] =	sst s1;
	s4 =	sand.u32 $0x1, s2;
	s2 =	stileid.u32  }
0x6: {  	s5 =	ssub.s32 $0x2, s4;
	s7 =	sshll.u32 s2, $0xE;
	s4 =	sshll.u32 s4, $0xD  }
0x7: {  	v0 =	vlaneseq.u32;
	s10 =	sadd.s32 $0x800, s3;
	s6 =	sshrl.u32 s5, $0x1;
	s12 =	sor.u32 s4, s7  }
0x8: {  	v0 =	vmul.u32 $0x40, v0;
	_ =	strace $0x80000047;
	s11 =	ssub.s32 s5, s6;
	s3 =	sadd.s32 s9, s12  }
0x9: {  	s4 =	sadd.s32 s10, s12;
	s31 =	sor.u32 $0x800, s12;
	s8 =	sor.u32 $0x1000, s12  }
0xa: {  	v1 =	vor.u32 $0x400, v0;
	s12 =	sor.u32 $0x1800, s12;
	s5 =	sadd.s32 s9, s31;
	s6 =	sadd.s32 s10, s31  }
0xb: {  	v2 =	vor.u32 $0x800, v0;
	v3 =	vor.u32 $0xC00, v0;
	v4 =	vor.u32 $0x1000, v0;
	s7 =	sadd.s32 s9, s8;
	s8 =	sadd.s32 s10, s8;
	s9 =	sadd.s32 s9, s12  }
0xc: {  	v5 =	vor.u32 $0x1400, v0;
	v6 =	vor.u32 $0x1800, v0;
	v7 =	vor.u32 $0x1C00, v0;
	s10 =	sadd.s32 s10, s12;
	s11 =	smax.u32 s11, $0x1;
	s12 =	simm.s32 $0x1  }
.LBB2_1:
0xd: {  	v8 =	vor.u32 s1, v0  }
0xe: {  	[tilespmem:s1], [sflag:$0x1] =	stream.linear.gather [hbm4b:s3+s1], $0x4000, $0x38;
	[tilespmem:$0x8000] =	vst v63  }
0xf: {  	_ =	swait.ge [sflag:s12], $0x4000  }
0x10: {  	[sflag:s12] =	ssyncset.done $0x0  }
0x11: {  	s15 =	simm.s32 $0x1;
	[sflag:s12] =	ssyncadd.s32 $0xFFFFC000  }
0x12: {  	v9 =	vor.u32 s15, v0;
	v10 =	vld.idx.msk [tilespmem:v8+s1+$0x0], $0xffff;
	_ =	sdelay $0x3  }
0x13: {  	v8 =	vimm.f32 $-Inf  }
0x14: {  	s15 =	simm.s32 $0x2;
	v9 =	vld.idx.msk [tilespmem:v9+s1+$0x0], $0xffff;
	vm0 =	vgt.f32 v10, v8;
	v11 =	vmax.f32 v8, v10  }
.LBB2_2:
0x15: {  	v12 =	vor.u32 s15, v0;
	p0 =	sne.s32 s15, $0x3F;
	s15 =	sadd.s32 $0x1, s15;
	v11 =	vsel vm0, v8, v11  }
.Ltmp0:
0x16: {  	(pc) =	sbr.rel @p0 .LBB2_2-.Ltmp0, $3  }
0x17: {  	_ =	sdelay $0x1  }
0x18: {  	v8 =	vmax.f32 v8, v10  }
0x19: {  	vm0 =	vgt.f32 v9, v8;
	v11 =	vmax.f32 v11, v9;
	v10 =	vmov v9;
	v9 =	vld.idx.msk [tilespmem:v12+s1+$0x0], $0xffff  }
0x1a: {  	_ =	sdelay $0x2  }
0x1b: {  	v11 =	vsel vm0, v8, v11;
	v10 =	vmax.f32 v8, v10  }
0x1c: {  	vm15 =	vgt.f32 v9, v10;
	v8 =	vmax.f32 v11, v9  }
0x1d: {  	v9 =	vmax.f32 v10, v9;
	v8 =	vsel vm15, v10, v8  }
0x1e: {  	v10 =	vsub.f32 v8, v9;
	_ =	sdelay $0x1  }
0x1f: {  	v10 =	vmul.f32 $1.442695020e+00, v10;
	_ =	sdelay $0x1  }
0x20: {  	(erf) = vpow2.f32 v10;
	_ =	sdelay $0x8  }
0x21: {  	v10 =	vpop (erf)  }
0x22: {  	v10 =	vadd.f32 $1.000000000e+00, v10;
	_ =	sdelay $0x1  }
0x23: {  	s16 =	simm.s32 $0x0;
	(erf) = vrcp.f32 v10  }
0x24: {  	v12 =	vor.u32 s16, v0;
	_ =	sdelay $0x4  }
0x25: {  	v14 =	vld.idx.msk [tilespmem:v12+s16+$0x0], $0xffff;
	_ =	sdelay $0x2  }
0x26: {  	s15 =	simm.s32 $0x1;
	v10 =	vpop (erf)  }
0x27: {  	s17 =	simm.s32 $0x2;
	v13 =	vor.u32 s15, v0;
	v11 =	vsub.f32 $1.000000000e+00, v10  }
.LBB2_4:
0x28: {  	p0 =	sne.s32 s17, $0x3F;
	vm0 =	veq.f32 v14, v8  }
0x29: {  	vm1 =	veq.f32 v14, v9;
	v14 =	vnsel vm0, $0x0, v11  }
0x2a: {  	v14 =	vsel vm1, v10, v14  }
0x2b: {  	[tilespmem:v12+s13+$0x0] =	vst.idx.msk $0xffff, v14;
	v12 =	vmov v13  }
0x2c: {  	v14 =	vld.idx.msk [tilespmem:v13+s16+$0x0], $0xffff  }
.Ltmp1:
0x2d: {  	(pc) =	sbr.rel @p0 .LBB2_4-.Ltmp1, $2  }
0x2e: {  	_ =	sdelay $0x2  }
0x2f: {  	v13 =	vor.u32 s17, v0;
	s17 =	sadd.s32 $0x1, s17  }
0x30: {  	_ = 	snop  }
0x31: {  	vm0 =	veq.f32 v14, v8  }
0x32: {  	vm1 =	veq.f32 v14, v9;
	v62 =	vnsel vm0, $0x0, v11  }
0x33: {  	v14 =	vsel vm1, v10, v62  }
0x34: {  	[tilespmem:v12+s13+$0x0] =	vst.idx.msk $0xffff, v14  }
0x35: {  	v12 =	vld.idx.msk [tilespmem:v13+s16+$0x0], $0xffff;
	_ =	sdelay $0x3  }
0x36: {  	v63 =	vor.u32 s16, v1  }
0x37: {  	vm0 =	veq.f32 v12, v8  }
0x38: {  	vm1 =	veq.f32 v12, v9;
	v8 =	vnsel vm0, $0x0, v11  }
0x39: {  	v8 =	vsel vm1, v10, v8  }
0x3a: {  	[tilespmem:v13+s13+$0x0] =	vst.idx.msk $0xffff, v8  }
0x3b: {  	v9 =	vor.u32 s15, v1;
	v10 =	vld.idx.msk [tilespmem:v63+s1+$0x0], $0xffff;
	_ =	sdelay $0x3  }
0x3c: {  	v8 =	vimm.f32 $-Inf  }
0x3d: {  	s15 =	simm.s32 $0x2;
	v9 =	vld.idx.msk [tilespmem:v9+s1+$0x0], $0xffff;
	vm0 =	vgt.f32 v10, v8;
	v11 =	vmax.f32 v8, v10  }
.LBB2_6:
0x3e: {  	v12 =	vor.u32 s15, v1;
	p0 =	sne.s32 s15, $0x3F;
	s15 =	sadd.s32 $0x1, s15;
	v11 =	vsel vm0, v8, v11  }
.Ltmp2:
0x3f: {  	(pc) =	sbr.rel @p0 .LBB2_6-.Ltmp2, $3  }
0x40: {  	_ =	sdelay $0x1  }
0x41: {  	v8 =	vmax.f32 v8, v10  }
0x42: {  	vm0 =	vgt.f32 v9, v8;
	v11 =	vmax.f32 v11, v9;
	v10 =	vmov v9;
	v9 =	vld.idx.msk [tilespmem:v12+s1+$0x0], $0xffff  }
0x43: {  	_ =	sdelay $0x2  }
0x44: {  	v11 =	vsel vm0, v8, v11;
	v10 =	vmax.f32 v8, v10  }
0x45: {  	vm15 =	vgt.f32 v9, v10;
	v8 =	vmax.f32 v11, v9  }
0x46: {  	v9 =	vmax.f32 v10, v9;
	v8 =	vsel vm15, v10, v8  }
0x47: {  	v10 =	vsub.f32 v8, v9;
	_ =	sdelay $0x1  }
0x48: {  	v10 =	vmul.f32 $1.442695020e+00, v10;
	_ =	sdelay $0x1  }
0x49: {  	(erf) = vpow2.f32 v10;
	_ =	sdelay $0x8  }
0x4a: {  	v10 =	vpop (erf)  }
0x4b: {  	v10 =	vadd.f32 $1.000000000e+00, v10;
	_ =	sdelay $0x1  }
0x4c: {  	s16 =	simm.s32 $0x0;
	(erf) = vrcp.f32 v10  }
0x4d: {  	v12 =	vor.u32 s16, v1;
	_ =	sdelay $0x4  }
0x4e: {  	v14 =	vld.idx.msk [tilespmem:v12+s16+$0x0], $0xffff;
	_ =	sdelay $0x2  }
0x4f: {  	s15 =	simm.s32 $0x1;
	v10 =	vpop (erf)  }
0x50: {  	s17 =	simm.s32 $0x2;
	v13 =	vor.u32 s15, v1;
	v11 =	vsub.f32 $1.000000000e+00, v10  }
.LBB2_8:
0x51: {  	p0 =	sne.s32 s17, $0x3F;
	vm0 =	veq.f32 v14, v8  }
0x52: {  	vm1 =	veq.f32 v14, v9;
	v14 =	vnsel vm0, $0x0, v11  }
0x53: {  	v14 =	vsel vm1, v10, v14  }
0x54: {  	[tilespmem:v12+s13+$0x0] =	vst.idx.msk $0xffff, v14;
	v12 =	vmov v13  }
0x55: {  	v14 =	vld.idx.msk [tilespmem:v13+s16+$0x0], $0xffff  }
.Ltmp3:
0x56: {  	(pc) =	sbr.rel @p0 .LBB2_8-.Ltmp3, $2  }
0x57: {  	_ =	sdelay $0x2  }
0x58: {  	v13 =	vor.u32 s17, v1;
	s17 =	sadd.s32 $0x1, s17  }
0x59: {  	_ = 	snop  }
0x5a: {  	vm0 =	veq.f32 v14, v8  }
0x5b: {  	vm1 =	veq.f32 v14, v9;
	v62 =	vnsel vm0, $0x0, v11  }
0x5c: {  	v14 =	vsel vm1, v10, v62  }
0x5d: {  	[tilespmem:v12+s13+$0x0] =	vst.idx.msk $0xffff, v14  }
0x5e: {  	v12 =	vld.idx.msk [tilespmem:v13+s16+$0x0], $0xffff;
	_ =	sdelay $0x3  }
0x5f: {  	v63 =	vor.u32 s16, v2  }
0x60: {  	vm0 =	veq.f32 v12, v8  }
0x61: {  	vm1 =	veq.f32 v12, v9;
	v8 =	vnsel vm0, $0x0, v11  }
0x62: {  	v8 =	vsel vm1, v10, v8  }
0x63: {  	[tilespmem:v13+s13+$0x0] =	vst.idx.msk $0xffff, v8  }
0x64: {  	v9 =	vor.u32 s15, v2;
	v10 =	vld.idx.msk [tilespmem:v63+s1+$0x0], $0xffff;
	_ =	sdelay $0x3  }
0x65: {  	v8 =	vimm.f32 $-Inf  }
0x66: {  	s15 =	simm.s32 $0x2;
	v9 =	vld.idx.msk [tilespmem:v9+s1+$0x0], $0xffff;
	vm0 =	vgt.f32 v10, v8;
	v11 =	vmax.f32 v8, v10  }
.LBB2_10:
0x67: {  	v12 =	vor.u32 s15, v2;
	p0 =	sne.s32 s15, $0x3F;
	s15 =	sadd.s32 $0x1, s15;
	v11 =	vsel vm0, v8, v11  }
.Ltmp4:
0x68: {  	(pc) =	sbr.rel @p0 .LBB2_10-.Ltmp4, $3  }
0x69: {  	_ =	sdelay $0x1  }
0x6a: {  	v8 =	vmax.f32 v8, v10  }
0x6b: {  	vm0 =	vgt.f32 v9, v8;
	v11 =	vmax.f32 v11, v9;
	v10 =	vmov v9;
	v9 =	vld.idx.msk [tilespmem:v12+s1+$0x0], $0xffff  }
0x6c: {  	_ =	sdelay $0x2  }
0x6d: {  	v11 =	vsel vm0, v8, v11;
	v10 =	vmax.f32 v8, v10  }
0x6e: {  	vm15 =	vgt.f32 v9, v10;
	v8 =	vmax.f32 v11, v9  }
0x6f: {  	v9 =	vmax.f32 v10, v9;
	v8 =	vsel vm15, v10, v8  }
0x70: {  	v10 =	vsub.f32 v8, v9;
	_ =	sdelay $0x1  }
0x71: {  	v10 =	vmul.f32 $1.442695020e+00, v10;
	_ =	sdelay $0x1  }
0x72: {  	(erf) = vpow2.f32 v10;
	_ =	sdelay $0x8  }
0x73: {  	v10 =	vpop (erf)  }
0x74: {  	v10 =	vadd.f32 $1.000000000e+00, v10;
	_ =	sdelay $0x1  }
0x75: {  	s16 =	simm.s32 $0x0;
	(erf) = vrcp.f32 v10  }
0x76: {  	v12 =	vor.u32 s16, v2;
	_ =	sdelay $0x4  }
0x77: {  	v14 =	vld.idx.msk [tilespmem:v12+s16+$0x0], $0xffff;
	_ =	sdelay $0x2  }
0x78: {  	s15 =	simm.s32 $0x1;
	v10 =	vpop (erf)  }
0x79: {  	s17 =	simm.s32 $0x2;
	v13 =	vor.u32 s15, v2;
	v11 =	vsub.f32 $1.000000000e+00, v10  }
.LBB2_12:
0x7a: {  	p0 =	sne.s32 s17, $0x3F;
	vm0 =	veq.f32 v14, v8  }
0x7b: {  	vm1 =	veq.f32 v14, v9;
	v14 =	vnsel vm0, $0x0, v11  }
0x7c: {  	v14 =	vsel vm1, v10, v14  }
0x7d: {  	[tilespmem:v12+s13+$0x0] =	vst.idx.msk $0xffff, v14;
	v12 =	vmov v13  }
0x7e: {  	v14 =	vld.idx.msk [tilespmem:v13+s16+$0x0], $0xffff  }
.Ltmp5:
0x7f: {  	(pc) =	sbr.rel @p0 .LBB2_12-.Ltmp5, $2  }
0x80: {  	_ =	sdelay $0x2  }
0x81: {  	v13 =	vor.u32 s17, v2;
	s17 =	sadd.s32 $0x1, s17  }
0x82: {  	_ = 	snop  }
0x83: {  	vm0 =	veq.f32 v14, v8  }
0x84: {  	vm1 =	veq.f32 v14, v9;
	v62 =	vnsel vm0, $0x0, v11  }
0x85: {  	v14 =	vsel vm1, v10, v62  }
0x86: {  	[tilespmem:v12+s13+$0x0] =	vst.idx.msk $0xffff, v14  }
0x87: {  	v12 =	vld.idx.msk [tilespmem:v13+s16+$0x0], $0xffff;
	_ =	sdelay $0x3  }
0x88: {  	v63 =	vor.u32 s16, v3  }
0x89: {  	vm0 =	veq.f32 v12, v8  }
0x8a: {  	vm1 =	veq.f32 v12, v9;
	v8 =	vnsel vm0, $0x0, v11  }
0x8b: {  	v8 =	vsel vm1, v10, v8  }
0x8c: {  	[tilespmem:v13+s13+$0x0] =	vst.idx.msk $0xffff, v8  }
0x8d: {  	v9 =	vor.u32 s15, v3;
	v10 =	vld.idx.msk [tilespmem:v63+s1+$0x0], $0xffff;
	_ =	sdelay $0x3  }
0x8e: {  	v8 =	vimm.f32 $-Inf  }
0x8f: {  	s15 =	simm.s32 $0x2;
	v9 =	vld.idx.msk [tilespmem:v9+s1+$0x0], $0xffff;
	vm0 =	vgt.f32 v10, v8;
	v11 =	vmax.f32 v8, v10  }
.LBB2_14:
0x90: {  	v12 =	vor.u32 s15, v3;
	p0 =	sne.s32 s15, $0x3F;
	s15 =	sadd.s32 $0x1, s15;
	v11 =	vsel vm0, v8, v11  }
.Ltmp6:
0x91: {  	(pc) =	sbr.rel @p0 .LBB2_14-.Ltmp6, $3  }
0x92: {  	_ =	sdelay $0x1  }
0x93: {  	v8 =	vmax.f32 v8, v10  }
0x94: {  	vm0 =	vgt.f32 v9, v8;
	v11 =	vmax.f32 v11, v9;
	v10 =	vmov v9;
	v9 =	vld.idx.msk [tilespmem:v12+s1+$0x0], $0xffff  }
0x95: {  	_ =	sdelay $0x2  }
0x96: {  	v11 =	vsel vm0, v8, v11;
	v10 =	vmax.f32 v8, v10  }
0x97: {  	vm15 =	vgt.f32 v9, v10;
	v8 =	vmax.f32 v11, v9  }
0x98: {  	v9 =	vmax.f32 v10, v9;
	v8 =	vsel vm15, v10, v8  }
0x99: {  	v10 =	vsub.f32 v8, v9;
	_ =	sdelay $0x1  }
0x9a: {  	v10 =	vmul.f32 $1.442695020e+00, v10;
	_ =	sdelay $0x1  }
0x9b: {  	(erf) = vpow2.f32 v10;
	_ =	sdelay $0x8  }
0x9c: {  	v10 =	vpop (erf)  }
0x9d: {  	v10 =	vadd.f32 $1.000000000e+00, v10;
	_ =	sdelay $0x1  }
0x9e: {  	s16 =	simm.s32 $0x0;
	(erf) = vrcp.f32 v10  }
0x9f: {  	v12 =	vor.u32 s16, v3;
	_ =	sdelay $0x4  }
0xa0: {  	v14 =	vld.idx.msk [tilespmem:v12+s16+$0x0], $0xffff;
	_ =	sdelay $0x2  }
0xa1: {  	s15 =	simm.s32 $0x1;
	v10 =	vpop (erf)  }
0xa2: {  	s17 =	simm.s32 $0x2;
	v13 =	vor.u32 s15, v3;
	v11 =	vsub.f32 $1.000000000e+00, v10  }
.LBB2_16:
0xa3: {  	p0 =	sne.s32 s17, $0x3F;
	vm0 =	veq.f32 v14, v8  }
0xa4: {  	vm1 =	veq.f32 v14, v9;
	v14 =	vnsel vm0, $0x0, v11  }
0xa5: {  	v14 =	vsel vm1, v10, v14  }
0xa6: {  	[tilespmem:v12+s13+$0x0] =	vst.idx.msk $0xffff, v14;
	v12 =	vmov v13  }
0xa7: {  	v14 =	vld.idx.msk [tilespmem:v13+s16+$0x0], $0xffff  }
.Ltmp7:
0xa8: {  	(pc) =	sbr.rel @p0 .LBB2_16-.Ltmp7, $2  }
0xa9: {  	_ =	sdelay $0x2  }
0xaa: {  	v13 =	vor.u32 s17, v3;
	s17 =	sadd.s32 $0x1, s17  }
0xab: {  	_ = 	snop  }
0xac: {  	vm0 =	veq.f32 v14, v8  }
0xad: {  	vm1 =	veq.f32 v14, v9;
	v62 =	vnsel vm0, $0x0, v11  }
0xae: {  	v14 =	vsel vm1, v10, v62  }
0xaf: {  	[tilespmem:v12+s13+$0x0] =	vst.idx.msk $0xffff, v14  }
0xb0: {  	v12 =	vld.idx.msk [tilespmem:v13+s16+$0x0], $0xffff;
	_ =	sdelay $0x3  }
0xb1: {  	v63 =	vor.u32 s16, v4  }
0xb2: {  	vm0 =	veq.f32 v12, v8  }
0xb3: {  	vm1 =	veq.f32 v12, v9;
	v8 =	vnsel vm0, $0x0, v11  }
0xb4: {  	v8 =	vsel vm1, v10, v8  }
0xb5: {  	[tilespmem:v13+s13+$0x0] =	vst.idx.msk $0xffff, v8  }
0xb6: {  	v9 =	vor.u32 s15, v4;
	v10 =	vld.idx.msk [tilespmem:v63+s1+$0x0], $0xffff;
	_ =	sdelay $0x3  }
0xb7: {  	v8 =	vimm.f32 $-Inf  }
0xb8: {  	s15 =	simm.s32 $0x2;
	v9 =	vld.idx.msk [tilespmem:v9+s1+$0x0], $0xffff;
	vm0 =	vgt.f32 v10, v8;
	v11 =	vmax.f32 v8, v10  }
.LBB2_18:
0xb9: {  	v12 =	vor.u32 s15, v4;
	p0 =	sne.s32 s15, $0x3F;
	s15 =	sadd.s32 $0x1, s15;
	v11 =	vsel vm0, v8, v11  }
.Ltmp8:
0xba: {  	(pc) =	sbr.rel @p0 .LBB2_18-.Ltmp8, $3  }
0xbb: {  	_ =	sdelay $0x1  }
0xbc: {  	v8 =	vmax.f32 v8, v10  }
0xbd: {  	vm0 =	vgt.f32 v9, v8;
	v11 =	vmax.f32 v11, v9;
	v10 =	vmov v9;
	v9 =	vld.idx.msk [tilespmem:v12+s1+$0x0], $0xffff  }
0xbe: {  	_ =	sdelay $0x2  }
0xbf: {  	v11 =	vsel vm0, v8, v11;
	v10 =	vmax.f32 v8, v10  }
0xc0: {  	vm15 =	vgt.f32 v9, v10;
	v8 =	vmax.f32 v11, v9  }
0xc1: {  	v9 =	vmax.f32 v10, v9;
	v8 =	vsel vm15, v10, v8  }
0xc2: {  	v10 =	vsub.f32 v8, v9;
	_ =	sdelay $0x1  }
0xc3: {  	v10 =	vmul.f32 $1.442695020e+00, v10;
	_ =	sdelay $0x1  }
0xc4: {  	(erf) = vpow2.f32 v10;
	_ =	sdelay $0x8  }
0xc5: {  	v10 =	vpop (erf)  }
0xc6: {  	v10 =	vadd.f32 $1.000000000e+00, v10;
	_ =	sdelay $0x1  }
0xc7: {  	s16 =	simm.s32 $0x0;
	(erf) = vrcp.f32 v10  }
0xc8: {  	v12 =	vor.u32 s16, v4;
	_ =	sdelay $0x4  }
0xc9: {  	v14 =	vld.idx.msk [tilespmem:v12+s16+$0x0], $0xffff;
	_ =	sdelay $0x2  }
0xca: {  	s15 =	simm.s32 $0x1;
	v10 =	vpop (erf)  }
0xcb: {  	s17 =	simm.s32 $0x2;
	v13 =	vor.u32 s15, v4;
	v11 =	vsub.f32 $1.000000000e+00, v10  }
.LBB2_20:
0xcc: {  	p0 =	sne.s32 s17, $0x3F;
	vm0 =	veq.f32 v14, v8  }
0xcd: {  	vm1 =	veq.f32 v14, v9;
	v14 =	vnsel vm0, $0x0, v11  }
0xce: {  	v14 =	vsel vm1, v10, v14  }
0xcf: {  	[tilespmem:v12+s13+$0x0] =	vst.idx.msk $0xffff, v14;
	v12 =	vmov v13  }
0xd0: {  	v14 =	vld.idx.msk [tilespmem:v13+s16+$0x0], $0xffff  }
.Ltmp9:
0xd1: {  	(pc) =	sbr.rel @p0 .LBB2_20-.Ltmp9, $2  }
0xd2: {  	_ =	sdelay $0x2  }
0xd3: {  	v13 =	vor.u32 s17, v4;
	s17 =	sadd.s32 $0x1, s17  }
0xd4: {  	_ = 	snop  }
0xd5: {  	vm0 =	veq.f32 v14, v8  }
0xd6: {  	vm1 =	veq.f32 v14, v9;
	v62 =	vnsel vm0, $0x0, v11  }
0xd7: {  	v14 =	vsel vm1, v10, v62  }
0xd8: {  	[tilespmem:v12+s13+$0x0] =	vst.idx.msk $0xffff, v14  }
0xd9: {  	v12 =	vld.idx.msk [tilespmem:v13+s16+$0x0], $0xffff;
	_ =	sdelay $0x3  }
0xda: {  	v63 =	vor.u32 s16, v5  }
0xdb: {  	vm0 =	veq.f32 v12, v8  }
0xdc: {  	vm1 =	veq.f32 v12, v9;
	v8 =	vnsel vm0, $0x0, v11  }
0xdd: {  	v8 =	vsel vm1, v10, v8  }
0xde: {  	[tilespmem:v13+s13+$0x0] =	vst.idx.msk $0xffff, v8  }
0xdf: {  	v9 =	vor.u32 s15, v5;
	v10 =	vld.idx.msk [tilespmem:v63+s1+$0x0], $0xffff;
	_ =	sdelay $0x3  }
0xe0: {  	v8 =	vimm.f32 $-Inf  }
0xe1: {  	s15 =	simm.s32 $0x2;
	v9 =	vld.idx.msk [tilespmem:v9+s1+$0x0], $0xffff;
	vm0 =	vgt.f32 v10, v8;
	v11 =	vmax.f32 v8, v10  }
.LBB2_22:
0xe2: {  	v12 =	vor.u32 s15, v5;
	p0 =	sne.s32 s15, $0x3F;
	s15 =	sadd.s32 $0x1, s15;
	v11 =	vsel vm0, v8, v11  }
.Ltmp10:
0xe3: {  	(pc) =	sbr.rel @p0 .LBB2_22-.Ltmp10, $3  }
0xe4: {  	_ =	sdelay $0x1  }
0xe5: {  	v8 =	vmax.f32 v8, v10  }
0xe6: {  	vm0 =	vgt.f32 v9, v8;
	v11 =	vmax.f32 v11, v9;
	v10 =	vmov v9;
	v9 =	vld.idx.msk [tilespmem:v12+s1+$0x0], $0xffff  }
0xe7: {  	_ =	sdelay $0x2  }
0xe8: {  	v11 =	vsel vm0, v8, v11;
	v10 =	vmax.f32 v8, v10  }
0xe9: {  	vm15 =	vgt.f32 v9, v10;
	v8 =	vmax.f32 v11, v9  }
0xea: {  	v9 =	vmax.f32 v10, v9;
	v8 =	vsel vm15, v10, v8  }
0xeb: {  	v10 =	vsub.f32 v8, v9;
	_ =	sdelay $0x1  }
0xec: {  	v10 =	vmul.f32 $1.442695020e+00, v10;
	_ =	sdelay $0x1  }
0xed: {  	(erf) = vpow2.f32 v10;
	_ =	sdelay $0x8  }
0xee: {  	v10 =	vpop (erf)  }
0xef: {  	v10 =	vadd.f32 $1.000000000e+00, v10;
	_ =	sdelay $0x1  }
0xf0: {  	s16 =	simm.s32 $0x0;
	(erf) = vrcp.f32 v10  }
0xf1: {  	v12 =	vor.u32 s16, v5;
	_ =	sdelay $0x4  }
0xf2: {  	v14 =	vld.idx.msk [tilespmem:v12+s16+$0x0], $0xffff;
	_ =	sdelay $0x2  }
0xf3: {  	s15 =	simm.s32 $0x1;
	v10 =	vpop (erf)  }
0xf4: {  	s17 =	simm.s32 $0x2;
	v13 =	vor.u32 s15, v5;
	v11 =	vsub.f32 $1.000000000e+00, v10  }
.LBB2_24:
0xf5: {  	p0 =	sne.s32 s17, $0x3F;
	vm0 =	veq.f32 v14, v8  }
0xf6: {  	vm1 =	veq.f32 v14, v9;
	v14 =	vnsel vm0, $0x0, v11  }
0xf7: {  	v14 =	vsel vm1, v10, v14  }
0xf8: {  	[tilespmem:v12+s13+$0x0] =	vst.idx.msk $0xffff, v14;
	v12 =	vmov v13  }
0xf9: {  	v14 =	vld.idx.msk [tilespmem:v13+s16+$0x0], $0xffff  }
.Ltmp11:
0xfa: {  	(pc) =	sbr.rel @p0 .LBB2_24-.Ltmp11, $2  }
0xfb: {  	_ =	sdelay $0x2  }
0xfc: {  	v13 =	vor.u32 s17, v5;
	s17 =	sadd.s32 $0x1, s17  }
0xfd: {  	_ = 	snop  }
0xfe: {  	vm0 =	veq.f32 v14, v8  }
0xff: {  	vm1 =	veq.f32 v14, v9;
	v62 =	vnsel vm0, $0x0, v11  }
0x100: {  	v14 =	vsel vm1, v10, v62  }
0x101: {  	[tilespmem:v12+s13+$0x0] =	vst.idx.msk $0xffff, v14  }
0x102: {  	v12 =	vld.idx.msk [tilespmem:v13+s16+$0x0], $0xffff;
	_ =	sdelay $0x3  }
0x103: {  	v63 =	vor.u32 s16, v6  }
0x104: {  	vm0 =	veq.f32 v12, v8  }
0x105: {  	vm1 =	veq.f32 v12, v9;
	v8 =	vnsel vm0, $0x0, v11  }
0x106: {  	v8 =	vsel vm1, v10, v8  }
0x107: {  	[tilespmem:v13+s13+$0x0] =	vst.idx.msk $0xffff, v8  }
0x108: {  	v9 =	vor.u32 s15, v6;
	v10 =	vld.idx.msk [tilespmem:v63+s1+$0x0], $0xffff;
	_ =	sdelay $0x3  }
0x109: {  	v8 =	vimm.f32 $-Inf  }
0x10a: {  	s15 =	simm.s32 $0x2;
	v9 =	vld.idx.msk [tilespmem:v9+s1+$0x0], $0xffff;
	vm0 =	vgt.f32 v10, v8;
	v11 =	vmax.f32 v8, v10  }
.LBB2_26:
0x10b: {  	v12 =	vor.u32 s15, v6;
	p0 =	sne.s32 s15, $0x3F;
	s15 =	sadd.s32 $0x1, s15;
	v11 =	vsel vm0, v8, v11  }
.Ltmp12:
0x10c: {  	(pc) =	sbr.rel @p0 .LBB2_26-.Ltmp12, $3  }
0x10d: {  	_ =	sdelay $0x1  }
0x10e: {  	v8 =	vmax.f32 v8, v10  }
0x10f: {  	vm0 =	vgt.f32 v9, v8;
	v11 =	vmax.f32 v11, v9;
	v10 =	vmov v9;
	v9 =	vld.idx.msk [tilespmem:v12+s1+$0x0], $0xffff  }
0x110: {  	_ =	sdelay $0x2  }
0x111: {  	v11 =	vsel vm0, v8, v11;
	v10 =	vmax.f32 v8, v10  }
0x112: {  	vm15 =	vgt.f32 v9, v10;
	v8 =	vmax.f32 v11, v9  }
0x113: {  	v9 =	vmax.f32 v10, v9;
	v8 =	vsel vm15, v10, v8  }
0x114: {  	v10 =	vsub.f32 v8, v9;
	_ =	sdelay $0x1  }
0x115: {  	v10 =	vmul.f32 $1.442695020e+00, v10;
	_ =	sdelay $0x1  }
0x116: {  	(erf) = vpow2.f32 v10;
	_ =	sdelay $0x8  }
0x117: {  	v10 =	vpop (erf)  }
0x118: {  	v10 =	vadd.f32 $1.000000000e+00, v10;
	_ =	sdelay $0x1  }
0x119: {  	s16 =	simm.s32 $0x0;
	(erf) = vrcp.f32 v10  }
0x11a: {  	v12 =	vor.u32 s16, v6;
	_ =	sdelay $0x4  }
0x11b: {  	v14 =	vld.idx.msk [tilespmem:v12+s16+$0x0], $0xffff;
	_ =	sdelay $0x2  }
0x11c: {  	s15 =	simm.s32 $0x1;
	v10 =	vpop (erf)  }
0x11d: {  	s17 =	simm.s32 $0x2;
	v13 =	vor.u32 s15, v6;
	v11 =	vsub.f32 $1.000000000e+00, v10  }
.LBB2_28:
0x11e: {  	p0 =	sne.s32 s17, $0x3F;
	vm0 =	veq.f32 v14, v8  }
0x11f: {  	vm1 =	veq.f32 v14, v9;
	v14 =	vnsel vm0, $0x0, v11  }
0x120: {  	v14 =	vsel vm1, v10, v14  }
0x121: {  	[tilespmem:v12+s13+$0x0] =	vst.idx.msk $0xffff, v14;
	v12 =	vmov v13  }
0x122: {  	v14 =	vld.idx.msk [tilespmem:v13+s16+$0x0], $0xffff  }
.Ltmp13:
0x123: {  	(pc) =	sbr.rel @p0 .LBB2_28-.Ltmp13, $2  }
0x124: {  	_ =	sdelay $0x2  }
0x125: {  	v13 =	vor.u32 s17, v6;
	s17 =	sadd.s32 $0x1, s17  }
0x126: {  	_ = 	snop  }
0x127: {  	vm0 =	veq.f32 v14, v8  }
0x128: {  	vm1 =	veq.f32 v14, v9;
	v62 =	vnsel vm0, $0x0, v11  }
0x129: {  	v14 =	vsel vm1, v10, v62  }
0x12a: {  	[tilespmem:v12+s13+$0x0] =	vst.idx.msk $0xffff, v14  }
0x12b: {  	v12 =	vld.idx.msk [tilespmem:v13+s16+$0x0], $0xffff;
	_ =	sdelay $0x3  }
0x12c: {  	v63 =	vor.u32 s16, v7  }
0x12d: {  	vm0 =	veq.f32 v12, v8  }
0x12e: {  	vm1 =	veq.f32 v12, v9;
	v8 =	vnsel vm0, $0x0, v11  }
0x12f: {  	v8 =	vsel vm1, v10, v8  }
0x130: {  	[tilespmem:v13+s13+$0x0] =	vst.idx.msk $0xffff, v8  }
0x131: {  	v8 =	vor.u32 s15, v7;
	v10 =	vld.idx.msk [tilespmem:v63+s1+$0x0], $0xffff;
	_ =	sdelay $0x3  }
0x132: {  	v9 =	vimm.f32 $-Inf  }
0x133: {  	s15 =	simm.s32 $0x2;
	v8 =	vld.idx.msk [tilespmem:v8+s1+$0x0], $0xffff;
	vm0 =	vgt.f32 v10, v9;
	v11 =	vmax.f32 v9, v10  }
.LBB2_30:
0x134: {  	v12 =	vor.u32 s15, v7;
	p0 =	sne.s32 s15, $0x3F;
	s15 =	sadd.s32 $0x1, s15;
	v11 =	vsel vm0, v9, v11  }
.Ltmp14:
0x135: {  	(pc) =	sbr.rel @p0 .LBB2_30-.Ltmp14, $3  }
0x136: {  	_ =	sdelay $0x1  }
0x137: {  	v9 =	vmax.f32 v9, v10  }
0x138: {  	vm0 =	vgt.f32 v8, v9;
	v11 =	vmax.f32 v11, v8;
	v10 =	vmov v8;
	v8 =	vld.idx.msk [tilespmem:v12+s1+$0x0], $0xffff  }
0x139: {  	_ =	sdelay $0x2  }
0x13a: {  	v11 =	vsel vm0, v9, v11;
	v10 =	vmax.f32 v9, v10  }
0x13b: {  	vm15 =	vgt.f32 v8, v10;
	v9 =	vmax.f32 v11, v8  }
0x13c: {  	v9 =	vsel vm15, v10, v9;
	v10 =	vmax.f32 v10, v8  }
0x13d: {  	v8 =	vsub.f32 v9, v10;
	_ =	sdelay $0x1  }
0x13e: {  	v8 =	vmul.f32 $1.442695020e+00, v8;
	_ =	sdelay $0x1  }
0x13f: {  	(erf) = vpow2.f32 v8;
	_ =	sdelay $0x8  }
0x140: {  	v8 =	vpop (erf)  }
0x141: {  	v8 =	vadd.f32 $1.000000000e+00, v8;
	_ =	sdelay $0x1  }
0x142: {  	s16 =	simm.s32 $0x0;
	(erf) = vrcp.f32 v8  }
0x143: {  	v8 =	vor.u32 s16, v7;
	_ =	sdelay $0x4  }
0x144: {  	v14 =	vld.idx.msk [tilespmem:v8+s16+$0x0], $0xffff;
	_ =	sdelay $0x2  }
0x145: {  	s15 =	simm.s32 $0x1;
	v11 =	vpop (erf)  }
0x146: {  	s17 =	simm.s32 $0x2;
	v13 =	vor.u32 s15, v7;
	v12 =	vsub.f32 $1.000000000e+00, v11  }
.LBB2_32:
0x147: {  	p0 =	sne.s32 s17, $0x3F;
	vm0 =	veq.f32 v14, v9  }
0x148: {  	vm1 =	veq.f32 v14, v10;
	v14 =	vnsel vm0, $0x0, v12  }
0x149: {  	v14 =	vsel vm1, v11, v14  }
0x14a: {  	[tilespmem:v8+s13+$0x0] =	vst.idx.msk $0xffff, v14;
	v8 =	vmov v13  }
0x14b: {  	v14 =	vld.idx.msk [tilespmem:v13+s16+$0x0], $0xffff  }
.Ltmp15:
0x14c: {  	(pc) =	sbr.rel @p0 .LBB2_32-.Ltmp15, $2  }
0x14d: {  	_ =	sdelay $0x2  }
0x14e: {  	v13 =	vor.u32 s17, v7;
	s17 =	sadd.s32 $0x1, s17  }
0x14f: {  	_ = 	snop  }
0x150: {  	vm0 =	veq.f32 v14, v9  }
0x151: {  	vm1 =	veq.f32 v14, v10;
	v14 =	vnsel vm0, $0x0, v12  }
0x152: {  	v14 =	vsel vm1, v11, v14  }
0x153: {  	[tilespmem:v8+s13+$0x0] =	vst.idx.msk $0xffff, v14  }
0x154: {  	v14 =	vld.idx.msk [tilespmem:v13+s16+$0x0], $0xffff;
	_ =	sdelay $0x2  }
0x155: {  	v8 =	vor.u32 $0x2000, v0  }
0x156: {  	v15 =	vor.u32 s16, v8  }
0x157: {  	vm14 =	veq.f32 v14, v9  }
0x158: {  	vm15 =	veq.f32 v14, v10;
	v9 =	vnsel vm14, $0x0, v12  }
0x159: {  	v9 =	vsel vm15, v11, v9  }
0x15a: {  	[tilespmem:v13+s13+$0x0] =	vst.idx.msk $0xffff, v9  }
0x15b: {  	v11 =	vor.u32 s15, v8;
	v10 =	vld.idx.msk [tilespmem:v15+s1+$0x0], $0xffff;
	_ =	sdelay $0x3  }
0x15c: {  	s16 =	simm.s32 $0x2;
	v12 =	vimm.f32 $-Inf;
	v9 =	vimm.f32 $-Inf  }
.LBB2_34:
0x15d: {  	p0 =	sne.s32 s16, $0x3F;
	vm0 =	vgt.f32 v10, v9;
	v12 =	vmax.f32 v12, v10;
	v13 =	vmov v10;
	v10 =	vld.idx.msk [tilespmem:v11+s1+$0x0], $0xffff;
	s15 =	smov.u32 s16;
	s16 =	sadd.s32 $0x1, s16  }
.Ltmp16:
0x15e: {  	v11 =	vor.u32 s15, v8;
	v12 =	vsel vm0, v9, v12;
	(pc) =	sbr.rel @p0 .LBB2_34-.Ltmp16, $2  }
0x15f: {  	_ =	sdelay $0x2  }
0x160: {  	v9 =	vmax.f32 v9, v13  }
0x161: {  	_ =	sdelay $0x3  }
0x162: {  	v11 =	vld.idx.msk [tilespmem:v11+s1+$0x0], $0xffff;
	_ =	sdelay $0x2  }
0x163: {  	vm0 =	vgt.f32 v10, v9;
	v12 =	vmax.f32 v12, v10  }
0x164: {  	v12 =	vsel vm0, v9, v12;
	v9 =	vmax.f32 v9, v10  }
0x165: {  	vm15 =	vgt.f32 v11, v9;
	v10 =	vmax.f32 v12, v11  }
0x166: {  	v11 =	vmax.f32 v9, v11;
	v10 =	vsel vm15, v9, v10  }
0x167: {  	v9 =	vsub.f32 v10, v11;
	_ =	sdelay $0x1  }
0x168: {  	v9 =	vmul.f32 $1.442695020e+00, v9;
	_ =	sdelay $0x1  }
0x169: {  	(erf) = vpow2.f32 v9;
	_ =	sdelay $0x8  }
0x16a: {  	v9 =	vpop (erf)  }
0x16b: {  	v9 =	vadd.f32 $1.000000000e+00, v9;
	_ =	sdelay $0x1  }
0x16c: {  	s16 =	simm.s32 $0x0;
	(erf) = vrcp.f32 v9  }
0x16d: {  	v9 =	vor.u32 s16, v8;
	_ =	sdelay $0x4  }
0x16e: {  	v15 =	vld.idx.msk [tilespmem:v9+s16+$0x0], $0xffff;
	_ =	sdelay $0x2  }
0x16f: {  	s15 =	simm.s32 $0x1;
	v12 =	vpop (erf)  }
0x170: {  	s17 =	simm.s32 $0x2;
	v14 =	vor.u32 s15, v8;
	v13 =	vsub.f32 $1.000000000e+00, v12  }
.LBB2_36:
0x171: {  	p0 =	sne.s32 s17, $0x3F;
	vm0 =	veq.f32 v15, v10  }
0x172: {  	vm1 =	veq.f32 v15, v11;
	v15 =	vnsel vm0, $0x0, v13  }
0x173: {  	v15 =	vsel vm1, v12, v15  }
0x174: {  	[tilespmem:v9+s13+$0x0] =	vst.idx.msk $0xffff, v15;
	v9 =	vmov v14  }
0x175: {  	v15 =	vld.idx.msk [tilespmem:v14+s16+$0x0], $0xffff  }
.Ltmp17:
0x176: {  	(pc) =	sbr.rel @p0 .LBB2_36-.Ltmp17, $2  }
0x177: {  	_ =	sdelay $0x2  }
0x178: {  	v14 =	vor.u32 s17, v8;
	s17 =	sadd.s32 $0x1, s17  }
0x179: {  	_ = 	snop  }
0x17a: {  	vm0 =	veq.f32 v15, v10  }
0x17b: {  	vm1 =	veq.f32 v15, v11;
	v15 =	vnsel vm0, $0x0, v13  }
0x17c: {  	v15 =	vsel vm1, v12, v15  }
0x17d: {  	[tilespmem:v9+s13+$0x0] =	vst.idx.msk $0xffff, v15  }
0x17e: {  	v15 =	vld.idx.msk [tilespmem:v14+s16+$0x0], $0xffff;
	_ =	sdelay $0x2  }
0x17f: {  	v9 =	vor.u32 $0x2400, v0  }
0x180: {  	v16 =	vor.u32 s16, v9  }
0x181: {  	vm14 =	veq.f32 v15, v10  }
0x182: {  	vm15 =	veq.f32 v15, v11;
	v10 =	vnsel vm14, $0x0, v13  }
0x183: {  	v10 =	vsel vm15, v12, v10  }
0x184: {  	[tilespmem:v14+s13+$0x0] =	vst.idx.msk $0xffff, v10  }
0x185: {  	v12 =	vor.u32 s15, v9;
	v11 =	vld.idx.msk [tilespmem:v16+s1+$0x0], $0xffff;
	_ =	sdelay $0x3  }
0x186: {  	s16 =	simm.s32 $0x2;
	v13 =	vimm.f32 $-Inf;
	v10 =	vimm.f32 $-Inf  }
.LBB2_38:
0x187: {  	p0 =	sne.s32 s16, $0x3F;
	vm0 =	vgt.f32 v11, v10;
	v13 =	vmax.f32 v13, v11;
	v14 =	vmov v11;
	v11 =	vld.idx.msk [tilespmem:v12+s1+$0x0], $0xffff;
	s15 =	smov.u32 s16;
	s16 =	sadd.s32 $0x1, s16  }
.Ltmp18:
0x188: {  	v12 =	vor.u32 s15, v9;
	v13 =	vsel vm0, v10, v13;
	(pc) =	sbr.rel @p0 .LBB2_38-.Ltmp18, $2  }
0x189: {  	_ =	sdelay $0x2  }
0x18a: {  	v10 =	vmax.f32 v10, v14  }
0x18b: {  	_ =	sdelay $0x3  }
0x18c: {  	v12 =	vld.idx.msk [tilespmem:v12+s1+$0x0], $0xffff;
	_ =	sdelay $0x2  }
0x18d: {  	vm0 =	vgt.f32 v11, v10;
	v13 =	vmax.f32 v13, v11  }
0x18e: {  	v13 =	vsel vm0, v10, v13;
	v10 =	vmax.f32 v10, v11  }
0x18f: {  	vm15 =	vgt.f32 v12, v10;
	v11 =	vmax.f32 v13, v12  }
0x190: {  	v12 =	vmax.f32 v10, v12;
	v11 =	vsel vm15, v10, v11  }
0x191: {  	v10 =	vsub.f32 v11, v12;
	_ =	sdelay $0x1  }
0x192: {  	v10 =	vmul.f32 $1.442695020e+00, v10;
	_ =	sdelay $0x1  }
0x193: {  	(erf) = vpow2.f32 v10;
	_ =	sdelay $0x8  }
0x194: {  	v10 =	vpop (erf)  }
0x195: {  	v10 =	vadd.f32 $1.000000000e+00, v10;
	_ =	sdelay $0x1  }
0x196: {  	s16 =	simm.s32 $0x0;
	(erf) = vrcp.f32 v10  }
0x197: {  	v10 =	vor.u32 s16, v9;
	_ =	sdelay $0x4  }
0x198: {  	v16 =	vld.idx.msk [tilespmem:v10+s16+$0x0], $0xffff;
	_ =	sdelay $0x2  }
0x199: {  	s15 =	simm.s32 $0x1;
	v13 =	vpop (erf)  }
0x19a: {  	s17 =	simm.s32 $0x2;
	v15 =	vor.u32 s15, v9;
	v14 =	vsub.f32 $1.000000000e+00, v13  }
.LBB2_40:
0x19b: {  	p0 =	sne.s32 s17, $0x3F;
	vm0 =	veq.f32 v16, v11  }
0x19c: {  	vm1 =	veq.f32 v16, v12;
	v16 =	vnsel vm0, $0x0, v14  }
0x19d: {  	v16 =	vsel vm1, v13, v16  }
0x19e: {  	[tilespmem:v10+s13+$0x0] =	vst.idx.msk $0xffff, v16;
	v10 =	vmov v15  }
0x19f: {  	v16 =	vld.idx.msk [tilespmem:v15+s16+$0x0], $0xffff  }
.Ltmp19:
0x1a0: {  	(pc) =	sbr.rel @p0 .LBB2_40-.Ltmp19, $2  }
0x1a1: {  	_ =	sdelay $0x2  }
0x1a2: {  	v15 =	vor.u32 s17, v9;
	s17 =	sadd.s32 $0x1, s17  }
0x1a3: {  	_ = 	snop  }
0x1a4: {  	vm0 =	veq.f32 v16, v11  }
0x1a5: {  	vm1 =	veq.f32 v16, v12;
	v63 =	vnsel vm0, $0x0, v14  }
0x1a6: {  	v16 =	vsel vm1, v13, v63  }
0x1a7: {  	[tilespmem:v10+s13+$0x0] =	vst.idx.msk $0xffff, v16  }
0x1a8: {  	v16 =	vld.idx.msk [tilespmem:v15+s16+$0x0], $0xffff;
	_ =	sdelay $0x2  }
0x1a9: {  	v10 =	vor.u32 $0x2800, v0  }
0x1aa: {  	v17 =	vor.u32 s16, v10  }
0x1ab: {  	vm14 =	veq.f32 v16, v11  }
0x1ac: {  	vm15 =	veq.f32 v16, v12;
	v11 =	vnsel vm14, $0x0, v14  }
0x1ad: {  	v11 =	vsel vm15, v13, v11  }
0x1ae: {  	[tilespmem:v15+s13+$0x0] =	vst.idx.msk $0xffff, v11  }
0x1af: {  	v13 =	vor.u32 s15, v10;
	v12 =	vld.idx.msk [tilespmem:v17+s1+$0x0], $0xffff;
	_ =	sdelay $0x3  }
0x1b0: {  	s16 =	simm.s32 $0x2;
	v14 =	vimm.f32 $-Inf;
	v11 =	vimm.f32 $-Inf  }
.LBB2_42:
0x1b1: {  	p0 =	sne.s32 s16, $0x3F;
	vm0 =	vgt.f32 v12, v11;
	v14 =	vmax.f32 v14, v12;
	v15 =	vmov v12;
	v12 =	vld.idx.msk [tilespmem:v13+s1+$0x0], $0xffff;
	s15 =	smov.u32 s16;
	s16 =	sadd.s32 $0x1, s16  }
.Ltmp20:
0x1b2: {  	v13 =	vor.u32 s15, v10;
	v14 =	vsel vm0, v11, v14;
	(pc) =	sbr.rel @p0 .LBB2_42-.Ltmp20, $2  }
0x1b3: {  	_ =	sdelay $0x2  }
0x1b4: {  	v11 =	vmax.f32 v11, v15  }
0x1b5: {  	_ =	sdelay $0x3  }
0x1b6: {  	v13 =	vld.idx.msk [tilespmem:v13+s1+$0x0], $0xffff;
	_ =	sdelay $0x2  }
0x1b7: {  	vm0 =	vgt.f32 v12, v11;
	v14 =	vmax.f32 v14, v12  }
0x1b8: {  	v14 =	vsel vm0, v11, v14;
	v11 =	vmax.f32 v11, v12  }
0x1b9: {  	vm15 =	vgt.f32 v13, v11;
	v12 =	vmax.f32 v14, v13  }
0x1ba: {  	v13 =	vmax.f32 v11, v13;
	v12 =	vsel vm15, v11, v12  }
0x1bb: {  	v11 =	vsub.f32 v12, v13;
	_ =	sdelay $0x1  }
0x1bc: {  	v11 =	vmul.f32 $1.442695020e+00, v11;
	_ =	sdelay $0x1  }
0x1bd: {  	(erf) = vpow2.f32 v11;
	_ =	sdelay $0x8  }
0x1be: {  	v11 =	vpop (erf)  }
0x1bf: {  	v11 =	vadd.f32 $1.000000000e+00, v11;
	_ =	sdelay $0x1  }
0x1c0: {  	s16 =	simm.s32 $0x0;
	(erf) = vrcp.f32 v11  }
0x1c1: {  	v11 =	vor.u32 s16, v10;
	_ =	sdelay $0x4  }
0x1c2: {  	v17 =	vld.idx.msk [tilespmem:v11+s16+$0x0], $0xffff;
	_ =	sdelay $0x2  }
0x1c3: {  	s15 =	simm.s32 $0x1;
	v14 =	vpop (erf)  }
0x1c4: {  	s17 =	simm.s32 $0x2;
	v16 =	vor.u32 s15, v10;
	v15 =	vsub.f32 $1.000000000e+00, v14  }
.LBB2_44:
0x1c5: {  	p0 =	sne.s32 s17, $0x3F;
	vm0 =	veq.f32 v17, v12  }
0x1c6: {  	vm1 =	veq.f32 v17, v13;
	v17 =	vnsel vm0, $0x0, v15  }
0x1c7: {  	v17 =	vsel vm1, v14, v17  }
0x1c8: {  	[tilespmem:v11+s13+$0x0] =	vst.idx.msk $0xffff, v17;
	v11 =	vmov v16  }
0x1c9: {  	v17 =	vld.idx.msk [tilespmem:v16+s16+$0x0], $0xffff  }
.Ltmp21:
0x1ca: {  	(pc) =	sbr.rel @p0 .LBB2_44-.Ltmp21, $2  }
0x1cb: {  	_ =	sdelay $0x2  }
0x1cc: {  	v16 =	vor.u32 s17, v10;
	s17 =	sadd.s32 $0x1, s17  }
0x1cd: {  	_ = 	snop  }
0x1ce: {  	vm0 =	veq.f32 v17, v12  }
0x1cf: {  	vm1 =	veq.f32 v17, v13;
	v17 =	vnsel vm0, $0x0, v15  }
0x1d0: {  	v17 =	vsel vm1, v14, v17  }
0x1d1: {  	[tilespmem:v11+s13+$0x0] =	vst.idx.msk $0xffff, v17  }
0x1d2: {  	v17 =	vld.idx.msk [tilespmem:v16+s16+$0x0], $0xffff;
	_ =	sdelay $0x2  }
0x1d3: {  	v11 =	vor.u32 $0x2C00, v0  }
0x1d4: {  	v18 =	vor.u32 s16, v11  }
0x1d5: {  	vm14 =	veq.f32 v17, v12  }
0x1d6: {  	vm15 =	veq.f32 v17, v13;
	v12 =	vnsel vm14, $0x0, v15  }
0x1d7: {  	v12 =	vsel vm15, v14, v12  }
0x1d8: {  	[tilespmem:v16+s13+$0x0] =	vst.idx.msk $0xffff, v12  }
0x1d9: {  	v14 =	vor.u32 s15, v11;
	v13 =	vld.idx.msk [tilespmem:v18+s1+$0x0], $0xffff;
	_ =	sdelay $0x3  }
0x1da: {  	s16 =	simm.s32 $0x2;
	v15 =	vimm.f32 $-Inf;
	v12 =	vimm.f32 $-Inf  }
.LBB2_46:
0x1db: {  	p0 =	sne.s32 s16, $0x3F;
	vm0 =	vgt.f32 v13, v12;
	v15 =	vmax.f32 v15, v13;
	v16 =	vmov v13;
	v13 =	vld.idx.msk [tilespmem:v14+s1+$0x0], $0xffff;
	s15 =	smov.u32 s16;
	s16 =	sadd.s32 $0x1, s16  }
.Ltmp22:
0x1dc: {  	v14 =	vor.u32 s15, v11;
	v15 =	vsel vm0, v12, v15;
	(pc) =	sbr.rel @p0 .LBB2_46-.Ltmp22, $2  }
0x1dd: {  	_ =	sdelay $0x2  }
0x1de: {  	v12 =	vmax.f32 v12, v16  }
0x1df: {  	_ =	sdelay $0x3  }
0x1e0: {  	v14 =	vld.idx.msk [tilespmem:v14+s1+$0x0], $0xffff;
	_ =	sdelay $0x2  }
0x1e1: {  	vm0 =	vgt.f32 v13, v12;
	v15 =	vmax.f32 v15, v13  }
0x1e2: {  	v15 =	vsel vm0, v12, v15;
	v12 =	vmax.f32 v12, v13  }
0x1e3: {  	vm15 =	vgt.f32 v14, v12;
	v13 =	vmax.f32 v15, v14  }
0x1e4: {  	v14 =	vmax.f32 v12, v14;
	v13 =	vsel vm15, v12, v13  }
0x1e5: {  	v12 =	vsub.f32 v13, v14;
	_ =	sdelay $0x1  }
0x1e6: {  	v12 =	vmul.f32 $1.442695020e+00, v12;
	_ =	sdelay $0x1  }
0x1e7: {  	(erf) = vpow2.f32 v12;
	_ =	sdelay $0x8  }
0x1e8: {  	v12 =	vpop (erf)  }
0x1e9: {  	v12 =	vadd.f32 $1.000000000e+00, v12;
	_ =	sdelay $0x1  }
0x1ea: {  	s16 =	simm.s32 $0x0;
	(erf) = vrcp.f32 v12  }
0x1eb: {  	v12 =	vor.u32 s16, v11;
	_ =	sdelay $0x4  }
0x1ec: {  	v18 =	vld.idx.msk [tilespmem:v12+s16+$0x0], $0xffff;
	_ =	sdelay $0x2  }
0x1ed: {  	s15 =	simm.s32 $0x1;
	v15 =	vpop (erf)  }
0x1ee: {  	s17 =	simm.s32 $0x2;
	v17 =	vor.u32 s15, v11;
	v16 =	vsub.f32 $1.000000000e+00, v15  }
.LBB2_48:
0x1ef: {  	p0 =	sne.s32 s17, $0x3F;
	vm0 =	veq.f32 v18, v13  }
0x1f0: {  	vm1 =	veq.f32 v18, v14;
	v18 =	vnsel vm0, $0x0, v16  }
0x1f1: {  	v18 =	vsel vm1, v15, v18  }
0x1f2: {  	[tilespmem:v12+s13+$0x0] =	vst.idx.msk $0xffff, v18;
	v12 =	vmov v17  }
0x1f3: {  	v18 =	vld.idx.msk [tilespmem:v17+s16+$0x0], $0xffff  }
.Ltmp23:
0x1f4: {  	(pc) =	sbr.rel @p0 .LBB2_48-.Ltmp23, $2  }
0x1f5: {  	_ =	sdelay $0x2  }
0x1f6: {  	v17 =	vor.u32 s17, v11;
	s17 =	sadd.s32 $0x1, s17  }
0x1f7: {  	_ = 	snop  }
0x1f8: {  	vm0 =	veq.f32 v18, v13  }
0x1f9: {  	vm1 =	veq.f32 v18, v14;
	v18 =	vnsel vm0, $0x0, v16  }
0x1fa: {  	v18 =	vsel vm1, v15, v18  }
0x1fb: {  	[tilespmem:v12+s13+$0x0] =	vst.idx.msk $0xffff, v18  }
0x1fc: {  	v18 =	vld.idx.msk [tilespmem:v17+s16+$0x0], $0xffff;
	_ =	sdelay $0x2  }
0x1fd: {  	v12 =	vor.u32 $0x3000, v0  }
0x1fe: {  	v19 =	vor.u32 s16, v12  }
0x1ff: {  	vm14 =	veq.f32 v18, v13  }
0x200: {  	vm15 =	veq.f32 v18, v14;
	v13 =	vnsel vm14, $0x0, v16  }
0x201: {  	v13 =	vsel vm15, v15, v13  }
0x202: {  	[tilespmem:v17+s13+$0x0] =	vst.idx.msk $0xffff, v13  }
0x203: {  	v15 =	vor.u32 s15, v12;
	v14 =	vld.idx.msk [tilespmem:v19+s1+$0x0], $0xffff;
	_ =	sdelay $0x3  }
0x204: {  	s16 =	simm.s32 $0x2;
	v16 =	vimm.f32 $-Inf;
	v13 =	vimm.f32 $-Inf  }
.LBB2_50:
0x205: {  	p0 =	sne.s32 s16, $0x3F;
	vm0 =	vgt.f32 v14, v13;
	v16 =	vmax.f32 v16, v14;
	v17 =	vmov v14;
	v14 =	vld.idx.msk [tilespmem:v15+s1+$0x0], $0xffff;
	s15 =	smov.u32 s16;
	s16 =	sadd.s32 $0x1, s16  }
.Ltmp24:
0x206: {  	v15 =	vor.u32 s15, v12;
	v16 =	vsel vm0, v13, v16;
	(pc) =	sbr.rel @p0 .LBB2_50-.Ltmp24, $2  }
0x207: {  	_ =	sdelay $0x2  }
0x208: {  	v13 =	vmax.f32 v13, v17  }
0x209: {  	_ =	sdelay $0x3  }
0x20a: {  	v15 =	vld.idx.msk [tilespmem:v15+s1+$0x0], $0xffff;
	_ =	sdelay $0x2  }
0x20b: {  	vm0 =	vgt.f32 v14, v13;
	v16 =	vmax.f32 v16, v14  }
0x20c: {  	v16 =	vsel vm0, v13, v16;
	v13 =	vmax.f32 v13, v14  }
0x20d: {  	vm15 =	vgt.f32 v15, v13;
	v14 =	vmax.f32 v16, v15  }
0x20e: {  	v15 =	vmax.f32 v13, v15;
	v14 =	vsel vm15, v13, v14  }
0x20f: {  	v13 =	vsub.f32 v14, v15;
	_ =	sdelay $0x1  }
0x210: {  	v13 =	vmul.f32 $1.442695020e+00, v13;
	_ =	sdelay $0x1  }
0x211: {  	(erf) = vpow2.f32 v13;
	_ =	sdelay $0x8  }
0x212: {  	v13 =	vpop (erf)  }
0x213: {  	v13 =	vadd.f32 $1.000000000e+00, v13;
	_ =	sdelay $0x1  }
0x214: {  	s16 =	simm.s32 $0x0;
	(erf) = vrcp.f32 v13  }
0x215: {  	v13 =	vor.u32 s16, v12;
	_ =	sdelay $0x4  }
0x216: {  	v19 =	vld.idx.msk [tilespmem:v13+s16+$0x0], $0xffff;
	_ =	sdelay $0x2  }
0x217: {  	s15 =	simm.s32 $0x1;
	v16 =	vpop (erf)  }
0x218: {  	s17 =	simm.s32 $0x2;
	v18 =	vor.u32 s15, v12;
	v17 =	vsub.f32 $1.000000000e+00, v16  }
.LBB2_52:
0x219: {  	p0 =	sne.s32 s17, $0x3F;
	vm0 =	veq.f32 v19, v14  }
0x21a: {  	vm1 =	veq.f32 v19, v15;
	v19 =	vnsel vm0, $0x0, v17  }
0x21b: {  	v19 =	vsel vm1, v16, v19  }
0x21c: {  	[tilespmem:v13+s13+$0x0] =	vst.idx.msk $0xffff, v19;
	v13 =	vmov v18  }
0x21d: {  	v19 =	vld.idx.msk [tilespmem:v18+s16+$0x0], $0xffff  }
.Ltmp25:
0x21e: {  	(pc) =	sbr.rel @p0 .LBB2_52-.Ltmp25, $2  }
0x21f: {  	_ =	sdelay $0x2  }
0x220: {  	v18 =	vor.u32 s17, v12;
	s17 =	sadd.s32 $0x1, s17  }
0x221: {  	_ = 	snop  }
0x222: {  	vm0 =	veq.f32 v19, v14  }
0x223: {  	vm1 =	veq.f32 v19, v15;
	v19 =	vnsel vm0, $0x0, v17  }
0x224: {  	v19 =	vsel vm1, v16, v19  }
0x225: {  	[tilespmem:v13+s13+$0x0] =	vst.idx.msk $0xffff, v19  }
0x226: {  	v19 =	vld.idx.msk [tilespmem:v18+s16+$0x0], $0xffff;
	_ =	sdelay $0x2  }
0x227: {  	v13 =	vor.u32 $0x3400, v0  }
0x228: {  	v20 =	vor.u32 s16, v13  }
0x229: {  	vm14 =	veq.f32 v19, v14  }
0x22a: {  	vm15 =	veq.f32 v19, v15;
	v14 =	vnsel vm14, $0x0, v17  }
0x22b: {  	v14 =	vsel vm15, v16, v14  }
0x22c: {  	[tilespmem:v18+s13+$0x0] =	vst.idx.msk $0xffff, v14  }
0x22d: {  	v16 =	vor.u32 s15, v13;
	v15 =	vld.idx.msk [tilespmem:v20+s1+$0x0], $0xffff;
	_ =	sdelay $0x3  }
0x22e: {  	s16 =	simm.s32 $0x2;
	v17 =	vimm.f32 $-Inf;
	v14 =	vimm.f32 $-Inf  }
.LBB2_54:
0x22f: {  	p0 =	sne.s32 s16, $0x3F;
	vm0 =	vgt.f32 v15, v14;
	v17 =	vmax.f32 v17, v15;
	v18 =	vmov v15;
	v15 =	vld.idx.msk [tilespmem:v16+s1+$0x0], $0xffff;
	s15 =	smov.u32 s16;
	s16 =	sadd.s32 $0x1, s16  }
.Ltmp26:
0x230: {  	v16 =	vor.u32 s15, v13;
	v17 =	vsel vm0, v14, v17;
	(pc) =	sbr.rel @p0 .LBB2_54-.Ltmp26, $2  }
0x231: {  	_ =	sdelay $0x2  }
0x232: {  	v14 =	vmax.f32 v14, v18  }
0x233: {  	_ =	sdelay $0x3  }
0x234: {  	v16 =	vld.idx.msk [tilespmem:v16+s1+$0x0], $0xffff;
	_ =	sdelay $0x2  }
0x235: {  	vm0 =	vgt.f32 v15, v14;
	v17 =	vmax.f32 v17, v15  }
0x236: {  	v17 =	vsel vm0, v14, v17;
	v14 =	vmax.f32 v14, v15  }
0x237: {  	vm15 =	vgt.f32 v16, v14;
	v15 =	vmax.f32 v17, v16  }
0x238: {  	v16 =	vmax.f32 v14, v16;
	v15 =	vsel vm15, v14, v15  }
0x239: {  	v14 =	vsub.f32 v15, v16;
	_ =	sdelay $0x1  }
0x23a: {  	v14 =	vmul.f32 $1.442695020e+00, v14;
	_ =	sdelay $0x1  }
0x23b: {  	(erf) = vpow2.f32 v14;
	_ =	sdelay $0x8  }
0x23c: {  	v14 =	vpop (erf)  }
0x23d: {  	v14 =	vadd.f32 $1.000000000e+00, v14;
	_ =	sdelay $0x1  }
0x23e: {  	s16 =	simm.s32 $0x0;
	(erf) = vrcp.f32 v14  }
0x23f: {  	v14 =	vor.u32 s16, v13;
	_ =	sdelay $0x4  }
0x240: {  	v20 =	vld.idx.msk [tilespmem:v14+s16+$0x0], $0xffff;
	_ =	sdelay $0x2  }
0x241: {  	s15 =	simm.s32 $0x1;
	v17 =	vpop (erf)  }
0x242: {  	s17 =	simm.s32 $0x2;
	v19 =	vor.u32 s15, v13;
	v18 =	vsub.f32 $1.000000000e+00, v17  }
.LBB2_56:
0x243: {  	p0 =	sne.s32 s17, $0x3F;
	vm0 =	veq.f32 v20, v15  }
0x244: {  	vm1 =	veq.f32 v20, v16;
	v20 =	vnsel vm0, $0x0, v18  }
0x245: {  	v20 =	vsel vm1, v17, v20  }
0x246: {  	[tilespmem:v14+s13+$0x0] =	vst.idx.msk $0xffff, v20;
	v14 =	vmov v19  }
0x247: {  	v20 =	vld.idx.msk [tilespmem:v19+s16+$0x0], $0xffff  }
.Ltmp27:
0x248: {  	(pc) =	sbr.rel @p0 .LBB2_56-.Ltmp27, $2  }
0x249: {  	_ =	sdelay $0x2  }
0x24a: {  	v19 =	vor.u32 s17, v13;
	s17 =	sadd.s32 $0x1, s17  }
0x24b: {  	_ = 	snop  }
0x24c: {  	vm0 =	veq.f32 v20, v15  }
0x24d: {  	vm1 =	veq.f32 v20, v16;
	v20 =	vnsel vm0, $0x0, v18  }
0x24e: {  	v20 =	vsel vm1, v17, v20  }
0x24f: {  	[tilespmem:v14+s13+$0x0] =	vst.idx.msk $0xffff, v20  }
0x250: {  	v20 =	vld.idx.msk [tilespmem:v19+s16+$0x0], $0xffff;
	_ =	sdelay $0x2  }
0x251: {  	v14 =	vor.u32 $0x3800, v0  }
0x252: {  	v21 =	vor.u32 s16, v14  }
0x253: {  	vm14 =	veq.f32 v20, v15  }
0x254: {  	vm15 =	veq.f32 v20, v16;
	v15 =	vnsel vm14, $0x0, v18  }
0x255: {  	v15 =	vsel vm15, v17, v15  }
0x256: {  	[tilespmem:v19+s13+$0x0] =	vst.idx.msk $0xffff, v15  }
0x257: {  	v17 =	vor.u32 s15, v14;
	v16 =	vld.idx.msk [tilespmem:v21+s1+$0x0], $0xffff;
	_ =	sdelay $0x3  }
0x258: {  	s16 =	simm.s32 $0x2;
	v18 =	vimm.f32 $-Inf;
	v15 =	vimm.f32 $-Inf  }
.LBB2_58:
0x259: {  	p0 =	sne.s32 s16, $0x3F;
	vm0 =	vgt.f32 v16, v15;
	v18 =	vmax.f32 v18, v16;
	v19 =	vmov v16;
	v16 =	vld.idx.msk [tilespmem:v17+s1+$0x0], $0xffff;
	s15 =	smov.u32 s16;
	s16 =	sadd.s32 $0x1, s16  }
.Ltmp28:
0x25a: {  	v17 =	vor.u32 s15, v14;
	v18 =	vsel vm0, v15, v18;
	(pc) =	sbr.rel @p0 .LBB2_58-.Ltmp28, $2  }
0x25b: {  	_ =	sdelay $0x2  }
0x25c: {  	v15 =	vmax.f32 v15, v19  }
0x25d: {  	_ =	sdelay $0x3  }
0x25e: {  	v17 =	vld.idx.msk [tilespmem:v17+s1+$0x0], $0xffff;
	_ =	sdelay $0x2  }
0x25f: {  	vm0 =	vgt.f32 v16, v15;
	v18 =	vmax.f32 v18, v16  }
0x260: {  	v18 =	vsel vm0, v15, v18;
	v15 =	vmax.f32 v15, v16  }
0x261: {  	vm15 =	vgt.f32 v17, v15;
	v16 =	vmax.f32 v18, v17  }
0x262: {  	v17 =	vmax.f32 v15, v17;
	v16 =	vsel vm15, v15, v16  }
0x263: {  	v15 =	vsub.f32 v16, v17;
	_ =	sdelay $0x1  }
0x264: {  	v15 =	vmul.f32 $1.442695020e+00, v15;
	_ =	sdelay $0x1  }
0x265: {  	(erf) = vpow2.f32 v15;
	_ =	sdelay $0x8  }
0x266: {  	v15 =	vpop (erf)  }
0x267: {  	v15 =	vadd.f32 $1.000000000e+00, v15;
	_ =	sdelay $0x1  }
0x268: {  	s16 =	simm.s32 $0x0;
	(erf) = vrcp.f32 v15  }
0x269: {  	v15 =	vor.u32 s16, v14;
	_ =	sdelay $0x4  }
0x26a: {  	v21 =	vld.idx.msk [tilespmem:v15+s16+$0x0], $0xffff;
	_ =	sdelay $0x2  }
0x26b: {  	s15 =	simm.s32 $0x1;
	v18 =	vpop (erf)  }
0x26c: {  	s17 =	simm.s32 $0x2;
	v20 =	vor.u32 s15, v14;
	v19 =	vsub.f32 $1.000000000e+00, v18  }
.LBB2_60:
0x26d: {  	p0 =	sne.s32 s17, $0x3F;
	vm0 =	veq.f32 v21, v16  }
0x26e: {  	vm1 =	veq.f32 v21, v17;
	v21 =	vnsel vm0, $0x0, v19  }
0x26f: {  	v21 =	vsel vm1, v18, v21  }
0x270: {  	[tilespmem:v15+s13+$0x0] =	vst.idx.msk $0xffff, v21;
	v15 =	vmov v20  }
0x271: {  	v21 =	vld.idx.msk [tilespmem:v20+s16+$0x0], $0xffff  }
.Ltmp29:
0x272: {  	(pc) =	sbr.rel @p0 .LBB2_60-.Ltmp29, $2  }
0x273: {  	_ =	sdelay $0x2  }
0x274: {  	v20 =	vor.u32 s17, v14;
	s17 =	sadd.s32 $0x1, s17  }
0x275: {  	_ = 	snop  }
0x276: {  	vm0 =	veq.f32 v21, v16  }
0x277: {  	vm1 =	veq.f32 v21, v17;
	v63 =	vnsel vm0, $0x0, v19  }
0x278: {  	v21 =	vsel vm1, v18, v63  }
0x279: {  	[tilespmem:v15+s13+$0x0] =	vst.idx.msk $0xffff, v21  }
0x27a: {  	v21 =	vld.idx.msk [tilespmem:v20+s16+$0x0], $0xffff;
	_ =	sdelay $0x2  }
0x27b: {  	v15 =	vor.u32 $0x3C00, v0  }
0x27c: {  	v22 =	vor.u32 s16, v15  }
0x27d: {  	vm14 =	veq.f32 v21, v16  }
0x27e: {  	vm15 =	veq.f32 v21, v17;
	v16 =	vnsel vm14, $0x0, v19  }
0x27f: {  	v16 =	vsel vm15, v18, v16  }
0x280: {  	[tilespmem:v20+s13+$0x0] =	vst.idx.msk $0xffff, v16  }
0x281: {  	v18 =	vor.u32 s15, v15;
	v17 =	vld.idx.msk [tilespmem:v22+s1+$0x0], $0xffff;
	_ =	sdelay $0x3  }
0x282: {  	s16 =	simm.s32 $0x2;
	v19 =	vimm.f32 $-Inf;
	v16 =	vimm.f32 $-Inf  }
.LBB2_62:
0x283: {  	p0 =	sne.s32 s16, $0x3F;
	vm0 =	vgt.f32 v17, v16;
	v19 =	vmax.f32 v19, v17;
	v20 =	vmov v17;
	v17 =	vld.idx.msk [tilespmem:v18+s1+$0x0], $0xffff;
	s15 =	smov.u32 s16;
	s16 =	sadd.s32 $0x1, s16  }
.Ltmp30:
0x284: {  	v18 =	vor.u32 s15, v15;
	v19 =	vsel vm0, v16, v19;
	(pc) =	sbr.rel @p0 .LBB2_62-.Ltmp30, $2  }
0x285: {  	_ =	sdelay $0x2  }
0x286: {  	v16 =	vmax.f32 v16, v20  }
0x287: {  	_ =	sdelay $0x3  }
0x288: {  	v18 =	vld.idx.msk [tilespmem:v18+s1+$0x0], $0xffff;
	_ =	sdelay $0x2  }
0x289: {  	vm0 =	vgt.f32 v17, v16;
	v19 =	vmax.f32 v19, v17  }
0x28a: {  	v17 =	vmax.f32 v16, v17;
	v19 =	vsel vm0, v16, v19  }
0x28b: {  	vm15 =	vgt.f32 v18, v17;
	v16 =	vmax.f32 v19, v18  }
0x28c: {  	v16 =	vsel vm15, v17, v16;
	v17 =	vmax.f32 v17, v18  }
0x28d: {  	v18 =	vsub.f32 v16, v17;
	_ =	sdelay $0x1  }
0x28e: {  	v18 =	vmul.f32 $1.442695020e+00, v18;
	_ =	sdelay $0x1  }
0x28f: {  	(erf) = vpow2.f32 v18;
	_ =	sdelay $0x8  }
0x290: {  	v18 =	vpop (erf)  }
0x291: {  	v18 =	vadd.f32 $1.000000000e+00, v18;
	_ =	sdelay $0x1  }
0x292: {  	s15 =	simm.s32 $0x0;
	(erf) = vrcp.f32 v18  }
0x293: {  	v20 =	vor.u32 s15, v15;
	_ =	sdelay $0x4  }
0x294: {  	v22 =	vld.idx.msk [tilespmem:v20+s1+$0x0], $0xffff;
	_ =	sdelay $0x2  }
0x295: {  	s31 =	simm.s32 $0x1;
	v18 =	vpop (erf)  }
0x296: {  	v21 =	vor.u32 s31, v15;
	s15 =	simm.s32 $0x2;
	v19 =	vsub.f32 $1.000000000e+00, v18  }
.LBB2_64:
0x297: {  	p0 =	sne.s32 s15, $0x3F;
	vm0 =	veq.f32 v22, v16  }
0x298: {  	vm1 =	veq.f32 v22, v17;
	v22 =	vnsel vm0, $0x0, v19  }
0x299: {  	v22 =	vsel vm1, v18, v22  }
0x29a: {  	[tilespmem:v20+s13+$0x0] =	vst.idx.msk $0xffff, v22;
	v20 =	vmov v21  }
0x29b: {  	v22 =	vld.idx.msk [tilespmem:v21+s1+$0x0], $0xffff  }
.Ltmp31:
0x29c: {  	(pc) =	sbr.rel @p0 .LBB2_64-.Ltmp31, $2  }
0x29d: {  	_ =	sdelay $0x2  }
0x29e: {  	v21 =	vor.u32 s15, v15;
	s15 =	sadd.s32 $0x1, s15  }
0x29f: {  	_ = 	snop  }
0x2a0: {  	vm0 =	veq.f32 v22, v16  }
0x2a1: {  	vm1 =	veq.f32 v22, v17;
	v63 =	vnsel vm0, $0x0, v19  }
0x2a2: {  	v22 =	vsel vm1, v18, v63  }
0x2a3: {  	[tilespmem:v20+s13+$0x0] =	vst.idx.msk $0xffff, v22  }
0x2a4: {  	v20 =	vld.idx.msk [tilespmem:v21+s1+$0x0], $0xffff;
	_ =	sdelay $0x4  }
0x2a5: {  	vm0 =	veq.f32 v20, v16  }
0x2a6: {  	vm1 =	veq.f32 v20, v17;
	v16 =	vnsel vm0, $0x0, v19  }
0x2a7: {  	v16 =	vsel vm1, v18, v16  }
0x2a8: {  	s15 =	simm.s32 $0x0;
	[tilespmem:v21+s13+$0x0] =	vst.idx.msk $0xffff, v16  }
0x2a9: {  	[hbm4b:s4+s15] =	stream.linear.scatter [tilespmem:s13], [sflag:$0x1], $0x4000, $0x38;
	[tilespmem:$0x8000] =	vst v63  }
0x2aa: {  	_ =	swait.ge [sflag:s12], $0x4000  }
0x2ab: {  	[sflag:s12] =	ssyncset.done $0x0  }
0x2ac: {  	v16 =	vor.u32 s15, v0;
	[sflag:s12] =	ssyncadd.s32 $0xFFFFC000  }
0x2ad: {  	[tilespmem:s15], [sflag:$0x1] =	stream.linear.gather [hbm4b:s5+s15], $0x4000, $0x38;
	[tilespmem:$0x8000] =	vst v63  }
0x2ae: {  	_ =	swait.ge [sflag:s12], $0x4000  }
0x2af: {  	[sflag:s12] =	ssyncset.done $0x0  }
0x2b0: {  	s31 =	simm.s32 $0x1;
	[sflag:s12] =	ssyncadd.s32 $0xFFFFC000  }
0x2b1: {  	v17 =	vor.u32 s31, v0;
	v18 =	vld.idx.msk [tilespmem:v16+s1+$0x0], $0xffff;
	_ =	sdelay $0x3  }
0x2b2: {  	v16 =	vimm.f32 $-Inf  }
0x2b3: {  	s15 =	simm.s32 $0x2;
	v17 =	vld.idx.msk [tilespmem:v17+s1+$0x0], $0xffff;
	vm0 =	vgt.f32 v18, v16;
	v19 =	vmax.f32 v16, v18  }
.LBB2_66:
0x2b4: {  	v20 =	vor.u32 s15, v0;
	p0 =	sne.s32 s15, $0x3F;
	s15 =	sadd.s32 $0x1, s15;
	v19 =	vsel vm0, v16, v19  }
.Ltmp32:
0x2b5: {  	(pc) =	sbr.rel @p0 .LBB2_66-.Ltmp32, $3  }
0x2b6: {  	_ =	sdelay $0x1  }
0x2b7: {  	v16 =	vmax.f32 v16, v18  }
0x2b8: {  	vm0 =	vgt.f32 v17, v16;
	v19 =	vmax.f32 v19, v17;
	v18 =	vmov v17;
	v17 =	vld.idx.msk [tilespmem:v20+s1+$0x0], $0xffff  }
0x2b9: {  	_ =	sdelay $0x2  }
0x2ba: {  	v19 =	vsel vm0, v16, v19;
	v18 =	vmax.f32 v16, v18  }
0x2bb: {  	vm15 =	vgt.f32 v17, v18;
	v16 =	vmax.f32 v19, v17  }
0x2bc: {  	v17 =	vmax.f32 v18, v17;
	v16 =	vsel vm15, v18, v16  }
0x2bd: {  	v18 =	vsub.f32 v16, v17;
	_ =	sdelay $0x1  }
0x2be: {  	v18 =	vmul.f32 $1.442695020e+00, v18;
	_ =	sdelay $0x1  }
0x2bf: {  	(erf) = vpow2.f32 v18;
	_ =	sdelay $0x8  }
0x2c0: {  	v18 =	vpop (erf)  }
0x2c1: {  	v18 =	vadd.f32 $1.000000000e+00, v18;
	_ =	sdelay $0x1  }
0x2c2: {  	s16 =	simm.s32 $0x0;
	(erf) = vrcp.f32 v18  }
0x2c3: {  	v20 =	vor.u32 s16, v0;
	_ =	sdelay $0x4  }
0x2c4: {  	v22 =	vld.idx.msk [tilespmem:v20+s16+$0x0], $0xffff;
	_ =	sdelay $0x2  }
0x2c5: {  	s15 =	simm.s32 $0x1;
	v18 =	vpop (erf)  }
0x2c6: {  	s17 =	simm.s32 $0x2;
	v21 =	vor.u32 s15, v0;
	v19 =	vsub.f32 $1.000000000e+00, v18  }
.LBB2_68:
0x2c7: {  	p0 =	sne.s32 s17, $0x3F;
	vm0 =	veq.f32 v22, v16  }
0x2c8: {  	vm1 =	veq.f32 v22, v17;
	v22 =	vnsel vm0, $0x0, v19  }
0x2c9: {  	v22 =	vsel vm1, v18, v22  }
0x2ca: {  	[tilespmem:v20+s13+$0x0] =	vst.idx.msk $0xffff, v22;
	v20 =	vmov v21  }
0x2cb: {  	v22 =	vld.idx.msk [tilespmem:v21+s16+$0x0], $0xffff  }
.Ltmp33:
0x2cc: {  	(pc) =	sbr.rel @p0 .LBB2_68-.Ltmp33, $2  }
0x2cd: {  	_ =	sdelay $0x2  }
0x2ce: {  	v21 =	vor.u32 s17, v0;
	s17 =	sadd.s32 $0x1, s17  }
0x2cf: {  	_ = 	snop  }
0x2d0: {  	vm0 =	veq.f32 v22, v16  }
0x2d1: {  	vm1 =	veq.f32 v22, v17;
	v62 =	vnsel vm0, $0x0, v19  }
0x2d2: {  	v22 =	vsel vm1, v18, v62  }
0x2d3: {  	[tilespmem:v20+s13+$0x0] =	vst.idx.msk $0xffff, v22  }
0x2d4: {  	v20 =	vld.idx.msk [tilespmem:v21+s16+$0x0], $0xffff;
	_ =	sdelay $0x3  }
0x2d5: {  	v63 =	vor.u32 s16, v1  }
0x2d6: {  	vm0 =	veq.f32 v20, v16  }
0x2d7: {  	vm1 =	veq.f32 v20, v17;
	v16 =	vnsel vm0, $0x0, v19  }
0x2d8: {  	v16 =	vsel vm1, v18, v16  }
0x2d9: {  	[tilespmem:v21+s13+$0x0] =	vst.idx.msk $0xffff, v16  }
0x2da: {  	v17 =	vor.u32 s15, v1;
	v18 =	vld.idx.msk [tilespmem:v63+s1+$0x0], $0xffff;
	_ =	sdelay $0x3  }
0x2db: {  	v16 =	vimm.f32 $-Inf  }
0x2dc: {  	s15 =	simm.s32 $0x2;
	v17 =	vld.idx.msk [tilespmem:v17+s1+$0x0], $0xffff;
	vm0 =	vgt.f32 v18, v16;
	v19 =	vmax.f32 v16, v18  }
.LBB2_70:
0x2dd: {  	v20 =	vor.u32 s15, v1;
	p0 =	sne.s32 s15, $0x3F;
	s15 =	sadd.s32 $0x1, s15;
	v19 =	vsel vm0, v16, v19  }
.Ltmp34:
0x2de: {  	(pc) =	sbr.rel @p0 .LBB2_70-.Ltmp34, $3  }
0x2df: {  	_ =	sdelay $0x1  }
0x2e0: {  	v16 =	vmax.f32 v16, v18  }
0x2e1: {  	vm0 =	vgt.f32 v17, v16;
	v19 =	vmax.f32 v19, v17;
	v18 =	vmov v17;
	v17 =	vld.idx.msk [tilespmem:v20+s1+$0x0], $0xffff  }
0x2e2: {  	_ =	sdelay $0x2  }
0x2e3: {  	v19 =	vsel vm0, v16, v19;
	v18 =	vmax.f32 v16, v18  }
0x2e4: {  	vm15 =	vgt.f32 v17, v18;
	v16 =	vmax.f32 v19, v17  }
0x2e5: {  	v17 =	vmax.f32 v18, v17;
	v16 =	vsel vm15, v18, v16  }
0x2e6: {  	v18 =	vsub.f32 v16, v17;
	_ =	sdelay $0x1  }
0x2e7: {  	v18 =	vmul.f32 $1.442695020e+00, v18;
	_ =	sdelay $0x1  }
0x2e8: {  	(erf) = vpow2.f32 v18;
	_ =	sdelay $0x8  }
0x2e9: {  	v18 =	vpop (erf)  }
0x2ea: {  	v18 =	vadd.f32 $1.000000000e+00, v18;
	_ =	sdelay $0x1  }
0x2eb: {  	s16 =	simm.s32 $0x0;
	(erf) = vrcp.f32 v18  }
0x2ec: {  	v20 =	vor.u32 s16, v1;
	_ =	sdelay $0x4  }
0x2ed: {  	v22 =	vld.idx.msk [tilespmem:v20+s16+$0x0], $0xffff;
	_ =	sdelay $0x2  }
0x2ee: {  	s15 =	simm.s32 $0x1;
	v18 =	vpop (erf)  }
0x2ef: {  	s17 =	simm.s32 $0x2;
	v21 =	vor.u32 s15, v1;
	v19 =	vsub.f32 $1.000000000e+00, v18  }
.LBB2_72:
0x2f0: {  	p0 =	sne.s32 s17, $0x3F;
	vm0 =	veq.f32 v22, v16  }
0x2f1: {  	vm1 =	veq.f32 v22, v17;
	v22 =	vnsel vm0, $0x0, v19  }
0x2f2: {  	v22 =	vsel vm1, v18, v22  }
0x2f3: {  	[tilespmem:v20+s13+$0x0] =	vst.idx.msk $0xffff, v22;
	v20 =	vmov v21  }
0x2f4: {  	v22 =	vld.idx.msk [tilespmem:v21+s16+$0x0], $0xffff  }
.Ltmp35:
0x2f5: {  	(pc) =	sbr.rel @p0 .LBB2_72-.Ltmp35, $2  }
0x2f6: {  	_ =	sdelay $0x2  }
0x2f7: {  	v21 =	vor.u32 s17, v1;
	s17 =	sadd.s32 $0x1, s17  }
0x2f8: {  	_ = 	snop  }
0x2f9: {  	vm0 =	veq.f32 v22, v16  }
0x2fa: {  	vm1 =	veq.f32 v22, v17;
	v62 =	vnsel vm0, $0x0, v19  }
0x2fb: {  	v22 =	vsel vm1, v18, v62  }
0x2fc: {  	[tilespmem:v20+s13+$0x0] =	vst.idx.msk $0xffff, v22  }
0x2fd: {  	v20 =	vld.idx.msk [tilespmem:v21+s16+$0x0], $0xffff;
	_ =	sdelay $0x3  }
0x2fe: {  	v63 =	vor.u32 s16, v2  }
0x2ff: {  	vm0 =	veq.f32 v20, v16  }
0x300: {  	vm1 =	veq.f32 v20, v17;
	v16 =	vnsel vm0, $0x0, v19  }
0x301: {  	v16 =	vsel vm1, v18, v16  }
0x302: {  	[tilespmem:v21+s13+$0x0] =	vst.idx.msk $0xffff, v16  }
0x303: {  	v17 =	vor.u32 s15, v2;
	v18 =	vld.idx.msk [tilespmem:v63+s1+$0x0], $0xffff;
	_ =	sdelay $0x3  }
0x304: {  	v16 =	vimm.f32 $-Inf  }
0x305: {  	s15 =	simm.s32 $0x2;
	v17 =	vld.idx.msk [tilespmem:v17+s1+$0x0], $0xffff;
	vm0 =	vgt.f32 v18, v16;
	v19 =	vmax.f32 v16, v18  }
.LBB2_74:
0x306: {  	v20 =	vor.u32 s15, v2;
	p0 =	sne.s32 s15, $0x3F;
	s15 =	sadd.s32 $0x1, s15;
	v19 =	vsel vm0, v16, v19  }
.Ltmp36:
0x307: {  	(pc) =	sbr.rel @p0 .LBB2_74-.Ltmp36, $3  }
0x308: {  	_ =	sdelay $0x1  }
0x309: {  	v16 =	vmax.f32 v16, v18  }
0x30a: {  	vm0 =	vgt.f32 v17, v16;
	v19 =	vmax.f32 v19, v17;
	v18 =	vmov v17;
	v17 =	vld.idx.msk [tilespmem:v20+s1+$0x0], $0xffff  }
0x30b: {  	_ =	sdelay $0x2  }
0x30c: {  	v19 =	vsel vm0, v16, v19;
	v18 =	vmax.f32 v16, v18  }
0x30d: {  	vm15 =	vgt.f32 v17, v18;
	v16 =	vmax.f32 v19, v17  }
0x30e: {  	v17 =	vmax.f32 v18, v17;
	v16 =	vsel vm15, v18, v16  }
0x30f: {  	v18 =	vsub.f32 v16, v17;
	_ =	sdelay $0x1  }
0x310: {  	v18 =	vmul.f32 $1.442695020e+00, v18;
	_ =	sdelay $0x1  }
0x311: {  	(erf) = vpow2.f32 v18;
	_ =	sdelay $0x8  }
0x312: {  	v18 =	vpop (erf)  }
0x313: {  	v18 =	vadd.f32 $1.000000000e+00, v18;
	_ =	sdelay $0x1  }
0x314: {  	s16 =	simm.s32 $0x0;
	(erf) = vrcp.f32 v18  }
0x315: {  	v20 =	vor.u32 s16, v2;
	_ =	sdelay $0x4  }
0x316: {  	v22 =	vld.idx.msk [tilespmem:v20+s16+$0x0], $0xffff;
	_ =	sdelay $0x2  }
0x317: {  	s15 =	simm.s32 $0x1;
	v18 =	vpop (erf)  }
0x318: {  	s17 =	simm.s32 $0x2;
	v21 =	vor.u32 s15, v2;
	v19 =	vsub.f32 $1.000000000e+00, v18  }
.LBB2_76:
0x319: {  	p0 =	sne.s32 s17, $0x3F;
	vm0 =	veq.f32 v22, v16  }
0x31a: {  	vm1 =	veq.f32 v22, v17;
	v22 =	vnsel vm0, $0x0, v19  }
0x31b: {  	v22 =	vsel vm1, v18, v22  }
0x31c: {  	[tilespmem:v20+s13+$0x0] =	vst.idx.msk $0xffff, v22;
	v20 =	vmov v21  }
0x31d: {  	v22 =	vld.idx.msk [tilespmem:v21+s16+$0x0], $0xffff  }
.Ltmp37:
0x31e: {  	(pc) =	sbr.rel @p0 .LBB2_76-.Ltmp37, $2  }
0x31f: {  	_ =	sdelay $0x2  }
0x320: {  	v21 =	vor.u32 s17, v2;
	s17 =	sadd.s32 $0x1, s17  }
0x321: {  	_ = 	snop  }
0x322: {  	vm0 =	veq.f32 v22, v16  }
0x323: {  	vm1 =	veq.f32 v22, v17;
	v62 =	vnsel vm0, $0x0, v19  }
0x324: {  	v22 =	vsel vm1, v18, v62  }
0x325: {  	[tilespmem:v20+s13+$0x0] =	vst.idx.msk $0xffff, v22  }
0x326: {  	v20 =	vld.idx.msk [tilespmem:v21+s16+$0x0], $0xffff;
	_ =	sdelay $0x3  }
0x327: {  	v63 =	vor.u32 s16, v3  }
0x328: {  	vm0 =	veq.f32 v20, v16  }
0x329: {  	vm1 =	veq.f32 v20, v17;
	v16 =	vnsel vm0, $0x0, v19  }
0x32a: {  	v16 =	vsel vm1, v18, v16  }
0x32b: {  	[tilespmem:v21+s13+$0x0] =	vst.idx.msk $0xffff, v16  }
0x32c: {  	v17 =	vor.u32 s15, v3;
	v18 =	vld.idx.msk [tilespmem:v63+s1+$0x0], $0xffff;
	_ =	sdelay $0x3  }
0x32d: {  	v16 =	vimm.f32 $-Inf  }
0x32e: {  	s15 =	simm.s32 $0x2;
	v17 =	vld.idx.msk [tilespmem:v17+s1+$0x0], $0xffff;
	vm0 =	vgt.f32 v18, v16;
	v19 =	vmax.f32 v16, v18  }
.LBB2_78:
0x32f: {  	v20 =	vor.u32 s15, v3;
	p0 =	sne.s32 s15, $0x3F;
	s15 =	sadd.s32 $0x1, s15;
	v19 =	vsel vm0, v16, v19  }
.Ltmp38:
0x330: {  	(pc) =	sbr.rel @p0 .LBB2_78-.Ltmp38, $3  }
0x331: {  	_ =	sdelay $0x1  }
0x332: {  	v16 =	vmax.f32 v16, v18  }
0x333: {  	vm0 =	vgt.f32 v17, v16;
	v19 =	vmax.f32 v19, v17;
	v18 =	vmov v17;
	v17 =	vld.idx.msk [tilespmem:v20+s1+$0x0], $0xffff  }
0x334: {  	_ =	sdelay $0x2  }
0x335: {  	v19 =	vsel vm0, v16, v19;
	v18 =	vmax.f32 v16, v18  }
0x336: {  	vm15 =	vgt.f32 v17, v18;
	v16 =	vmax.f32 v19, v17  }
0x337: {  	v17 =	vmax.f32 v18, v17;
	v16 =	vsel vm15, v18, v16  }
0x338: {  	v18 =	vsub.f32 v16, v17;
	_ =	sdelay $0x1  }
0x339: {  	v18 =	vmul.f32 $1.442695020e+00, v18;
	_ =	sdelay $0x1  }
0x33a: {  	(erf) = vpow2.f32 v18;
	_ =	sdelay $0x8  }
0x33b: {  	v18 =	vpop (erf)  }
0x33c: {  	v18 =	vadd.f32 $1.000000000e+00, v18;
	_ =	sdelay $0x1  }
0x33d: {  	s16 =	simm.s32 $0x0;
	(erf) = vrcp.f32 v18  }
0x33e: {  	v20 =	vor.u32 s16, v3;
	_ =	sdelay $0x4  }
0x33f: {  	v22 =	vld.idx.msk [tilespmem:v20+s16+$0x0], $0xffff;
	_ =	sdelay $0x2  }
0x340: {  	s15 =	simm.s32 $0x1;
	v18 =	vpop (erf)  }
0x341: {  	s17 =	simm.s32 $0x2;
	v21 =	vor.u32 s15, v3;
	v19 =	vsub.f32 $1.000000000e+00, v18  }
.LBB2_80:
0x342: {  	p0 =	sne.s32 s17, $0x3F;
	vm0 =	veq.f32 v22, v16  }
0x343: {  	vm1 =	veq.f32 v22, v17;
	v22 =	vnsel vm0, $0x0, v19  }
0x344: {  	v22 =	vsel vm1, v18, v22  }
0x345: {  	[tilespmem:v20+s13+$0x0] =	vst.idx.msk $0xffff, v22;
	v20 =	vmov v21  }
0x346: {  	v22 =	vld.idx.msk [tilespmem:v21+s16+$0x0], $0xffff  }
.Ltmp39:
0x347: {  	(pc) =	sbr.rel @p0 .LBB2_80-.Ltmp39, $2  }
0x348: {  	_ =	sdelay $0x2  }
0x349: {  	v21 =	vor.u32 s17, v3;
	s17 =	sadd.s32 $0x1, s17  }
0x34a: {  	_ = 	snop  }
0x34b: {  	vm0 =	veq.f32 v22, v16  }
0x34c: {  	vm1 =	veq.f32 v22, v17;
	v62 =	vnsel vm0, $0x0, v19  }
0x34d: {  	v22 =	vsel vm1, v18, v62  }
0x34e: {  	[tilespmem:v20+s13+$0x0] =	vst.idx.msk $0xffff, v22  }
0x34f: {  	v20 =	vld.idx.msk [tilespmem:v21+s16+$0x0], $0xffff;
	_ =	sdelay $0x3  }
0x350: {  	v63 =	vor.u32 s16, v4  }
0x351: {  	vm0 =	veq.f32 v20, v16  }
0x352: {  	vm1 =	veq.f32 v20, v17;
	v16 =	vnsel vm0, $0x0, v19  }
0x353: {  	v16 =	vsel vm1, v18, v16  }
0x354: {  	[tilespmem:v21+s13+$0x0] =	vst.idx.msk $0xffff, v16  }
0x355: {  	v17 =	vor.u32 s15, v4;
	v18 =	vld.idx.msk [tilespmem:v63+s1+$0x0], $0xffff;
	_ =	sdelay $0x3  }
0x356: {  	v16 =	vimm.f32 $-Inf  }
0x357: {  	s15 =	simm.s32 $0x2;
	v17 =	vld.idx.msk [tilespmem:v17+s1+$0x0], $0xffff;
	vm0 =	vgt.f32 v18, v16;
	v19 =	vmax.f32 v16, v18  }
.LBB2_82:
0x358: {  	v20 =	vor.u32 s15, v4;
	p0 =	sne.s32 s15, $0x3F;
	s15 =	sadd.s32 $0x1, s15;
	v19 =	vsel vm0, v16, v19  }
.Ltmp40:
0x359: {  	(pc) =	sbr.rel @p0 .LBB2_82-.Ltmp40, $3  }
0x35a: {  	_ =	sdelay $0x1  }
0x35b: {  	v16 =	vmax.f32 v16, v18  }
0x35c: {  	vm0 =	vgt.f32 v17, v16;
	v19 =	vmax.f32 v19, v17;
	v18 =	vmov v17;
	v17 =	vld.idx.msk [tilespmem:v20+s1+$0x0], $0xffff  }
0x35d: {  	_ =	sdelay $0x2  }
0x35e: {  	v19 =	vsel vm0, v16, v19;
	v18 =	vmax.f32 v16, v18  }
0x35f: {  	vm15 =	vgt.f32 v17, v18;
	v16 =	vmax.f32 v19, v17  }
0x360: {  	v17 =	vmax.f32 v18, v17;
	v16 =	vsel vm15, v18, v16  }
0x361: {  	v18 =	vsub.f32 v16, v17;
	_ =	sdelay $0x1  }
0x362: {  	v18 =	vmul.f32 $1.442695020e+00, v18;
	_ =	sdelay $0x1  }
0x363: {  	(erf) = vpow2.f32 v18;
	_ =	sdelay $0x8  }
0x364: {  	v18 =	vpop (erf)  }
0x365: {  	v18 =	vadd.f32 $1.000000000e+00, v18;
	_ =	sdelay $0x1  }
0x366: {  	s16 =	simm.s32 $0x0;
	(erf) = vrcp.f32 v18  }
0x367: {  	v20 =	vor.u32 s16, v4;
	_ =	sdelay $0x4  }
0x368: {  	v22 =	vld.idx.msk [tilespmem:v20+s16+$0x0], $0xffff;
	_ =	sdelay $0x2  }
0x369: {  	s15 =	simm.s32 $0x1;
	v18 =	vpop (erf)  }
0x36a: {  	s17 =	simm.s32 $0x2;
	v21 =	vor.u32 s15, v4;
	v19 =	vsub.f32 $1.000000000e+00, v18  }
.LBB2_84:
0x36b: {  	p0 =	sne.s32 s17, $0x3F;
	vm0 =	veq.f32 v22, v16  }
0x36c: {  	vm1 =	veq.f32 v22, v17;
	v22 =	vnsel vm0, $0x0, v19  }
0x36d: {  	v22 =	vsel vm1, v18, v22  }
0x36e: {  	[tilespmem:v20+s13+$0x0] =	vst.idx.msk $0xffff, v22;
	v20 =	vmov v21  }
0x36f: {  	v22 =	vld.idx.msk [tilespmem:v21+s16+$0x0], $0xffff  }
.Ltmp41:
0x370: {  	(pc) =	sbr.rel @p0 .LBB2_84-.Ltmp41, $2  }
0x371: {  	_ =	sdelay $0x2  }
0x372: {  	v21 =	vor.u32 s17, v4;
	s17 =	sadd.s32 $0x1, s17  }
0x373: {  	_ = 	snop  }
0x374: {  	vm0 =	veq.f32 v22, v16  }
0x375: {  	vm1 =	veq.f32 v22, v17;
	v62 =	vnsel vm0, $0x0, v19  }
0x376: {  	v22 =	vsel vm1, v18, v62  }
0x377: {  	[tilespmem:v20+s13+$0x0] =	vst.idx.msk $0xffff, v22  }
0x378: {  	v20 =	vld.idx.msk [tilespmem:v21+s16+$0x0], $0xffff;
	_ =	sdelay $0x3  }
0x379: {  	v63 =	vor.u32 s16, v5  }
0x37a: {  	vm0 =	veq.f32 v20, v16  }
0x37b: {  	vm1 =	veq.f32 v20, v17;
	v16 =	vnsel vm0, $0x0, v19  }
0x37c: {  	v16 =	vsel vm1, v18, v16  }
0x37d: {  	[tilespmem:v21+s13+$0x0] =	vst.idx.msk $0xffff, v16  }
0x37e: {  	v17 =	vor.u32 s15, v5;
	v18 =	vld.idx.msk [tilespmem:v63+s1+$0x0], $0xffff;
	_ =	sdelay $0x3  }
0x37f: {  	v16 =	vimm.f32 $-Inf  }
0x380: {  	s15 =	simm.s32 $0x2;
	v17 =	vld.idx.msk [tilespmem:v17+s1+$0x0], $0xffff;
	vm0 =	vgt.f32 v18, v16;
	v19 =	vmax.f32 v16, v18  }
.LBB2_86:
0x381: {  	v20 =	vor.u32 s15, v5;
	p0 =	sne.s32 s15, $0x3F;
	s15 =	sadd.s32 $0x1, s15;
	v19 =	vsel vm0, v16, v19  }
.Ltmp42:
0x382: {  	(pc) =	sbr.rel @p0 .LBB2_86-.Ltmp42, $3  }
0x383: {  	_ =	sdelay $0x1  }
0x384: {  	v16 =	vmax.f32 v16, v18  }
0x385: {  	vm0 =	vgt.f32 v17, v16;
	v19 =	vmax.f32 v19, v17;
	v18 =	vmov v17;
	v17 =	vld.idx.msk [tilespmem:v20+s1+$0x0], $0xffff  }
0x386: {  	_ =	sdelay $0x2  }
0x387: {  	v19 =	vsel vm0, v16, v19;
	v18 =	vmax.f32 v16, v18  }
0x388: {  	vm15 =	vgt.f32 v17, v18;
	v16 =	vmax.f32 v19, v17  }
0x389: {  	v17 =	vmax.f32 v18, v17;
	v16 =	vsel vm15, v18, v16  }
0x38a: {  	v18 =	vsub.f32 v16, v17;
	_ =	sdelay $0x1  }
0x38b: {  	v18 =	vmul.f32 $1.442695020e+00, v18;
	_ =	sdelay $0x1  }
0x38c: {  	(erf) = vpow2.f32 v18;
	_ =	sdelay $0x8  }
0x38d: {  	v18 =	vpop (erf)  }
0x38e: {  	v18 =	vadd.f32 $1.000000000e+00, v18;
	_ =	sdelay $0x1  }
0x38f: {  	s16 =	simm.s32 $0x0;
	(erf) = vrcp.f32 v18  }
0x390: {  	v20 =	vor.u32 s16, v5;
	_ =	sdelay $0x4  }
0x391: {  	v22 =	vld.idx.msk [tilespmem:v20+s16+$0x0], $0xffff;
	_ =	sdelay $0x2  }
0x392: {  	s15 =	simm.s32 $0x1;
	v18 =	vpop (erf)  }
0x393: {  	s17 =	simm.s32 $0x2;
	v21 =	vor.u32 s15, v5;
	v19 =	vsub.f32 $1.000000000e+00, v18  }
.LBB2_88:
0x394: {  	p0 =	sne.s32 s17, $0x3F;
	vm0 =	veq.f32 v22, v16  }
0x395: {  	vm1 =	veq.f32 v22, v17;
	v22 =	vnsel vm0, $0x0, v19  }
0x396: {  	v22 =	vsel vm1, v18, v22  }
0x397: {  	[tilespmem:v20+s13+$0x0] =	vst.idx.msk $0xffff, v22;
	v20 =	vmov v21  }
0x398: {  	v22 =	vld.idx.msk [tilespmem:v21+s16+$0x0], $0xffff  }
.Ltmp43:
0x399: {  	(pc) =	sbr.rel @p0 .LBB2_88-.Ltmp43, $2  }
0x39a: {  	_ =	sdelay $0x2  }
0x39b: {  	v21 =	vor.u32 s17, v5;
	s17 =	sadd.s32 $0x1, s17  }
0x39c: {  	_ = 	snop  }
0x39d: {  	vm0 =	veq.f32 v22, v16  }
0x39e: {  	vm1 =	veq.f32 v22, v17;
	v62 =	vnsel vm0, $0x0, v19  }
0x39f: {  	v22 =	vsel vm1, v18, v62  }
0x3a0: {  	[tilespmem:v20+s13+$0x0] =	vst.idx.msk $0xffff, v22  }
0x3a1: {  	v20 =	vld.idx.msk [tilespmem:v21+s16+$0x0], $0xffff;
	_ =	sdelay $0x3  }
0x3a2: {  	v63 =	vor.u32 s16, v6  }
0x3a3: {  	vm0 =	veq.f32 v20, v16  }
0x3a4: {  	vm1 =	veq.f32 v20, v17;
	v16 =	vnsel vm0, $0x0, v19  }
0x3a5: {  	v16 =	vsel vm1, v18, v16  }
0x3a6: {  	[tilespmem:v21+s13+$0x0] =	vst.idx.msk $0xffff, v16  }
0x3a7: {  	v17 =	vor.u32 s15, v6;
	v18 =	vld.idx.msk [tilespmem:v63+s1+$0x0], $0xffff;
	_ =	sdelay $0x3  }
0x3a8: {  	v16 =	vimm.f32 $-Inf  }
0x3a9: {  	s15 =	simm.s32 $0x2;
	v17 =	vld.idx.msk [tilespmem:v17+s1+$0x0], $0xffff;
	vm0 =	vgt.f32 v18, v16;
	v19 =	vmax.f32 v16, v18  }
.LBB2_90:
0x3aa: {  	v20 =	vor.u32 s15, v6;
	p0 =	sne.s32 s15, $0x3F;
	s15 =	sadd.s32 $0x1, s15;
	v19 =	vsel vm0, v16, v19  }
.Ltmp44:
0x3ab: {  	(pc) =	sbr.rel @p0 .LBB2_90-.Ltmp44, $3  }
0x3ac: {  	_ =	sdelay $0x1  }
0x3ad: {  	v16 =	vmax.f32 v16, v18  }
0x3ae: {  	vm0 =	vgt.f32 v17, v16;
	v19 =	vmax.f32 v19, v17;
	v18 =	vmov v17;
	v17 =	vld.idx.msk [tilespmem:v20+s1+$0x0], $0xffff  }
0x3af: {  	_ =	sdelay $0x2  }
0x3b0: {  	v19 =	vsel vm0, v16, v19;
	v18 =	vmax.f32 v16, v18  }
0x3b1: {  	vm15 =	vgt.f32 v17, v18;
	v16 =	vmax.f32 v19, v17  }
0x3b2: {  	v17 =	vmax.f32 v18, v17;
	v16 =	vsel vm15, v18, v16  }
0x3b3: {  	v18 =	vsub.f32 v16, v17;
	_ =	sdelay $0x1  }
0x3b4: {  	v18 =	vmul.f32 $1.442695020e+00, v18;
	_ =	sdelay $0x1  }
0x3b5: {  	(erf) = vpow2.f32 v18;
	_ =	sdelay $0x8  }
0x3b6: {  	v18 =	vpop (erf)  }
0x3b7: {  	v18 =	vadd.f32 $1.000000000e+00, v18;
	_ =	sdelay $0x1  }
0x3b8: {  	s16 =	simm.s32 $0x0;
	(erf) = vrcp.f32 v18  }
0x3b9: {  	v20 =	vor.u32 s16, v6;
	_ =	sdelay $0x4  }
0x3ba: {  	v22 =	vld.idx.msk [tilespmem:v20+s16+$0x0], $0xffff;
	_ =	sdelay $0x2  }
0x3bb: {  	s15 =	simm.s32 $0x1;
	v18 =	vpop (erf)  }
0x3bc: {  	s17 =	simm.s32 $0x2;
	v21 =	vor.u32 s15, v6;
	v19 =	vsub.f32 $1.000000000e+00, v18  }
.LBB2_92:
0x3bd: {  	p0 =	sne.s32 s17, $0x3F;
	vm0 =	veq.f32 v22, v16  }
0x3be: {  	vm1 =	veq.f32 v22, v17;
	v22 =	vnsel vm0, $0x0, v19  }
0x3bf: {  	v22 =	vsel vm1, v18, v22  }
0x3c0: {  	[tilespmem:v20+s13+$0x0] =	vst.idx.msk $0xffff, v22;
	v20 =	vmov v21  }
0x3c1: {  	v22 =	vld.idx.msk [tilespmem:v21+s16+$0x0], $0xffff  }
.Ltmp45:
0x3c2: {  	(pc) =	sbr.rel @p0 .LBB2_92-.Ltmp45, $2  }
0x3c3: {  	_ =	sdelay $0x2  }
0x3c4: {  	v21 =	vor.u32 s17, v6;
	s17 =	sadd.s32 $0x1, s17  }
0x3c5: {  	_ = 	snop  }
0x3c6: {  	vm0 =	veq.f32 v22, v16  }
0x3c7: {  	vm1 =	veq.f32 v22, v17;
	v62 =	vnsel vm0, $0x0, v19  }
0x3c8: {  	v22 =	vsel vm1, v18, v62  }
0x3c9: {  	[tilespmem:v20+s13+$0x0] =	vst.idx.msk $0xffff, v22  }
0x3ca: {  	v20 =	vld.idx.msk [tilespmem:v21+s16+$0x0], $0xffff;
	_ =	sdelay $0x3  }
0x3cb: {  	v63 =	vor.u32 s16, v7  }
0x3cc: {  	vm0 =	veq.f32 v20, v16  }
0x3cd: {  	vm1 =	veq.f32 v20, v17;
	v16 =	vnsel vm0, $0x0, v19  }
0x3ce: {  	v16 =	vsel vm1, v18, v16  }
0x3cf: {  	[tilespmem:v21+s13+$0x0] =	vst.idx.msk $0xffff, v16  }
0x3d0: {  	v17 =	vor.u32 s15, v7;
	v18 =	vld.idx.msk [tilespmem:v63+s1+$0x0], $0xffff;
	_ =	sdelay $0x3  }
0x3d1: {  	v16 =	vimm.f32 $-Inf  }
0x3d2: {  	s15 =	simm.s32 $0x2;
	v17 =	vld.idx.msk [tilespmem:v17+s1+$0x0], $0xffff;
	vm0 =	vgt.f32 v18, v16;
	v19 =	vmax.f32 v16, v18  }
.LBB2_94:
0x3d3: {  	v20 =	vor.u32 s15, v7;
	p0 =	sne.s32 s15, $0x3F;
	s15 =	sadd.s32 $0x1, s15;
	v19 =	vsel vm0, v16, v19  }
.Ltmp46:
0x3d4: {  	(pc) =	sbr.rel @p0 .LBB2_94-.Ltmp46, $3  }
0x3d5: {  	_ =	sdelay $0x1  }
0x3d6: {  	v16 =	vmax.f32 v16, v18  }
0x3d7: {  	vm0 =	vgt.f32 v17, v16;
	v19 =	vmax.f32 v19, v17;
	v18 =	vmov v17;
	v17 =	vld.idx.msk [tilespmem:v20+s1+$0x0], $0xffff  }
0x3d8: {  	_ =	sdelay $0x2  }
0x3d9: {  	v19 =	vsel vm0, v16, v19;
	v18 =	vmax.f32 v16, v18  }
0x3da: {  	vm15 =	vgt.f32 v17, v18;
	v16 =	vmax.f32 v19, v17  }
0x3db: {  	v17 =	vmax.f32 v18, v17;
	v16 =	vsel vm15, v18, v16  }
0x3dc: {  	v18 =	vsub.f32 v16, v17;
	_ =	sdelay $0x1  }
0x3dd: {  	v18 =	vmul.f32 $1.442695020e+00, v18;
	_ =	sdelay $0x1  }
0x3de: {  	(erf) = vpow2.f32 v18;
	_ =	sdelay $0x8  }
0x3df: {  	v18 =	vpop (erf)  }
0x3e0: {  	v18 =	vadd.f32 $1.000000000e+00, v18;
	_ =	sdelay $0x1  }
0x3e1: {  	s16 =	simm.s32 $0x0;
	(erf) = vrcp.f32 v18  }
0x3e2: {  	v20 =	vor.u32 s16, v7;
	_ =	sdelay $0x4  }
0x3e3: {  	v22 =	vld.idx.msk [tilespmem:v20+s16+$0x0], $0xffff;
	_ =	sdelay $0x2  }
0x3e4: {  	s15 =	simm.s32 $0x1;
	v18 =	vpop (erf)  }
0x3e5: {  	s17 =	simm.s32 $0x2;
	v21 =	vor.u32 s15, v7;
	v19 =	vsub.f32 $1.000000000e+00, v18  }
.LBB2_96:
0x3e6: {  	p0 =	sne.s32 s17, $0x3F;
	vm0 =	veq.f32 v22, v16  }
0x3e7: {  	vm1 =	veq.f32 v22, v17;
	v22 =	vnsel vm0, $0x0, v19  }
0x3e8: {  	v22 =	vsel vm1, v18, v22  }
0x3e9: {  	[tilespmem:v20+s13+$0x0] =	vst.idx.msk $0xffff, v22;
	v20 =	vmov v21  }
0x3ea: {  	v22 =	vld.idx.msk [tilespmem:v21+s16+$0x0], $0xffff  }
.Ltmp47:
0x3eb: {  	(pc) =	sbr.rel @p0 .LBB2_96-.Ltmp47, $2  }
0x3ec: {  	_ =	sdelay $0x2  }
0x3ed: {  	v21 =	vor.u32 s17, v7;
	s17 =	sadd.s32 $0x1, s17  }
0x3ee: {  	_ = 	snop  }
0x3ef: {  	vm0 =	veq.f32 v22, v16  }
0x3f0: {  	vm1 =	veq.f32 v22, v17;
	v62 =	vnsel vm0, $0x0, v19  }
0x3f1: {  	v22 =	vsel vm1, v18, v62  }
0x3f2: {  	[tilespmem:v20+s13+$0x0] =	vst.idx.msk $0xffff, v22  }
0x3f3: {  	v20 =	vld.idx.msk [tilespmem:v21+s16+$0x0], $0xffff;
	_ =	sdelay $0x3  }
0x3f4: {  	v63 =	vor.u32 s16, v8  }
0x3f5: {  	vm0 =	veq.f32 v20, v16  }
0x3f6: {  	vm1 =	veq.f32 v20, v17;
	v16 =	vnsel vm0, $0x0, v19  }
0x3f7: {  	v16 =	vsel vm1, v18, v16  }
0x3f8: {  	[tilespmem:v21+s13+$0x0] =	vst.idx.msk $0xffff, v16  }
0x3f9: {  	v17 =	vor.u32 s15, v8;
	v18 =	vld.idx.msk [tilespmem:v63+s1+$0x0], $0xffff;
	_ =	sdelay $0x3  }
0x3fa: {  	v16 =	vimm.f32 $-Inf  }
0x3fb: {  	s15 =	simm.s32 $0x2;
	v17 =	vld.idx.msk [tilespmem:v17+s1+$0x0], $0xffff;
	vm0 =	vgt.f32 v18, v16;
	v19 =	vmax.f32 v16, v18  }
.LBB2_98:
0x3fc: {  	v20 =	vor.u32 s15, v8;
	p0 =	sne.s32 s15, $0x3F;
	s15 =	sadd.s32 $0x1, s15;
	v19 =	vsel vm0, v16, v19  }
.Ltmp48:
0x3fd: {  	(pc) =	sbr.rel @p0 .LBB2_98-.Ltmp48, $3  }
0x3fe: {  	_ =	sdelay $0x1  }
0x3ff: {  	v16 =	vmax.f32 v16, v18  }
0x400: {  	vm0 =	vgt.f32 v17, v16;
	v19 =	vmax.f32 v19, v17;
	v18 =	vmov v17;
	v17 =	vld.idx.msk [tilespmem:v20+s1+$0x0], $0xffff  }
0x401: {  	_ =	sdelay $0x2  }
0x402: {  	v19 =	vsel vm0, v16, v19;
	v18 =	vmax.f32 v16, v18  }
0x403: {  	vm15 =	vgt.f32 v17, v18;
	v16 =	vmax.f32 v19, v17  }
0x404: {  	v17 =	vmax.f32 v18, v17;
	v16 =	vsel vm15, v18, v16  }
0x405: {  	v18 =	vsub.f32 v16, v17;
	_ =	sdelay $0x1  }
0x406: {  	v18 =	vmul.f32 $1.442695020e+00, v18;
	_ =	sdelay $0x1  }
0x407: {  	(erf) = vpow2.f32 v18;
	_ =	sdelay $0x8  }
0x408: {  	v18 =	vpop (erf)  }
0x409: {  	v18 =	vadd.f32 $1.000000000e+00, v18;
	_ =	sdelay $0x1  }
0x40a: {  	s16 =	simm.s32 $0x0;
	(erf) = vrcp.f32 v18  }
0x40b: {  	v20 =	vor.u32 s16, v8;
	_ =	sdelay $0x4  }
0x40c: {  	v22 =	vld.idx.msk [tilespmem:v20+s16+$0x0], $0xffff;
	_ =	sdelay $0x2  }
0x40d: {  	s15 =	simm.s32 $0x1;
	v18 =	vpop (erf)  }
0x40e: {  	s17 =	simm.s32 $0x2;
	v21 =	vor.u32 s15, v8;
	v19 =	vsub.f32 $1.000000000e+00, v18  }
.LBB2_100:
0x40f: {  	p0 =	sne.s32 s17, $0x3F;
	vm0 =	veq.f32 v22, v16  }
0x410: {  	vm1 =	veq.f32 v22, v17;
	v22 =	vnsel vm0, $0x0, v19  }
0x411: {  	v22 =	vsel vm1, v18, v22  }
0x412: {  	[tilespmem:v20+s13+$0x0] =	vst.idx.msk $0xffff, v22;
	v20 =	vmov v21  }
0x413: {  	v22 =	vld.idx.msk [tilespmem:v21+s16+$0x0], $0xffff  }
.Ltmp49:
0x414: {  	(pc) =	sbr.rel @p0 .LBB2_100-.Ltmp49, $2  }
0x415: {  	_ =	sdelay $0x2  }
0x416: {  	v21 =	vor.u32 s17, v8;
	s17 =	sadd.s32 $0x1, s17  }
0x417: {  	_ = 	snop  }
0x418: {  	vm0 =	veq.f32 v22, v16  }
0x419: {  	vm1 =	veq.f32 v22, v17;
	v62 =	vnsel vm0, $0x0, v19  }
0x41a: {  	v22 =	vsel vm1, v18, v62  }
0x41b: {  	[tilespmem:v20+s13+$0x0] =	vst.idx.msk $0xffff, v22  }
0x41c: {  	v20 =	vld.idx.msk [tilespmem:v21+s16+$0x0], $0xffff;
	_ =	sdelay $0x3  }
0x41d: {  	v63 =	vor.u32 s16, v9  }
0x41e: {  	vm0 =	veq.f32 v20, v16  }
0x41f: {  	vm1 =	veq.f32 v20, v17;
	v16 =	vnsel vm0, $0x0, v19  }
0x420: {  	v16 =	vsel vm1, v18, v16  }
0x421: {  	[tilespmem:v21+s13+$0x0] =	vst.idx.msk $0xffff, v16  }
0x422: {  	v17 =	vor.u32 s15, v9;
	v18 =	vld.idx.msk [tilespmem:v63+s1+$0x0], $0xffff;
	_ =	sdelay $0x3  }
0x423: {  	v16 =	vimm.f32 $-Inf  }
0x424: {  	s15 =	simm.s32 $0x2;
	v17 =	vld.idx.msk [tilespmem:v17+s1+$0x0], $0xffff;
	vm0 =	vgt.f32 v18, v16;
	v19 =	vmax.f32 v16, v18  }
.LBB2_102:
0x425: {  	v20 =	vor.u32 s15, v9;
	p0 =	sne.s32 s15, $0x3F;
	s15 =	sadd.s32 $0x1, s15;
	v19 =	vsel vm0, v16, v19  }
.Ltmp50:
0x426: {  	(pc) =	sbr.rel @p0 .LBB2_102-.Ltmp50, $3  }
0x427: {  	_ =	sdelay $0x1  }
0x428: {  	v16 =	vmax.f32 v16, v18  }
0x429: {  	vm0 =	vgt.f32 v17, v16;
	v19 =	vmax.f32 v19, v17;
	v18 =	vmov v17;
	v17 =	vld.idx.msk [tilespmem:v20+s1+$0x0], $0xffff  }
0x42a: {  	_ =	sdelay $0x2  }
0x42b: {  	v19 =	vsel vm0, v16, v19;
	v18 =	vmax.f32 v16, v18  }
0x42c: {  	vm15 =	vgt.f32 v17, v18;
	v16 =	vmax.f32 v19, v17  }
0x42d: {  	v17 =	vmax.f32 v18, v17;
	v16 =	vsel vm15, v18, v16  }
0x42e: {  	v18 =	vsub.f32 v16, v17;
	_ =	sdelay $0x1  }
0x42f: {  	v18 =	vmul.f32 $1.442695020e+00, v18;
	_ =	sdelay $0x1  }
0x430: {  	(erf) = vpow2.f32 v18;
	_ =	sdelay $0x8  }
0x431: {  	v18 =	vpop (erf)  }
0x432: {  	v18 =	vadd.f32 $1.000000000e+00, v18;
	_ =	sdelay $0x1  }
0x433: {  	s16 =	simm.s32 $0x0;
	(erf) = vrcp.f32 v18  }
0x434: {  	v20 =	vor.u32 s16, v9;
	_ =	sdelay $0x4  }
0x435: {  	v22 =	vld.idx.msk [tilespmem:v20+s16+$0x0], $0xffff;
	_ =	sdelay $0x2  }
0x436: {  	s15 =	simm.s32 $0x1;
	v18 =	vpop (erf)  }
0x437: {  	s17 =	simm.s32 $0x2;
	v21 =	vor.u32 s15, v9;
	v19 =	vsub.f32 $1.000000000e+00, v18  }
.LBB2_104:
0x438: {  	p0 =	sne.s32 s17, $0x3F;
	vm0 =	veq.f32 v22, v16  }
0x439: {  	vm1 =	veq.f32 v22, v17;
	v22 =	vnsel vm0, $0x0, v19  }
0x43a: {  	v22 =	vsel vm1, v18, v22  }
0x43b: {  	[tilespmem:v20+s13+$0x0] =	vst.idx.msk $0xffff, v22;
	v20 =	vmov v21  }
0x43c: {  	v22 =	vld.idx.msk [tilespmem:v21+s16+$0x0], $0xffff  }
.Ltmp51:
0x43d: {  	(pc) =	sbr.rel @p0 .LBB2_104-.Ltmp51, $2  }
0x43e: {  	_ =	sdelay $0x2  }
0x43f: {  	v21 =	vor.u32 s17, v9;
	s17 =	sadd.s32 $0x1, s17  }
0x440: {  	_ = 	snop  }
0x441: {  	vm0 =	veq.f32 v22, v16  }
0x442: {  	vm1 =	veq.f32 v22, v17;
	v62 =	vnsel vm0, $0x0, v19  }
0x443: {  	v22 =	vsel vm1, v18, v62  }
0x444: {  	[tilespmem:v20+s13+$0x0] =	vst.idx.msk $0xffff, v22  }
0x445: {  	v20 =	vld.idx.msk [tilespmem:v21+s16+$0x0], $0xffff;
	_ =	sdelay $0x3  }
0x446: {  	v63 =	vor.u32 s16, v10  }
0x447: {  	vm0 =	veq.f32 v20, v16  }
0x448: {  	vm1 =	veq.f32 v20, v17;
	v16 =	vnsel vm0, $0x0, v19  }
0x449: {  	v16 =	vsel vm1, v18, v16  }
0x44a: {  	[tilespmem:v21+s13+$0x0] =	vst.idx.msk $0xffff, v16  }
0x44b: {  	v17 =	vor.u32 s15, v10;
	v18 =	vld.idx.msk [tilespmem:v63+s1+$0x0], $0xffff;
	_ =	sdelay $0x3  }
0x44c: {  	v16 =	vimm.f32 $-Inf  }
0x44d: {  	s15 =	simm.s32 $0x2;
	v17 =	vld.idx.msk [tilespmem:v17+s1+$0x0], $0xffff;
	vm0 =	vgt.f32 v18, v16;
	v19 =	vmax.f32 v16, v18  }
.LBB2_106:
0x44e: {  	v20 =	vor.u32 s15, v10;
	p0 =	sne.s32 s15, $0x3F;
	s15 =	sadd.s32 $0x1, s15;
	v19 =	vsel vm0, v16, v19  }
.Ltmp52:
0x44f: {  	(pc) =	sbr.rel @p0 .LBB2_106-.Ltmp52, $3  }
0x450: {  	_ =	sdelay $0x1  }
0x451: {  	v16 =	vmax.f32 v16, v18  }
0x452: {  	vm0 =	vgt.f32 v17, v16;
	v19 =	vmax.f32 v19, v17;
	v18 =	vmov v17;
	v17 =	vld.idx.msk [tilespmem:v20+s1+$0x0], $0xffff  }
0x453: {  	_ =	sdelay $0x2  }
0x454: {  	v19 =	vsel vm0, v16, v19;
	v18 =	vmax.f32 v16, v18  }
0x455: {  	vm15 =	vgt.f32 v17, v18;
	v16 =	vmax.f32 v19, v17  }
0x456: {  	v17 =	vmax.f32 v18, v17;
	v16 =	vsel vm15, v18, v16  }
0x457: {  	v18 =	vsub.f32 v16, v17;
	_ =	sdelay $0x1  }
0x458: {  	v18 =	vmul.f32 $1.442695020e+00, v18;
	_ =	sdelay $0x1  }
0x459: {  	(erf) = vpow2.f32 v18;
	_ =	sdelay $0x8  }
0x45a: {  	v18 =	vpop (erf)  }
0x45b: {  	v18 =	vadd.f32 $1.000000000e+00, v18;
	_ =	sdelay $0x1  }
0x45c: {  	s16 =	simm.s32 $0x0;
	(erf) = vrcp.f32 v18  }
0x45d: {  	v20 =	vor.u32 s16, v10;
	_ =	sdelay $0x4  }
0x45e: {  	v22 =	vld.idx.msk [tilespmem:v20+s16+$0x0], $0xffff;
	_ =	sdelay $0x2  }
0x45f: {  	s15 =	simm.s32 $0x1;
	v18 =	vpop (erf)  }
0x460: {  	s17 =	simm.s32 $0x2;
	v21 =	vor.u32 s15, v10;
	v19 =	vsub.f32 $1.000000000e+00, v18  }
.LBB2_108:
0x461: {  	p0 =	sne.s32 s17, $0x3F;
	vm0 =	veq.f32 v22, v16  }
0x462: {  	vm1 =	veq.f32 v22, v17;
	v22 =	vnsel vm0, $0x0, v19  }
0x463: {  	v22 =	vsel vm1, v18, v22  }
0x464: {  	[tilespmem:v20+s13+$0x0] =	vst.idx.msk $0xffff, v22;
	v20 =	vmov v21  }
0x465: {  	v22 =	vld.idx.msk [tilespmem:v21+s16+$0x0], $0xffff  }
.Ltmp53:
0x466: {  	(pc) =	sbr.rel @p0 .LBB2_108-.Ltmp53, $2  }
0x467: {  	_ =	sdelay $0x2  }
0x468: {  	v21 =	vor.u32 s17, v10;
	s17 =	sadd.s32 $0x1, s17  }
0x469: {  	_ = 	snop  }
0x46a: {  	vm0 =	veq.f32 v22, v16  }
0x46b: {  	vm1 =	veq.f32 v22, v17;
	v62 =	vnsel vm0, $0x0, v19  }
0x46c: {  	v22 =	vsel vm1, v18, v62  }
0x46d: {  	[tilespmem:v20+s13+$0x0] =	vst.idx.msk $0xffff, v22  }
0x46e: {  	v20 =	vld.idx.msk [tilespmem:v21+s16+$0x0], $0xffff;
	_ =	sdelay $0x3  }
0x46f: {  	v63 =	vor.u32 s16, v11  }
0x470: {  	vm0 =	veq.f32 v20, v16  }
0x471: {  	vm1 =	veq.f32 v20, v17;
	v16 =	vnsel vm0, $0x0, v19  }
0x472: {  	v16 =	vsel vm1, v18, v16  }
0x473: {  	[tilespmem:v21+s13+$0x0] =	vst.idx.msk $0xffff, v16  }
0x474: {  	v17 =	vor.u32 s15, v11;
	v18 =	vld.idx.msk [tilespmem:v63+s1+$0x0], $0xffff;
	_ =	sdelay $0x3  }
0x475: {  	v16 =	vimm.f32 $-Inf  }
0x476: {  	s15 =	simm.s32 $0x2;
	v17 =	vld.idx.msk [tilespmem:v17+s1+$0x0], $0xffff;
	vm0 =	vgt.f32 v18, v16;
	v19 =	vmax.f32 v16, v18  }
.LBB2_110:
0x477: {  	v20 =	vor.u32 s15, v11;
	p0 =	sne.s32 s15, $0x3F;
	s15 =	sadd.s32 $0x1, s15;
	v19 =	vsel vm0, v16, v19  }
.Ltmp54:
0x478: {  	(pc) =	sbr.rel @p0 .LBB2_110-.Ltmp54, $3  }
0x479: {  	_ =	sdelay $0x1  }
0x47a: {  	v16 =	vmax.f32 v16, v18  }
0x47b: {  	vm0 =	vgt.f32 v17, v16;
	v19 =	vmax.f32 v19, v17;
	v18 =	vmov v17;
	v17 =	vld.idx.msk [tilespmem:v20+s1+$0x0], $0xffff  }
0x47c: {  	_ =	sdelay $0x2  }
0x47d: {  	v19 =	vsel vm0, v16, v19;
	v18 =	vmax.f32 v16, v18  }
0x47e: {  	vm15 =	vgt.f32 v17, v18;
	v16 =	vmax.f32 v19, v17  }
0x47f: {  	v17 =	vmax.f32 v18, v17;
	v16 =	vsel vm15, v18, v16  }
0x480: {  	v18 =	vsub.f32 v16, v17;
	_ =	sdelay $0x1  }
0x481: {  	v18 =	vmul.f32 $1.442695020e+00, v18;
	_ =	sdelay $0x1  }
0x482: {  	(erf) = vpow2.f32 v18;
	_ =	sdelay $0x8  }
0x483: {  	v18 =	vpop (erf)  }
0x484: {  	v18 =	vadd.f32 $1.000000000e+00, v18;
	_ =	sdelay $0x1  }
0x485: {  	s16 =	simm.s32 $0x0;
	(erf) = vrcp.f32 v18  }
0x486: {  	v20 =	vor.u32 s16, v11;
	_ =	sdelay $0x4  }
0x487: {  	v22 =	vld.idx.msk [tilespmem:v20+s16+$0x0], $0xffff;
	_ =	sdelay $0x2  }
0x488: {  	s15 =	simm.s32 $0x1;
	v18 =	vpop (erf)  }
0x489: {  	s17 =	simm.s32 $0x2;
	v21 =	vor.u32 s15, v11;
	v19 =	vsub.f32 $1.000000000e+00, v18  }
.LBB2_112:
0x48a: {  	p0 =	sne.s32 s17, $0x3F;
	vm0 =	veq.f32 v22, v16  }
0x48b: {  	vm1 =	veq.f32 v22, v17;
	v22 =	vnsel vm0, $0x0, v19  }
0x48c: {  	v22 =	vsel vm1, v18, v22  }
0x48d: {  	[tilespmem:v20+s13+$0x0] =	vst.idx.msk $0xffff, v22;
	v20 =	vmov v21  }
0x48e: {  	v22 =	vld.idx.msk [tilespmem:v21+s16+$0x0], $0xffff  }
.Ltmp55:
0x48f: {  	(pc) =	sbr.rel @p0 .LBB2_112-.Ltmp55, $2  }
0x490: {  	_ =	sdelay $0x2  }
0x491: {  	v21 =	vor.u32 s17, v11;
	s17 =	sadd.s32 $0x1, s17  }
0x492: {  	_ = 	snop  }
0x493: {  	vm0 =	veq.f32 v22, v16  }
0x494: {  	vm1 =	veq.f32 v22, v17;
	v62 =	vnsel vm0, $0x0, v19  }
0x495: {  	v22 =	vsel vm1, v18, v62  }
0x496: {  	[tilespmem:v20+s13+$0x0] =	vst.idx.msk $0xffff, v22  }
0x497: {  	v20 =	vld.idx.msk [tilespmem:v21+s16+$0x0], $0xffff;
	_ =	sdelay $0x3  }
0x498: {  	v63 =	vor.u32 s16, v12  }
0x499: {  	vm0 =	veq.f32 v20, v16  }
0x49a: {  	vm1 =	veq.f32 v20, v17;
	v16 =	vnsel vm0, $0x0, v19  }
0x49b: {  	v16 =	vsel vm1, v18, v16  }
0x49c: {  	[tilespmem:v21+s13+$0x0] =	vst.idx.msk $0xffff, v16  }
0x49d: {  	v17 =	vor.u32 s15, v12;
	v18 =	vld.idx.msk [tilespmem:v63+s1+$0x0], $0xffff;
	_ =	sdelay $0x3  }
0x49e: {  	v16 =	vimm.f32 $-Inf  }
0x49f: {  	s15 =	simm.s32 $0x2;
	v17 =	vld.idx.msk [tilespmem:v17+s1+$0x0], $0xffff;
	vm0 =	vgt.f32 v18, v16;
	v19 =	vmax.f32 v16, v18  }
.LBB2_114:
0x4a0: {  	v20 =	vor.u32 s15, v12;
	p0 =	sne.s32 s15, $0x3F;
	s15 =	sadd.s32 $0x1, s15;
	v19 =	vsel vm0, v16, v19  }
.Ltmp56:
0x4a1: {  	(pc) =	sbr.rel @p0 .LBB2_114-.Ltmp56, $3  }
0x4a2: {  	_ =	sdelay $0x1  }
0x4a3: {  	v16 =	vmax.f32 v16, v18  }
0x4a4: {  	vm0 =	vgt.f32 v17, v16;
	v19 =	vmax.f32 v19, v17;
	v18 =	vmov v17;
	v17 =	vld.idx.msk [tilespmem:v20+s1+$0x0], $0xffff  }
0x4a5: {  	_ =	sdelay $0x2  }
0x4a6: {  	v19 =	vsel vm0, v16, v19;
	v18 =	vmax.f32 v16, v18  }
0x4a7: {  	vm15 =	vgt.f32 v17, v18;
	v16 =	vmax.f32 v19, v17  }
0x4a8: {  	v17 =	vmax.f32 v18, v17;
	v16 =	vsel vm15, v18, v16  }
0x4a9: {  	v18 =	vsub.f32 v16, v17;
	_ =	sdelay $0x1  }
0x4aa: {  	v18 =	vmul.f32 $1.442695020e+00, v18;
	_ =	sdelay $0x1  }
0x4ab: {  	(erf) = vpow2.f32 v18;
	_ =	sdelay $0x8  }
0x4ac: {  	v18 =	vpop (erf)  }
0x4ad: {  	v18 =	vadd.f32 $1.000000000e+00, v18;
	_ =	sdelay $0x1  }
0x4ae: {  	s16 =	simm.s32 $0x0;
	(erf) = vrcp.f32 v18  }
0x4af: {  	v20 =	vor.u32 s16, v12;
	_ =	sdelay $0x4  }
0x4b0: {  	v22 =	vld.idx.msk [tilespmem:v20+s16+$0x0], $0xffff;
	_ =	sdelay $0x2  }
0x4b1: {  	s15 =	simm.s32 $0x1;
	v18 =	vpop (erf)  }
0x4b2: {  	s17 =	simm.s32 $0x2;
	v21 =	vor.u32 s15, v12;
	v19 =	vsub.f32 $1.000000000e+00, v18  }
.LBB2_116:
0x4b3: {  	p0 =	sne.s32 s17, $0x3F;
	vm0 =	veq.f32 v22, v16  }
0x4b4: {  	vm1 =	veq.f32 v22, v17;
	v22 =	vnsel vm0, $0x0, v19  }
0x4b5: {  	v22 =	vsel vm1, v18, v22  }
0x4b6: {  	[tilespmem:v20+s13+$0x0] =	vst.idx.msk $0xffff, v22;
	v20 =	vmov v21  }
0x4b7: {  	v22 =	vld.idx.msk [tilespmem:v21+s16+$0x0], $0xffff  }
.Ltmp57:
0x4b8: {  	(pc) =	sbr.rel @p0 .LBB2_116-.Ltmp57, $2  }
0x4b9: {  	_ =	sdelay $0x2  }
0x4ba: {  	v21 =	vor.u32 s17, v12;
	s17 =	sadd.s32 $0x1, s17  }
0x4bb: {  	_ = 	snop  }
0x4bc: {  	vm0 =	veq.f32 v22, v16  }
0x4bd: {  	vm1 =	veq.f32 v22, v17;
	v62 =	vnsel vm0, $0x0, v19  }
0x4be: {  	v22 =	vsel vm1, v18, v62  }
0x4bf: {  	[tilespmem:v20+s13+$0x0] =	vst.idx.msk $0xffff, v22  }
0x4c0: {  	v20 =	vld.idx.msk [tilespmem:v21+s16+$0x0], $0xffff;
	_ =	sdelay $0x3  }
0x4c1: {  	v63 =	vor.u32 s16, v13  }
0x4c2: {  	vm0 =	veq.f32 v20, v16  }
0x4c3: {  	vm1 =	veq.f32 v20, v17;
	v16 =	vnsel vm0, $0x0, v19  }
0x4c4: {  	v16 =	vsel vm1, v18, v16  }
0x4c5: {  	[tilespmem:v21+s13+$0x0] =	vst.idx.msk $0xffff, v16  }
0x4c6: {  	v17 =	vor.u32 s15, v13;
	v18 =	vld.idx.msk [tilespmem:v63+s1+$0x0], $0xffff;
	_ =	sdelay $0x3  }
0x4c7: {  	v16 =	vimm.f32 $-Inf  }
0x4c8: {  	s15 =	simm.s32 $0x2;
	v17 =	vld.idx.msk [tilespmem:v17+s1+$0x0], $0xffff;
	vm0 =	vgt.f32 v18, v16;
	v19 =	vmax.f32 v16, v18  }
.LBB2_118:
0x4c9: {  	v20 =	vor.u32 s15, v13;
	p0 =	sne.s32 s15, $0x3F;
	s15 =	sadd.s32 $0x1, s15;
	v19 =	vsel vm0, v16, v19  }
.Ltmp58:
0x4ca: {  	(pc) =	sbr.rel @p0 .LBB2_118-.Ltmp58, $3  }
0x4cb: {  	_ =	sdelay $0x1  }
0x4cc: {  	v16 =	vmax.f32 v16, v18  }
0x4cd: {  	vm0 =	vgt.f32 v17, v16;
	v19 =	vmax.f32 v19, v17;
	v18 =	vmov v17;
	v17 =	vld.idx.msk [tilespmem:v20+s1+$0x0], $0xffff  }
0x4ce: {  	_ =	sdelay $0x2  }
0x4cf: {  	v19 =	vsel vm0, v16, v19;
	v18 =	vmax.f32 v16, v18  }
0x4d0: {  	vm15 =	vgt.f32 v17, v18;
	v16 =	vmax.f32 v19, v17  }
0x4d1: {  	v17 =	vmax.f32 v18, v17;
	v16 =	vsel vm15, v18, v16  }
0x4d2: {  	v18 =	vsub.f32 v16, v17;
	_ =	sdelay $0x1  }
0x4d3: {  	v18 =	vmul.f32 $1.442695020e+00, v18;
	_ =	sdelay $0x1  }
0x4d4: {  	(erf) = vpow2.f32 v18;
	_ =	sdelay $0x8  }
0x4d5: {  	v18 =	vpop (erf)  }
0x4d6: {  	v18 =	vadd.f32 $1.000000000e+00, v18;
	_ =	sdelay $0x1  }
0x4d7: {  	s16 =	simm.s32 $0x0;
	(erf) = vrcp.f32 v18  }
0x4d8: {  	v20 =	vor.u32 s16, v13;
	_ =	sdelay $0x4  }
0x4d9: {  	v22 =	vld.idx.msk [tilespmem:v20+s16+$0x0], $0xffff;
	_ =	sdelay $0x2  }
0x4da: {  	s15 =	simm.s32 $0x1;
	v18 =	vpop (erf)  }
0x4db: {  	s17 =	simm.s32 $0x2;
	v21 =	vor.u32 s15, v13;
	v19 =	vsub.f32 $1.000000000e+00, v18  }
.LBB2_120:
0x4dc: {  	p0 =	sne.s32 s17, $0x3F;
	vm0 =	veq.f32 v22, v16  }
0x4dd: {  	vm1 =	veq.f32 v22, v17;
	v22 =	vnsel vm0, $0x0, v19  }
0x4de: {  	v22 =	vsel vm1, v18, v22  }
0x4df: {  	[tilespmem:v20+s13+$0x0] =	vst.idx.msk $0xffff, v22;
	v20 =	vmov v21  }
0x4e0: {  	v22 =	vld.idx.msk [tilespmem:v21+s16+$0x0], $0xffff  }
.Ltmp59:
0x4e1: {  	(pc) =	sbr.rel @p0 .LBB2_120-.Ltmp59, $2  }
0x4e2: {  	_ =	sdelay $0x2  }
0x4e3: {  	v21 =	vor.u32 s17, v13;
	s17 =	sadd.s32 $0x1, s17  }
0x4e4: {  	_ = 	snop  }
0x4e5: {  	vm0 =	veq.f32 v22, v16  }
0x4e6: {  	vm1 =	veq.f32 v22, v17;
	v62 =	vnsel vm0, $0x0, v19  }
0x4e7: {  	v22 =	vsel vm1, v18, v62  }
0x4e8: {  	[tilespmem:v20+s13+$0x0] =	vst.idx.msk $0xffff, v22  }
0x4e9: {  	v20 =	vld.idx.msk [tilespmem:v21+s16+$0x0], $0xffff;
	_ =	sdelay $0x3  }
0x4ea: {  	v63 =	vor.u32 s16, v14  }
0x4eb: {  	vm0 =	veq.f32 v20, v16  }
0x4ec: {  	vm1 =	veq.f32 v20, v17;
	v16 =	vnsel vm0, $0x0, v19  }
0x4ed: {  	v16 =	vsel vm1, v18, v16  }
0x4ee: {  	[tilespmem:v21+s13+$0x0] =	vst.idx.msk $0xffff, v16  }
0x4ef: {  	v17 =	vor.u32 s15, v14;
	v18 =	vld.idx.msk [tilespmem:v63+s1+$0x0], $0xffff;
	_ =	sdelay $0x3  }
0x4f0: {  	v16 =	vimm.f32 $-Inf  }
0x4f1: {  	s15 =	simm.s32 $0x2;
	v17 =	vld.idx.msk [tilespmem:v17+s1+$0x0], $0xffff;
	vm0 =	vgt.f32 v18, v16;
	v19 =	vmax.f32 v16, v18  }
.LBB2_122:
0x4f2: {  	v20 =	vor.u32 s15, v14;
	p0 =	sne.s32 s15, $0x3F;
	s15 =	sadd.s32 $0x1, s15;
	v19 =	vsel vm0, v16, v19  }
.Ltmp60:
0x4f3: {  	(pc) =	sbr.rel @p0 .LBB2_122-.Ltmp60, $3  }
0x4f4: {  	_ =	sdelay $0x1  }
0x4f5: {  	v16 =	vmax.f32 v16, v18  }
0x4f6: {  	vm0 =	vgt.f32 v17, v16;
	v19 =	vmax.f32 v19, v17;
	v18 =	vmov v17;
	v17 =	vld.idx.msk [tilespmem:v20+s1+$0x0], $0xffff  }
0x4f7: {  	_ =	sdelay $0x2  }
0x4f8: {  	v19 =	vsel vm0, v16, v19;
	v18 =	vmax.f32 v16, v18  }
0x4f9: {  	vm15 =	vgt.f32 v17, v18;
	v16 =	vmax.f32 v19, v17  }
0x4fa: {  	v17 =	vmax.f32 v18, v17;
	v16 =	vsel vm15, v18, v16  }
0x4fb: {  	v18 =	vsub.f32 v16, v17;
	_ =	sdelay $0x1  }
0x4fc: {  	v18 =	vmul.f32 $1.442695020e+00, v18;
	_ =	sdelay $0x1  }
0x4fd: {  	(erf) = vpow2.f32 v18;
	_ =	sdelay $0x8  }
0x4fe: {  	v18 =	vpop (erf)  }
0x4ff: {  	v18 =	vadd.f32 $1.000000000e+00, v18;
	_ =	sdelay $0x1  }
0x500: {  	s16 =	simm.s32 $0x0;
	(erf) = vrcp.f32 v18  }
0x501: {  	v20 =	vor.u32 s16, v14;
	_ =	sdelay $0x4  }
0x502: {  	v22 =	vld.idx.msk [tilespmem:v20+s16+$0x0], $0xffff;
	_ =	sdelay $0x2  }
0x503: {  	s15 =	simm.s32 $0x1;
	v18 =	vpop (erf)  }
0x504: {  	s17 =	simm.s32 $0x2;
	v21 =	vor.u32 s15, v14;
	v19 =	vsub.f32 $1.000000000e+00, v18  }
.LBB2_124:
0x505: {  	p0 =	sne.s32 s17, $0x3F;
	vm0 =	veq.f32 v22, v16  }
0x506: {  	vm1 =	veq.f32 v22, v17;
	v22 =	vnsel vm0, $0x0, v19  }
0x507: {  	v22 =	vsel vm1, v18, v22  }
0x508: {  	[tilespmem:v20+s13+$0x0] =	vst.idx.msk $0xffff, v22;
	v20 =	vmov v21  }
0x509: {  	v22 =	vld.idx.msk [tilespmem:v21+s16+$0x0], $0xffff  }
.Ltmp61:
0x50a: {  	(pc) =	sbr.rel @p0 .LBB2_124-.Ltmp61, $2  }
0x50b: {  	_ =	sdelay $0x2  }
0x50c: {  	v21 =	vor.u32 s17, v14;
	s17 =	sadd.s32 $0x1, s17  }
0x50d: {  	_ = 	snop  }
0x50e: {  	vm0 =	veq.f32 v22, v16  }
0x50f: {  	vm1 =	veq.f32 v22, v17;
	v62 =	vnsel vm0, $0x0, v19  }
0x510: {  	v22 =	vsel vm1, v18, v62  }
0x511: {  	[tilespmem:v20+s13+$0x0] =	vst.idx.msk $0xffff, v22  }
0x512: {  	v20 =	vld.idx.msk [tilespmem:v21+s16+$0x0], $0xffff;
	_ =	sdelay $0x3  }
0x513: {  	v63 =	vor.u32 s16, v15  }
0x514: {  	vm0 =	veq.f32 v20, v16  }
0x515: {  	vm1 =	veq.f32 v20, v17;
	v16 =	vnsel vm0, $0x0, v19  }
0x516: {  	v16 =	vsel vm1, v18, v16  }
0x517: {  	[tilespmem:v21+s13+$0x0] =	vst.idx.msk $0xffff, v16  }
0x518: {  	v17 =	vor.u32 s15, v15;
	v18 =	vld.idx.msk [tilespmem:v63+s1+$0x0], $0xffff;
	_ =	sdelay $0x3  }
0x519: {  	v16 =	vimm.f32 $-Inf  }
0x51a: {  	s15 =	simm.s32 $0x2;
	v17 =	vld.idx.msk [tilespmem:v17+s1+$0x0], $0xffff;
	vm0 =	vgt.f32 v18, v16;
	v19 =	vmax.f32 v16, v18  }
.LBB2_126:
0x51b: {  	v20 =	vor.u32 s15, v15;
	p0 =	sne.s32 s15, $0x3F;
	s15 =	sadd.s32 $0x1, s15;
	v19 =	vsel vm0, v16, v19  }
.Ltmp62:
0x51c: {  	(pc) =	sbr.rel @p0 .LBB2_126-.Ltmp62, $3  }
0x51d: {  	_ =	sdelay $0x1  }
0x51e: {  	v16 =	vmax.f32 v16, v18  }
0x51f: {  	vm0 =	vgt.f32 v17, v16;
	v19 =	vmax.f32 v19, v17;
	v18 =	vmov v17;
	v17 =	vld.idx.msk [tilespmem:v20+s1+$0x0], $0xffff  }
0x520: {  	_ =	sdelay $0x2  }
0x521: {  	v19 =	vsel vm0, v16, v19;
	v18 =	vmax.f32 v16, v18  }
0x522: {  	vm15 =	vgt.f32 v17, v18;
	v16 =	vmax.f32 v19, v17  }
0x523: {  	v17 =	vmax.f32 v18, v17;
	v16 =	vsel vm15, v18, v16  }
0x524: {  	v18 =	vsub.f32 v16, v17;
	_ =	sdelay $0x1  }
0x525: {  	v18 =	vmul.f32 $1.442695020e+00, v18;
	_ =	sdelay $0x1  }
0x526: {  	(erf) = vpow2.f32 v18;
	_ =	sdelay $0x8  }
0x527: {  	v18 =	vpop (erf)  }
0x528: {  	v18 =	vadd.f32 $1.000000000e+00, v18;
	_ =	sdelay $0x1  }
0x529: {  	s15 =	simm.s32 $0x0;
	(erf) = vrcp.f32 v18  }
0x52a: {  	v20 =	vor.u32 s15, v15;
	_ =	sdelay $0x4  }
0x52b: {  	v22 =	vld.idx.msk [tilespmem:v20+s1+$0x0], $0xffff;
	_ =	sdelay $0x2  }
0x52c: {  	s31 =	simm.s32 $0x1;
	v18 =	vpop (erf)  }
0x52d: {  	v21 =	vor.u32 s31, v15;
	s15 =	simm.s32 $0x2;
	v19 =	vsub.f32 $1.000000000e+00, v18  }
.LBB2_128:
0x52e: {  	p0 =	sne.s32 s15, $0x3F;
	vm0 =	veq.f32 v22, v16  }
0x52f: {  	vm1 =	veq.f32 v22, v17;
	v22 =	vnsel vm0, $0x0, v19  }
0x530: {  	v22 =	vsel vm1, v18, v22  }
0x531: {  	[tilespmem:v20+s13+$0x0] =	vst.idx.msk $0xffff, v22;
	v20 =	vmov v21  }
0x532: {  	v22 =	vld.idx.msk [tilespmem:v21+s1+$0x0], $0xffff  }
.Ltmp63:
0x533: {  	(pc) =	sbr.rel @p0 .LBB2_128-.Ltmp63, $2  }
0x534: {  	_ =	sdelay $0x2  }
0x535: {  	v21 =	vor.u32 s15, v15;
	s15 =	sadd.s32 $0x1, s15  }
0x536: {  	_ = 	snop  }
0x537: {  	vm0 =	veq.f32 v22, v16  }
0x538: {  	vm1 =	veq.f32 v22, v17;
	v63 =	vnsel vm0, $0x0, v19  }
0x539: {  	v22 =	vsel vm1, v18, v63  }
0x53a: {  	[tilespmem:v20+s13+$0x0] =	vst.idx.msk $0xffff, v22  }
0x53b: {  	v20 =	vld.idx.msk [tilespmem:v21+s1+$0x0], $0xffff;
	_ =	sdelay $0x4  }
0x53c: {  	vm0 =	veq.f32 v20, v16  }
0x53d: {  	vm1 =	veq.f32 v20, v17;
	v16 =	vnsel vm0, $0x0, v19  }
0x53e: {  	v16 =	vsel vm1, v18, v16  }
0x53f: {  	s15 =	simm.s32 $0x0;
	[tilespmem:v21+s13+$0x0] =	vst.idx.msk $0xffff, v16  }
0x540: {  	[hbm4b:s6+s15] =	stream.linear.scatter [tilespmem:s13], [sflag:$0x1], $0x4000, $0x38;
	[tilespmem:$0x8000] =	vst v63  }
0x541: {  	_ =	swait.ge [sflag:s12], $0x4000  }
0x542: {  	[sflag:s12] =	ssyncset.done $0x0  }
0x543: {  	v16 =	vor.u32 s15, v0;
	[sflag:s12] =	ssyncadd.s32 $0xFFFFC000  }
0x544: {  	[tilespmem:s15], [sflag:$0x1] =	stream.linear.gather [hbm4b:s7+s15], $0x4000, $0x38;
	[tilespmem:$0x8000] =	vst v63  }
0x545: {  	_ =	swait.ge [sflag:s12], $0x4000  }
0x546: {  	[sflag:s12] =	ssyncset.done $0x0  }
0x547: {  	s31 =	simm.s32 $0x1;
	[sflag:s12] =	ssyncadd.s32 $0xFFFFC000  }
0x548: {  	v17 =	vor.u32 s31, v0;
	v18 =	vld.idx.msk [tilespmem:v16+s1+$0x0], $0xffff;
	_ =	sdelay $0x3  }
0x549: {  	v16 =	vimm.f32 $-Inf  }
0x54a: {  	s15 =	simm.s32 $0x2;
	v17 =	vld.idx.msk [tilespmem:v17+s1+$0x0], $0xffff;
	vm0 =	vgt.f32 v18, v16;
	v19 =	vmax.f32 v16, v18  }
.LBB2_130:
0x54b: {  	v20 =	vor.u32 s15, v0;
	p0 =	sne.s32 s15, $0x3F;
	s15 =	sadd.s32 $0x1, s15;
	v19 =	vsel vm0, v16, v19  }
.Ltmp64:
0x54c: {  	(pc) =	sbr.rel @p0 .LBB2_130-.Ltmp64, $3  }
0x54d: {  	_ =	sdelay $0x1  }
0x54e: {  	v16 =	vmax.f32 v16, v18  }
0x54f: {  	vm0 =	vgt.f32 v17, v16;
	v19 =	vmax.f32 v19, v17;
	v18 =	vmov v17;
	v17 =	vld.idx.msk [tilespmem:v20+s1+$0x0], $0xffff  }
0x550: {  	_ =	sdelay $0x2  }
0x551: {  	v19 =	vsel vm0, v16, v19;
	v18 =	vmax.f32 v16, v18  }
0x552: {  	vm15 =	vgt.f32 v17, v18;
	v16 =	vmax.f32 v19, v17  }
0x553: {  	v17 =	vmax.f32 v18, v17;
	v16 =	vsel vm15, v18, v16  }
0x554: {  	v18 =	vsub.f32 v16, v17;
	_ =	sdelay $0x1  }
0x555: {  	v18 =	vmul.f32 $1.442695020e+00, v18;
	_ =	sdelay $0x1  }
0x556: {  	(erf) = vpow2.f32 v18;
	_ =	sdelay $0x8  }
0x557: {  	v18 =	vpop (erf)  }
0x558: {  	v18 =	vadd.f32 $1.000000000e+00, v18;
	_ =	sdelay $0x1  }
0x559: {  	s16 =	simm.s32 $0x0;
	(erf) = vrcp.f32 v18  }
0x55a: {  	v20 =	vor.u32 s16, v0;
	_ =	sdelay $0x4  }
0x55b: {  	v22 =	vld.idx.msk [tilespmem:v20+s16+$0x0], $0xffff;
	_ =	sdelay $0x2  }
0x55c: {  	s15 =	simm.s32 $0x1;
	v18 =	vpop (erf)  }
0x55d: {  	s17 =	simm.s32 $0x2;
	v21 =	vor.u32 s15, v0;
	v19 =	vsub.f32 $1.000000000e+00, v18  }
.LBB2_132:
0x55e: {  	p0 =	sne.s32 s17, $0x3F;
	vm0 =	veq.f32 v22, v16  }
0x55f: {  	vm1 =	veq.f32 v22, v17;
	v22 =	vnsel vm0, $0x0, v19  }
0x560: {  	v22 =	vsel vm1, v18, v22  }
0x561: {  	[tilespmem:v20+s13+$0x0] =	vst.idx.msk $0xffff, v22;
	v20 =	vmov v21  }
0x562: {  	v22 =	vld.idx.msk [tilespmem:v21+s16+$0x0], $0xffff  }
.Ltmp65:
0x563: {  	(pc) =	sbr.rel @p0 .LBB2_132-.Ltmp65, $2  }
0x564: {  	_ =	sdelay $0x2  }
0x565: {  	v21 =	vor.u32 s17, v0;
	s17 =	sadd.s32 $0x1, s17  }
0x566: {  	_ = 	snop  }
0x567: {  	vm0 =	veq.f32 v22, v16  }
0x568: {  	vm1 =	veq.f32 v22, v17;
	v62 =	vnsel vm0, $0x0, v19  }
0x569: {  	v22 =	vsel vm1, v18, v62  }
0x56a: {  	[tilespmem:v20+s13+$0x0] =	vst.idx.msk $0xffff, v22  }
0x56b: {  	v20 =	vld.idx.msk [tilespmem:v21+s16+$0x0], $0xffff;
	_ =	sdelay $0x3  }
0x56c: {  	v63 =	vor.u32 s16, v1  }
0x56d: {  	vm0 =	veq.f32 v20, v16  }
0x56e: {  	vm1 =	veq.f32 v20, v17;
	v16 =	vnsel vm0, $0x0, v19  }
0x56f: {  	v16 =	vsel vm1, v18, v16  }
0x570: {  	[tilespmem:v21+s13+$0x0] =	vst.idx.msk $0xffff, v16  }
0x571: {  	v17 =	vor.u32 s15, v1;
	v18 =	vld.idx.msk [tilespmem:v63+s1+$0x0], $0xffff;
	_ =	sdelay $0x3  }
0x572: {  	v16 =	vimm.f32 $-Inf  }
0x573: {  	s15 =	simm.s32 $0x2;
	v17 =	vld.idx.msk [tilespmem:v17+s1+$0x0], $0xffff;
	vm0 =	vgt.f32 v18, v16;
	v19 =	vmax.f32 v16, v18  }
.LBB2_134:
0x574: {  	v20 =	vor.u32 s15, v1;
	p0 =	sne.s32 s15, $0x3F;
	s15 =	sadd.s32 $0x1, s15;
	v19 =	vsel vm0, v16, v19  }
.Ltmp66:
0x575: {  	(pc) =	sbr.rel @p0 .LBB2_134-.Ltmp66, $3  }
0x576: {  	_ =	sdelay $0x1  }
0x577: {  	v16 =	vmax.f32 v16, v18  }
0x578: {  	vm0 =	vgt.f32 v17, v16;
	v19 =	vmax.f32 v19, v17;
	v18 =	vmov v17;
	v17 =	vld.idx.msk [tilespmem:v20+s1+$0x0], $0xffff  }
0x579: {  	_ =	sdelay $0x2  }
0x57a: {  	v19 =	vsel vm0, v16, v19;
	v18 =	vmax.f32 v16, v18  }
0x57b: {  	vm15 =	vgt.f32 v17, v18;
	v16 =	vmax.f32 v19, v17  }
0x57c: {  	v17 =	vmax.f32 v18, v17;
	v16 =	vsel vm15, v18, v16  }
0x57d: {  	v18 =	vsub.f32 v16, v17;
	_ =	sdelay $0x1  }
0x57e: {  	v18 =	vmul.f32 $1.442695020e+00, v18;
	_ =	sdelay $0x1  }
0x57f: {  	(erf) = vpow2.f32 v18;
	_ =	sdelay $0x8  }
0x580: {  	v18 =	vpop (erf)  }
0x581: {  	v18 =	vadd.f32 $1.000000000e+00, v18;
	_ =	sdelay $0x1  }
0x582: {  	s16 =	simm.s32 $0x0;
	(erf) = vrcp.f32 v18  }
0x583: {  	v20 =	vor.u32 s16, v1;
	_ =	sdelay $0x4  }
0x584: {  	v22 =	vld.idx.msk [tilespmem:v20+s16+$0x0], $0xffff;
	_ =	sdelay $0x2  }
0x585: {  	s15 =	simm.s32 $0x1;
	v18 =	vpop (erf)  }
0x586: {  	s17 =	simm.s32 $0x2;
	v21 =	vor.u32 s15, v1;
	v19 =	vsub.f32 $1.000000000e+00, v18  }
.LBB2_136:
0x587: {  	p0 =	sne.s32 s17, $0x3F;
	vm0 =	veq.f32 v22, v16  }
0x588: {  	vm1 =	veq.f32 v22, v17;
	v22 =	vnsel vm0, $0x0, v19  }
0x589: {  	v22 =	vsel vm1, v18, v22  }
0x58a: {  	[tilespmem:v20+s13+$0x0] =	vst.idx.msk $0xffff, v22;
	v20 =	vmov v21  }
0x58b: {  	v22 =	vld.idx.msk [tilespmem:v21+s16+$0x0], $0xffff  }
.Ltmp67:
0x58c: {  	(pc) =	sbr.rel @p0 .LBB2_136-.Ltmp67, $2  }
0x58d: {  	_ =	sdelay $0x2  }
0x58e: {  	v21 =	vor.u32 s17, v1;
	s17 =	sadd.s32 $0x1, s17  }
0x58f: {  	_ = 	snop  }
0x590: {  	vm0 =	veq.f32 v22, v16  }
0x591: {  	vm1 =	veq.f32 v22, v17;
	v62 =	vnsel vm0, $0x0, v19  }
0x592: {  	v22 =	vsel vm1, v18, v62  }
0x593: {  	[tilespmem:v20+s13+$0x0] =	vst.idx.msk $0xffff, v22  }
0x594: {  	v20 =	vld.idx.msk [tilespmem:v21+s16+$0x0], $0xffff;
	_ =	sdelay $0x3  }
0x595: {  	v63 =	vor.u32 s16, v2  }
0x596: {  	vm0 =	veq.f32 v20, v16  }
0x597: {  	vm1 =	veq.f32 v20, v17;
	v16 =	vnsel vm0, $0x0, v19  }
0x598: {  	v16 =	vsel vm1, v18, v16  }
0x599: {  	[tilespmem:v21+s13+$0x0] =	vst.idx.msk $0xffff, v16  }
0x59a: {  	v17 =	vor.u32 s15, v2;
	v18 =	vld.idx.msk [tilespmem:v63+s1+$0x0], $0xffff;
	_ =	sdelay $0x3  }
0x59b: {  	v16 =	vimm.f32 $-Inf  }
0x59c: {  	s15 =	simm.s32 $0x2;
	v17 =	vld.idx.msk [tilespmem:v17+s1+$0x0], $0xffff;
	vm0 =	vgt.f32 v18, v16;
	v19 =	vmax.f32 v16, v18  }
.LBB2_138:
0x59d: {  	v20 =	vor.u32 s15, v2;
	p0 =	sne.s32 s15, $0x3F;
	s15 =	sadd.s32 $0x1, s15;
	v19 =	vsel vm0, v16, v19  }
.Ltmp68:
0x59e: {  	(pc) =	sbr.rel @p0 .LBB2_138-.Ltmp68, $3  }
0x59f: {  	_ =	sdelay $0x1  }
0x5a0: {  	v16 =	vmax.f32 v16, v18  }
0x5a1: {  	vm0 =	vgt.f32 v17, v16;
	v19 =	vmax.f32 v19, v17;
	v18 =	vmov v17;
	v17 =	vld.idx.msk [tilespmem:v20+s1+$0x0], $0xffff  }
0x5a2: {  	_ =	sdelay $0x2  }
0x5a3: {  	v19 =	vsel vm0, v16, v19;
	v18 =	vmax.f32 v16, v18  }
0x5a4: {  	vm15 =	vgt.f32 v17, v18;
	v16 =	vmax.f32 v19, v17  }
0x5a5: {  	v17 =	vmax.f32 v18, v17;
	v16 =	vsel vm15, v18, v16  }
0x5a6: {  	v18 =	vsub.f32 v16, v17;
	_ =	sdelay $0x1  }
0x5a7: {  	v18 =	vmul.f32 $1.442695020e+00, v18;
	_ =	sdelay $0x1  }
0x5a8: {  	(erf) = vpow2.f32 v18;
	_ =	sdelay $0x8  }
0x5a9: {  	v18 =	vpop (erf)  }
0x5aa: {  	v18 =	vadd.f32 $1.000000000e+00, v18;
	_ =	sdelay $0x1  }
0x5ab: {  	s16 =	simm.s32 $0x0;
	(erf) = vrcp.f32 v18  }
0x5ac: {  	v20 =	vor.u32 s16, v2;
	_ =	sdelay $0x4  }
0x5ad: {  	v22 =	vld.idx.msk [tilespmem:v20+s16+$0x0], $0xffff;
	_ =	sdelay $0x2  }
0x5ae: {  	s15 =	simm.s32 $0x1;
	v18 =	vpop (erf)  }
0x5af: {  	s17 =	simm.s32 $0x2;
	v21 =	vor.u32 s15, v2;
	v19 =	vsub.f32 $1.000000000e+00, v18  }
.LBB2_140:
0x5b0: {  	p0 =	sne.s32 s17, $0x3F;
	vm0 =	veq.f32 v22, v16  }
0x5b1: {  	vm1 =	veq.f32 v22, v17;
	v22 =	vnsel vm0, $0x0, v19  }
0x5b2: {  	v22 =	vsel vm1, v18, v22  }
0x5b3: {  	[tilespmem:v20+s13+$0x0] =	vst.idx.msk $0xffff, v22;
	v20 =	vmov v21  }
0x5b4: {  	v22 =	vld.idx.msk [tilespmem:v21+s16+$0x0], $0xffff  }
.Ltmp69:
0x5b5: {  	(pc) =	sbr.rel @p0 .LBB2_140-.Ltmp69, $2  }
0x5b6: {  	_ =	sdelay $0x2  }
0x5b7: {  	v21 =	vor.u32 s17, v2;
	s17 =	sadd.s32 $0x1, s17  }
0x5b8: {  	_ = 	snop  }
0x5b9: {  	vm0 =	veq.f32 v22, v16  }
0x5ba: {  	vm1 =	veq.f32 v22, v17;
	v62 =	vnsel vm0, $0x0, v19  }
0x5bb: {  	v22 =	vsel vm1, v18, v62  }
0x5bc: {  	[tilespmem:v20+s13+$0x0] =	vst.idx.msk $0xffff, v22  }
0x5bd: {  	v20 =	vld.idx.msk [tilespmem:v21+s16+$0x0], $0xffff;
	_ =	sdelay $0x3  }
0x5be: {  	v63 =	vor.u32 s16, v3  }
0x5bf: {  	vm0 =	veq.f32 v20, v16  }
0x5c0: {  	vm1 =	veq.f32 v20, v17;
	v16 =	vnsel vm0, $0x0, v19  }
0x5c1: {  	v16 =	vsel vm1, v18, v16  }
0x5c2: {  	[tilespmem:v21+s13+$0x0] =	vst.idx.msk $0xffff, v16  }
0x5c3: {  	v17 =	vor.u32 s15, v3;
	v18 =	vld.idx.msk [tilespmem:v63+s1+$0x0], $0xffff;
	_ =	sdelay $0x3  }
0x5c4: {  	v16 =	vimm.f32 $-Inf  }
0x5c5: {  	s15 =	simm.s32 $0x2;
	v17 =	vld.idx.msk [tilespmem:v17+s1+$0x0], $0xffff;
	vm0 =	vgt.f32 v18, v16;
	v19 =	vmax.f32 v16, v18  }
.LBB2_142:
0x5c6: {  	v20 =	vor.u32 s15, v3;
	p0 =	sne.s32 s15, $0x3F;
	s15 =	sadd.s32 $0x1, s15;
	v19 =	vsel vm0, v16, v19  }
.Ltmp70:
0x5c7: {  	(pc) =	sbr.rel @p0 .LBB2_142-.Ltmp70, $3  }
0x5c8: {  	_ =	sdelay $0x1  }
0x5c9: {  	v16 =	vmax.f32 v16, v18  }
0x5ca: {  	vm0 =	vgt.f32 v17, v16;
	v19 =	vmax.f32 v19, v17;
	v18 =	vmov v17;
	v17 =	vld.idx.msk [tilespmem:v20+s1+$0x0], $0xffff  }
0x5cb: {  	_ =	sdelay $0x2  }
0x5cc: {  	v19 =	vsel vm0, v16, v19;
	v18 =	vmax.f32 v16, v18  }
0x5cd: {  	vm15 =	vgt.f32 v17, v18;
	v16 =	vmax.f32 v19, v17  }
0x5ce: {  	v17 =	vmax.f32 v18, v17;
	v16 =	vsel vm15, v18, v16  }
0x5cf: {  	v18 =	vsub.f32 v16, v17;
	_ =	sdelay $0x1  }
0x5d0: {  	v18 =	vmul.f32 $1.442695020e+00, v18;
	_ =	sdelay $0x1  }
0x5d1: {  	(erf) = vpow2.f32 v18;
	_ =	sdelay $0x8  }
0x5d2: {  	v18 =	vpop (erf)  }
0x5d3: {  	v18 =	vadd.f32 $1.000000000e+00, v18;
	_ =	sdelay $0x1  }
0x5d4: {  	s16 =	simm.s32 $0x0;
	(erf) = vrcp.f32 v18  }
0x5d5: {  	v20 =	vor.u32 s16, v3;
	_ =	sdelay $0x4  }
0x5d6: {  	v22 =	vld.idx.msk [tilespmem:v20+s16+$0x0], $0xffff;
	_ =	sdelay $0x2  }
0x5d7: {  	s15 =	simm.s32 $0x1;
	v18 =	vpop (erf)  }
0x5d8: {  	s17 =	simm.s32 $0x2;
	v21 =	vor.u32 s15, v3;
	v19 =	vsub.f32 $1.000000000e+00, v18  }
.LBB2_144:
0x5d9: {  	p0 =	sne.s32 s17, $0x3F;
	vm0 =	veq.f32 v22, v16  }
0x5da: {  	vm1 =	veq.f32 v22, v17;
	v22 =	vnsel vm0, $0x0, v19  }
0x5db: {  	v22 =	vsel vm1, v18, v22  }
0x5dc: {  	[tilespmem:v20+s13+$0x0] =	vst.idx.msk $0xffff, v22;
	v20 =	vmov v21  }
0x5dd: {  	v22 =	vld.idx.msk [tilespmem:v21+s16+$0x0], $0xffff  }
.Ltmp71:
0x5de: {  	(pc) =	sbr.rel @p0 .LBB2_144-.Ltmp71, $2  }
0x5df: {  	_ =	sdelay $0x2  }
0x5e0: {  	v21 =	vor.u32 s17, v3;
	s17 =	sadd.s32 $0x1, s17  }
0x5e1: {  	_ = 	snop  }
0x5e2: {  	vm0 =	veq.f32 v22, v16  }
0x5e3: {  	vm1 =	veq.f32 v22, v17;
	v62 =	vnsel vm0, $0x0, v19  }
0x5e4: {  	v22 =	vsel vm1, v18, v62  }
0x5e5: {  	[tilespmem:v20+s13+$0x0] =	vst.idx.msk $0xffff, v22  }
0x5e6: {  	v20 =	vld.idx.msk [tilespmem:v21+s16+$0x0], $0xffff;
	_ =	sdelay $0x3  }
0x5e7: {  	v63 =	vor.u32 s16, v4  }
0x5e8: {  	vm0 =	veq.f32 v20, v16  }
0x5e9: {  	vm1 =	veq.f32 v20, v17;
	v16 =	vnsel vm0, $0x0, v19  }
0x5ea: {  	v16 =	vsel vm1, v18, v16  }
0x5eb: {  	[tilespmem:v21+s13+$0x0] =	vst.idx.msk $0xffff, v16  }
0x5ec: {  	v17 =	vor.u32 s15, v4;
	v18 =	vld.idx.msk [tilespmem:v63+s1+$0x0], $0xffff;
	_ =	sdelay $0x3  }
0x5ed: {  	v16 =	vimm.f32 $-Inf  }
0x5ee: {  	s15 =	simm.s32 $0x2;
	v17 =	vld.idx.msk [tilespmem:v17+s1+$0x0], $0xffff;
	vm0 =	vgt.f32 v18, v16;
	v19 =	vmax.f32 v16, v18  }
.LBB2_146:
0x5ef: {  	v20 =	vor.u32 s15, v4;
	p0 =	sne.s32 s15, $0x3F;
	s15 =	sadd.s32 $0x1, s15;
	v19 =	vsel vm0, v16, v19  }
.Ltmp72:
0x5f0: {  	(pc) =	sbr.rel @p0 .LBB2_146-.Ltmp72, $3  }
0x5f1: {  	_ =	sdelay $0x1  }
0x5f2: {  	v16 =	vmax.f32 v16, v18  }
0x5f3: {  	vm0 =	vgt.f32 v17, v16;
	v19 =	vmax.f32 v19, v17;
	v18 =	vmov v17;
	v17 =	vld.idx.msk [tilespmem:v20+s1+$0x0], $0xffff  }
0x5f4: {  	_ =	sdelay $0x2  }
0x5f5: {  	v19 =	vsel vm0, v16, v19;
	v18 =	vmax.f32 v16, v18  }
0x5f6: {  	vm15 =	vgt.f32 v17, v18;
	v16 =	vmax.f32 v19, v17  }
0x5f7: {  	v17 =	vmax.f32 v18, v17;
	v16 =	vsel vm15, v18, v16  }
0x5f8: {  	v18 =	vsub.f32 v16, v17;
	_ =	sdelay $0x1  }
0x5f9: {  	v18 =	vmul.f32 $1.442695020e+00, v18;
	_ =	sdelay $0x1  }
0x5fa: {  	(erf) = vpow2.f32 v18;
	_ =	sdelay $0x8  }
0x5fb: {  	v18 =	vpop (erf)  }
0x5fc: {  	v18 =	vadd.f32 $1.000000000e+00, v18;
	_ =	sdelay $0x1  }
0x5fd: {  	s16 =	simm.s32 $0x0;
	(erf) = vrcp.f32 v18  }
0x5fe: {  	v20 =	vor.u32 s16, v4;
	_ =	sdelay $0x4  }
0x5ff: {  	v22 =	vld.idx.msk [tilespmem:v20+s16+$0x0], $0xffff;
	_ =	sdelay $0x2  }
0x600: {  	s15 =	simm.s32 $0x1;
	v18 =	vpop (erf)  }
0x601: {  	s17 =	simm.s32 $0x2;
	v21 =	vor.u32 s15, v4;
	v19 =	vsub.f32 $1.000000000e+00, v18  }
.LBB2_148:
0x602: {  	p0 =	sne.s32 s17, $0x3F;
	vm0 =	veq.f32 v22, v16  }
0x603: {  	vm1 =	veq.f32 v22, v17;
	v22 =	vnsel vm0, $0x0, v19  }
0x604: {  	v22 =	vsel vm1, v18, v22  }
0x605: {  	[tilespmem:v20+s13+$0x0] =	vst.idx.msk $0xffff, v22;
	v20 =	vmov v21  }
0x606: {  	v22 =	vld.idx.msk [tilespmem:v21+s16+$0x0], $0xffff  }
.Ltmp73:
0x607: {  	(pc) =	sbr.rel @p0 .LBB2_148-.Ltmp73, $2  }
0x608: {  	_ =	sdelay $0x2  }
0x609: {  	v21 =	vor.u32 s17, v4;
	s17 =	sadd.s32 $0x1, s17  }
0x60a: {  	_ = 	snop  }
0x60b: {  	vm0 =	veq.f32 v22, v16  }
0x60c: {  	vm1 =	veq.f32 v22, v17;
	v62 =	vnsel vm0, $0x0, v19  }
0x60d: {  	v22 =	vsel vm1, v18, v62  }
0x60e: {  	[tilespmem:v20+s13+$0x0] =	vst.idx.msk $0xffff, v22  }
0x60f: {  	v20 =	vld.idx.msk [tilespmem:v21+s16+$0x0], $0xffff;
	_ =	sdelay $0x3  }
0x610: {  	v63 =	vor.u32 s16, v5  }
0x611: {  	vm0 =	veq.f32 v20, v16  }
0x612: {  	vm1 =	veq.f32 v20, v17;
	v16 =	vnsel vm0, $0x0, v19  }
0x613: {  	v16 =	vsel vm1, v18, v16  }
0x614: {  	[tilespmem:v21+s13+$0x0] =	vst.idx.msk $0xffff, v16  }
0x615: {  	v17 =	vor.u32 s15, v5;
	v18 =	vld.idx.msk [tilespmem:v63+s1+$0x0], $0xffff;
	_ =	sdelay $0x3  }
0x616: {  	v16 =	vimm.f32 $-Inf  }
0x617: {  	s15 =	simm.s32 $0x2;
	v17 =	vld.idx.msk [tilespmem:v17+s1+$0x0], $0xffff;
	vm0 =	vgt.f32 v18, v16;
	v19 =	vmax.f32 v16, v18  }
.LBB2_150:
0x618: {  	v20 =	vor.u32 s15, v5;
	p0 =	sne.s32 s15, $0x3F;
	s15 =	sadd.s32 $0x1, s15;
	v19 =	vsel vm0, v16, v19  }
.Ltmp74:
0x619: {  	(pc) =	sbr.rel @p0 .LBB2_150-.Ltmp74, $3  }
0x61a: {  	_ =	sdelay $0x1  }
0x61b: {  	v16 =	vmax.f32 v16, v18  }
0x61c: {  	vm0 =	vgt.f32 v17, v16;
	v19 =	vmax.f32 v19, v17;
	v18 =	vmov v17;
	v17 =	vld.idx.msk [tilespmem:v20+s1+$0x0], $0xffff  }
0x61d: {  	_ =	sdelay $0x2  }
0x61e: {  	v19 =	vsel vm0, v16, v19;
	v18 =	vmax.f32 v16, v18  }
0x61f: {  	vm15 =	vgt.f32 v17, v18;
	v16 =	vmax.f32 v19, v17  }
0x620: {  	v17 =	vmax.f32 v18, v17;
	v16 =	vsel vm15, v18, v16  }
0x621: {  	v18 =	vsub.f32 v16, v17;
	_ =	sdelay $0x1  }
0x622: {  	v18 =	vmul.f32 $1.442695020e+00, v18;
	_ =	sdelay $0x1  }
0x623: {  	(erf) = vpow2.f32 v18;
	_ =	sdelay $0x8  }
0x624: {  	v18 =	vpop (erf)  }
0x625: {  	v18 =	vadd.f32 $1.000000000e+00, v18;
	_ =	sdelay $0x1  }
0x626: {  	s16 =	simm.s32 $0x0;
	(erf) = vrcp.f32 v18  }
0x627: {  	v20 =	vor.u32 s16, v5;
	_ =	sdelay $0x4  }
0x628: {  	v22 =	vld.idx.msk [tilespmem:v20+s16+$0x0], $0xffff;
	_ =	sdelay $0x2  }
0x629: {  	s15 =	simm.s32 $0x1;
	v18 =	vpop (erf)  }
0x62a: {  	s17 =	simm.s32 $0x2;
	v21 =	vor.u32 s15, v5;
	v19 =	vsub.f32 $1.000000000e+00, v18  }
.LBB2_152:
0x62b: {  	p0 =	sne.s32 s17, $0x3F;
	vm0 =	veq.f32 v22, v16  }
0x62c: {  	vm1 =	veq.f32 v22, v17;
	v22 =	vnsel vm0, $0x0, v19  }
0x62d: {  	v22 =	vsel vm1, v18, v22  }
0x62e: {  	[tilespmem:v20+s13+$0x0] =	vst.idx.msk $0xffff, v22;
	v20 =	vmov v21  }
0x62f: {  	v22 =	vld.idx.msk [tilespmem:v21+s16+$0x0], $0xffff  }
.Ltmp75:
0x630: {  	(pc) =	sbr.rel @p0 .LBB2_152-.Ltmp75, $2  }
0x631: {  	_ =	sdelay $0x2  }
0x632: {  	v21 =	vor.u32 s17, v5;
	s17 =	sadd.s32 $0x1, s17  }
0x633: {  	_ = 	snop  }
0x634: {  	vm0 =	veq.f32 v22, v16  }
0x635: {  	vm1 =	veq.f32 v22, v17;
	v62 =	vnsel vm0, $0x0, v19  }
0x636: {  	v22 =	vsel vm1, v18, v62  }
0x637: {  	[tilespmem:v20+s13+$0x0] =	vst.idx.msk $0xffff, v22  }
0x638: {  	v20 =	vld.idx.msk [tilespmem:v21+s16+$0x0], $0xffff;
	_ =	sdelay $0x3  }
0x639: {  	v63 =	vor.u32 s16, v6  }
0x63a: {  	vm0 =	veq.f32 v20, v16  }
0x63b: {  	vm1 =	veq.f32 v20, v17;
	v16 =	vnsel vm0, $0x0, v19  }
0x63c: {  	v16 =	vsel vm1, v18, v16  }
0x63d: {  	[tilespmem:v21+s13+$0x0] =	vst.idx.msk $0xffff, v16  }
0x63e: {  	v17 =	vor.u32 s15, v6;
	v18 =	vld.idx.msk [tilespmem:v63+s1+$0x0], $0xffff;
	_ =	sdelay $0x3  }
0x63f: {  	v16 =	vimm.f32 $-Inf  }
0x640: {  	s15 =	simm.s32 $0x2;
	v17 =	vld.idx.msk [tilespmem:v17+s1+$0x0], $0xffff;
	vm0 =	vgt.f32 v18, v16;
	v19 =	vmax.f32 v16, v18  }
.LBB2_154:
0x641: {  	v20 =	vor.u32 s15, v6;
	p0 =	sne.s32 s15, $0x3F;
	s15 =	sadd.s32 $0x1, s15;
	v19 =	vsel vm0, v16, v19  }
.Ltmp76:
0x642: {  	(pc) =	sbr.rel @p0 .LBB2_154-.Ltmp76, $3  }
0x643: {  	_ =	sdelay $0x1  }
0x644: {  	v16 =	vmax.f32 v16, v18  }
0x645: {  	vm0 =	vgt.f32 v17, v16;
	v19 =	vmax.f32 v19, v17;
	v18 =	vmov v17;
	v17 =	vld.idx.msk [tilespmem:v20+s1+$0x0], $0xffff  }
0x646: {  	_ =	sdelay $0x2  }
0x647: {  	v19 =	vsel vm0, v16, v19;
	v18 =	vmax.f32 v16, v18  }
0x648: {  	vm15 =	vgt.f32 v17, v18;
	v16 =	vmax.f32 v19, v17  }
0x649: {  	v17 =	vmax.f32 v18, v17;
	v16 =	vsel vm15, v18, v16  }
0x64a: {  	v18 =	vsub.f32 v16, v17;
	_ =	sdelay $0x1  }
0x64b: {  	v18 =	vmul.f32 $1.442695020e+00, v18;
	_ =	sdelay $0x1  }
0x64c: {  	(erf) = vpow2.f32 v18;
	_ =	sdelay $0x8  }
0x64d: {  	v18 =	vpop (erf)  }
0x64e: {  	v18 =	vadd.f32 $1.000000000e+00, v18;
	_ =	sdelay $0x1  }
0x64f: {  	s16 =	simm.s32 $0x0;
	(erf) = vrcp.f32 v18  }
0x650: {  	v20 =	vor.u32 s16, v6;
	_ =	sdelay $0x4  }
0x651: {  	v22 =	vld.idx.msk [tilespmem:v20+s16+$0x0], $0xffff;
	_ =	sdelay $0x2  }
0x652: {  	s15 =	simm.s32 $0x1;
	v18 =	vpop (erf)  }
0x653: {  	s17 =	simm.s32 $0x2;
	v21 =	vor.u32 s15, v6;
	v19 =	vsub.f32 $1.000000000e+00, v18  }
.LBB2_156:
0x654: {  	p0 =	sne.s32 s17, $0x3F;
	vm0 =	veq.f32 v22, v16  }
0x655: {  	vm1 =	veq.f32 v22, v17;
	v22 =	vnsel vm0, $0x0, v19  }
0x656: {  	v22 =	vsel vm1, v18, v22  }
0x657: {  	[tilespmem:v20+s13+$0x0] =	vst.idx.msk $0xffff, v22;
	v20 =	vmov v21  }
0x658: {  	v22 =	vld.idx.msk [tilespmem:v21+s16+$0x0], $0xffff  }
.Ltmp77:
0x659: {  	(pc) =	sbr.rel @p0 .LBB2_156-.Ltmp77, $2  }
0x65a: {  	_ =	sdelay $0x2  }
0x65b: {  	v21 =	vor.u32 s17, v6;
	s17 =	sadd.s32 $0x1, s17  }
0x65c: {  	_ = 	snop  }
0x65d: {  	vm0 =	veq.f32 v22, v16  }
0x65e: {  	vm1 =	veq.f32 v22, v17;
	v62 =	vnsel vm0, $0x0, v19  }
0x65f: {  	v22 =	vsel vm1, v18, v62  }
0x660: {  	[tilespmem:v20+s13+$0x0] =	vst.idx.msk $0xffff, v22  }
0x661: {  	v20 =	vld.idx.msk [tilespmem:v21+s16+$0x0], $0xffff;
	_ =	sdelay $0x3  }
0x662: {  	v63 =	vor.u32 s16, v7  }
0x663: {  	vm0 =	veq.f32 v20, v16  }
0x664: {  	vm1 =	veq.f32 v20, v17;
	v16 =	vnsel vm0, $0x0, v19  }
0x665: {  	v16 =	vsel vm1, v18, v16  }
0x666: {  	[tilespmem:v21+s13+$0x0] =	vst.idx.msk $0xffff, v16  }
0x667: {  	v17 =	vor.u32 s15, v7;
	v18 =	vld.idx.msk [tilespmem:v63+s1+$0x0], $0xffff;
	_ =	sdelay $0x3  }
0x668: {  	v16 =	vimm.f32 $-Inf  }
0x669: {  	s15 =	simm.s32 $0x2;
	v17 =	vld.idx.msk [tilespmem:v17+s1+$0x0], $0xffff;
	vm0 =	vgt.f32 v18, v16;
	v19 =	vmax.f32 v16, v18  }
.LBB2_158:
0x66a: {  	v20 =	vor.u32 s15, v7;
	p0 =	sne.s32 s15, $0x3F;
	s15 =	sadd.s32 $0x1, s15;
	v19 =	vsel vm0, v16, v19  }
.Ltmp78:
0x66b: {  	(pc) =	sbr.rel @p0 .LBB2_158-.Ltmp78, $3  }
0x66c: {  	_ =	sdelay $0x1  }
0x66d: {  	v16 =	vmax.f32 v16, v18  }
0x66e: {  	vm0 =	vgt.f32 v17, v16;
	v19 =	vmax.f32 v19, v17;
	v18 =	vmov v17;
	v17 =	vld.idx.msk [tilespmem:v20+s1+$0x0], $0xffff  }
0x66f: {  	_ =	sdelay $0x2  }
0x670: {  	v19 =	vsel vm0, v16, v19;
	v18 =	vmax.f32 v16, v18  }
0x671: {  	vm15 =	vgt.f32 v17, v18;
	v16 =	vmax.f32 v19, v17  }
0x672: {  	v17 =	vmax.f32 v18, v17;
	v16 =	vsel vm15, v18, v16  }
0x673: {  	v18 =	vsub.f32 v16, v17;
	_ =	sdelay $0x1  }
0x674: {  	v18 =	vmul.f32 $1.442695020e+00, v18;
	_ =	sdelay $0x1  }
0x675: {  	(erf) = vpow2.f32 v18;
	_ =	sdelay $0x8  }
0x676: {  	v18 =	vpop (erf)  }
0x677: {  	v18 =	vadd.f32 $1.000000000e+00, v18;
	_ =	sdelay $0x1  }
0x678: {  	s16 =	simm.s32 $0x0;
	(erf) = vrcp.f32 v18  }
0x679: {  	v20 =	vor.u32 s16, v7;
	_ =	sdelay $0x4  }
0x67a: {  	v22 =	vld.idx.msk [tilespmem:v20+s16+$0x0], $0xffff;
	_ =	sdelay $0x2  }
0x67b: {  	s15 =	simm.s32 $0x1;
	v18 =	vpop (erf)  }
0x67c: {  	s17 =	simm.s32 $0x2;
	v21 =	vor.u32 s15, v7;
	v19 =	vsub.f32 $1.000000000e+00, v18  }
.LBB2_160:
0x67d: {  	p0 =	sne.s32 s17, $0x3F;
	vm0 =	veq.f32 v22, v16  }
0x67e: {  	vm1 =	veq.f32 v22, v17;
	v22 =	vnsel vm0, $0x0, v19  }
0x67f: {  	v22 =	vsel vm1, v18, v22  }
0x680: {  	[tilespmem:v20+s13+$0x0] =	vst.idx.msk $0xffff, v22;
	v20 =	vmov v21  }
0x681: {  	v22 =	vld.idx.msk [tilespmem:v21+s16+$0x0], $0xffff  }
.Ltmp79:
0x682: {  	(pc) =	sbr.rel @p0 .LBB2_160-.Ltmp79, $2  }
0x683: {  	_ =	sdelay $0x2  }
0x684: {  	v21 =	vor.u32 s17, v7;
	s17 =	sadd.s32 $0x1, s17  }
0x685: {  	_ = 	snop  }
0x686: {  	vm0 =	veq.f32 v22, v16  }
0x687: {  	vm1 =	veq.f32 v22, v17;
	v62 =	vnsel vm0, $0x0, v19  }
0x688: {  	v22 =	vsel vm1, v18, v62  }
0x689: {  	[tilespmem:v20+s13+$0x0] =	vst.idx.msk $0xffff, v22  }
0x68a: {  	v20 =	vld.idx.msk [tilespmem:v21+s16+$0x0], $0xffff;
	_ =	sdelay $0x3  }
0x68b: {  	v63 =	vor.u32 s16, v8  }
0x68c: {  	vm0 =	veq.f32 v20, v16  }
0x68d: {  	vm1 =	veq.f32 v20, v17;
	v16 =	vnsel vm0, $0x0, v19  }
0x68e: {  	v16 =	vsel vm1, v18, v16  }
0x68f: {  	[tilespmem:v21+s13+$0x0] =	vst.idx.msk $0xffff, v16  }
0x690: {  	v17 =	vor.u32 s15, v8;
	v18 =	vld.idx.msk [tilespmem:v63+s1+$0x0], $0xffff;
	_ =	sdelay $0x3  }
0x691: {  	v16 =	vimm.f32 $-Inf  }
0x692: {  	s15 =	simm.s32 $0x2;
	v17 =	vld.idx.msk [tilespmem:v17+s1+$0x0], $0xffff;
	vm0 =	vgt.f32 v18, v16;
	v19 =	vmax.f32 v16, v18  }
.LBB2_162:
0x693: {  	v20 =	vor.u32 s15, v8;
	p0 =	sne.s32 s15, $0x3F;
	s15 =	sadd.s32 $0x1, s15;
	v19 =	vsel vm0, v16, v19  }
.Ltmp80:
0x694: {  	(pc) =	sbr.rel @p0 .LBB2_162-.Ltmp80, $3  }
0x695: {  	_ =	sdelay $0x1  }
0x696: {  	v16 =	vmax.f32 v16, v18  }
0x697: {  	vm0 =	vgt.f32 v17, v16;
	v19 =	vmax.f32 v19, v17;
	v18 =	vmov v17;
	v17 =	vld.idx.msk [tilespmem:v20+s1+$0x0], $0xffff  }
0x698: {  	_ =	sdelay $0x2  }
0x699: {  	v19 =	vsel vm0, v16, v19;
	v18 =	vmax.f32 v16, v18  }
0x69a: {  	vm15 =	vgt.f32 v17, v18;
	v16 =	vmax.f32 v19, v17  }
0x69b: {  	v17 =	vmax.f32 v18, v17;
	v16 =	vsel vm15, v18, v16  }
0x69c: {  	v18 =	vsub.f32 v16, v17;
	_ =	sdelay $0x1  }
0x69d: {  	v18 =	vmul.f32 $1.442695020e+00, v18;
	_ =	sdelay $0x1  }
0x69e: {  	(erf) = vpow2.f32 v18;
	_ =	sdelay $0x8  }
0x69f: {  	v18 =	vpop (erf)  }
0x6a0: {  	v18 =	vadd.f32 $1.000000000e+00, v18;
	_ =	sdelay $0x1  }
0x6a1: {  	s16 =	simm.s32 $0x0;
	(erf) = vrcp.f32 v18  }
0x6a2: {  	v20 =	vor.u32 s16, v8;
	_ =	sdelay $0x4  }
0x6a3: {  	v22 =	vld.idx.msk [tilespmem:v20+s16+$0x0], $0xffff;
	_ =	sdelay $0x2  }
0x6a4: {  	s15 =	simm.s32 $0x1;
	v18 =	vpop (erf)  }
0x6a5: {  	s17 =	simm.s32 $0x2;
	v21 =	vor.u32 s15, v8;
	v19 =	vsub.f32 $1.000000000e+00, v18  }
.LBB2_164:
0x6a6: {  	p0 =	sne.s32 s17, $0x3F;
	vm0 =	veq.f32 v22, v16  }
0x6a7: {  	vm1 =	veq.f32 v22, v17;
	v22 =	vnsel vm0, $0x0, v19  }
0x6a8: {  	v22 =	vsel vm1, v18, v22  }
0x6a9: {  	[tilespmem:v20+s13+$0x0] =	vst.idx.msk $0xffff, v22;
	v20 =	vmov v21  }
0x6aa: {  	v22 =	vld.idx.msk [tilespmem:v21+s16+$0x0], $0xffff  }
.Ltmp81:
0x6ab: {  	(pc) =	sbr.rel @p0 .LBB2_164-.Ltmp81, $2  }
0x6ac: {  	_ =	sdelay $0x2  }
0x6ad: {  	v21 =	vor.u32 s17, v8;
	s17 =	sadd.s32 $0x1, s17  }
0x6ae: {  	_ = 	snop  }
0x6af: {  	vm0 =	veq.f32 v22, v16  }
0x6b0: {  	vm1 =	veq.f32 v22, v17;
	v62 =	vnsel vm0, $0x0, v19  }
0x6b1: {  	v22 =	vsel vm1, v18, v62  }
0x6b2: {  	[tilespmem:v20+s13+$0x0] =	vst.idx.msk $0xffff, v22  }
0x6b3: {  	v20 =	vld.idx.msk [tilespmem:v21+s16+$0x0], $0xffff;
	_ =	sdelay $0x3  }
0x6b4: {  	v63 =	vor.u32 s16, v9  }
0x6b5: {  	vm0 =	veq.f32 v20, v16  }
0x6b6: {  	vm1 =	veq.f32 v20, v17;
	v16 =	vnsel vm0, $0x0, v19  }
0x6b7: {  	v16 =	vsel vm1, v18, v16  }
0x6b8: {  	[tilespmem:v21+s13+$0x0] =	vst.idx.msk $0xffff, v16  }
0x6b9: {  	v17 =	vor.u32 s15, v9;
	v18 =	vld.idx.msk [tilespmem:v63+s1+$0x0], $0xffff;
	_ =	sdelay $0x3  }
0x6ba: {  	v16 =	vimm.f32 $-Inf  }
0x6bb: {  	s15 =	simm.s32 $0x2;
	v17 =	vld.idx.msk [tilespmem:v17+s1+$0x0], $0xffff;
	vm0 =	vgt.f32 v18, v16;
	v19 =	vmax.f32 v16, v18  }
.LBB2_166:
0x6bc: {  	v20 =	vor.u32 s15, v9;
	p0 =	sne.s32 s15, $0x3F;
	s15 =	sadd.s32 $0x1, s15;
	v19 =	vsel vm0, v16, v19  }
.Ltmp82:
0x6bd: {  	(pc) =	sbr.rel @p0 .LBB2_166-.Ltmp82, $3  }
0x6be: {  	_ =	sdelay $0x1  }
0x6bf: {  	v16 =	vmax.f32 v16, v18  }
0x6c0: {  	vm0 =	vgt.f32 v17, v16;
	v19 =	vmax.f32 v19, v17;
	v18 =	vmov v17;
	v17 =	vld.idx.msk [tilespmem:v20+s1+$0x0], $0xffff  }
0x6c1: {  	_ =	sdelay $0x2  }
0x6c2: {  	v19 =	vsel vm0, v16, v19;
	v18 =	vmax.f32 v16, v18  }
0x6c3: {  	vm15 =	vgt.f32 v17, v18;
	v16 =	vmax.f32 v19, v17  }
0x6c4: {  	v17 =	vmax.f32 v18, v17;
	v16 =	vsel vm15, v18, v16  }
0x6c5: {  	v18 =	vsub.f32 v16, v17;
	_ =	sdelay $0x1  }
0x6c6: {  	v18 =	vmul.f32 $1.442695020e+00, v18;
	_ =	sdelay $0x1  }
0x6c7: {  	(erf) = vpow2.f32 v18;
	_ =	sdelay $0x8  }
0x6c8: {  	v18 =	vpop (erf)  }
0x6c9: {  	v18 =	vadd.f32 $1.000000000e+00, v18;
	_ =	sdelay $0x1  }
0x6ca: {  	s16 =	simm.s32 $0x0;
	(erf) = vrcp.f32 v18  }
0x6cb: {  	v20 =	vor.u32 s16, v9;
	_ =	sdelay $0x4  }
0x6cc: {  	v22 =	vld.idx.msk [tilespmem:v20+s16+$0x0], $0xffff;
	_ =	sdelay $0x2  }
0x6cd: {  	s15 =	simm.s32 $0x1;
	v18 =	vpop (erf)  }
0x6ce: {  	s17 =	simm.s32 $0x2;
	v21 =	vor.u32 s15, v9;
	v19 =	vsub.f32 $1.000000000e+00, v18  }
.LBB2_168:
0x6cf: {  	p0 =	sne.s32 s17, $0x3F;
	vm0 =	veq.f32 v22, v16  }
0x6d0: {  	vm1 =	veq.f32 v22, v17;
	v22 =	vnsel vm0, $0x0, v19  }
0x6d1: {  	v22 =	vsel vm1, v18, v22  }
0x6d2: {  	[tilespmem:v20+s13+$0x0] =	vst.idx.msk $0xffff, v22;
	v20 =	vmov v21  }
0x6d3: {  	v22 =	vld.idx.msk [tilespmem:v21+s16+$0x0], $0xffff  }
.Ltmp83:
0x6d4: {  	(pc) =	sbr.rel @p0 .LBB2_168-.Ltmp83, $2  }
0x6d5: {  	_ =	sdelay $0x2  }
0x6d6: {  	v21 =	vor.u32 s17, v9;
	s17 =	sadd.s32 $0x1, s17  }
0x6d7: {  	_ = 	snop  }
0x6d8: {  	vm0 =	veq.f32 v22, v16  }
0x6d9: {  	vm1 =	veq.f32 v22, v17;
	v62 =	vnsel vm0, $0x0, v19  }
0x6da: {  	v22 =	vsel vm1, v18, v62  }
0x6db: {  	[tilespmem:v20+s13+$0x0] =	vst.idx.msk $0xffff, v22  }
0x6dc: {  	v20 =	vld.idx.msk [tilespmem:v21+s16+$0x0], $0xffff;
	_ =	sdelay $0x3  }
0x6dd: {  	v63 =	vor.u32 s16, v10  }
0x6de: {  	vm0 =	veq.f32 v20, v16  }
0x6df: {  	vm1 =	veq.f32 v20, v17;
	v16 =	vnsel vm0, $0x0, v19  }
0x6e0: {  	v16 =	vsel vm1, v18, v16  }
0x6e1: {  	[tilespmem:v21+s13+$0x0] =	vst.idx.msk $0xffff, v16  }
0x6e2: {  	v17 =	vor.u32 s15, v10;
	v18 =	vld.idx.msk [tilespmem:v63+s1+$0x0], $0xffff;
	_ =	sdelay $0x3  }
0x6e3: {  	v16 =	vimm.f32 $-Inf  }
0x6e4: {  	s15 =	simm.s32 $0x2;
	v17 =	vld.idx.msk [tilespmem:v17+s1+$0x0], $0xffff;
	vm0 =	vgt.f32 v18, v16;
	v19 =	vmax.f32 v16, v18  }
.LBB2_170:
0x6e5: {  	v20 =	vor.u32 s15, v10;
	p0 =	sne.s32 s15, $0x3F;
	s15 =	sadd.s32 $0x1, s15;
	v19 =	vsel vm0, v16, v19  }
.Ltmp84:
0x6e6: {  	(pc) =	sbr.rel @p0 .LBB2_170-.Ltmp84, $3  }
0x6e7: {  	_ =	sdelay $0x1  }
0x6e8: {  	v16 =	vmax.f32 v16, v18  }
0x6e9: {  	vm0 =	vgt.f32 v17, v16;
	v19 =	vmax.f32 v19, v17;
	v18 =	vmov v17;
	v17 =	vld.idx.msk [tilespmem:v20+s1+$0x0], $0xffff  }
0x6ea: {  	_ =	sdelay $0x2  }
0x6eb: {  	v19 =	vsel vm0, v16, v19;
	v18 =	vmax.f32 v16, v18  }
0x6ec: {  	vm15 =	vgt.f32 v17, v18;
	v16 =	vmax.f32 v19, v17  }
0x6ed: {  	v17 =	vmax.f32 v18, v17;
	v16 =	vsel vm15, v18, v16  }
0x6ee: {  	v18 =	vsub.f32 v16, v17;
	_ =	sdelay $0x1  }
0x6ef: {  	v18 =	vmul.f32 $1.442695020e+00, v18;
	_ =	sdelay $0x1  }
0x6f0: {  	(erf) = vpow2.f32 v18;
	_ =	sdelay $0x8  }
0x6f1: {  	v18 =	vpop (erf)  }
0x6f2: {  	v18 =	vadd.f32 $1.000000000e+00, v18;
	_ =	sdelay $0x1  }
0x6f3: {  	s16 =	simm.s32 $0x0;
	(erf) = vrcp.f32 v18  }
0x6f4: {  	v20 =	vor.u32 s16, v10;
	_ =	sdelay $0x4  }
0x6f5: {  	v22 =	vld.idx.msk [tilespmem:v20+s16+$0x0], $0xffff;
	_ =	sdelay $0x2  }
0x6f6: {  	s15 =	simm.s32 $0x1;
	v18 =	vpop (erf)  }
0x6f7: {  	s17 =	simm.s32 $0x2;
	v21 =	vor.u32 s15, v10;
	v19 =	vsub.f32 $1.000000000e+00, v18  }
.LBB2_172:
0x6f8: {  	p0 =	sne.s32 s17, $0x3F;
	vm0 =	veq.f32 v22, v16  }
0x6f9: {  	vm1 =	veq.f32 v22, v17;
	v22 =	vnsel vm0, $0x0, v19  }
0x6fa: {  	v22 =	vsel vm1, v18, v22  }
0x6fb: {  	[tilespmem:v20+s13+$0x0] =	vst.idx.msk $0xffff, v22;
	v20 =	vmov v21  }
0x6fc: {  	v22 =	vld.idx.msk [tilespmem:v21+s16+$0x0], $0xffff  }
.Ltmp85:
0x6fd: {  	(pc) =	sbr.rel @p0 .LBB2_172-.Ltmp85, $2  }
0x6fe: {  	_ =	sdelay $0x2  }
0x6ff: {  	v21 =	vor.u32 s17, v10;
	s17 =	sadd.s32 $0x1, s17  }
0x700: {  	_ = 	snop  }
0x701: {  	vm0 =	veq.f32 v22, v16  }
0x702: {  	vm1 =	veq.f32 v22, v17;
	v62 =	vnsel vm0, $0x0, v19  }
0x703: {  	v22 =	vsel vm1, v18, v62  }
0x704: {  	[tilespmem:v20+s13+$0x0] =	vst.idx.msk $0xffff, v22  }
0x705: {  	v20 =	vld.idx.msk [tilespmem:v21+s16+$0x0], $0xffff;
	_ =	sdelay $0x3  }
0x706: {  	v63 =	vor.u32 s16, v11  }
0x707: {  	vm0 =	veq.f32 v20, v16  }
0x708: {  	vm1 =	veq.f32 v20, v17;
	v16 =	vnsel vm0, $0x0, v19  }
0x709: {  	v16 =	vsel vm1, v18, v16  }
0x70a: {  	[tilespmem:v21+s13+$0x0] =	vst.idx.msk $0xffff, v16  }
0x70b: {  	v17 =	vor.u32 s15, v11;
	v18 =	vld.idx.msk [tilespmem:v63+s1+$0x0], $0xffff;
	_ =	sdelay $0x3  }
0x70c: {  	v16 =	vimm.f32 $-Inf  }
0x70d: {  	s15 =	simm.s32 $0x2;
	v17 =	vld.idx.msk [tilespmem:v17+s1+$0x0], $0xffff;
	vm0 =	vgt.f32 v18, v16;
	v19 =	vmax.f32 v16, v18  }
.LBB2_174:
0x70e: {  	v20 =	vor.u32 s15, v11;
	p0 =	sne.s32 s15, $0x3F;
	s15 =	sadd.s32 $0x1, s15;
	v19 =	vsel vm0, v16, v19  }
.Ltmp86:
0x70f: {  	(pc) =	sbr.rel @p0 .LBB2_174-.Ltmp86, $3  }
0x710: {  	_ =	sdelay $0x1  }
0x711: {  	v16 =	vmax.f32 v16, v18  }
0x712: {  	vm0 =	vgt.f32 v17, v16;
	v19 =	vmax.f32 v19, v17;
	v18 =	vmov v17;
	v17 =	vld.idx.msk [tilespmem:v20+s1+$0x0], $0xffff  }
0x713: {  	_ =	sdelay $0x2  }
0x714: {  	v19 =	vsel vm0, v16, v19;
	v18 =	vmax.f32 v16, v18  }
0x715: {  	vm15 =	vgt.f32 v17, v18;
	v16 =	vmax.f32 v19, v17  }
0x716: {  	v17 =	vmax.f32 v18, v17;
	v16 =	vsel vm15, v18, v16  }
0x717: {  	v18 =	vsub.f32 v16, v17;
	_ =	sdelay $0x1  }
0x718: {  	v18 =	vmul.f32 $1.442695020e+00, v18;
	_ =	sdelay $0x1  }
0x719: {  	(erf) = vpow2.f32 v18;
	_ =	sdelay $0x8  }
0x71a: {  	v18 =	vpop (erf)  }
0x71b: {  	v18 =	vadd.f32 $1.000000000e+00, v18;
	_ =	sdelay $0x1  }
0x71c: {  	s16 =	simm.s32 $0x0;
	(erf) = vrcp.f32 v18  }
0x71d: {  	v20 =	vor.u32 s16, v11;
	_ =	sdelay $0x4  }
0x71e: {  	v22 =	vld.idx.msk [tilespmem:v20+s16+$0x0], $0xffff;
	_ =	sdelay $0x2  }
0x71f: {  	s15 =	simm.s32 $0x1;
	v18 =	vpop (erf)  }
0x720: {  	s17 =	simm.s32 $0x2;
	v21 =	vor.u32 s15, v11;
	v19 =	vsub.f32 $1.000000000e+00, v18  }
.LBB2_176:
0x721: {  	p0 =	sne.s32 s17, $0x3F;
	vm0 =	veq.f32 v22, v16  }
0x722: {  	vm1 =	veq.f32 v22, v17;
	v22 =	vnsel vm0, $0x0, v19  }
0x723: {  	v22 =	vsel vm1, v18, v22  }
0x724: {  	[tilespmem:v20+s13+$0x0] =	vst.idx.msk $0xffff, v22;
	v20 =	vmov v21  }
0x725: {  	v22 =	vld.idx.msk [tilespmem:v21+s16+$0x0], $0xffff  }
.Ltmp87:
0x726: {  	(pc) =	sbr.rel @p0 .LBB2_176-.Ltmp87, $2  }
0x727: {  	_ =	sdelay $0x2  }
0x728: {  	v21 =	vor.u32 s17, v11;
	s17 =	sadd.s32 $0x1, s17  }
0x729: {  	_ = 	snop  }
0x72a: {  	vm0 =	veq.f32 v22, v16  }
0x72b: {  	vm1 =	veq.f32 v22, v17;
	v62 =	vnsel vm0, $0x0, v19  }
0x72c: {  	v22 =	vsel vm1, v18, v62  }
0x72d: {  	[tilespmem:v20+s13+$0x0] =	vst.idx.msk $0xffff, v22  }
0x72e: {  	v20 =	vld.idx.msk [tilespmem:v21+s16+$0x0], $0xffff;
	_ =	sdelay $0x3  }
0x72f: {  	v63 =	vor.u32 s16, v12  }
0x730: {  	vm0 =	veq.f32 v20, v16  }
0x731: {  	vm1 =	veq.f32 v20, v17;
	v16 =	vnsel vm0, $0x0, v19  }
0x732: {  	v16 =	vsel vm1, v18, v16  }
0x733: {  	[tilespmem:v21+s13+$0x0] =	vst.idx.msk $0xffff, v16  }
0x734: {  	v17 =	vor.u32 s15, v12;
	v18 =	vld.idx.msk [tilespmem:v63+s1+$0x0], $0xffff;
	_ =	sdelay $0x3  }
0x735: {  	v16 =	vimm.f32 $-Inf  }
0x736: {  	s15 =	simm.s32 $0x2;
	v17 =	vld.idx.msk [tilespmem:v17+s1+$0x0], $0xffff;
	vm0 =	vgt.f32 v18, v16;
	v19 =	vmax.f32 v16, v18  }
.LBB2_178:
0x737: {  	v20 =	vor.u32 s15, v12;
	p0 =	sne.s32 s15, $0x3F;
	s15 =	sadd.s32 $0x1, s15;
	v19 =	vsel vm0, v16, v19  }
.Ltmp88:
0x738: {  	(pc) =	sbr.rel @p0 .LBB2_178-.Ltmp88, $3  }
0x739: {  	_ =	sdelay $0x1  }
0x73a: {  	v16 =	vmax.f32 v16, v18  }
0x73b: {  	vm0 =	vgt.f32 v17, v16;
	v19 =	vmax.f32 v19, v17;
	v18 =	vmov v17;
	v17 =	vld.idx.msk [tilespmem:v20+s1+$0x0], $0xffff  }
0x73c: {  	_ =	sdelay $0x2  }
0x73d: {  	v19 =	vsel vm0, v16, v19;
	v18 =	vmax.f32 v16, v18  }
0x73e: {  	vm15 =	vgt.f32 v17, v18;
	v16 =	vmax.f32 v19, v17  }
0x73f: {  	v17 =	vmax.f32 v18, v17;
	v16 =	vsel vm15, v18, v16  }
0x740: {  	v18 =	vsub.f32 v16, v17;
	_ =	sdelay $0x1  }
0x741: {  	v18 =	vmul.f32 $1.442695020e+00, v18;
	_ =	sdelay $0x1  }
0x742: {  	(erf) = vpow2.f32 v18;
	_ =	sdelay $0x8  }
0x743: {  	v18 =	vpop (erf)  }
0x744: {  	v18 =	vadd.f32 $1.000000000e+00, v18;
	_ =	sdelay $0x1  }
0x745: {  	s16 =	simm.s32 $0x0;
	(erf) = vrcp.f32 v18  }
0x746: {  	v20 =	vor.u32 s16, v12;
	_ =	sdelay $0x4  }
0x747: {  	v22 =	vld.idx.msk [tilespmem:v20+s16+$0x0], $0xffff;
	_ =	sdelay $0x2  }
0x748: {  	s15 =	simm.s32 $0x1;
	v18 =	vpop (erf)  }
0x749: {  	s17 =	simm.s32 $0x2;
	v21 =	vor.u32 s15, v12;
	v19 =	vsub.f32 $1.000000000e+00, v18  }
.LBB2_180:
0x74a: {  	p0 =	sne.s32 s17, $0x3F;
	vm0 =	veq.f32 v22, v16  }
0x74b: {  	vm1 =	veq.f32 v22, v17;
	v22 =	vnsel vm0, $0x0, v19  }
0x74c: {  	v22 =	vsel vm1, v18, v22  }
0x74d: {  	[tilespmem:v20+s13+$0x0] =	vst.idx.msk $0xffff, v22;
	v20 =	vmov v21  }
0x74e: {  	v22 =	vld.idx.msk [tilespmem:v21+s16+$0x0], $0xffff  }
.Ltmp89:
0x74f: {  	(pc) =	sbr.rel @p0 .LBB2_180-.Ltmp89, $2  }
0x750: {  	_ =	sdelay $0x2  }
0x751: {  	v21 =	vor.u32 s17, v12;
	s17 =	sadd.s32 $0x1, s17  }
0x752: {  	_ = 	snop  }
0x753: {  	vm0 =	veq.f32 v22, v16  }
0x754: {  	vm1 =	veq.f32 v22, v17;
	v62 =	vnsel vm0, $0x0, v19  }
0x755: {  	v22 =	vsel vm1, v18, v62  }
0x756: {  	[tilespmem:v20+s13+$0x0] =	vst.idx.msk $0xffff, v22  }
0x757: {  	v20 =	vld.idx.msk [tilespmem:v21+s16+$0x0], $0xffff;
	_ =	sdelay $0x3  }
0x758: {  	v63 =	vor.u32 s16, v13  }
0x759: {  	vm0 =	veq.f32 v20, v16  }
0x75a: {  	vm1 =	veq.f32 v20, v17;
	v16 =	vnsel vm0, $0x0, v19  }
0x75b: {  	v16 =	vsel vm1, v18, v16  }
0x75c: {  	[tilespmem:v21+s13+$0x0] =	vst.idx.msk $0xffff, v16  }
0x75d: {  	v17 =	vor.u32 s15, v13;
	v18 =	vld.idx.msk [tilespmem:v63+s1+$0x0], $0xffff;
	_ =	sdelay $0x3  }
0x75e: {  	v16 =	vimm.f32 $-Inf  }
0x75f: {  	s15 =	simm.s32 $0x2;
	v17 =	vld.idx.msk [tilespmem:v17+s1+$0x0], $0xffff;
	vm0 =	vgt.f32 v18, v16;
	v19 =	vmax.f32 v16, v18  }
.LBB2_182:
0x760: {  	v20 =	vor.u32 s15, v13;
	p0 =	sne.s32 s15, $0x3F;
	s15 =	sadd.s32 $0x1, s15;
	v19 =	vsel vm0, v16, v19  }
.Ltmp90:
0x761: {  	(pc) =	sbr.rel @p0 .LBB2_182-.Ltmp90, $3  }
0x762: {  	_ =	sdelay $0x1  }
0x763: {  	v16 =	vmax.f32 v16, v18  }
0x764: {  	vm0 =	vgt.f32 v17, v16;
	v19 =	vmax.f32 v19, v17;
	v18 =	vmov v17;
	v17 =	vld.idx.msk [tilespmem:v20+s1+$0x0], $0xffff  }
0x765: {  	_ =	sdelay $0x2  }
0x766: {  	v19 =	vsel vm0, v16, v19;
	v18 =	vmax.f32 v16, v18  }
0x767: {  	vm15 =	vgt.f32 v17, v18;
	v16 =	vmax.f32 v19, v17  }
0x768: {  	v17 =	vmax.f32 v18, v17;
	v16 =	vsel vm15, v18, v16  }
0x769: {  	v18 =	vsub.f32 v16, v17;
	_ =	sdelay $0x1  }
0x76a: {  	v18 =	vmul.f32 $1.442695020e+00, v18;
	_ =	sdelay $0x1  }
0x76b: {  	(erf) = vpow2.f32 v18;
	_ =	sdelay $0x8  }
0x76c: {  	v18 =	vpop (erf)  }
0x76d: {  	v18 =	vadd.f32 $1.000000000e+00, v18;
	_ =	sdelay $0x1  }
0x76e: {  	s16 =	simm.s32 $0x0;
	(erf) = vrcp.f32 v18  }
0x76f: {  	v20 =	vor.u32 s16, v13;
	_ =	sdelay $0x4  }
0x770: {  	v22 =	vld.idx.msk [tilespmem:v20+s16+$0x0], $0xffff;
	_ =	sdelay $0x2  }
0x771: {  	s15 =	simm.s32 $0x1;
	v18 =	vpop (erf)  }
0x772: {  	s17 =	simm.s32 $0x2;
	v21 =	vor.u32 s15, v13;
	v19 =	vsub.f32 $1.000000000e+00, v18  }
.LBB2_184:
0x773: {  	p0 =	sne.s32 s17, $0x3F;
	vm0 =	veq.f32 v22, v16  }
0x774: {  	vm1 =	veq.f32 v22, v17;
	v22 =	vnsel vm0, $0x0, v19  }
0x775: {  	v22 =	vsel vm1, v18, v22  }
0x776: {  	[tilespmem:v20+s13+$0x0] =	vst.idx.msk $0xffff, v22;
	v20 =	vmov v21  }
0x777: {  	v22 =	vld.idx.msk [tilespmem:v21+s16+$0x0], $0xffff  }
.Ltmp91:
0x778: {  	(pc) =	sbr.rel @p0 .LBB2_184-.Ltmp91, $2  }
0x779: {  	_ =	sdelay $0x2  }
0x77a: {  	v21 =	vor.u32 s17, v13;
	s17 =	sadd.s32 $0x1, s17  }
0x77b: {  	_ = 	snop  }
0x77c: {  	vm0 =	veq.f32 v22, v16  }
0x77d: {  	vm1 =	veq.f32 v22, v17;
	v62 =	vnsel vm0, $0x0, v19  }
0x77e: {  	v22 =	vsel vm1, v18, v62  }
0x77f: {  	[tilespmem:v20+s13+$0x0] =	vst.idx.msk $0xffff, v22  }
0x780: {  	v20 =	vld.idx.msk [tilespmem:v21+s16+$0x0], $0xffff;
	_ =	sdelay $0x3  }
0x781: {  	v63 =	vor.u32 s16, v14  }
0x782: {  	vm0 =	veq.f32 v20, v16  }
0x783: {  	vm1 =	veq.f32 v20, v17;
	v16 =	vnsel vm0, $0x0, v19  }
0x784: {  	v16 =	vsel vm1, v18, v16  }
0x785: {  	[tilespmem:v21+s13+$0x0] =	vst.idx.msk $0xffff, v16  }
0x786: {  	v17 =	vor.u32 s15, v14;
	v18 =	vld.idx.msk [tilespmem:v63+s1+$0x0], $0xffff;
	_ =	sdelay $0x3  }
0x787: {  	v16 =	vimm.f32 $-Inf  }
0x788: {  	s15 =	simm.s32 $0x2;
	v17 =	vld.idx.msk [tilespmem:v17+s1+$0x0], $0xffff;
	vm0 =	vgt.f32 v18, v16;
	v19 =	vmax.f32 v16, v18  }
.LBB2_186:
0x789: {  	v20 =	vor.u32 s15, v14;
	p0 =	sne.s32 s15, $0x3F;
	s15 =	sadd.s32 $0x1, s15;
	v19 =	vsel vm0, v16, v19  }
.Ltmp92:
0x78a: {  	(pc) =	sbr.rel @p0 .LBB2_186-.Ltmp92, $3  }
0x78b: {  	_ =	sdelay $0x1  }
0x78c: {  	v16 =	vmax.f32 v16, v18  }
0x78d: {  	vm0 =	vgt.f32 v17, v16;
	v19 =	vmax.f32 v19, v17;
	v18 =	vmov v17;
	v17 =	vld.idx.msk [tilespmem:v20+s1+$0x0], $0xffff  }
0x78e: {  	_ =	sdelay $0x2  }
0x78f: {  	v19 =	vsel vm0, v16, v19;
	v18 =	vmax.f32 v16, v18  }
0x790: {  	vm15 =	vgt.f32 v17, v18;
	v16 =	vmax.f32 v19, v17  }
0x791: {  	v17 =	vmax.f32 v18, v17;
	v16 =	vsel vm15, v18, v16  }
0x792: {  	v18 =	vsub.f32 v16, v17;
	_ =	sdelay $0x1  }
0x793: {  	v18 =	vmul.f32 $1.442695020e+00, v18;
	_ =	sdelay $0x1  }
0x794: {  	(erf) = vpow2.f32 v18;
	_ =	sdelay $0x8  }
0x795: {  	v18 =	vpop (erf)  }
0x796: {  	v18 =	vadd.f32 $1.000000000e+00, v18;
	_ =	sdelay $0x1  }
0x797: {  	s16 =	simm.s32 $0x0;
	(erf) = vrcp.f32 v18  }
0x798: {  	v20 =	vor.u32 s16, v14;
	_ =	sdelay $0x4  }
0x799: {  	v22 =	vld.idx.msk [tilespmem:v20+s16+$0x0], $0xffff;
	_ =	sdelay $0x2  }
0x79a: {  	s15 =	simm.s32 $0x1;
	v18 =	vpop (erf)  }
0x79b: {  	s17 =	simm.s32 $0x2;
	v21 =	vor.u32 s15, v14;
	v19 =	vsub.f32 $1.000000000e+00, v18  }
.LBB2_188:
0x79c: {  	p0 =	sne.s32 s17, $0x3F;
	vm0 =	veq.f32 v22, v16  }
0x79d: {  	vm1 =	veq.f32 v22, v17;
	v22 =	vnsel vm0, $0x0, v19  }
0x79e: {  	v22 =	vsel vm1, v18, v22  }
0x79f: {  	[tilespmem:v20+s13+$0x0] =	vst.idx.msk $0xffff, v22;
	v20 =	vmov v21  }
0x7a0: {  	v22 =	vld.idx.msk [tilespmem:v21+s16+$0x0], $0xffff  }
.Ltmp93:
0x7a1: {  	(pc) =	sbr.rel @p0 .LBB2_188-.Ltmp93, $2  }
0x7a2: {  	_ =	sdelay $0x2  }
0x7a3: {  	v21 =	vor.u32 s17, v14;
	s17 =	sadd.s32 $0x1, s17  }
0x7a4: {  	_ = 	snop  }
0x7a5: {  	vm0 =	veq.f32 v22, v16  }
0x7a6: {  	vm1 =	veq.f32 v22, v17;
	v62 =	vnsel vm0, $0x0, v19  }
0x7a7: {  	v22 =	vsel vm1, v18, v62  }
0x7a8: {  	[tilespmem:v20+s13+$0x0] =	vst.idx.msk $0xffff, v22  }
0x7a9: {  	v20 =	vld.idx.msk [tilespmem:v21+s16+$0x0], $0xffff;
	_ =	sdelay $0x3  }
0x7aa: {  	v63 =	vor.u32 s16, v15  }
0x7ab: {  	vm0 =	veq.f32 v20, v16  }
0x7ac: {  	vm1 =	veq.f32 v20, v17;
	v16 =	vnsel vm0, $0x0, v19  }
0x7ad: {  	v16 =	vsel vm1, v18, v16  }
0x7ae: {  	[tilespmem:v21+s13+$0x0] =	vst.idx.msk $0xffff, v16  }
0x7af: {  	v17 =	vor.u32 s15, v15;
	v18 =	vld.idx.msk [tilespmem:v63+s1+$0x0], $0xffff;
	_ =	sdelay $0x3  }
0x7b0: {  	v16 =	vimm.f32 $-Inf  }
0x7b1: {  	s15 =	simm.s32 $0x2;
	v17 =	vld.idx.msk [tilespmem:v17+s1+$0x0], $0xffff;
	vm0 =	vgt.f32 v18, v16;
	v19 =	vmax.f32 v16, v18  }
.LBB2_190:
0x7b2: {  	v20 =	vor.u32 s15, v15;
	p0 =	sne.s32 s15, $0x3F;
	s15 =	sadd.s32 $0x1, s15;
	v19 =	vsel vm0, v16, v19  }
.Ltmp94:
0x7b3: {  	(pc) =	sbr.rel @p0 .LBB2_190-.Ltmp94, $3  }
0x7b4: {  	_ =	sdelay $0x1  }
0x7b5: {  	v16 =	vmax.f32 v16, v18  }
0x7b6: {  	vm0 =	vgt.f32 v17, v16;
	v19 =	vmax.f32 v19, v17;
	v18 =	vmov v17;
	v17 =	vld.idx.msk [tilespmem:v20+s1+$0x0], $0xffff  }
0x7b7: {  	_ =	sdelay $0x2  }
0x7b8: {  	v19 =	vsel vm0, v16, v19;
	v18 =	vmax.f32 v16, v18  }
0x7b9: {  	vm15 =	vgt.f32 v17, v18;
	v16 =	vmax.f32 v19, v17  }
0x7ba: {  	v17 =	vmax.f32 v18, v17;
	v16 =	vsel vm15, v18, v16  }
0x7bb: {  	v18 =	vsub.f32 v16, v17;
	_ =	sdelay $0x1  }
0x7bc: {  	v18 =	vmul.f32 $1.442695020e+00, v18;
	_ =	sdelay $0x1  }
0x7bd: {  	(erf) = vpow2.f32 v18;
	_ =	sdelay $0x8  }
0x7be: {  	v18 =	vpop (erf)  }
0x7bf: {  	v18 =	vadd.f32 $1.000000000e+00, v18;
	_ =	sdelay $0x1  }
0x7c0: {  	s15 =	simm.s32 $0x0;
	(erf) = vrcp.f32 v18  }
0x7c1: {  	v20 =	vor.u32 s15, v15;
	_ =	sdelay $0x4  }
0x7c2: {  	v22 =	vld.idx.msk [tilespmem:v20+s1+$0x0], $0xffff;
	_ =	sdelay $0x2  }
0x7c3: {  	s31 =	simm.s32 $0x1;
	v18 =	vpop (erf)  }
0x7c4: {  	v21 =	vor.u32 s31, v15;
	s15 =	simm.s32 $0x2;
	v19 =	vsub.f32 $1.000000000e+00, v18  }
.LBB2_192:
0x7c5: {  	p0 =	sne.s32 s15, $0x3F;
	vm0 =	veq.f32 v22, v16  }
0x7c6: {  	vm1 =	veq.f32 v22, v17;
	v22 =	vnsel vm0, $0x0, v19  }
0x7c7: {  	v22 =	vsel vm1, v18, v22  }
0x7c8: {  	[tilespmem:v20+s13+$0x0] =	vst.idx.msk $0xffff, v22;
	v20 =	vmov v21  }
0x7c9: {  	v22 =	vld.idx.msk [tilespmem:v21+s1+$0x0], $0xffff  }
.Ltmp95:
0x7ca: {  	(pc) =	sbr.rel @p0 .LBB2_192-.Ltmp95, $2  }
0x7cb: {  	_ =	sdelay $0x2  }
0x7cc: {  	v21 =	vor.u32 s15, v15;
	s15 =	sadd.s32 $0x1, s15  }
0x7cd: {  	_ = 	snop  }
0x7ce: {  	vm0 =	veq.f32 v22, v16  }
0x7cf: {  	vm1 =	veq.f32 v22, v17;
	v63 =	vnsel vm0, $0x0, v19  }
0x7d0: {  	v22 =	vsel vm1, v18, v63  }
0x7d1: {  	[tilespmem:v20+s13+$0x0] =	vst.idx.msk $0xffff, v22  }
0x7d2: {  	v20 =	vld.idx.msk [tilespmem:v21+s1+$0x0], $0xffff;
	_ =	sdelay $0x4  }
0x7d3: {  	vm0 =	veq.f32 v20, v16  }
0x7d4: {  	vm1 =	veq.f32 v20, v17;
	v16 =	vnsel vm0, $0x0, v19  }
0x7d5: {  	v16 =	vsel vm1, v18, v16  }
0x7d6: {  	s15 =	simm.s32 $0x0;
	[tilespmem:v21+s13+$0x0] =	vst.idx.msk $0xffff, v16  }
0x7d7: {  	[hbm4b:s8+s15] =	stream.linear.scatter [tilespmem:s13], [sflag:$0x1], $0x4000, $0x38;
	[tilespmem:$0x8000] =	vst v63  }
0x7d8: {  	_ =	swait.ge [sflag:s12], $0x4000  }
0x7d9: {  	[sflag:s12] =	ssyncset.done $0x0  }
0x7da: {  	v16 =	vor.u32 s15, v0;
	[sflag:s12] =	ssyncadd.s32 $0xFFFFC000  }
0x7db: {  	[tilespmem:s15], [sflag:$0x1] =	stream.linear.gather [hbm4b:s9+s15], $0x4000, $0x38;
	[tilespmem:$0x8000] =	vst v63  }
0x7dc: {  	_ =	swait.ge [sflag:s12], $0x4000  }
0x7dd: {  	[sflag:s12] =	ssyncset.done $0x0  }
0x7de: {  	s31 =	simm.s32 $0x1;
	[sflag:s12] =	ssyncadd.s32 $0xFFFFC000  }
0x7df: {  	v17 =	vor.u32 s31, v0;
	v18 =	vld.idx.msk [tilespmem:v16+s1+$0x0], $0xffff;
	_ =	sdelay $0x3  }
0x7e0: {  	v16 =	vimm.f32 $-Inf  }
0x7e1: {  	s15 =	simm.s32 $0x2;
	v17 =	vld.idx.msk [tilespmem:v17+s1+$0x0], $0xffff;
	vm0 =	vgt.f32 v18, v16;
	v19 =	vmax.f32 v16, v18  }
.LBB2_194:
0x7e2: {  	v20 =	vor.u32 s15, v0;
	p0 =	sne.s32 s15, $0x3F;
	s15 =	sadd.s32 $0x1, s15;
	v19 =	vsel vm0, v16, v19  }
.Ltmp96:
0x7e3: {  	(pc) =	sbr.rel @p0 .LBB2_194-.Ltmp96, $3  }
0x7e4: {  	_ =	sdelay $0x1  }
0x7e5: {  	v16 =	vmax.f32 v16, v18  }
0x7e6: {  	vm0 =	vgt.f32 v17, v16;
	v19 =	vmax.f32 v19, v17;
	v18 =	vmov v17;
	v17 =	vld.idx.msk [tilespmem:v20+s1+$0x0], $0xffff  }
0x7e7: {  	_ =	sdelay $0x2  }
0x7e8: {  	v19 =	vsel vm0, v16, v19;
	v18 =	vmax.f32 v16, v18  }
0x7e9: {  	vm15 =	vgt.f32 v17, v18;
	v16 =	vmax.f32 v19, v17  }
0x7ea: {  	v17 =	vmax.f32 v18, v17;
	v16 =	vsel vm15, v18, v16  }
0x7eb: {  	v18 =	vsub.f32 v16, v17;
	_ =	sdelay $0x1  }
0x7ec: {  	v18 =	vmul.f32 $1.442695020e+00, v18;
	_ =	sdelay $0x1  }
0x7ed: {  	(erf) = vpow2.f32 v18;
	_ =	sdelay $0x8  }
0x7ee: {  	v18 =	vpop (erf)  }
0x7ef: {  	v18 =	vadd.f32 $1.000000000e+00, v18;
	_ =	sdelay $0x1  }
0x7f0: {  	s16 =	simm.s32 $0x0;
	(erf) = vrcp.f32 v18  }
0x7f1: {  	v20 =	vor.u32 s16, v0;
	_ =	sdelay $0x4  }
0x7f2: {  	v22 =	vld.idx.msk [tilespmem:v20+s16+$0x0], $0xffff;
	_ =	sdelay $0x2  }
0x7f3: {  	s15 =	simm.s32 $0x1;
	v18 =	vpop (erf)  }
0x7f4: {  	s17 =	simm.s32 $0x2;
	v21 =	vor.u32 s15, v0;
	v19 =	vsub.f32 $1.000000000e+00, v18  }
.LBB2_196:
0x7f5: {  	p0 =	sne.s32 s17, $0x3F;
	vm0 =	veq.f32 v22, v16  }
0x7f6: {  	vm1 =	veq.f32 v22, v17;
	v22 =	vnsel vm0, $0x0, v19  }
0x7f7: {  	v22 =	vsel vm1, v18, v22  }
0x7f8: {  	[tilespmem:v20+s13+$0x0] =	vst.idx.msk $0xffff, v22;
	v20 =	vmov v21  }
0x7f9: {  	v22 =	vld.idx.msk [tilespmem:v21+s16+$0x0], $0xffff  }
.Ltmp97:
0x7fa: {  	(pc) =	sbr.rel @p0 .LBB2_196-.Ltmp97, $2  }
0x7fb: {  	_ =	sdelay $0x2  }
0x7fc: {  	v21 =	vor.u32 s17, v0;
	s17 =	sadd.s32 $0x1, s17  }
0x7fd: {  	_ = 	snop  }
0x7fe: {  	vm0 =	veq.f32 v22, v16  }
0x7ff: {  	vm1 =	veq.f32 v22, v17;
	v62 =	vnsel vm0, $0x0, v19  }
0x800: {  	v22 =	vsel vm1, v18, v62  }
0x801: {  	[tilespmem:v20+s13+$0x0] =	vst.idx.msk $0xffff, v22  }
0x802: {  	v20 =	vld.idx.msk [tilespmem:v21+s16+$0x0], $0xffff;
	_ =	sdelay $0x3  }
0x803: {  	v63 =	vor.u32 s16, v1  }
0x804: {  	vm0 =	veq.f32 v20, v16  }
0x805: {  	vm1 =	veq.f32 v20, v17;
	v16 =	vnsel vm0, $0x0, v19  }
0x806: {  	v16 =	vsel vm1, v18, v16  }
0x807: {  	[tilespmem:v21+s13+$0x0] =	vst.idx.msk $0xffff, v16  }
0x808: {  	v17 =	vor.u32 s15, v1;
	v18 =	vld.idx.msk [tilespmem:v63+s1+$0x0], $0xffff;
	_ =	sdelay $0x3  }
0x809: {  	v16 =	vimm.f32 $-Inf  }
0x80a: {  	s15 =	simm.s32 $0x2;
	v17 =	vld.idx.msk [tilespmem:v17+s1+$0x0], $0xffff;
	vm0 =	vgt.f32 v18, v16;
	v19 =	vmax.f32 v16, v18  }
.LBB2_198:
0x80b: {  	v20 =	vor.u32 s15, v1;
	p0 =	sne.s32 s15, $0x3F;
	s15 =	sadd.s32 $0x1, s15;
	v19 =	vsel vm0, v16, v19  }
.Ltmp98:
0x80c: {  	(pc) =	sbr.rel @p0 .LBB2_198-.Ltmp98, $3  }
0x80d: {  	_ =	sdelay $0x1  }
0x80e: {  	v16 =	vmax.f32 v16, v18  }
0x80f: {  	vm0 =	vgt.f32 v17, v16;
	v19 =	vmax.f32 v19, v17;
	v18 =	vmov v17;
	v17 =	vld.idx.msk [tilespmem:v20+s1+$0x0], $0xffff  }
0x810: {  	_ =	sdelay $0x2  }
0x811: {  	v19 =	vsel vm0, v16, v19;
	v18 =	vmax.f32 v16, v18  }
0x812: {  	vm15 =	vgt.f32 v17, v18;
	v16 =	vmax.f32 v19, v17  }
0x813: {  	v17 =	vmax.f32 v18, v17;
	v16 =	vsel vm15, v18, v16  }
0x814: {  	v18 =	vsub.f32 v16, v17;
	_ =	sdelay $0x1  }
0x815: {  	v18 =	vmul.f32 $1.442695020e+00, v18;
	_ =	sdelay $0x1  }
0x816: {  	(erf) = vpow2.f32 v18;
	_ =	sdelay $0x8  }
0x817: {  	v18 =	vpop (erf)  }
0x818: {  	v18 =	vadd.f32 $1.000000000e+00, v18;
	_ =	sdelay $0x1  }
0x819: {  	s16 =	simm.s32 $0x0;
	(erf) = vrcp.f32 v18  }
0x81a: {  	v20 =	vor.u32 s16, v1;
	_ =	sdelay $0x4  }
0x81b: {  	v22 =	vld.idx.msk [tilespmem:v20+s16+$0x0], $0xffff;
	_ =	sdelay $0x2  }
0x81c: {  	s15 =	simm.s32 $0x1;
	v18 =	vpop (erf)  }
0x81d: {  	s17 =	simm.s32 $0x2;
	v21 =	vor.u32 s15, v1;
	v19 =	vsub.f32 $1.000000000e+00, v18  }
.LBB2_200:
0x81e: {  	p0 =	sne.s32 s17, $0x3F;
	vm0 =	veq.f32 v22, v16  }
0x81f: {  	vm1 =	veq.f32 v22, v17;
	v22 =	vnsel vm0, $0x0, v19  }
0x820: {  	v22 =	vsel vm1, v18, v22  }
0x821: {  	[tilespmem:v20+s13+$0x0] =	vst.idx.msk $0xffff, v22;
	v20 =	vmov v21  }
0x822: {  	v22 =	vld.idx.msk [tilespmem:v21+s16+$0x0], $0xffff  }
.Ltmp99:
0x823: {  	(pc) =	sbr.rel @p0 .LBB2_200-.Ltmp99, $2  }
0x824: {  	_ =	sdelay $0x2  }
0x825: {  	v21 =	vor.u32 s17, v1;
	s17 =	sadd.s32 $0x1, s17  }
0x826: {  	_ = 	snop  }
0x827: {  	vm0 =	veq.f32 v22, v16  }
0x828: {  	vm1 =	veq.f32 v22, v17;
	v62 =	vnsel vm0, $0x0, v19  }
0x829: {  	v22 =	vsel vm1, v18, v62  }
0x82a: {  	[tilespmem:v20+s13+$0x0] =	vst.idx.msk $0xffff, v22  }
0x82b: {  	v20 =	vld.idx.msk [tilespmem:v21+s16+$0x0], $0xffff;
	_ =	sdelay $0x3  }
0x82c: {  	v63 =	vor.u32 s16, v2  }
0x82d: {  	vm0 =	veq.f32 v20, v16  }
0x82e: {  	vm1 =	veq.f32 v20, v17;
	v16 =	vnsel vm0, $0x0, v19  }
0x82f: {  	v16 =	vsel vm1, v18, v16  }
0x830: {  	[tilespmem:v21+s13+$0x0] =	vst.idx.msk $0xffff, v16  }
0x831: {  	v17 =	vor.u32 s15, v2;
	v18 =	vld.idx.msk [tilespmem:v63+s1+$0x0], $0xffff;
	_ =	sdelay $0x3  }
0x832: {  	v16 =	vimm.f32 $-Inf  }
0x833: {  	s15 =	simm.s32 $0x2;
	v17 =	vld.idx.msk [tilespmem:v17+s1+$0x0], $0xffff;
	vm0 =	vgt.f32 v18, v16;
	v19 =	vmax.f32 v16, v18  }
.LBB2_202:
0x834: {  	v20 =	vor.u32 s15, v2;
	p0 =	sne.s32 s15, $0x3F;
	s15 =	sadd.s32 $0x1, s15;
	v19 =	vsel vm0, v16, v19  }
.Ltmp100:
0x835: {  	(pc) =	sbr.rel @p0 .LBB2_202-.Ltmp100, $3  }
0x836: {  	_ =	sdelay $0x1  }
0x837: {  	v16 =	vmax.f32 v16, v18  }
0x838: {  	vm0 =	vgt.f32 v17, v16;
	v19 =	vmax.f32 v19, v17;
	v18 =	vmov v17;
	v17 =	vld.idx.msk [tilespmem:v20+s1+$0x0], $0xffff  }
0x839: {  	_ =	sdelay $0x2  }
0x83a: {  	v19 =	vsel vm0, v16, v19;
	v18 =	vmax.f32 v16, v18  }
0x83b: {  	vm15 =	vgt.f32 v17, v18;
	v16 =	vmax.f32 v19, v17  }
0x83c: {  	v17 =	vmax.f32 v18, v17;
	v16 =	vsel vm15, v18, v16  }
0x83d: {  	v18 =	vsub.f32 v16, v17;
	_ =	sdelay $0x1  }
0x83e: {  	v18 =	vmul.f32 $1.442695020e+00, v18;
	_ =	sdelay $0x1  }
0x83f: {  	(erf) = vpow2.f32 v18;
	_ =	sdelay $0x8  }
0x840: {  	v18 =	vpop (erf)  }
0x841: {  	v18 =	vadd.f32 $1.000000000e+00, v18;
	_ =	sdelay $0x1  }
0x842: {  	s16 =	simm.s32 $0x0;
	(erf) = vrcp.f32 v18  }
0x843: {  	v20 =	vor.u32 s16, v2;
	_ =	sdelay $0x4  }
0x844: {  	v22 =	vld.idx.msk [tilespmem:v20+s16+$0x0], $0xffff;
	_ =	sdelay $0x2  }
0x845: {  	s15 =	simm.s32 $0x1;
	v18 =	vpop (erf)  }
0x846: {  	s17 =	simm.s32 $0x2;
	v21 =	vor.u32 s15, v2;
	v19 =	vsub.f32 $1.000000000e+00, v18  }
.LBB2_204:
0x847: {  	p0 =	sne.s32 s17, $0x3F;
	vm0 =	veq.f32 v22, v16  }
0x848: {  	vm1 =	veq.f32 v22, v17;
	v22 =	vnsel vm0, $0x0, v19  }
0x849: {  	v22 =	vsel vm1, v18, v22  }
0x84a: {  	[tilespmem:v20+s13+$0x0] =	vst.idx.msk $0xffff, v22;
	v20 =	vmov v21  }
0x84b: {  	v22 =	vld.idx.msk [tilespmem:v21+s16+$0x0], $0xffff  }
.Ltmp101:
0x84c: {  	(pc) =	sbr.rel @p0 .LBB2_204-.Ltmp101, $2  }
0x84d: {  	_ =	sdelay $0x2  }
0x84e: {  	v21 =	vor.u32 s17, v2;
	s17 =	sadd.s32 $0x1, s17  }
0x84f: {  	_ = 	snop  }
0x850: {  	vm0 =	veq.f32 v22, v16  }
0x851: {  	vm1 =	veq.f32 v22, v17;
	v62 =	vnsel vm0, $0x0, v19  }
0x852: {  	v22 =	vsel vm1, v18, v62  }
0x853: {  	[tilespmem:v20+s13+$0x0] =	vst.idx.msk $0xffff, v22  }
0x854: {  	v20 =	vld.idx.msk [tilespmem:v21+s16+$0x0], $0xffff;
	_ =	sdelay $0x3  }
0x855: {  	v63 =	vor.u32 s16, v3  }
0x856: {  	vm0 =	veq.f32 v20, v16  }
0x857: {  	vm1 =	veq.f32 v20, v17;
	v16 =	vnsel vm0, $0x0, v19  }
0x858: {  	v16 =	vsel vm1, v18, v16  }
0x859: {  	[tilespmem:v21+s13+$0x0] =	vst.idx.msk $0xffff, v16  }
0x85a: {  	v17 =	vor.u32 s15, v3;
	v18 =	vld.idx.msk [tilespmem:v63+s1+$0x0], $0xffff;
	_ =	sdelay $0x3  }
0x85b: {  	v16 =	vimm.f32 $-Inf  }
0x85c: {  	s15 =	simm.s32 $0x2;
	v17 =	vld.idx.msk [tilespmem:v17+s1+$0x0], $0xffff;
	vm0 =	vgt.f32 v18, v16;
	v19 =	vmax.f32 v16, v18  }
.LBB2_206:
0x85d: {  	v20 =	vor.u32 s15, v3;
	p0 =	sne.s32 s15, $0x3F;
	s15 =	sadd.s32 $0x1, s15;
	v19 =	vsel vm0, v16, v19  }
.Ltmp102:
0x85e: {  	(pc) =	sbr.rel @p0 .LBB2_206-.Ltmp102, $3  }
0x85f: {  	_ =	sdelay $0x1  }
0x860: {  	v16 =	vmax.f32 v16, v18  }
0x861: {  	vm0 =	vgt.f32 v17, v16;
	v19 =	vmax.f32 v19, v17;
	v18 =	vmov v17;
	v17 =	vld.idx.msk [tilespmem:v20+s1+$0x0], $0xffff  }
0x862: {  	_ =	sdelay $0x2  }
0x863: {  	v19 =	vsel vm0, v16, v19;
	v18 =	vmax.f32 v16, v18  }
0x864: {  	vm15 =	vgt.f32 v17, v18;
	v16 =	vmax.f32 v19, v17  }
0x865: {  	v17 =	vmax.f32 v18, v17;
	v16 =	vsel vm15, v18, v16  }
0x866: {  	v18 =	vsub.f32 v16, v17;
	_ =	sdelay $0x1  }
0x867: {  	v18 =	vmul.f32 $1.442695020e+00, v18;
	_ =	sdelay $0x1  }
0x868: {  	(erf) = vpow2.f32 v18;
	_ =	sdelay $0x8  }
0x869: {  	v18 =	vpop (erf)  }
0x86a: {  	v18 =	vadd.f32 $1.000000000e+00, v18;
	_ =	sdelay $0x1  }
0x86b: {  	s16 =	simm.s32 $0x0;
	(erf) = vrcp.f32 v18  }
0x86c: {  	v20 =	vor.u32 s16, v3;
	_ =	sdelay $0x4  }
0x86d: {  	v22 =	vld.idx.msk [tilespmem:v20+s16+$0x0], $0xffff;
	_ =	sdelay $0x2  }
0x86e: {  	s15 =	simm.s32 $0x1;
	v18 =	vpop (erf)  }
0x86f: {  	s17 =	simm.s32 $0x2;
	v21 =	vor.u32 s15, v3;
	v19 =	vsub.f32 $1.000000000e+00, v18  }
.LBB2_208:
0x870: {  	p0 =	sne.s32 s17, $0x3F;
	vm0 =	veq.f32 v22, v16  }
0x871: {  	vm1 =	veq.f32 v22, v17;
	v22 =	vnsel vm0, $0x0, v19  }
0x872: {  	v22 =	vsel vm1, v18, v22  }
0x873: {  	[tilespmem:v20+s13+$0x0] =	vst.idx.msk $0xffff, v22;
	v20 =	vmov v21  }
0x874: {  	v22 =	vld.idx.msk [tilespmem:v21+s16+$0x0], $0xffff  }
.Ltmp103:
0x875: {  	(pc) =	sbr.rel @p0 .LBB2_208-.Ltmp103, $2  }
0x876: {  	_ =	sdelay $0x2  }
0x877: {  	v21 =	vor.u32 s17, v3;
	s17 =	sadd.s32 $0x1, s17  }
0x878: {  	_ = 	snop  }
0x879: {  	vm0 =	veq.f32 v22, v16  }
0x87a: {  	vm1 =	veq.f32 v22, v17;
	v62 =	vnsel vm0, $0x0, v19  }
0x87b: {  	v22 =	vsel vm1, v18, v62  }
0x87c: {  	[tilespmem:v20+s13+$0x0] =	vst.idx.msk $0xffff, v22  }
0x87d: {  	v20 =	vld.idx.msk [tilespmem:v21+s16+$0x0], $0xffff;
	_ =	sdelay $0x3  }
0x87e: {  	v63 =	vor.u32 s16, v4  }
0x87f: {  	vm0 =	veq.f32 v20, v16  }
0x880: {  	vm1 =	veq.f32 v20, v17;
	v16 =	vnsel vm0, $0x0, v19  }
0x881: {  	v16 =	vsel vm1, v18, v16  }
0x882: {  	[tilespmem:v21+s13+$0x0] =	vst.idx.msk $0xffff, v16  }
0x883: {  	v17 =	vor.u32 s15, v4;
	v18 =	vld.idx.msk [tilespmem:v63+s1+$0x0], $0xffff;
	_ =	sdelay $0x3  }
0x884: {  	v16 =	vimm.f32 $-Inf  }
0x885: {  	s15 =	simm.s32 $0x2;
	v17 =	vld.idx.msk [tilespmem:v17+s1+$0x0], $0xffff;
	vm0 =	vgt.f32 v18, v16;
	v19 =	vmax.f32 v16, v18  }
.LBB2_210:
0x886: {  	v20 =	vor.u32 s15, v4;
	p0 =	sne.s32 s15, $0x3F;
	s15 =	sadd.s32 $0x1, s15;
	v19 =	vsel vm0, v16, v19  }
.Ltmp104:
0x887: {  	(pc) =	sbr.rel @p0 .LBB2_210-.Ltmp104, $3  }
0x888: {  	_ =	sdelay $0x1  }
0x889: {  	v16 =	vmax.f32 v16, v18  }
0x88a: {  	vm0 =	vgt.f32 v17, v16;
	v19 =	vmax.f32 v19, v17;
	v18 =	vmov v17;
	v17 =	vld.idx.msk [tilespmem:v20+s1+$0x0], $0xffff  }
0x88b: {  	_ =	sdelay $0x2  }
0x88c: {  	v19 =	vsel vm0, v16, v19;
	v18 =	vmax.f32 v16, v18  }
0x88d: {  	vm15 =	vgt.f32 v17, v18;
	v16 =	vmax.f32 v19, v17  }
0x88e: {  	v17 =	vmax.f32 v18, v17;
	v16 =	vsel vm15, v18, v16  }
0x88f: {  	v18 =	vsub.f32 v16, v17;
	_ =	sdelay $0x1  }
0x890: {  	v18 =	vmul.f32 $1.442695020e+00, v18;
	_ =	sdelay $0x1  }
0x891: {  	(erf) = vpow2.f32 v18;
	_ =	sdelay $0x8  }
0x892: {  	v18 =	vpop (erf)  }
0x893: {  	v18 =	vadd.f32 $1.000000000e+00, v18;
	_ =	sdelay $0x1  }
0x894: {  	s16 =	simm.s32 $0x0;
	(erf) = vrcp.f32 v18  }
0x895: {  	v20 =	vor.u32 s16, v4;
	_ =	sdelay $0x4  }
0x896: {  	v22 =	vld.idx.msk [tilespmem:v20+s16+$0x0], $0xffff;
	_ =	sdelay $0x2  }
0x897: {  	s15 =	simm.s32 $0x1;
	v18 =	vpop (erf)  }
0x898: {  	s17 =	simm.s32 $0x2;
	v21 =	vor.u32 s15, v4;
	v19 =	vsub.f32 $1.000000000e+00, v18  }
.LBB2_212:
0x899: {  	p0 =	sne.s32 s17, $0x3F;
	vm0 =	veq.f32 v22, v16  }
0x89a: {  	vm1 =	veq.f32 v22, v17;
	v22 =	vnsel vm0, $0x0, v19  }
0x89b: {  	v22 =	vsel vm1, v18, v22  }
0x89c: {  	[tilespmem:v20+s13+$0x0] =	vst.idx.msk $0xffff, v22;
	v20 =	vmov v21  }
0x89d: {  	v22 =	vld.idx.msk [tilespmem:v21+s16+$0x0], $0xffff  }
.Ltmp105:
0x89e: {  	(pc) =	sbr.rel @p0 .LBB2_212-.Ltmp105, $2  }
0x89f: {  	_ =	sdelay $0x2  }
0x8a0: {  	v21 =	vor.u32 s17, v4;
	s17 =	sadd.s32 $0x1, s17  }
0x8a1: {  	_ = 	snop  }
0x8a2: {  	vm0 =	veq.f32 v22, v16  }
0x8a3: {  	vm1 =	veq.f32 v22, v17;
	v62 =	vnsel vm0, $0x0, v19  }
0x8a4: {  	v22 =	vsel vm1, v18, v62  }
0x8a5: {  	[tilespmem:v20+s13+$0x0] =	vst.idx.msk $0xffff, v22  }
0x8a6: {  	v20 =	vld.idx.msk [tilespmem:v21+s16+$0x0], $0xffff;
	_ =	sdelay $0x3  }
0x8a7: {  	v63 =	vor.u32 s16, v5  }
0x8a8: {  	vm0 =	veq.f32 v20, v16  }
0x8a9: {  	vm1 =	veq.f32 v20, v17;
	v16 =	vnsel vm0, $0x0, v19  }
0x8aa: {  	v16 =	vsel vm1, v18, v16  }
0x8ab: {  	[tilespmem:v21+s13+$0x0] =	vst.idx.msk $0xffff, v16  }
0x8ac: {  	v17 =	vor.u32 s15, v5;
	v18 =	vld.idx.msk [tilespmem:v63+s1+$0x0], $0xffff;
	_ =	sdelay $0x3  }
0x8ad: {  	v16 =	vimm.f32 $-Inf  }
0x8ae: {  	s15 =	simm.s32 $0x2;
	v17 =	vld.idx.msk [tilespmem:v17+s1+$0x0], $0xffff;
	vm0 =	vgt.f32 v18, v16;
	v19 =	vmax.f32 v16, v18  }
.LBB2_214:
0x8af: {  	v20 =	vor.u32 s15, v5;
	p0 =	sne.s32 s15, $0x3F;
	s15 =	sadd.s32 $0x1, s15;
	v19 =	vsel vm0, v16, v19  }
.Ltmp106:
0x8b0: {  	(pc) =	sbr.rel @p0 .LBB2_214-.Ltmp106, $3  }
0x8b1: {  	_ =	sdelay $0x1  }
0x8b2: {  	v16 =	vmax.f32 v16, v18  }
0x8b3: {  	vm0 =	vgt.f32 v17, v16;
	v19 =	vmax.f32 v19, v17;
	v18 =	vmov v17;
	v17 =	vld.idx.msk [tilespmem:v20+s1+$0x0], $0xffff  }
0x8b4: {  	_ =	sdelay $0x2  }
0x8b5: {  	v19 =	vsel vm0, v16, v19;
	v18 =	vmax.f32 v16, v18  }
0x8b6: {  	vm15 =	vgt.f32 v17, v18;
	v16 =	vmax.f32 v19, v17  }
0x8b7: {  	v17 =	vmax.f32 v18, v17;
	v16 =	vsel vm15, v18, v16  }
0x8b8: {  	v18 =	vsub.f32 v16, v17;
	_ =	sdelay $0x1  }
0x8b9: {  	v18 =	vmul.f32 $1.442695020e+00, v18;
	_ =	sdelay $0x1  }
0x8ba: {  	(erf) = vpow2.f32 v18;
	_ =	sdelay $0x8  }
0x8bb: {  	v18 =	vpop (erf)  }
0x8bc: {  	v18 =	vadd.f32 $1.000000000e+00, v18;
	_ =	sdelay $0x1  }
0x8bd: {  	s16 =	simm.s32 $0x0;
	(erf) = vrcp.f32 v18  }
0x8be: {  	v20 =	vor.u32 s16, v5;
	_ =	sdelay $0x4  }
0x8bf: {  	v22 =	vld.idx.msk [tilespmem:v20+s16+$0x0], $0xffff;
	_ =	sdelay $0x2  }
0x8c0: {  	s15 =	simm.s32 $0x1;
	v18 =	vpop (erf)  }
0x8c1: {  	s17 =	simm.s32 $0x2;
	v21 =	vor.u32 s15, v5;
	v19 =	vsub.f32 $1.000000000e+00, v18  }
.LBB2_216:
0x8c2: {  	p0 =	sne.s32 s17, $0x3F;
	vm0 =	veq.f32 v22, v16  }
0x8c3: {  	vm1 =	veq.f32 v22, v17;
	v22 =	vnsel vm0, $0x0, v19  }
0x8c4: {  	v22 =	vsel vm1, v18, v22  }
0x8c5: {  	[tilespmem:v20+s13+$0x0] =	vst.idx.msk $0xffff, v22;
	v20 =	vmov v21  }
0x8c6: {  	v22 =	vld.idx.msk [tilespmem:v21+s16+$0x0], $0xffff  }
.Ltmp107:
0x8c7: {  	(pc) =	sbr.rel @p0 .LBB2_216-.Ltmp107, $2  }
0x8c8: {  	_ =	sdelay $0x2  }
0x8c9: {  	v21 =	vor.u32 s17, v5;
	s17 =	sadd.s32 $0x1, s17  }
0x8ca: {  	_ = 	snop  }
0x8cb: {  	vm0 =	veq.f32 v22, v16  }
0x8cc: {  	vm1 =	veq.f32 v22, v17;
	v62 =	vnsel vm0, $0x0, v19  }
0x8cd: {  	v22 =	vsel vm1, v18, v62  }
0x8ce: {  	[tilespmem:v20+s13+$0x0] =	vst.idx.msk $0xffff, v22  }
0x8cf: {  	v20 =	vld.idx.msk [tilespmem:v21+s16+$0x0], $0xffff;
	_ =	sdelay $0x3  }
0x8d0: {  	v63 =	vor.u32 s16, v6  }
0x8d1: {  	vm0 =	veq.f32 v20, v16  }
0x8d2: {  	vm1 =	veq.f32 v20, v17;
	v16 =	vnsel vm0, $0x0, v19  }
0x8d3: {  	v16 =	vsel vm1, v18, v16  }
0x8d4: {  	[tilespmem:v21+s13+$0x0] =	vst.idx.msk $0xffff, v16  }
0x8d5: {  	v17 =	vor.u32 s15, v6;
	v18 =	vld.idx.msk [tilespmem:v63+s1+$0x0], $0xffff;
	_ =	sdelay $0x3  }
0x8d6: {  	v16 =	vimm.f32 $-Inf  }
0x8d7: {  	s15 =	simm.s32 $0x2;
	v17 =	vld.idx.msk [tilespmem:v17+s1+$0x0], $0xffff;
	vm0 =	vgt.f32 v18, v16;
	v19 =	vmax.f32 v16, v18  }
.LBB2_218:
0x8d8: {  	v20 =	vor.u32 s15, v6;
	p0 =	sne.s32 s15, $0x3F;
	s15 =	sadd.s32 $0x1, s15;
	v19 =	vsel vm0, v16, v19  }
.Ltmp108:
0x8d9: {  	(pc) =	sbr.rel @p0 .LBB2_218-.Ltmp108, $3  }
0x8da: {  	_ =	sdelay $0x1  }
0x8db: {  	v16 =	vmax.f32 v16, v18  }
0x8dc: {  	vm0 =	vgt.f32 v17, v16;
	v19 =	vmax.f32 v19, v17;
	v18 =	vmov v17;
	v17 =	vld.idx.msk [tilespmem:v20+s1+$0x0], $0xffff  }
0x8dd: {  	_ =	sdelay $0x2  }
0x8de: {  	v19 =	vsel vm0, v16, v19;
	v18 =	vmax.f32 v16, v18  }
0x8df: {  	vm15 =	vgt.f32 v17, v18;
	v16 =	vmax.f32 v19, v17  }
0x8e0: {  	v17 =	vmax.f32 v18, v17;
	v16 =	vsel vm15, v18, v16  }
0x8e1: {  	v18 =	vsub.f32 v16, v17;
	_ =	sdelay $0x1  }
0x8e2: {  	v18 =	vmul.f32 $1.442695020e+00, v18;
	_ =	sdelay $0x1  }
0x8e3: {  	(erf) = vpow2.f32 v18;
	_ =	sdelay $0x8  }
0x8e4: {  	v18 =	vpop (erf)  }
0x8e5: {  	v18 =	vadd.f32 $1.000000000e+00, v18;
	_ =	sdelay $0x1  }
0x8e6: {  	s16 =	simm.s32 $0x0;
	(erf) = vrcp.f32 v18  }
0x8e7: {  	v20 =	vor.u32 s16, v6;
	_ =	sdelay $0x4  }
0x8e8: {  	v22 =	vld.idx.msk [tilespmem:v20+s16+$0x0], $0xffff;
	_ =	sdelay $0x2  }
0x8e9: {  	s15 =	simm.s32 $0x1;
	v18 =	vpop (erf)  }
0x8ea: {  	s17 =	simm.s32 $0x2;
	v21 =	vor.u32 s15, v6;
	v19 =	vsub.f32 $1.000000000e+00, v18  }
.LBB2_220:
0x8eb: {  	p0 =	sne.s32 s17, $0x3F;
	vm0 =	veq.f32 v22, v16  }
0x8ec: {  	vm1 =	veq.f32 v22, v17;
	v22 =	vnsel vm0, $0x0, v19  }
0x8ed: {  	v22 =	vsel vm1, v18, v22  }
0x8ee: {  	[tilespmem:v20+s13+$0x0] =	vst.idx.msk $0xffff, v22;
	v20 =	vmov v21  }
0x8ef: {  	v22 =	vld.idx.msk [tilespmem:v21+s16+$0x0], $0xffff  }
.Ltmp109:
0x8f0: {  	(pc) =	sbr.rel @p0 .LBB2_220-.Ltmp109, $2  }
0x8f1: {  	_ =	sdelay $0x2  }
0x8f2: {  	v21 =	vor.u32 s17, v6;
	s17 =	sadd.s32 $0x1, s17  }
0x8f3: {  	_ = 	snop  }
0x8f4: {  	vm0 =	veq.f32 v22, v16  }
0x8f5: {  	vm1 =	veq.f32 v22, v17;
	v62 =	vnsel vm0, $0x0, v19  }
0x8f6: {  	v22 =	vsel vm1, v18, v62  }
0x8f7: {  	[tilespmem:v20+s13+$0x0] =	vst.idx.msk $0xffff, v22  }
0x8f8: {  	v20 =	vld.idx.msk [tilespmem:v21+s16+$0x0], $0xffff;
	_ =	sdelay $0x3  }
0x8f9: {  	v63 =	vor.u32 s16, v7  }
0x8fa: {  	vm0 =	veq.f32 v20, v16  }
0x8fb: {  	vm1 =	veq.f32 v20, v17;
	v16 =	vnsel vm0, $0x0, v19  }
0x8fc: {  	v16 =	vsel vm1, v18, v16  }
0x8fd: {  	[tilespmem:v21+s13+$0x0] =	vst.idx.msk $0xffff, v16  }
0x8fe: {  	v17 =	vor.u32 s15, v7;
	v18 =	vld.idx.msk [tilespmem:v63+s1+$0x0], $0xffff;
	_ =	sdelay $0x3  }
0x8ff: {  	v16 =	vimm.f32 $-Inf  }
0x900: {  	s15 =	simm.s32 $0x2;
	v17 =	vld.idx.msk [tilespmem:v17+s1+$0x0], $0xffff;
	vm0 =	vgt.f32 v18, v16;
	v19 =	vmax.f32 v16, v18  }
.LBB2_222:
0x901: {  	v20 =	vor.u32 s15, v7;
	p0 =	sne.s32 s15, $0x3F;
	s15 =	sadd.s32 $0x1, s15;
	v19 =	vsel vm0, v16, v19  }
.Ltmp110:
0x902: {  	(pc) =	sbr.rel @p0 .LBB2_222-.Ltmp110, $3  }
0x903: {  	_ =	sdelay $0x1  }
0x904: {  	v16 =	vmax.f32 v16, v18  }
0x905: {  	vm0 =	vgt.f32 v17, v16;
	v19 =	vmax.f32 v19, v17;
	v18 =	vmov v17;
	v17 =	vld.idx.msk [tilespmem:v20+s1+$0x0], $0xffff  }
0x906: {  	_ =	sdelay $0x2  }
0x907: {  	v19 =	vsel vm0, v16, v19;
	v18 =	vmax.f32 v16, v18  }
0x908: {  	vm15 =	vgt.f32 v17, v18;
	v16 =	vmax.f32 v19, v17  }
0x909: {  	v17 =	vmax.f32 v18, v17;
	v16 =	vsel vm15, v18, v16  }
0x90a: {  	v18 =	vsub.f32 v16, v17;
	_ =	sdelay $0x1  }
0x90b: {  	v18 =	vmul.f32 $1.442695020e+00, v18;
	_ =	sdelay $0x1  }
0x90c: {  	(erf) = vpow2.f32 v18;
	_ =	sdelay $0x8  }
0x90d: {  	v18 =	vpop (erf)  }
0x90e: {  	v18 =	vadd.f32 $1.000000000e+00, v18;
	_ =	sdelay $0x1  }
0x90f: {  	s16 =	simm.s32 $0x0;
	(erf) = vrcp.f32 v18  }
0x910: {  	v20 =	vor.u32 s16, v7;
	_ =	sdelay $0x4  }
0x911: {  	v22 =	vld.idx.msk [tilespmem:v20+s16+$0x0], $0xffff;
	_ =	sdelay $0x2  }
0x912: {  	s15 =	simm.s32 $0x1;
	v18 =	vpop (erf)  }
0x913: {  	s17 =	simm.s32 $0x2;
	v21 =	vor.u32 s15, v7;
	v19 =	vsub.f32 $1.000000000e+00, v18  }
.LBB2_224:
0x914: {  	p0 =	sne.s32 s17, $0x3F;
	vm0 =	veq.f32 v22, v16  }
0x915: {  	vm1 =	veq.f32 v22, v17;
	v22 =	vnsel vm0, $0x0, v19  }
0x916: {  	v22 =	vsel vm1, v18, v22  }
0x917: {  	[tilespmem:v20+s13+$0x0] =	vst.idx.msk $0xffff, v22;
	v20 =	vmov v21  }
0x918: {  	v22 =	vld.idx.msk [tilespmem:v21+s16+$0x0], $0xffff  }
.Ltmp111:
0x919: {  	(pc) =	sbr.rel @p0 .LBB2_224-.Ltmp111, $2  }
0x91a: {  	_ =	sdelay $0x2  }
0x91b: {  	v21 =	vor.u32 s17, v7;
	s17 =	sadd.s32 $0x1, s17  }
0x91c: {  	_ = 	snop  }
0x91d: {  	vm0 =	veq.f32 v22, v16  }
0x91e: {  	vm1 =	veq.f32 v22, v17;
	v62 =	vnsel vm0, $0x0, v19  }
0x91f: {  	v22 =	vsel vm1, v18, v62  }
0x920: {  	[tilespmem:v20+s13+$0x0] =	vst.idx.msk $0xffff, v22  }
0x921: {  	v20 =	vld.idx.msk [tilespmem:v21+s16+$0x0], $0xffff;
	_ =	sdelay $0x3  }
0x922: {  	v63 =	vor.u32 s16, v8  }
0x923: {  	vm0 =	veq.f32 v20, v16  }
0x924: {  	vm1 =	veq.f32 v20, v17;
	v16 =	vnsel vm0, $0x0, v19  }
0x925: {  	v16 =	vsel vm1, v18, v16  }
0x926: {  	[tilespmem:v21+s13+$0x0] =	vst.idx.msk $0xffff, v16  }
0x927: {  	v17 =	vor.u32 s15, v8;
	v18 =	vld.idx.msk [tilespmem:v63+s1+$0x0], $0xffff;
	_ =	sdelay $0x3  }
0x928: {  	v16 =	vimm.f32 $-Inf  }
0x929: {  	s15 =	simm.s32 $0x2;
	v17 =	vld.idx.msk [tilespmem:v17+s1+$0x0], $0xffff;
	vm0 =	vgt.f32 v18, v16;
	v19 =	vmax.f32 v16, v18  }
.LBB2_226:
0x92a: {  	v20 =	vor.u32 s15, v8;
	p0 =	sne.s32 s15, $0x3F;
	s15 =	sadd.s32 $0x1, s15;
	v19 =	vsel vm0, v16, v19  }
.Ltmp112:
0x92b: {  	(pc) =	sbr.rel @p0 .LBB2_226-.Ltmp112, $3  }
0x92c: {  	_ =	sdelay $0x1  }
0x92d: {  	v16 =	vmax.f32 v16, v18  }
0x92e: {  	vm0 =	vgt.f32 v17, v16;
	v19 =	vmax.f32 v19, v17;
	v18 =	vmov v17;
	v17 =	vld.idx.msk [tilespmem:v20+s1+$0x0], $0xffff  }
0x92f: {  	_ =	sdelay $0x2  }
0x930: {  	v19 =	vsel vm0, v16, v19;
	v18 =	vmax.f32 v16, v18  }
0x931: {  	vm15 =	vgt.f32 v17, v18;
	v16 =	vmax.f32 v19, v17  }
0x932: {  	v17 =	vmax.f32 v18, v17;
	v16 =	vsel vm15, v18, v16  }
0x933: {  	v18 =	vsub.f32 v16, v17;
	_ =	sdelay $0x1  }
0x934: {  	v18 =	vmul.f32 $1.442695020e+00, v18;
	_ =	sdelay $0x1  }
0x935: {  	(erf) = vpow2.f32 v18;
	_ =	sdelay $0x8  }
0x936: {  	v18 =	vpop (erf)  }
0x937: {  	v18 =	vadd.f32 $1.000000000e+00, v18;
	_ =	sdelay $0x1  }
0x938: {  	s16 =	simm.s32 $0x0;
	(erf) = vrcp.f32 v18  }
0x939: {  	v20 =	vor.u32 s16, v8;
	_ =	sdelay $0x4  }
0x93a: {  	v22 =	vld.idx.msk [tilespmem:v20+s16+$0x0], $0xffff;
	_ =	sdelay $0x2  }
0x93b: {  	s15 =	simm.s32 $0x1;
	v18 =	vpop (erf)  }
0x93c: {  	s17 =	simm.s32 $0x2;
	v21 =	vor.u32 s15, v8;
	v19 =	vsub.f32 $1.000000000e+00, v18  }
.LBB2_228:
0x93d: {  	p0 =	sne.s32 s17, $0x3F;
	vm0 =	veq.f32 v22, v16  }
0x93e: {  	vm1 =	veq.f32 v22, v17;
	v22 =	vnsel vm0, $0x0, v19  }
0x93f: {  	v22 =	vsel vm1, v18, v22  }
0x940: {  	[tilespmem:v20+s13+$0x0] =	vst.idx.msk $0xffff, v22;
	v20 =	vmov v21  }
0x941: {  	v22 =	vld.idx.msk [tilespmem:v21+s16+$0x0], $0xffff  }
.Ltmp113:
0x942: {  	(pc) =	sbr.rel @p0 .LBB2_228-.Ltmp113, $2  }
0x943: {  	_ =	sdelay $0x2  }
0x944: {  	v21 =	vor.u32 s17, v8;
	s17 =	sadd.s32 $0x1, s17  }
0x945: {  	_ = 	snop  }
0x946: {  	vm0 =	veq.f32 v22, v16  }
0x947: {  	vm1 =	veq.f32 v22, v17;
	v8 =	vnsel vm0, $0x0, v19  }
0x948: {  	v8 =	vsel vm1, v18, v8  }
0x949: {  	[tilespmem:v20+s13+$0x0] =	vst.idx.msk $0xffff, v8  }
0x94a: {  	v8 =	vld.idx.msk [tilespmem:v21+s16+$0x0], $0xffff;
	_ =	sdelay $0x3  }
0x94b: {  	v20 =	vor.u32 s16, v9  }
0x94c: {  	vm0 =	veq.f32 v8, v16  }
0x94d: {  	vm1 =	veq.f32 v8, v17;
	v8 =	vnsel vm0, $0x0, v19  }
0x94e: {  	v8 =	vsel vm1, v18, v8  }
0x94f: {  	[tilespmem:v21+s13+$0x0] =	vst.idx.msk $0xffff, v8  }
0x950: {  	v16 =	vor.u32 s15, v9;
	v17 =	vld.idx.msk [tilespmem:v20+s1+$0x0], $0xffff;
	_ =	sdelay $0x3  }
0x951: {  	v8 =	vimm.f32 $-Inf  }
0x952: {  	s15 =	simm.s32 $0x2;
	v16 =	vld.idx.msk [tilespmem:v16+s1+$0x0], $0xffff;
	vm0 =	vgt.f32 v17, v8;
	v18 =	vmax.f32 v8, v17  }
.LBB2_230:
0x953: {  	v19 =	vor.u32 s15, v9;
	p0 =	sne.s32 s15, $0x3F;
	s15 =	sadd.s32 $0x1, s15;
	v18 =	vsel vm0, v8, v18  }
.Ltmp114:
0x954: {  	(pc) =	sbr.rel @p0 .LBB2_230-.Ltmp114, $3  }
0x955: {  	_ =	sdelay $0x1  }
0x956: {  	v8 =	vmax.f32 v8, v17  }
0x957: {  	vm0 =	vgt.f32 v16, v8;
	v18 =	vmax.f32 v18, v16;
	v17 =	vmov v16;
	v16 =	vld.idx.msk [tilespmem:v19+s1+$0x0], $0xffff  }
0x958: {  	_ =	sdelay $0x2  }
0x959: {  	v18 =	vsel vm0, v8, v18;
	v17 =	vmax.f32 v8, v17  }
0x95a: {  	vm15 =	vgt.f32 v16, v17;
	v8 =	vmax.f32 v18, v16  }
0x95b: {  	v16 =	vmax.f32 v17, v16;
	v8 =	vsel vm15, v17, v8  }
0x95c: {  	v17 =	vsub.f32 v8, v16;
	_ =	sdelay $0x1  }
0x95d: {  	v17 =	vmul.f32 $1.442695020e+00, v17;
	_ =	sdelay $0x1  }
0x95e: {  	(erf) = vpow2.f32 v17;
	_ =	sdelay $0x8  }
0x95f: {  	v17 =	vpop (erf)  }
0x960: {  	v17 =	vadd.f32 $1.000000000e+00, v17;
	_ =	sdelay $0x1  }
0x961: {  	s16 =	simm.s32 $0x0;
	(erf) = vrcp.f32 v17  }
0x962: {  	v19 =	vor.u32 s16, v9;
	_ =	sdelay $0x4  }
0x963: {  	v21 =	vld.idx.msk [tilespmem:v19+s16+$0x0], $0xffff;
	_ =	sdelay $0x2  }
0x964: {  	s15 =	simm.s32 $0x1;
	v17 =	vpop (erf)  }
0x965: {  	s17 =	simm.s32 $0x2;
	v20 =	vor.u32 s15, v9;
	v18 =	vsub.f32 $1.000000000e+00, v17  }
.LBB2_232:
0x966: {  	p0 =	sne.s32 s17, $0x3F;
	vm0 =	veq.f32 v21, v8  }
0x967: {  	vm1 =	veq.f32 v21, v16;
	v21 =	vnsel vm0, $0x0, v18  }
0x968: {  	v21 =	vsel vm1, v17, v21  }
0x969: {  	[tilespmem:v19+s13+$0x0] =	vst.idx.msk $0xffff, v21;
	v19 =	vmov v20  }
0x96a: {  	v21 =	vld.idx.msk [tilespmem:v20+s16+$0x0], $0xffff  }
.Ltmp115:
0x96b: {  	(pc) =	sbr.rel @p0 .LBB2_232-.Ltmp115, $2  }
0x96c: {  	_ =	sdelay $0x2  }
0x96d: {  	v20 =	vor.u32 s17, v9;
	s17 =	sadd.s32 $0x1, s17  }
0x96e: {  	_ = 	snop  }
0x96f: {  	vm0 =	veq.f32 v21, v8  }
0x970: {  	vm1 =	veq.f32 v21, v16;
	v9 =	vnsel vm0, $0x0, v18  }
0x971: {  	v9 =	vsel vm1, v17, v9  }
0x972: {  	[tilespmem:v19+s13+$0x0] =	vst.idx.msk $0xffff, v9  }
0x973: {  	v9 =	vld.idx.msk [tilespmem:v20+s16+$0x0], $0xffff;
	_ =	sdelay $0x3  }
0x974: {  	v19 =	vor.u32 s16, v10  }
0x975: {  	vm0 =	veq.f32 v9, v8  }
0x976: {  	vm1 =	veq.f32 v9, v16;
	v8 =	vnsel vm0, $0x0, v18  }
0x977: {  	v8 =	vsel vm1, v17, v8  }
0x978: {  	[tilespmem:v20+s13+$0x0] =	vst.idx.msk $0xffff, v8  }
0x979: {  	v9 =	vor.u32 s15, v10;
	v16 =	vld.idx.msk [tilespmem:v19+s1+$0x0], $0xffff;
	_ =	sdelay $0x3  }
0x97a: {  	v8 =	vimm.f32 $-Inf  }
0x97b: {  	s15 =	simm.s32 $0x2;
	v9 =	vld.idx.msk [tilespmem:v9+s1+$0x0], $0xffff;
	vm0 =	vgt.f32 v16, v8;
	v17 =	vmax.f32 v8, v16  }
.LBB2_234:
0x97c: {  	v18 =	vor.u32 s15, v10;
	p0 =	sne.s32 s15, $0x3F;
	s15 =	sadd.s32 $0x1, s15;
	v17 =	vsel vm0, v8, v17  }
.Ltmp116:
0x97d: {  	(pc) =	sbr.rel @p0 .LBB2_234-.Ltmp116, $3  }
0x97e: {  	_ =	sdelay $0x1  }
0x97f: {  	v8 =	vmax.f32 v8, v16  }
0x980: {  	vm0 =	vgt.f32 v9, v8;
	v17 =	vmax.f32 v17, v9;
	v16 =	vmov v9;
	v9 =	vld.idx.msk [tilespmem:v18+s1+$0x0], $0xffff  }
0x981: {  	_ =	sdelay $0x2  }
0x982: {  	v17 =	vsel vm0, v8, v17;
	v16 =	vmax.f32 v8, v16  }
0x983: {  	vm15 =	vgt.f32 v9, v16;
	v8 =	vmax.f32 v17, v9  }
0x984: {  	v9 =	vmax.f32 v16, v9;
	v8 =	vsel vm15, v16, v8  }
0x985: {  	v16 =	vsub.f32 v8, v9;
	_ =	sdelay $0x1  }
0x986: {  	v16 =	vmul.f32 $1.442695020e+00, v16;
	_ =	sdelay $0x1  }
0x987: {  	(erf) = vpow2.f32 v16;
	_ =	sdelay $0x8  }
0x988: {  	v16 =	vpop (erf)  }
0x989: {  	v16 =	vadd.f32 $1.000000000e+00, v16;
	_ =	sdelay $0x1  }
0x98a: {  	s16 =	simm.s32 $0x0;
	(erf) = vrcp.f32 v16  }
0x98b: {  	v18 =	vor.u32 s16, v10;
	_ =	sdelay $0x4  }
0x98c: {  	v20 =	vld.idx.msk [tilespmem:v18+s16+$0x0], $0xffff;
	_ =	sdelay $0x2  }
0x98d: {  	s15 =	simm.s32 $0x1;
	v16 =	vpop (erf)  }
0x98e: {  	s17 =	simm.s32 $0x2;
	v19 =	vor.u32 s15, v10;
	v17 =	vsub.f32 $1.000000000e+00, v16  }
.LBB2_236:
0x98f: {  	p0 =	sne.s32 s17, $0x3F;
	vm0 =	veq.f32 v20, v8  }
0x990: {  	vm1 =	veq.f32 v20, v9;
	v20 =	vnsel vm0, $0x0, v17  }
0x991: {  	v20 =	vsel vm1, v16, v20  }
0x992: {  	[tilespmem:v18+s13+$0x0] =	vst.idx.msk $0xffff, v20;
	v18 =	vmov v19  }
0x993: {  	v20 =	vld.idx.msk [tilespmem:v19+s16+$0x0], $0xffff  }
.Ltmp117:
0x994: {  	(pc) =	sbr.rel @p0 .LBB2_236-.Ltmp117, $2  }
0x995: {  	_ =	sdelay $0x2  }
0x996: {  	v19 =	vor.u32 s17, v10;
	s17 =	sadd.s32 $0x1, s17  }
0x997: {  	_ = 	snop  }
0x998: {  	vm0 =	veq.f32 v20, v8  }
0x999: {  	vm1 =	veq.f32 v20, v9;
	v10 =	vnsel vm0, $0x0, v17  }
0x99a: {  	v10 =	vsel vm1, v16, v10  }
0x99b: {  	[tilespmem:v18+s13+$0x0] =	vst.idx.msk $0xffff, v10  }
0x99c: {  	v10 =	vld.idx.msk [tilespmem:v19+s16+$0x0], $0xffff;
	_ =	sdelay $0x3  }
0x99d: {  	v18 =	vor.u32 s16, v11  }
0x99e: {  	vm0 =	veq.f32 v10, v8  }
0x99f: {  	vm1 =	veq.f32 v10, v9;
	v8 =	vnsel vm0, $0x0, v17  }
0x9a0: {  	v8 =	vsel vm1, v16, v8  }
0x9a1: {  	[tilespmem:v19+s13+$0x0] =	vst.idx.msk $0xffff, v8  }
0x9a2: {  	v9 =	vor.u32 s15, v11;
	v10 =	vld.idx.msk [tilespmem:v18+s1+$0x0], $0xffff;
	_ =	sdelay $0x3  }
0x9a3: {  	v8 =	vimm.f32 $-Inf  }
0x9a4: {  	s15 =	simm.s32 $0x2;
	v9 =	vld.idx.msk [tilespmem:v9+s1+$0x0], $0xffff;
	vm0 =	vgt.f32 v10, v8;
	v16 =	vmax.f32 v8, v10  }
.LBB2_238:
0x9a5: {  	v17 =	vor.u32 s15, v11;
	p0 =	sne.s32 s15, $0x3F;
	s15 =	sadd.s32 $0x1, s15;
	v16 =	vsel vm0, v8, v16  }
.Ltmp118:
0x9a6: {  	(pc) =	sbr.rel @p0 .LBB2_238-.Ltmp118, $3  }
0x9a7: {  	_ =	sdelay $0x1  }
0x9a8: {  	v8 =	vmax.f32 v8, v10  }
0x9a9: {  	vm0 =	vgt.f32 v9, v8;
	v16 =	vmax.f32 v16, v9;
	v10 =	vmov v9;
	v9 =	vld.idx.msk [tilespmem:v17+s1+$0x0], $0xffff  }
0x9aa: {  	_ =	sdelay $0x2  }
0x9ab: {  	v16 =	vsel vm0, v8, v16;
	v10 =	vmax.f32 v8, v10  }
0x9ac: {  	vm15 =	vgt.f32 v9, v10;
	v8 =	vmax.f32 v16, v9  }
0x9ad: {  	v9 =	vmax.f32 v10, v9;
	v8 =	vsel vm15, v10, v8  }
0x9ae: {  	v10 =	vsub.f32 v8, v9;
	_ =	sdelay $0x1  }
0x9af: {  	v10 =	vmul.f32 $1.442695020e+00, v10;
	_ =	sdelay $0x1  }
0x9b0: {  	(erf) = vpow2.f32 v10;
	_ =	sdelay $0x8  }
0x9b1: {  	v10 =	vpop (erf)  }
0x9b2: {  	v10 =	vadd.f32 $1.000000000e+00, v10;
	_ =	sdelay $0x1  }
0x9b3: {  	s16 =	simm.s32 $0x0;
	(erf) = vrcp.f32 v10  }
0x9b4: {  	v17 =	vor.u32 s16, v11;
	_ =	sdelay $0x4  }
0x9b5: {  	v19 =	vld.idx.msk [tilespmem:v17+s16+$0x0], $0xffff;
	_ =	sdelay $0x2  }
0x9b6: {  	s15 =	simm.s32 $0x1;
	v10 =	vpop (erf)  }
0x9b7: {  	s17 =	simm.s32 $0x2;
	v18 =	vor.u32 s15, v11;
	v16 =	vsub.f32 $1.000000000e+00, v10  }
.LBB2_240:
0x9b8: {  	p0 =	sne.s32 s17, $0x3F;
	vm0 =	veq.f32 v19, v8  }
0x9b9: {  	vm1 =	veq.f32 v19, v9;
	v19 =	vnsel vm0, $0x0, v16  }
0x9ba: {  	v19 =	vsel vm1, v10, v19  }
0x9bb: {  	[tilespmem:v17+s13+$0x0] =	vst.idx.msk $0xffff, v19;
	v17 =	vmov v18  }
0x9bc: {  	v19 =	vld.idx.msk [tilespmem:v18+s16+$0x0], $0xffff  }
.Ltmp119:
0x9bd: {  	(pc) =	sbr.rel @p0 .LBB2_240-.Ltmp119, $2  }
0x9be: {  	_ =	sdelay $0x2  }
0x9bf: {  	v18 =	vor.u32 s17, v11;
	s17 =	sadd.s32 $0x1, s17  }
0x9c0: {  	_ = 	snop  }
0x9c1: {  	vm0 =	veq.f32 v19, v8  }
0x9c2: {  	vm1 =	veq.f32 v19, v9;
	v11 =	vnsel vm0, $0x0, v16  }
0x9c3: {  	v11 =	vsel vm1, v10, v11  }
0x9c4: {  	[tilespmem:v17+s13+$0x0] =	vst.idx.msk $0xffff, v11  }
0x9c5: {  	v11 =	vld.idx.msk [tilespmem:v18+s16+$0x0], $0xffff;
	_ =	sdelay $0x3  }
0x9c6: {  	v17 =	vor.u32 s16, v12  }
0x9c7: {  	vm0 =	veq.f32 v11, v8  }
0x9c8: {  	vm1 =	veq.f32 v11, v9;
	v8 =	vnsel vm0, $0x0, v16  }
0x9c9: {  	v8 =	vsel vm1, v10, v8  }
0x9ca: {  	[tilespmem:v18+s13+$0x0] =	vst.idx.msk $0xffff, v8  }
0x9cb: {  	v9 =	vor.u32 s15, v12;
	v10 =	vld.idx.msk [tilespmem:v17+s1+$0x0], $0xffff;
	_ =	sdelay $0x3  }
0x9cc: {  	v8 =	vimm.f32 $-Inf  }
0x9cd: {  	s15 =	simm.s32 $0x2;
	v9 =	vld.idx.msk [tilespmem:v9+s1+$0x0], $0xffff;
	vm0 =	vgt.f32 v10, v8;
	v11 =	vmax.f32 v8, v10  }
.LBB2_242:
0x9ce: {  	v16 =	vor.u32 s15, v12;
	p0 =	sne.s32 s15, $0x3F;
	s15 =	sadd.s32 $0x1, s15;
	v11 =	vsel vm0, v8, v11  }
.Ltmp120:
0x9cf: {  	(pc) =	sbr.rel @p0 .LBB2_242-.Ltmp120, $3  }
0x9d0: {  	_ =	sdelay $0x1  }
0x9d1: {  	v8 =	vmax.f32 v8, v10  }
0x9d2: {  	vm0 =	vgt.f32 v9, v8;
	v11 =	vmax.f32 v11, v9;
	v10 =	vmov v9;
	v9 =	vld.idx.msk [tilespmem:v16+s1+$0x0], $0xffff  }
0x9d3: {  	_ =	sdelay $0x2  }
0x9d4: {  	v11 =	vsel vm0, v8, v11;
	v10 =	vmax.f32 v8, v10  }
0x9d5: {  	vm15 =	vgt.f32 v9, v10;
	v8 =	vmax.f32 v11, v9  }
0x9d6: {  	v9 =	vmax.f32 v10, v9;
	v8 =	vsel vm15, v10, v8  }
0x9d7: {  	v10 =	vsub.f32 v8, v9;
	_ =	sdelay $0x1  }
0x9d8: {  	v10 =	vmul.f32 $1.442695020e+00, v10;
	_ =	sdelay $0x1  }
0x9d9: {  	(erf) = vpow2.f32 v10;
	_ =	sdelay $0x8  }
0x9da: {  	v10 =	vpop (erf)  }
0x9db: {  	v10 =	vadd.f32 $1.000000000e+00, v10;
	_ =	sdelay $0x1  }
0x9dc: {  	s16 =	simm.s32 $0x0;
	(erf) = vrcp.f32 v10  }
0x9dd: {  	v16 =	vor.u32 s16, v12;
	_ =	sdelay $0x4  }
0x9de: {  	v18 =	vld.idx.msk [tilespmem:v16+s16+$0x0], $0xffff;
	_ =	sdelay $0x2  }
0x9df: {  	s15 =	simm.s32 $0x1;
	v10 =	vpop (erf)  }
0x9e0: {  	s17 =	simm.s32 $0x2;
	v17 =	vor.u32 s15, v12;
	v11 =	vsub.f32 $1.000000000e+00, v10  }
.LBB2_244:
0x9e1: {  	p0 =	sne.s32 s17, $0x3F;
	vm0 =	veq.f32 v18, v8  }
0x9e2: {  	vm1 =	veq.f32 v18, v9;
	v18 =	vnsel vm0, $0x0, v11  }
0x9e3: {  	v18 =	vsel vm1, v10, v18  }
0x9e4: {  	[tilespmem:v16+s13+$0x0] =	vst.idx.msk $0xffff, v18;
	v16 =	vmov v17  }
0x9e5: {  	v18 =	vld.idx.msk [tilespmem:v17+s16+$0x0], $0xffff  }
.Ltmp121:
0x9e6: {  	(pc) =	sbr.rel @p0 .LBB2_244-.Ltmp121, $2  }
0x9e7: {  	_ =	sdelay $0x2  }
0x9e8: {  	v17 =	vor.u32 s17, v12;
	s17 =	sadd.s32 $0x1, s17  }
0x9e9: {  	_ = 	snop  }
0x9ea: {  	vm0 =	veq.f32 v18, v8  }
0x9eb: {  	vm1 =	veq.f32 v18, v9;
	v12 =	vnsel vm0, $0x0, v11  }
0x9ec: {  	v12 =	vsel vm1, v10, v12  }
0x9ed: {  	[tilespmem:v16+s13+$0x0] =	vst.idx.msk $0xffff, v12  }
0x9ee: {  	v12 =	vld.idx.msk [tilespmem:v17+s16+$0x0], $0xffff;
	_ =	sdelay $0x3  }
0x9ef: {  	v16 =	vor.u32 s16, v13  }
0x9f0: {  	vm0 =	veq.f32 v12, v8  }
0x9f1: {  	vm1 =	veq.f32 v12, v9;
	v8 =	vnsel vm0, $0x0, v11  }
0x9f2: {  	v8 =	vsel vm1, v10, v8  }
0x9f3: {  	[tilespmem:v17+s13+$0x0] =	vst.idx.msk $0xffff, v8  }
0x9f4: {  	v9 =	vor.u32 s15, v13;
	v10 =	vld.idx.msk [tilespmem:v16+s1+$0x0], $0xffff;
	_ =	sdelay $0x3  }
0x9f5: {  	v8 =	vimm.f32 $-Inf  }
0x9f6: {  	s15 =	simm.s32 $0x2;
	v9 =	vld.idx.msk [tilespmem:v9+s1+$0x0], $0xffff;
	vm0 =	vgt.f32 v10, v8;
	v11 =	vmax.f32 v8, v10  }
.LBB2_246:
0x9f7: {  	v12 =	vor.u32 s15, v13;
	p0 =	sne.s32 s15, $0x3F;
	s15 =	sadd.s32 $0x1, s15;
	v11 =	vsel vm0, v8, v11  }
.Ltmp122:
0x9f8: {  	(pc) =	sbr.rel @p0 .LBB2_246-.Ltmp122, $3  }
0x9f9: {  	_ =	sdelay $0x1  }
0x9fa: {  	v8 =	vmax.f32 v8, v10  }
0x9fb: {  	vm0 =	vgt.f32 v9, v8;
	v11 =	vmax.f32 v11, v9;
	v10 =	vmov v9;
	v9 =	vld.idx.msk [tilespmem:v12+s1+$0x0], $0xffff  }
0x9fc: {  	_ =	sdelay $0x2  }
0x9fd: {  	v11 =	vsel vm0, v8, v11;
	v10 =	vmax.f32 v8, v10  }
0x9fe: {  	vm15 =	vgt.f32 v9, v10;
	v8 =	vmax.f32 v11, v9  }
0x9ff: {  	v9 =	vmax.f32 v10, v9;
	v8 =	vsel vm15, v10, v8  }
0xa00: {  	v10 =	vsub.f32 v8, v9;
	_ =	sdelay $0x1  }
0xa01: {  	v10 =	vmul.f32 $1.442695020e+00, v10;
	_ =	sdelay $0x1  }
0xa02: {  	(erf) = vpow2.f32 v10;
	_ =	sdelay $0x8  }
0xa03: {  	v10 =	vpop (erf)  }
0xa04: {  	v10 =	vadd.f32 $1.000000000e+00, v10;
	_ =	sdelay $0x1  }
0xa05: {  	s16 =	simm.s32 $0x0;
	(erf) = vrcp.f32 v10  }
0xa06: {  	v12 =	vor.u32 s16, v13;
	_ =	sdelay $0x4  }
0xa07: {  	v17 =	vld.idx.msk [tilespmem:v12+s16+$0x0], $0xffff;
	_ =	sdelay $0x2  }
0xa08: {  	s15 =	simm.s32 $0x1;
	v10 =	vpop (erf)  }
0xa09: {  	s17 =	simm.s32 $0x2;
	v16 =	vor.u32 s15, v13;
	v11 =	vsub.f32 $1.000000000e+00, v10  }
.LBB2_248:
0xa0a: {  	p0 =	sne.s32 s17, $0x3F;
	vm0 =	veq.f32 v17, v8  }
0xa0b: {  	vm1 =	veq.f32 v17, v9;
	v17 =	vnsel vm0, $0x0, v11  }
0xa0c: {  	v17 =	vsel vm1, v10, v17  }
0xa0d: {  	[tilespmem:v12+s13+$0x0] =	vst.idx.msk $0xffff, v17;
	v12 =	vmov v16  }
0xa0e: {  	v17 =	vld.idx.msk [tilespmem:v16+s16+$0x0], $0xffff  }
.Ltmp123:
0xa0f: {  	(pc) =	sbr.rel @p0 .LBB2_248-.Ltmp123, $2  }
0xa10: {  	_ =	sdelay $0x2  }
0xa11: {  	v16 =	vor.u32 s17, v13;
	s17 =	sadd.s32 $0x1, s17  }
0xa12: {  	_ = 	snop  }
0xa13: {  	vm0 =	veq.f32 v17, v8  }
0xa14: {  	vm1 =	veq.f32 v17, v9;
	v13 =	vnsel vm0, $0x0, v11  }
0xa15: {  	v13 =	vsel vm1, v10, v13  }
0xa16: {  	[tilespmem:v12+s13+$0x0] =	vst.idx.msk $0xffff, v13  }
0xa17: {  	v12 =	vld.idx.msk [tilespmem:v16+s16+$0x0], $0xffff;
	_ =	sdelay $0x3  }
0xa18: {  	v13 =	vor.u32 s16, v14  }
0xa19: {  	vm0 =	veq.f32 v12, v8  }
0xa1a: {  	vm1 =	veq.f32 v12, v9;
	v8 =	vnsel vm0, $0x0, v11  }
0xa1b: {  	v8 =	vsel vm1, v10, v8  }
0xa1c: {  	[tilespmem:v16+s13+$0x0] =	vst.idx.msk $0xffff, v8  }
0xa1d: {  	v9 =	vor.u32 s15, v14;
	v10 =	vld.idx.msk [tilespmem:v13+s1+$0x0], $0xffff;
	_ =	sdelay $0x3  }
0xa1e: {  	v8 =	vimm.f32 $-Inf  }
0xa1f: {  	s15 =	simm.s32 $0x2;
	v9 =	vld.idx.msk [tilespmem:v9+s1+$0x0], $0xffff;
	vm0 =	vgt.f32 v10, v8;
	v11 =	vmax.f32 v8, v10  }
.LBB2_250:
0xa20: {  	v12 =	vor.u32 s15, v14;
	p0 =	sne.s32 s15, $0x3F;
	s15 =	sadd.s32 $0x1, s15;
	v11 =	vsel vm0, v8, v11  }
.Ltmp124:
0xa21: {  	(pc) =	sbr.rel @p0 .LBB2_250-.Ltmp124, $3  }
0xa22: {  	_ =	sdelay $0x1  }
0xa23: {  	v8 =	vmax.f32 v8, v10  }
0xa24: {  	vm0 =	vgt.f32 v9, v8;
	v11 =	vmax.f32 v11, v9;
	v10 =	vmov v9;
	v9 =	vld.idx.msk [tilespmem:v12+s1+$0x0], $0xffff  }
0xa25: {  	_ =	sdelay $0x2  }
0xa26: {  	v11 =	vsel vm0, v8, v11;
	v10 =	vmax.f32 v8, v10  }
0xa27: {  	vm15 =	vgt.f32 v9, v10;
	v8 =	vmax.f32 v11, v9  }
0xa28: {  	v9 =	vmax.f32 v10, v9;
	v8 =	vsel vm15, v10, v8  }
0xa29: {  	v10 =	vsub.f32 v8, v9;
	_ =	sdelay $0x1  }
0xa2a: {  	v10 =	vmul.f32 $1.442695020e+00, v10;
	_ =	sdelay $0x1  }
0xa2b: {  	(erf) = vpow2.f32 v10;
	_ =	sdelay $0x8  }
0xa2c: {  	v10 =	vpop (erf)  }
0xa2d: {  	v10 =	vadd.f32 $1.000000000e+00, v10;
	_ =	sdelay $0x1  }
0xa2e: {  	s16 =	simm.s32 $0x0;
	(erf) = vrcp.f32 v10  }
0xa2f: {  	v12 =	vor.u32 s16, v14;
	_ =	sdelay $0x4  }
0xa30: {  	v16 =	vld.idx.msk [tilespmem:v12+s16+$0x0], $0xffff;
	_ =	sdelay $0x2  }
0xa31: {  	s15 =	simm.s32 $0x1;
	v10 =	vpop (erf)  }
0xa32: {  	s17 =	simm.s32 $0x2;
	v13 =	vor.u32 s15, v14;
	v11 =	vsub.f32 $1.000000000e+00, v10  }
.LBB2_252:
0xa33: {  	p0 =	sne.s32 s17, $0x3F;
	vm0 =	veq.f32 v16, v8  }
0xa34: {  	vm1 =	veq.f32 v16, v9;
	v16 =	vnsel vm0, $0x0, v11  }
0xa35: {  	v16 =	vsel vm1, v10, v16  }
0xa36: {  	[tilespmem:v12+s13+$0x0] =	vst.idx.msk $0xffff, v16;
	v12 =	vmov v13  }
0xa37: {  	v16 =	vld.idx.msk [tilespmem:v13+s16+$0x0], $0xffff  }
.Ltmp125:
0xa38: {  	(pc) =	sbr.rel @p0 .LBB2_252-.Ltmp125, $2  }
0xa39: {  	_ =	sdelay $0x2  }
0xa3a: {  	v13 =	vor.u32 s17, v14;
	s17 =	sadd.s32 $0x1, s17  }
0xa3b: {  	_ = 	snop  }
0xa3c: {  	vm0 =	veq.f32 v16, v8  }
0xa3d: {  	vm1 =	veq.f32 v16, v9;
	v14 =	vnsel vm0, $0x0, v11  }
0xa3e: {  	v14 =	vsel vm1, v10, v14  }
0xa3f: {  	[tilespmem:v12+s13+$0x0] =	vst.idx.msk $0xffff, v14  }
0xa40: {  	v12 =	vld.idx.msk [tilespmem:v13+s16+$0x0], $0xffff;
	_ =	sdelay $0x3  }
0xa41: {  	v14 =	vor.u32 s16, v15  }
0xa42: {  	vm0 =	veq.f32 v12, v8  }
0xa43: {  	vm1 =	veq.f32 v12, v9;
	v8 =	vnsel vm0, $0x0, v11  }
0xa44: {  	v8 =	vsel vm1, v10, v8  }
0xa45: {  	[tilespmem:v13+s13+$0x0] =	vst.idx.msk $0xffff, v8  }
0xa46: {  	v9 =	vor.u32 s15, v15;
	v10 =	vld.idx.msk [tilespmem:v14+s1+$0x0], $0xffff;
	_ =	sdelay $0x3  }
0xa47: {  	v8 =	vimm.f32 $-Inf  }
0xa48: {  	s15 =	simm.s32 $0x2;
	v9 =	vld.idx.msk [tilespmem:v9+s1+$0x0], $0xffff;
	vm0 =	vgt.f32 v10, v8;
	v11 =	vmax.f32 v8, v10  }
.LBB2_254:
0xa49: {  	v12 =	vor.u32 s15, v15;
	p0 =	sne.s32 s15, $0x3F;
	s15 =	sadd.s32 $0x1, s15;
	v11 =	vsel vm0, v8, v11  }
.Ltmp126:
0xa4a: {  	(pc) =	sbr.rel @p0 .LBB2_254-.Ltmp126, $3  }
0xa4b: {  	_ =	sdelay $0x1  }
0xa4c: {  	v8 =	vmax.f32 v8, v10  }
0xa4d: {  	vm0 =	vgt.f32 v9, v8;
	v11 =	vmax.f32 v11, v9;
	v10 =	vmov v9;
	v9 =	vld.idx.msk [tilespmem:v12+s1+$0x0], $0xffff  }
0xa4e: {  	_ =	sdelay $0x2  }
0xa4f: {  	v11 =	vsel vm0, v8, v11;
	v10 =	vmax.f32 v8, v10  }
0xa50: {  	vm15 =	vgt.f32 v9, v10;
	v8 =	vmax.f32 v11, v9  }
0xa51: {  	v9 =	vmax.f32 v10, v9;
	v8 =	vsel vm15, v10, v8  }
0xa52: {  	v10 =	vsub.f32 v8, v9;
	_ =	sdelay $0x1  }
0xa53: {  	v10 =	vmul.f32 $1.442695020e+00, v10;
	_ =	sdelay $0x1  }
0xa54: {  	(erf) = vpow2.f32 v10;
	_ =	sdelay $0x8  }
0xa55: {  	v10 =	vpop (erf)  }
0xa56: {  	v10 =	vadd.f32 $1.000000000e+00, v10;
	_ =	sdelay $0x1  }
0xa57: {  	s15 =	simm.s32 $0x0;
	(erf) = vrcp.f32 v10  }
0xa58: {  	v12 =	vor.u32 s15, v15;
	_ =	sdelay $0x4  }
0xa59: {  	v14 =	vld.idx.msk [tilespmem:v12+s1+$0x0], $0xffff;
	_ =	sdelay $0x2  }
0xa5a: {  	s31 =	simm.s32 $0x1;
	v10 =	vpop (erf)  }
0xa5b: {  	v13 =	vor.u32 s31, v15;
	s15 =	simm.s32 $0x2;
	v11 =	vsub.f32 $1.000000000e+00, v10  }
.LBB2_256:
0xa5c: {  	p0 =	sne.s32 s15, $0x3F;
	vm0 =	veq.f32 v14, v8  }
0xa5d: {  	vm1 =	veq.f32 v14, v9;
	v14 =	vnsel vm0, $0x0, v11  }
0xa5e: {  	v14 =	vsel vm1, v10, v14  }
0xa5f: {  	[tilespmem:v12+s13+$0x0] =	vst.idx.msk $0xffff, v14;
	v12 =	vmov v13  }
0xa60: {  	v14 =	vld.idx.msk [tilespmem:v13+s1+$0x0], $0xffff  }
.Ltmp127:
0xa61: {  	(pc) =	sbr.rel @p0 .LBB2_256-.Ltmp127, $2  }
0xa62: {  	_ =	sdelay $0x2  }
0xa63: {  	v13 =	vor.u32 s15, v15;
	s15 =	sadd.s32 $0x1, s15  }
0xa64: {  	_ = 	snop  }
0xa65: {  	vm0 =	veq.f32 v14, v8  }
0xa66: {  	vm1 =	veq.f32 v14, v9;
	v63 =	vnsel vm0, $0x0, v11  }
0xa67: {  	v14 =	vsel vm1, v10, v63  }
0xa68: {  	[tilespmem:v12+s13+$0x0] =	vst.idx.msk $0xffff, v14  }
0xa69: {  	v12 =	vld.idx.msk [tilespmem:v13+s1+$0x0], $0xffff;
	_ =	sdelay $0x4  }
0xa6a: {  	vm14 =	veq.f32 v12, v8  }
0xa6b: {  	s14 =	sadd.s32 $0x1, s14;
	vm15 =	veq.f32 v12, v9;
	v8 =	vnsel vm14, $0x0, v11  }
0xa6c: {  	p0 =	sne.s32 s14, s11;
	v8 =	vsel vm15, v10, v8  }
.Ltmp128:
0xa6d: {  	[tilespmem:v13+s13+$0x0] =	vst.idx.msk $0xffff, v8;
	(pc) =	sbr.rel @p0 .LBB2_1-.Ltmp128, $4  }
0xa6e: {  	[hbm4b:s10+s1] =	stream.linear.scatter [tilespmem:s13], [sflag:$0x1], $0x4000, $0x38;
	[tilespmem:$0x8000] =	vst v63  }
0xa6f: {  	_ =	swait.ge [sflag:s12], $0x4000  }
0xa70: {  	[sflag:s12] =	ssyncset.done $0x0  }
0xa71: {  	[sflag:s12] =	ssyncadd.s32 $0xFFFFC000  }
0xa72: {  	_ =	sfence.sel $0x180000  }
0xa73: {  	[bflag:$0x0] =	sbarrier.arrive $0xFFFF  }
0xa74: {  	p0 =	sne.s32 s2, $0x0;
	_ =	strace $0x90000047  }
0xa75: {  	s0 =	sadd.s32 @!p0 $0x100000, s0;
	[bflag:$0x2] =	sbarrier.arrive $0xFFFF  }
0xa76: {  	[sflag:s0] =	ssyncadd.tile.s32 @!p0 $0x1;
	_ =	shalt  }
.Lfunc_end2:
_tile_overlayer_lowered:
.L_overlay_start_2:
0xa77: {  	(tag) =	ssettag $0x2  }
0xa78: {  	s0 =	rddreg [dreg:$0x0];
	s2 =	stileid.u32  }
0xa79: {  	s1 =	rddreg [dreg:$0x1];
	p0 =	sne.s32 s2, $0x0  }
0xa7a: {  	s3 =	rddreg [dreg:$0x2];
	[bflag:$0x3] =	sbarrier.arrive $0xFFFF;
	s2 =	simm.s32 @!p0 $0x1C01  }
0xa7b: {  	[timem:s3], [sflag:s2] =	dma.local @!p0 [hbm:s0], s1  }
0xa7c: {  	s0 =	simm.s32 @!p0 $0x1  }
0xa7d: {  	_ =	swait.ge @!p0 [sflag:s0], s1  }
0xa7e: {  	s1 =	ssub.s32 @!p0 $0x0, s1;
	[sflag:s0] =	ssyncset.done @!p0 $0x0  }
0xa7f: {  	[sflag:s0] =	ssyncadd.s32 @!p0 s1  }
0xa80: {  	[bflag:$0x3] =	sbarrier.arrive $0xFFFF  }
0xa81: {  	_ =	shalt  }

</sc_bundles>
